<compile_context>
chip_gen: v7x
topology: tpu7x:2x2x1
jax: 0.10.2.dev20260603
libtpu: 0.0.44.dev20260713+nightly
codegen_flags: <defaults>
</compile_context>

<pallas_src>
import functools

import jax
import jax.numpy as jnp
from jax import lax
from jax.experimental import pallas as pl
from jax.experimental.pallas import tpu as pltpu
from jax.experimental.pallas import tpu_sc as plsc

NC = 2
NS = 16
NW = NC * NS
CHUNK = 128
TW = 48
D = 64
EPS = 1e-8

BLK = 6400
NSLICE = 5


def _sc_gather(table, zrow, src_idx, dst_idx):
    E = src_idx.shape[0]
    per_w = E // NW
    assert per_w * NW == E and per_w % 8 == 0 and (per_w - CHUNK) % 8 == 0
    n_chunks = (per_w + CHUNK - 1) // CHUNK
    last = per_w - CHUNK

    mesh = plsc.VectorSubcoreMesh(core_axis_name="c", subcore_axis_name="s")

    @functools.partial(
        pl.kernel,
        out_type=jax.ShapeDtypeStruct((E, 2 * D), jnp.float32),
        mesh=mesh,
        scratch_types=[
            pltpu.VMEM((per_w,), jnp.int32),
            pltpu.VMEM((per_w,), jnp.int32),
            pltpu.VMEM((CHUNK, TW), jnp.float32),
            pltpu.VMEM((CHUNK, TW), jnp.float32),
            pltpu.VMEM((CHUNK, D - TW), jnp.float32),
            pltpu.SemaphoreType.DMA,
            pltpu.SemaphoreType.DMA,
        ],
        compiler_params=pltpu.CompilerParams(use_tc_tiling_on_sc=False),
    )
    def k(src_hbm, dst_hbm, table_hbm, z_hbm, out_hbm, si_v, di_v, ra, rb,
          zv, sem_a, sem_b):
        wid = lax.axis_index("s") * NC + lax.axis_index("c")
        base = wid * per_w
        pltpu.sync_copy(src_hbm.at[pl.ds(base, per_w)], si_v)
        pltpu.sync_copy(dst_hbm.at[pl.ds(base, per_w)], di_v)
        pltpu.sync_copy(z_hbm, zv)

        def off(kk):
            return jnp.minimum(kk * CHUNK, last)

        def start(idx_v, o, buf, sem):
            pltpu.async_copy(table_hbm.at[idx_v.at[pl.ds(o, CHUNK)]],
                             buf, sem)

        def wait(buf, sem):
            pltpu.make_async_copy(table_hbm.at[si_v.at[pl.ds(0, CHUNK)]],
                                  buf, sem).wait()

        start(si_v, 0, ra, sem_a)

        def body(kk, carry):
            o = off(kk)
            rows = pl.ds(base + o, CHUNK)
            start(di_v, o, rb, sem_b)
            wait(ra, sem_a)
            pltpu.sync_copy(ra, out_hbm.at[rows, pl.ds(0, TW)])
            pltpu.sync_copy(zv, out_hbm.at[rows, pl.ds(TW, D - TW)])
            o1 = off(kk + 1)
            start(si_v, o1, ra, sem_a)
            wait(rb, sem_b)
            pltpu.sync_copy(rb, out_hbm.at[rows, pl.ds(D, TW)])
            pltpu.sync_copy(zv, out_hbm.at[rows, pl.ds(D + TW, D - TW)])
            return carry

        lax.fori_loop(0, n_chunks, body, 0)
        wait(ra, sem_a)

    return k(src_idx, dst_idx, table, zrow)


def _sqn(x, y, z):
    return x * x + y * y + z * z


def _norm3(x, y, z):
    return jnp.sqrt(_sqn(x, y, z) + EPS)


def _tc_body(gref, hesT, hevT,
             w_all, ws_hevn, m1_b, m1_wv, wh_e,
             m2_ws, m2_vnc, m2_b, m3_ws, m3_vnc, m3_b, scal,
             ln0_g, ln0_b, w_mean,
             f1_ws, f1_b,
             f2_ws, f2_b,
             ln1_g, ln1_b,
             xs_out, xv_out):
    bf16 = jnp.bfloat16

    def dotw(w_ref, x):
        return jax.lax.dot_general(w_ref[...], x,
                                   (((1,), (0,)), ((), ())),
                                   preferred_element_type=jnp.float32)

    def k(i):
        return scal[0, i]

    he_s = hesT[...]
    he_v = hevT[...]
    vex = he_v[0:1]
    vey = he_v[1:2]
    vez = he_v[2:3]

    out = jax.lax.dot_general(w_all[...], gref[...].astype(bf16),
                              (((1,), (1,)), ((), ())),
                              preferred_element_type=jnp.float32)
    whe = wh_e[...]
    vhx = out[32:41] + whe * vex
    vhy = out[48:57] + whe * vey
    vhz = out[64:73] + whe * vez
    vn = _norm3(vhx, vhy, vhz)
    he_vn = jnp.concatenate([he_s.astype(bf16), vn.astype(bf16)], axis=0)
    s = out[0:32] + dotw(ws_hevn, he_vn) + m1_b[...]
    wv = m1_wv[...]
    vox = jnp.sum(vhx * wv, axis=0, keepdims=True)
    voy = jnp.sum(vhy * wv, axis=0, keepdims=True)
    voz = jnp.sum(vhz * wv, axis=0, keepdims=True)
    gate = jax.nn.sigmoid(_norm3(vox, voy, voz))
    vox, voy, voz = vox * gate, voy * gate, voz * gate
    s = jnp.maximum(s, 0.0)

    vhx, vhy, vhz = vox * k(0), voy * k(0), voz * k(0)
    vn1 = _norm3(vhx, vhy, vhz)
    s = dotw(m2_ws, s.astype(bf16)) + m2_vnc[...] * vn1 + m2_b[...]
    vox, voy, voz = vhx * k(1), vhy * k(1), vhz * k(1)
    gate = jax.nn.sigmoid(_norm3(vox, voy, voz))
    vox, voy, voz = vox * gate, voy * gate, voz * gate
    s = jnp.maximum(s, 0.0)

    vhx, vhy, vhz = vox * k(2), voy * k(2), voz * k(2)
    vn1 = _norm3(vhx, vhy, vhz)
    s = dotw(m3_ws, s.astype(bf16)) + m3_vnc[...] * vn1 + m3_b[...]
    vox, voy, voz = vhx * k(3), vhy * k(3), vhz * k(3)

    xs = he_s + s
    xvx, xvy, xvz = vex + vox, vey + voy, vez + voz

    def gvp_ln(xs, xvx, xvy, xvz, g_, b_):
        rn = jax.lax.rsqrt(_sqn(xvx, xvy, xvz) + EPS)
        xvx, xvy, xvz = xvx * rn, xvy * rn, xvz * rn
        xb = xs.astype(bf16)
        mu = dotw(w_mean, xb)
        ex2 = dotw(w_mean, (xs * xs).astype(bf16))
        var = ex2 - mu * mu
        xs = (xs - mu) * jax.lax.rsqrt(var + 1e-5) * g_[...] + b_[...]
        return xs, xvx, xvy, xvz

    xs, xvx, xvy, xvz = gvp_ln(xs, xvx, xvy, xvz, ln0_g, ln0_b)

    h0x, h0y, h0z = xvx * k(4), xvy * k(4), xvz * k(4)
    h1x, h1y, h1z = xvx * k(5), xvy * k(5), xvz * k(5)
    vn0 = _norm3(h0x, h0y, h0z)
    vn1 = _norm3(h1x, h1y, h1z)
    x34 = jnp.concatenate([xs.astype(bf16), vn0.astype(bf16),
                           vn1.astype(bf16)], axis=0)
    ds = dotw(f1_ws, x34).astype(bf16) + f1_b[...]
    o0x = k(6) * h0x + k(7) * h1x
    o0y = k(6) * h0y + k(7) * h1y
    o0z = k(6) * h0z + k(7) * h1z
    o1x = k(8) * h0x + k(9) * h1x
    o1y = k(8) * h0y + k(9) * h1y
    o1z = k(8) * h0z + k(9) * h1z
    g0 = jax.nn.sigmoid(_norm3(o0x, o0y, o0z))
    g1 = jax.nn.sigmoid(_norm3(o1x, o1y, o1z))
    o0x, o0y, o0z = o0x * g0, o0y * g0, o0z * g0
    o1x, o1y, o1z = o1x * g1, o1y * g1, o1z * g1
    ds = jnp.maximum(ds, jnp.zeros((), bf16))

    h0x = k(10) * o0x + k(11) * o1x
    h0y = k(10) * o0y + k(11) * o1y
    h0z = k(10) * o0z + k(11) * o1z
    h1x = k(12) * o0x + k(13) * o1x
    h1y = k(12) * o0y + k(13) * o1y
    h1z = k(12) * o0z + k(13) * o1z
    vn0 = _norm3(h0x, h0y, h0z)
    vn1 = _norm3(h1x, h1y, h1z)
    x130 = jnp.concatenate([ds, vn0.astype(bf16), vn1.astype(bf16)],
                           axis=0)
    ds = dotw(f2_ws, x130) + f2_b[...]
    vox = k(14) * h0x + k(15) * h1x
    voy = k(14) * h0y + k(15) * h1y
    voz = k(14) * h0z + k(15) * h1z

    xs = xs + ds
    xvx, xvy, xvz = xvx + vox, xvy + voy, xvz + voz
    xs, xvx, xvy, xvz = gvp_ln(xs, xvx, xvy, xvz, ln1_g, ln1_b)

    xs_out[...] = xs
    xv_out[...] = jnp.concatenate([xvx, xvy, xvz], axis=0)


def _build_weights(p):
    f32 = jnp.float32
    bf16 = jnp.bfloat16
    m1_ws = p['m1_ws_w']
    m1_wh = p['m1_wh']
    w_all = jnp.zeros((80, 128), f32)
    w_all = w_all.at[0:32, 0:32].set(m1_ws[:, 0:32])
    w_all = w_all.at[0:32, 64:96].set(m1_ws[:, 64:96])
    for comp, (r0, c_i, c_j) in enumerate([(32, 32, 96), (48, 36, 100),
                                           (64, 40, 104)]):
        w_all = w_all.at[r0:r0 + 9, c_i:c_i + 4].set(m1_wh[:, 0:4])
        w_all = w_all.at[r0:r0 + 9, c_j:c_j + 4].set(m1_wh[:, 5:9])
    scal = jnp.stack([
        p['m2_wh'][0, 0], p['m2_wv'][0, 0],
        p['m3_wh'][0, 0], p['m3_wv'][0, 0],
        p['f1_wh'][0, 0], p['f1_wh'][1, 0],
        p['f1_wv'][0, 0], p['f1_wv'][0, 1],
        p['f1_wv'][1, 0], p['f1_wv'][1, 1],
        p['f2_wh'][0, 0], p['f2_wh'][0, 1],
        p['f2_wh'][1, 0], p['f2_wh'][1, 1],
        p['f2_wv'][0, 0], p['f2_wv'][0, 1],
    ]).reshape(1, 16)
    return [
        w_all.astype(bf16),
        jnp.concatenate([m1_ws[:, 32:64], m1_ws[:, 96:105]],
                        axis=1).astype(bf16),
        p['m1_ws_b'].reshape(32, 1),
        p['m1_wv'].reshape(9, 1),
        m1_wh[:, 4].reshape(9, 1),
        p['m2_ws_w'][:, 0:32].astype(bf16),
        p['m2_ws_w'][:, 32:33],
        p['m2_ws_b'].reshape(32, 1),
        p['m3_ws_w'][:, 0:32].astype(bf16),
        p['m3_ws_w'][:, 32:33],
        p['m3_ws_b'].reshape(32, 1),
        scal,
        p['ln0_g'].reshape(32, 1), p['ln0_b'].reshape(32, 1),
        jnp.full((1, 32), 1.0 / 32.0, bf16),
        p['f1_ws_w'].astype(bf16),
        p['f1_ws_b'].reshape(128, 1).astype(bf16),
        p['f2_ws_w'].astype(bf16),
        p['f2_ws_b'].reshape(32, 1),
        p['ln1_g'].reshape(32, 1), p['ln1_b'].reshape(32, 1),
    ]


def kernel(h_V_s, h_V_v, edge_index, h_E_s, h_E_v, params):
    N, si = h_V_s.shape
    E = edge_index.shape[1]
    f32 = jnp.float32

    table = jnp.concatenate(
        [h_V_s, h_V_v[:, :, 0], h_V_v[:, :, 1], h_V_v[:, :, 2],
         jnp.zeros((N, TW - si - 12), f32)], axis=1)
    zrow = jnp.zeros((CHUNK, D - TW), f32)

    hesT = h_E_s.T
    hevT = h_E_v.reshape(E, 3).T
    weights = _build_weights(params)

    Es = E // NSLICE
    nb = Es // BLK
    assert Es * NSLICE == E and nb * BLK == Es

    def wspec(a):
        return pl.BlockSpec(a.shape, lambda i: tuple(0 for _ in a.shape))

    xs_parts = []
    xv_parts = []
    for sl in range(NSLICE):
        lo = sl * Es
        g_s = _sc_gather(table, zrow,
                         lax.slice(edge_index[0], (lo,), (lo + Es,)),
                         lax.slice(edge_index[1], (lo,), (lo + Es,)))

        def espec(c, sl=sl):
            return pl.BlockSpec((c, BLK), lambda i, sl=sl: (0, i + sl * nb))

        in_specs = ([pl.BlockSpec((BLK, 2 * D), lambda i: (i, 0)),
                     espec(si), espec(3)]
                    + [wspec(w) for w in weights])

        xs_fm, xv_fm = pl.pallas_call(
            _tc_body,
            grid=(nb,),
            in_specs=in_specs,
            out_specs=[pl.BlockSpec((si, BLK), lambda i: (0, i)),
                       pl.BlockSpec((3, BLK), lambda i: (0, i))],
            out_shape=[jax.ShapeDtypeStruct((si, Es), f32),
                       jax.ShapeDtypeStruct((3, Es), f32)],
        )(g_s, hesT, hevT, *weights)
        xs_parts.append(xs_fm.T)
        xv_parts.append(xv_fm.T)

    xs = jnp.concatenate(xs_parts, axis=0)
    xv = jnp.concatenate(xv_parts, axis=0)
    return xs, xv.reshape(E, 1, 3)

# --- scband reference (transcript-rebuilt; emitter-appended) ---
"""Pipeline reference for scband-edge-layer-79894981640517 (READ-ONLY COPY).

The authoritative reference and input builder live on the scoring server;
editing this copy changes nothing except your own understanding.
"""

import jax, jax.numpy as jnp
import numpy as np


def _norm_no_nan(x, axis=-1, keepdims=False, eps=1e-8, sqrt=True):
    out = jnp.maximum(jnp.sum(jnp.square(x), axis=axis, keepdims=keepdims), eps)
    return jnp.sqrt(out) if sqrt else out


def _gvp(s, v, wh, ws_w, ws_b, wv, act):
    # GVP layer, vi>0, vo>0, vector_gate=False
    vt = jnp.swapaxes(v, -1, -2)                 # [..., 3, vi]
    vh = jnp.matmul(vt, wh.T)                    # [..., 3, h]
    vn = _norm_no_nan(vh, axis=-2)               # [..., h]
    s_out = jnp.matmul(jnp.concatenate([s, vn], axis=-1), ws_w.T) + ws_b
    v_out = jnp.swapaxes(jnp.matmul(vh, wv.T), -1, -2)   # [..., vo, 3]
    if act:
        v_out = v_out * jax.nn.sigmoid(_norm_no_nan(v_out, axis=-1, keepdims=True))
        s_out = jax.nn.relu(s_out)
    return s_out, v_out


def _gvp_ln(s, v, g, b):
    vn = _norm_no_nan(v, axis=-1, keepdims=True, sqrt=False)   # [..., nv, 1]
    vn = jnp.sqrt(jnp.mean(vn, axis=-2, keepdims=True))        # [..., 1, 1]
    v = v / vn
    mu = jnp.mean(s, axis=-1, keepdims=True)
    var = jnp.mean(jnp.square(s - mu), axis=-1, keepdims=True)
    s = (s - mu) / jnp.sqrt(var + 1e-5) * g + b
    return s, v


def _edge_layer(h_V_s, h_V_v, h_E_s, h_E_v, edge_index, params):
    p = params
    N, si = h_V_s.shape
    vi = h_V_v.shape[-2]
    E = edge_index.shape[1]
    # _merge node features and gather rows for both endpoints (== torch.gather)
    h_V_merge = jnp.concatenate([h_V_s, h_V_v.reshape(N, 3 * vi)], axis=-1)
    g = jnp.take(h_V_merge, edge_index.reshape(-1), axis=0)
    g = g.reshape(2, E, si + 3 * vi)
    s_g = g[..., :si]
    v_g = g[..., si:].reshape(2, E, vi, 3)
    # tuple_cat(h_V_i, h_E, h_V_j)
    s = jnp.concatenate([s_g[0], h_E_s, s_g[1]], axis=-1)   # [E, 2si+se]
    v = jnp.concatenate([v_g[0], h_E_v, v_g[1]], axis=-2)   # [E, 2vi+ve, 3]
    # message_func: 3 GVP layers (last without activations)
    s, v = _gvp(s, v, p['m1_wh'], p['m1_ws_w'], p['m1_ws_b'], p['m1_wv'], True)
    s, v = _gvp(s, v, p['m2_wh'], p['m2_ws_w'], p['m2_ws_b'], p['m2_wv'], True)
    s, v = _gvp(s, v, p['m3_wh'], p['m3_ws_w'], p['m3_ws_b'], p['m3_wv'], False)
    # residual + LayerNorm (dropout = identity in eval)
    xs = h_E_s + s
    xv = h_E_v + v
    xs, xv = _gvp_ln(xs, xv, p['ln0_g'], p['ln0_b'])
    # ff_func: 2 GVP layers (hid = (4*se, 2*ve))
    ds, dv = _gvp(xs, xv, p['f1_wh'], p['f1_ws_w'], p['f1_ws_b'], p['f1_wv'], True)
    ds, dv = _gvp(ds, dv, p['f2_wh'], p['f2_ws_w'], p['f2_ws_b'], p['f2_wv'], False)
    xs = xs + ds
    xv = xv + dv
    xs, xv = _gvp_ln(xs, xv, p['ln1_g'], p['ln1_b'])
    return xs, xv


def setup_inputs(seed: int = 0):
    key = jax.random.key(seed)
    N, E = 50000, 800000
    si, vi = 32, 4
    se, ve = 32, 1
    ks = iter(jax.random.split(key, 40))
    def P(shape, scale=0.1):
        return jax.random.normal(next(ks), shape, dtype=jnp.float32) * scale
    h_V_s = P((N, si), 1.0)
    h_V_v = P((N, vi, 3), 1.0)
    h_E_s = P((E, se), 1.0)
    h_E_v = P((E, ve, 3), 1.0)
    edge_index = jax.random.randint(next(ks), (2, E), 0, N, dtype=jnp.int32)
    params = {
        'm1_wh': P((9, 9)), 'm1_ws_w': P((32, 105)), 'm1_ws_b': jnp.zeros((32,), jnp.float32), 'm1_wv': P((1, 9)),
        'm2_wh': P((1, 1)), 'm2_ws_w': P((32, 33)), 'm2_ws_b': jnp.zeros((32,), jnp.float32), 'm2_wv': P((1, 1)),
        'm3_wh': P((1, 1)), 'm3_ws_w': P((32, 33)), 'm3_ws_b': jnp.zeros((32,), jnp.float32), 'm3_wv': P((1, 1)),
        'ln0_g': jnp.ones((32,), jnp.float32), 'ln0_b': jnp.zeros((32,), jnp.float32),
        'f1_wh': P((2, 1)), 'f1_ws_w': P((128, 34)), 'f1_ws_b': jnp.zeros((128,), jnp.float32), 'f1_wv': P((2, 2)),
        'f2_wh': P((2, 2)), 'f2_ws_w': P((32, 130)), 'f2_ws_b': jnp.zeros((32,), jnp.float32), 'f2_wv': P((1, 2)),
        'ln1_g': jnp.ones((32,), jnp.float32), 'ln1_b': jnp.zeros((32,), jnp.float32),
    }
    return {'h_V_s': h_V_s, 'h_V_v': h_V_v, 'edge_index': edge_index,
            'h_E_s': h_E_s, 'h_E_v': h_E_v, 'params': params}


def reference(h_V_s, h_V_v, edge_index, h_E_s, h_E_v, params):
    return _edge_layer(h_V_s, h_V_v, h_E_s, h_E_v, edge_index, params)

if __name__ == "__main__":
    import jax
    _d = setup_inputs()
    print(jax.jit(kernel)(*tuple(_d.values())))

</pallas_src>

<mosaic_0001>
#map = affine_map<(d0, d1) -> (0)>
#map1 = affine_map<(d0, d1) -> (0, 0)>
module attributes {stable_mosaic.version = 14 : i64} {
  func.func @k(%arg0: i32, %arg1: i32, %arg2: memref<160000xi32, #tpu.memory_space<hbm>>, %arg3: memref<160000xi32, #tpu.memory_space<hbm>>, %arg4: memref<50000x48xf32, #tpu.memory_space<hbm>>, %arg5: memref<128x16xf32, #tpu.memory_space<hbm>>, %arg6: memref<160000x128xf32, #tpu.memory_space<hbm>>, %arg7: memref<5000xi32, #tpu.memory_space<vmem>>, %arg8: memref<5000xi32, #tpu.memory_space<vmem>>, %arg9: memref<128x48xf32, #tpu.memory_space<vmem>>, %arg10: memref<128x48xf32, #tpu.memory_space<vmem>>, %arg11: memref<128x16xf32, #tpu.memory_space<vmem>>, %arg12: memref<!tpu.dma_semaphore, #tpu.memory_space<semaphore_mem>>, %arg13: memref<!tpu.dma_semaphore, #tpu.memory_space<semaphore_mem>>) attributes {dimension_semantics = [#tpu.dimension_semantics<core_parallel>, #tpu.dimension_semantics<subcore_parallel>], iteration_bounds = array<i64: 2, 16>, scalar_prefetch = 0 : i64, scratch_operands = 7 : i64, tpu.core_type = #tpu.core_type<sc_vector_subcore>, window_params = [{transform_indices = #map}, {transform_indices = #map}, {transform_indices = #map1}, {transform_indices = #map1}, {transform_indices = #map1}]} {
    %mul3A = arith.constant 2 : i32
    %mul3A_0 = arith.muli %arg1, %mul3A : i32
    %add3A = arith.addi %mul3A_0, %arg0 : i32
    %mul3A_1 = arith.constant 5000 : i32
    %mul3A_2 = arith.muli %add3A, %mul3A_1 : i32
    "tpu.region"() ({
      %run_scoped3A = tpu.sem_alloc : memref<!tpu.dma_semaphore, #tpu.memory_space<semaphore_mem>>
      %dma_start3A_16 = tpu.memref_slice %arg2[%mul3A_2] : memref<160000xi32, #tpu.memory_space<hbm>> -> memref<5000xi32, #tpu.memory_space<hbm>>
      %dma_start3A_17 = tpu.memref_slice %arg2[%mul3A_2] : memref<160000xi32, #tpu.memory_space<hbm>> -> memref<5000xi32, #tpu.memory_space<hbm>>
      tpu.enqueue_dma source(%dma_start3A_17 : memref<5000xi32, #tpu.memory_space<hbm>>) target(%arg7 : memref<5000xi32, #tpu.memory_space<vmem>>) target_semaphore(%run_scoped3A : memref<!tpu.dma_semaphore, #tpu.memory_space<semaphore_mem>>)
      %dma_wait3A_18 = tpu.memref_slice %arg2[%mul3A_2] : memref<160000xi32, #tpu.memory_space<hbm>> -> memref<5000xi32, #tpu.memory_space<hbm>>
      %dma_wait3A_19 = tpu.memref_slice %arg2[%mul3A_2] : memref<160000xi32, #tpu.memory_space<hbm>> -> memref<5000xi32, #tpu.memory_space<hbm>>
      tpu.wait_dma2 semaphore(%run_scoped3A : memref<!tpu.dma_semaphore, #tpu.memory_space<semaphore_mem>>) src(%dma_wait3A_19 : memref<5000xi32, #tpu.memory_space<hbm>>) dst(%arg7 : memref<5000xi32, #tpu.memory_space<vmem>>)
      tpu.yield
    }) : () -> ()
    "tpu.region"() ({
      %run_scoped3A = tpu.sem_alloc : memref<!tpu.dma_semaphore, #tpu.memory_space<semaphore_mem>>
      %dma_start3A_16 = tpu.memref_slice %arg3[%mul3A_2] : memref<160000xi32, #tpu.memory_space<hbm>> -> memref<5000xi32, #tpu.memory_space<hbm>>
      %dma_start3A_17 = tpu.memref_slice %arg3[%mul3A_2] : memref<160000xi32, #tpu.memory_space<hbm>> -> memref<5000xi32, #tpu.memory_space<hbm>>
      tpu.enqueue_dma source(%dma_start3A_17 : memref<5000xi32, #tpu.memory_space<hbm>>) target(%arg8 : memref<5000xi32, #tpu.memory_space<vmem>>) target_semaphore(%run_scoped3A : memref<!tpu.dma_semaphore, #tpu.memory_space<semaphore_mem>>)
      %dma_wait3A_18 = tpu.memref_slice %arg3[%mul3A_2] : memref<160000xi32, #tpu.memory_space<hbm>> -> memref<5000xi32, #tpu.memory_space<hbm>>
      %dma_wait3A_19 = tpu.memref_slice %arg3[%mul3A_2] : memref<160000xi32, #tpu.memory_space<hbm>> -> memref<5000xi32, #tpu.memory_space<hbm>>
      tpu.wait_dma2 semaphore(%run_scoped3A : memref<!tpu.dma_semaphore, #tpu.memory_space<semaphore_mem>>) src(%dma_wait3A_19 : memref<5000xi32, #tpu.memory_space<hbm>>) dst(%arg8 : memref<5000xi32, #tpu.memory_space<vmem>>)
      tpu.yield
    }) : () -> ()
    "tpu.region"() ({
      %run_scoped3A = tpu.sem_alloc : memref<!tpu.dma_semaphore, #tpu.memory_space<semaphore_mem>>
      tpu.enqueue_dma source(%arg5 : memref<128x16xf32, #tpu.memory_space<hbm>>) target(%arg11 : memref<128x16xf32, #tpu.memory_space<vmem>>) target_semaphore(%run_scoped3A : memref<!tpu.dma_semaphore, #tpu.memory_space<semaphore_mem>>)
      tpu.wait_dma2 semaphore(%run_scoped3A : memref<!tpu.dma_semaphore, #tpu.memory_space<semaphore_mem>>) src(%arg5 : memref<128x16xf32, #tpu.memory_space<hbm>>) dst(%arg11 : memref<128x16xf32, #tpu.memory_space<vmem>>)
      tpu.yield
    }) : () -> ()
    %dma_start3A = arith.constant 0 : i32
    %dma_start3A_3 = tpu.memref_slice %arg7[%dma_start3A] : memref<5000xi32, #tpu.memory_space<vmem>> -> memref<128xi32, #tpu.memory_space<vmem>>
    %dma_start3A_4 = arith.constant 0 : i32
    %dma_start3A_5 = arith.constant 0 : i32
    %dma_start3A_6 = tpu.memref_slice %arg4[%dma_start3A_4, %dma_start3A_5] : memref<50000x48xf32, #tpu.memory_space<hbm>> -> memref<50000x48xf32, #tpu.memory_space<hbm>>
    tpu.enqueue_indirect_dma source(%dma_start3A_6 : memref<50000x48xf32, #tpu.memory_space<hbm>>) target(%arg9 : memref<128x48xf32, #tpu.memory_space<vmem>>) offsets(%dma_start3A_3 : memref<128xi32, #tpu.memory_space<vmem>>) semaphore(%arg12 : memref<!tpu.dma_semaphore, #tpu.memory_space<semaphore_mem>>)
    %scan3A = arith.constant 0 : i32
    %scan3A_7 = arith.constant 0 : i32
    %scan3A_8 = arith.constant 40 : i32
    %scan3A_9 = arith.addi %scan3A_7, %scan3A_8 : i32
    %scan3A_10 = arith.constant 1 : i32
    scf.for %scan3A_16 = %scan3A_7 to %scan3A_9 step %scan3A_10  : i32 {
      %mul3A_17 = arith.constant 128 : i32
      %mul3A_18 = arith.muli %scan3A_16, %mul3A_17 : i32
      %min3A = arith.constant 4872 : i32
      %min3A_19 = arith.minsi %mul3A_18, %min3A : i32
      %add3A_20 = arith.addi %mul3A_2, %min3A_19 : i32
      %dma_start3A_21 = tpu.memref_slice %arg8[%min3A_19] : memref<5000xi32, #tpu.memory_space<vmem>> -> memref<128xi32, #tpu.memory_space<vmem>>
      %dma_start3A_22 = arith.constant 0 : i32
      %dma_start3A_23 = arith.constant 0 : i32
      %dma_start3A_24 = tpu.memref_slice %arg4[%dma_start3A_22, %dma_start3A_23] : memref<50000x48xf32, #tpu.memory_space<hbm>> -> memref<50000x48xf32, #tpu.memory_space<hbm>>
      tpu.enqueue_indirect_dma source(%dma_start3A_24 : memref<50000x48xf32, #tpu.memory_space<hbm>>) target(%arg10 : memref<128x48xf32, #tpu.memory_space<vmem>>) offsets(%dma_start3A_21 : memref<128xi32, #tpu.memory_space<vmem>>) semaphore(%arg13 : memref<!tpu.dma_semaphore, #tpu.memory_space<semaphore_mem>>)
      %dma_wait3A_25 = arith.constant 0 : i32
      %dma_wait3A_26 = tpu.memref_slice %arg7[%dma_wait3A_25] : memref<5000xi32, #tpu.memory_space<vmem>> -> memref<128xi32, #tpu.memory_space<vmem>>
      %dma_wait3A_27 = arith.constant 0 : i32
      %dma_wait3A_28 = arith.constant 0 : i32
      %dma_wait3A_29 = tpu.memref_slice %arg4[%dma_wait3A_27, %dma_wait3A_28] : memref<50000x48xf32, #tpu.memory_space<hbm>> -> memref<50000x48xf32, #tpu.memory_space<hbm>>
      tpu.wait_indirect_dma semaphore(%arg12 : memref<!tpu.dma_semaphore, #tpu.memory_space<semaphore_mem>>) src(%dma_wait3A_29 : memref<50000x48xf32, #tpu.memory_space<hbm>>) dst(%arg9 : memref<128x48xf32, #tpu.memory_space<vmem>>)
      "tpu.region"() ({
        %run_scoped3A = tpu.sem_alloc : memref<!tpu.dma_semaphore, #tpu.memory_space<semaphore_mem>>
        %dma_start3A_45 = arith.constant 0 : i32
        %dma_start3A_46 = tpu.memref_slice %arg6[%add3A_20, %dma_start3A_45] : memref<160000x128xf32, #tpu.memory_space<hbm>> -> memref<128x48xf32, #tpu.memory_space<hbm>>
        %dma_start3A_47 = arith.constant 0 : i32
        %dma_start3A_48 = tpu.memref_slice %arg6[%add3A_20, %dma_start3A_47] : memref<160000x128xf32, #tpu.memory_space<hbm>> -> memref<128x48xf32, #tpu.memory_space<hbm>>
        tpu.enqueue_dma source(%arg9 : memref<128x48xf32, #tpu.memory_space<vmem>>) target(%dma_start3A_48 : memref<128x48xf32, #tpu.memory_space<hbm>>) target_semaphore(%run_scoped3A : memref<!tpu.dma_semaphore, #tpu.memory_space<semaphore_mem>>)
        %dma_wait3A_49 = arith.constant 0 : i32
        %dma_wait3A_50 = tpu.memref_slice %arg6[%add3A_20, %dma_wait3A_49] : memref<160000x128xf32, #tpu.memory_space<hbm>> -> memref<128x48xf32, #tpu.memory_space<hbm>>
        %dma_wait3A_51 = arith.constant 0 : i32
        %dma_wait3A_52 = tpu.memref_slice %arg6[%add3A_20, %dma_wait3A_51] : memref<160000x128xf32, #tpu.memory_space<hbm>> -> memref<128x48xf32, #tpu.memory_space<hbm>>
        tpu.wait_dma2 semaphore(%run_scoped3A : memref<!tpu.dma_semaphore, #tpu.memory_space<semaphore_mem>>) src(%arg9 : memref<128x48xf32, #tpu.memory_space<vmem>>) dst(%dma_wait3A_52 : memref<128x48xf32, #tpu.memory_space<hbm>>)
        tpu.yield
      }) : () -> ()
      "tpu.region"() ({
        %run_scoped3A = tpu.sem_alloc : memref<!tpu.dma_semaphore, #tpu.memory_space<semaphore_mem>>
        %dma_start3A_45 = arith.constant 48 : i32
        %dma_start3A_46 = tpu.memref_slice %arg6[%add3A_20, %dma_start3A_45] : memref<160000x128xf32, #tpu.memory_space<hbm>> -> memref<128x16xf32, #tpu.memory_space<hbm>>
        %dma_start3A_47 = arith.constant 48 : i32
        %dma_start3A_48 = tpu.memref_slice %arg6[%add3A_20, %dma_start3A_47] : memref<160000x128xf32, #tpu.memory_space<hbm>> -> memref<128x16xf32, #tpu.memory_space<hbm>>
        tpu.enqueue_dma source(%arg11 : memref<128x16xf32, #tpu.memory_space<vmem>>) target(%dma_start3A_48 : memref<128x16xf32, #tpu.memory_space<hbm>>) target_semaphore(%run_scoped3A : memref<!tpu.dma_semaphore, #tpu.memory_space<semaphore_mem>>)
        %dma_wait3A_49 = arith.constant 48 : i32
        %dma_wait3A_50 = tpu.memref_slice %arg6[%add3A_20, %dma_wait3A_49] : memref<160000x128xf32, #tpu.memory_space<hbm>> -> memref<128x16xf32, #tpu.memory_space<hbm>>
        %dma_wait3A_51 = arith.constant 48 : i32
        %dma_wait3A_52 = tpu.memref_slice %arg6[%add3A_20, %dma_wait3A_51] : memref<160000x128xf32, #tpu.memory_space<hbm>> -> memref<128x16xf32, #tpu.memory_space<hbm>>
        tpu.wait_dma2 semaphore(%run_scoped3A : memref<!tpu.dma_semaphore, #tpu.memory_space<semaphore_mem>>) src(%arg11 : memref<128x16xf32, #tpu.memory_space<vmem>>) dst(%dma_wait3A_52 : memref<128x16xf32, #tpu.memory_space<hbm>>)
        tpu.yield
      }) : () -> ()
      %add3A_30 = arith.constant 1 : i32
      %add3A_31 = arith.addi %scan3A_16, %add3A_30 : i32
      %mul3A_32 = arith.constant 128 : i32
      %mul3A_33 = arith.muli %add3A_31, %mul3A_32 : i32
      %min3A_34 = arith.constant 4872 : i32
      %min3A_35 = arith.minsi %mul3A_33, %min3A_34 : i32
      %dma_start3A_36 = tpu.memref_slice %arg7[%min3A_35] : memref<5000xi32, #tpu.memory_space<vmem>> -> memref<128xi32, #tpu.memory_space<vmem>>
      %dma_start3A_37 = arith.constant 0 : i32
      %dma_start3A_38 = arith.constant 0 : i32
      %dma_start3A_39 = tpu.memref_slice %arg4[%dma_start3A_37, %dma_start3A_38] : memref<50000x48xf32, #tpu.memory_space<hbm>> -> memref<50000x48xf32, #tpu.memory_space<hbm>>
      tpu.enqueue_indirect_dma source(%dma_start3A_39 : memref<50000x48xf32, #tpu.memory_space<hbm>>) target(%arg9 : memref<128x48xf32, #tpu.memory_space<vmem>>) offsets(%dma_start3A_36 : memref<128xi32, #tpu.memory_space<vmem>>) semaphore(%arg12 : memref<!tpu.dma_semaphore, #tpu.memory_space<semaphore_mem>>)
      %dma_wait3A_40 = arith.constant 0 : i32
      %dma_wait3A_41 = tpu.memref_slice %arg7[%dma_wait3A_40] : memref<5000xi32, #tpu.memory_space<vmem>> -> memref<128xi32, #tpu.memory_space<vmem>>
      %dma_wait3A_42 = arith.constant 0 : i32
      %dma_wait3A_43 = arith.constant 0 : i32
      %dma_wait3A_44 = tpu.memref_slice %arg4[%dma_wait3A_42, %dma_wait3A_43] : memref<50000x48xf32, #tpu.memory_space<hbm>> -> memref<50000x48xf32, #tpu.memory_space<hbm>>
      tpu.wait_indirect_dma semaphore(%arg13 : memref<!tpu.dma_semaphore, #tpu.memory_space<semaphore_mem>>) src(%dma_wait3A_44 : memref<50000x48xf32, #tpu.memory_space<hbm>>) dst(%arg10 : memref<128x48xf32, #tpu.memory_space<vmem>>)
      "tpu.region"() ({
        %run_scoped3A = tpu.sem_alloc : memref<!tpu.dma_semaphore, #tpu.memory_space<semaphore_mem>>
        %dma_start3A_45 = arith.constant 64 : i32
        %dma_start3A_46 = tpu.memref_slice %arg6[%add3A_20, %dma_start3A_45] : memref<160000x128xf32, #tpu.memory_space<hbm>> -> memref<128x48xf32, #tpu.memory_space<hbm>>
        %dma_start3A_47 = arith.constant 64 : i32
        %dma_start3A_48 = tpu.memref_slice %arg6[%add3A_20, %dma_start3A_47] : memref<160000x128xf32, #tpu.memory_space<hbm>> -> memref<128x48xf32, #tpu.memory_space<hbm>>
        tpu.enqueue_dma source(%arg10 : memref<128x48xf32, #tpu.memory_space<vmem>>) target(%dma_start3A_48 : memref<128x48xf32, #tpu.memory_space<hbm>>) target_semaphore(%run_scoped3A : memref<!tpu.dma_semaphore, #tpu.memory_space<semaphore_mem>>)
        %dma_wait3A_49 = arith.constant 64 : i32
        %dma_wait3A_50 = tpu.memref_slice %arg6[%add3A_20, %dma_wait3A_49] : memref<160000x128xf32, #tpu.memory_space<hbm>> -> memref<128x48xf32, #tpu.memory_space<hbm>>
        %dma_wait3A_51 = arith.constant 64 : i32
        %dma_wait3A_52 = tpu.memref_slice %arg6[%add3A_20, %dma_wait3A_51] : memref<160000x128xf32, #tpu.memory_space<hbm>> -> memref<128x48xf32, #tpu.memory_space<hbm>>
        tpu.wait_dma2 semaphore(%run_scoped3A : memref<!tpu.dma_semaphore, #tpu.memory_space<semaphore_mem>>) src(%arg10 : memref<128x48xf32, #tpu.memory_space<vmem>>) dst(%dma_wait3A_52 : memref<128x48xf32, #tpu.memory_space<hbm>>)
        tpu.yield
      }) : () -> ()
      "tpu.region"() ({
        %run_scoped3A = tpu.sem_alloc : memref<!tpu.dma_semaphore, #tpu.memory_space<semaphore_mem>>
        %dma_start3A_45 = arith.constant 112 : i32
        %dma_start3A_46 = tpu.memref_slice %arg6[%add3A_20, %dma_start3A_45] : memref<160000x128xf32, #tpu.memory_space<hbm>> -> memref<128x16xf32, #tpu.memory_space<hbm>>
        %dma_start3A_47 = arith.constant 112 : i32
        %dma_start3A_48 = tpu.memref_slice %arg6[%add3A_20, %dma_start3A_47] : memref<160000x128xf32, #tpu.memory_space<hbm>> -> memref<128x16xf32, #tpu.memory_space<hbm>>
        tpu.enqueue_dma source(%arg11 : memref<128x16xf32, #tpu.memory_space<vmem>>) target(%dma_start3A_48 : memref<128x16xf32, #tpu.memory_space<hbm>>) target_semaphore(%run_scoped3A : memref<!tpu.dma_semaphore, #tpu.memory_space<semaphore_mem>>)
        %dma_wait3A_49 = arith.constant 112 : i32
        %dma_wait3A_50 = tpu.memref_slice %arg6[%add3A_20, %dma_wait3A_49] : memref<160000x128xf32, #tpu.memory_space<hbm>> -> memref<128x16xf32, #tpu.memory_space<hbm>>
        %dma_wait3A_51 = arith.constant 112 : i32
        %dma_wait3A_52 = tpu.memref_slice %arg6[%add3A_20, %dma_wait3A_51] : memref<160000x128xf32, #tpu.memory_space<hbm>> -> memref<128x16xf32, #tpu.memory_space<hbm>>
        tpu.wait_dma2 semaphore(%run_scoped3A : memref<!tpu.dma_semaphore, #tpu.memory_space<semaphore_mem>>) src(%arg11 : memref<128x16xf32, #tpu.memory_space<vmem>>) dst(%dma_wait3A_52 : memref<128x16xf32, #tpu.memory_space<hbm>>)
        tpu.yield
      }) : () -> ()
    }
    %scan3A_11 = arith.constant 40 : i32
    %dma_wait3A = arith.constant 0 : i32
    %dma_wait3A_12 = tpu.memref_slice %arg7[%dma_wait3A] : memref<5000xi32, #tpu.memory_space<vmem>> -> memref<128xi32, #tpu.memory_space<vmem>>
    %dma_wait3A_13 = arith.constant 0 : i32
    %dma_wait3A_14 = arith.constant 0 : i32
    %dma_wait3A_15 = tpu.memref_slice %arg4[%dma_wait3A_13, %dma_wait3A_14] : memref<50000x48xf32, #tpu.memory_space<hbm>> -> memref<50000x48xf32, #tpu.memory_space<hbm>>
    tpu.wait_indirect_dma semaphore(%arg12 : memref<!tpu.dma_semaphore, #tpu.memory_space<semaphore_mem>>) src(%dma_wait3A_15 : memref<50000x48xf32, #tpu.memory_space<hbm>>) dst(%arg9 : memref<128x48xf32, #tpu.memory_space<vmem>>)
    return
  }
}

#map = affine_map<(d0, d1) -> (0)>
#map1 = affine_map<(d0, d1) -> (0, 0)>
module attributes {stable_mosaic.version = 14 : i64} {
  func.func @k(%arg0: i32, %arg1: i32, %arg2: memref<160000xi32, #tpu.memory_space<hbm>>, %arg3: memref<160000xi32, #tpu.memory_space<hbm>>, %arg4: memref<50000x48xf32, #tpu.memory_space<hbm>>, %arg5: memref<128x16xf32, #tpu.memory_space<hbm>>, %arg6: memref<160000x128xf32, #tpu.memory_space<hbm>>, %arg7: memref<5000xi32, #tpu.memory_space<vmem>>, %arg8: memref<5000xi32, #tpu.memory_space<vmem>>, %arg9: memref<128x48xf32, #tpu.memory_space<vmem>>, %arg10: memref<128x48xf32, #tpu.memory_space<vmem>>, %arg11: memref<128x16xf32, #tpu.memory_space<vmem>>, %arg12: memref<!tpu.dma_semaphore, #tpu.memory_space<semaphore_mem>>, %arg13: memref<!tpu.dma_semaphore, #tpu.memory_space<semaphore_mem>>) attributes {dimension_semantics = [#tpu.dimension_semantics<core_parallel>, #tpu.dimension_semantics<subcore_parallel>], iteration_bounds = array<i64: 2, 16>, scalar_prefetch = 0 : i64, scratch_operands = 7 : i64, tpu.core_type = #tpu.core_type<sc_vector_subcore>, window_params = [{transform_indices = #map}, {transform_indices = #map}, {transform_indices = #map1}, {transform_indices = #map1}, {transform_indices = #map1}]} {
    %mul3A = arith.constant 2 : i32
    %mul3A_0 = arith.muli %arg1, %mul3A : i32
    %add3A = arith.addi %mul3A_0, %arg0 : i32
    %mul3A_1 = arith.constant 5000 : i32
    %mul3A_2 = arith.muli %add3A, %mul3A_1 : i32
    "tpu.region"() ({
      %run_scoped3A = tpu.sem_alloc : memref<!tpu.dma_semaphore, #tpu.memory_space<semaphore_mem>>
      %dma_start3A_16 = tpu.memref_slice %arg2[%mul3A_2] : memref<160000xi32, #tpu.memory_space<hbm>> -> memref<5000xi32, #tpu.memory_space<hbm>>
      %dma_start3A_17 = tpu.memref_slice %arg2[%mul3A_2] : memref<160000xi32, #tpu.memory_space<hbm>> -> memref<5000xi32, #tpu.memory_space<hbm>>
      tpu.enqueue_dma source(%dma_start3A_17 : memref<5000xi32, #tpu.memory_space<hbm>>) target(%arg7 : memref<5000xi32, #tpu.memory_space<vmem>>) target_semaphore(%run_scoped3A : memref<!tpu.dma_semaphore, #tpu.memory_space<semaphore_mem>>)
      %dma_wait3A_18 = tpu.memref_slice %arg2[%mul3A_2] : memref<160000xi32, #tpu.memory_space<hbm>> -> memref<5000xi32, #tpu.memory_space<hbm>>
      %dma_wait3A_19 = tpu.memref_slice %arg2[%mul3A_2] : memref<160000xi32, #tpu.memory_space<hbm>> -> memref<5000xi32, #tpu.memory_space<hbm>>
      tpu.wait_dma2 semaphore(%run_scoped3A : memref<!tpu.dma_semaphore, #tpu.memory_space<semaphore_mem>>) src(%dma_wait3A_19 : memref<5000xi32, #tpu.memory_space<hbm>>) dst(%arg7 : memref<5000xi32, #tpu.memory_space<vmem>>)
      tpu.yield
    }) : () -> ()
    "tpu.region"() ({
      %run_scoped3A = tpu.sem_alloc : memref<!tpu.dma_semaphore, #tpu.memory_space<semaphore_mem>>
      %dma_start3A_16 = tpu.memref_slice %arg3[%mul3A_2] : memref<160000xi32, #tpu.memory_space<hbm>> -> memref<5000xi32, #tpu.memory_space<hbm>>
      %dma_start3A_17 = tpu.memref_slice %arg3[%mul3A_2] : memref<160000xi32, #tpu.memory_space<hbm>> -> memref<5000xi32, #tpu.memory_space<hbm>>
      tpu.enqueue_dma source(%dma_start3A_17 : memref<5000xi32, #tpu.memory_space<hbm>>) target(%arg8 : memref<5000xi32, #tpu.memory_space<vmem>>) target_semaphore(%run_scoped3A : memref<!tpu.dma_semaphore, #tpu.memory_space<semaphore_mem>>)
      %dma_wait3A_18 = tpu.memref_slice %arg3[%mul3A_2] : memref<160000xi32, #tpu.memory_space<hbm>> -> memref<5000xi32, #tpu.memory_space<hbm>>
      %dma_wait3A_19 = tpu.memref_slice %arg3[%mul3A_2] : memref<160000xi32, #tpu.memory_space<hbm>> -> memref<5000xi32, #tpu.memory_space<hbm>>
      tpu.wait_dma2 semaphore(%run_scoped3A : memref<!tpu.dma_semaphore, #tpu.memory_space<semaphore_mem>>) src(%dma_wait3A_19 : memref<5000xi32, #tpu.memory_space<hbm>>) dst(%arg8 : memref<5000xi32, #tpu.memory_space<vmem>>)
      tpu.yield
    }) : () -> ()
    "tpu.region"() ({
      %run_scoped3A = tpu.sem_alloc : memref<!tpu.dma_semaphore, #tpu.memory_space<semaphore_mem>>
      tpu.enqueue_dma source(%arg5 : memref<128x16xf32, #tpu.memory_space<hbm>>) target(%arg11 : memref<128x16xf32, #tpu.memory_space<vmem>>) target_semaphore(%run_scoped3A : memref<!tpu.dma_semaphore, #tpu.memory_space<semaphore_mem>>)
      tpu.wait_dma2 semaphore(%run_scoped3A : memref<!tpu.dma_semaphore, #tpu.memory_space<semaphore_mem>>) src(%arg5 : memref<128x16xf32, #tpu.memory_space<hbm>>) dst(%arg11 : memref<128x16xf32, #tpu.memory_space<vmem>>)
      tpu.yield
    }) : () -> ()
    %dma_start3A = arith.constant 0 : i32
    %dma_start3A_3 = tpu.memref_slice %arg7[%dma_start3A] : memref<5000xi32, #tpu.memory_space<vmem>> -> memref<128xi32, #tpu.memory_space<vmem>>
    %dma_start3A_4 = arith.constant 0 : i32
    %dma_start3A_5 = arith.constant 0 : i32
    %dma_start3A_6 = tpu.memref_slice %arg4[%dma_start3A_4, %dma_start3A_5] : memref<50000x48xf32, #tpu.memory_space<hbm>> -> memref<50000x48xf32, #tpu.memory_space<hbm>>
    tpu.enqueue_indirect_dma source(%dma_start3A_6 : memref<50000x48xf32, #tpu.memory_space<hbm>>) target(%arg9 : memref<128x48xf32, #tpu.memory_space<vmem>>) offsets(%dma_start3A_3 : memref<128xi32, #tpu.memory_space<vmem>>) semaphore(%arg12 : memref<!tpu.dma_semaphore, #tpu.memory_space<semaphore_mem>>)
    %scan3A = arith.constant 0 : i32
    %scan3A_7 = arith.constant 0 : i32
    %scan3A_8 = arith.constant 40 : i32
    %scan3A_9 = arith.addi %scan3A_7, %scan3A_8 : i32
    %scan3A_10 = arith.constant 1 : i32
    scf.for %scan3A_16 = %scan3A_7 to %scan3A_9 step %scan3A_10  : i32 {
      %mul3A_17 = arith.constant 128 : i32
      %mul3A_18 = arith.muli %scan3A_16, %mul3A_17 : i32
      %min3A = arith.constant 4872 : i32
      %min3A_19 = arith.minsi %mul3A_18, %min3A : i32
      %add3A_20 = arith.addi %mul3A_2, %min3A_19 : i32
      %dma_start3A_21 = tpu.memref_slice %arg8[%min3A_19] : memref<5000xi32, #tpu.memory_space<vmem>> -> memref<128xi32, #tpu.memory_space<vmem>>
      %dma_start3A_22 = arith.constant 0 : i32
      %dma_start3A_23 = arith.constant 0 : i32
      %dma_start3A_24 = tpu.memref_slice %arg4[%dma_start3A_22, %dma_start3A_23] : memref<50000x48xf32, #tpu.memory_space<hbm>> -> memref<50000x48xf32, #tpu.memory_space<hbm>>
      tpu.enqueue_indirect_dma source(%dma_start3A_24 : memref<50000x48xf32, #tpu.memory_space<hbm>>) target(%arg10 : memref<128x48xf32, #tpu.memory_space<vmem>>) offsets(%dma_start3A_21 : memref<128xi32, #tpu.memory_space<vmem>>) semaphore(%arg13 : memref<!tpu.dma_semaphore, #tpu.memory_space<semaphore_mem>>)
      %dma_wait3A_25 = arith.constant 0 : i32
      %dma_wait3A_26 = tpu.memref_slice %arg7[%dma_wait3A_25] : memref<5000xi32, #tpu.memory_space<vmem>> -> memref<128xi32, #tpu.memory_space<vmem>>
      %dma_wait3A_27 = arith.constant 0 : i32
      %dma_wait3A_28 = arith.constant 0 : i32
      %dma_wait3A_29 = tpu.memref_slice %arg4[%dma_wait3A_27, %dma_wait3A_28] : memref<50000x48xf32, #tpu.memory_space<hbm>> -> memref<50000x48xf32, #tpu.memory_space<hbm>>
      tpu.wait_indirect_dma semaphore(%arg12 : memref<!tpu.dma_semaphore, #tpu.memory_space<semaphore_mem>>) src(%dma_wait3A_29 : memref<50000x48xf32, #tpu.memory_space<hbm>>) dst(%arg9 : memref<128x48xf32, #tpu.memory_space<vmem>>)
      "tpu.region"() ({
        %run_scoped3A = tpu.sem_alloc : memref<!tpu.dma_semaphore, #tpu.memory_space<semaphore_mem>>
        %dma_start3A_45 = arith.constant 0 : i32
        %dma_start3A_46 = tpu.memref_slice %arg6[%add3A_20, %dma_start3A_45] : memref<160000x128xf32, #tpu.memory_space<hbm>> -> memref<128x48xf32, #tpu.memory_space<hbm>>
        %dma_start3A_47 = arith.constant 0 : i32
        %dma_start3A_48 = tpu.memref_slice %arg6[%add3A_20, %dma_start3A_47] : memref<160000x128xf32, #tpu.memory_space<hbm>> -> memref<128x48xf32, #tpu.memory_space<hbm>>
        tpu.enqueue_dma source(%arg9 : memref<128x48xf32, #tpu.memory_space<vmem>>) target(%dma_start3A_48 : memref<128x48xf32, #tpu.memory_space<hbm>>) target_semaphore(%run_scoped3A : memref<!tpu.dma_semaphore, #tpu.memory_space<semaphore_mem>>)
        %dma_wait3A_49 = arith.constant 0 : i32
        %dma_wait3A_50 = tpu.memref_slice %arg6[%add3A_20, %dma_wait3A_49] : memref<160000x128xf32, #tpu.memory_space<hbm>> -> memref<128x48xf32, #tpu.memory_space<hbm>>
        %dma_wait3A_51 = arith.constant 0 : i32
        %dma_wait3A_52 = tpu.memref_slice %arg6[%add3A_20, %dma_wait3A_51] : memref<160000x128xf32, #tpu.memory_space<hbm>> -> memref<128x48xf32, #tpu.memory_space<hbm>>
        tpu.wait_dma2 semaphore(%run_scoped3A : memref<!tpu.dma_semaphore, #tpu.memory_space<semaphore_mem>>) src(%arg9 : memref<128x48xf32, #tpu.memory_space<vmem>>) dst(%dma_wait3A_52 : memref<128x48xf32, #tpu.memory_space<hbm>>)
        tpu.yield
      }) : () -> ()
      "tpu.region"() ({
        %run_scoped3A = tpu.sem_alloc : memref<!tpu.dma_semaphore, #tpu.memory_space<semaphore_mem>>
        %dma_start3A_45 = arith.constant 48 : i32
        %dma_start3A_46 = tpu.memref_slice %arg6[%add3A_20, %dma_start3A_45] : memref<160000x128xf32, #tpu.memory_space<hbm>> -> memref<128x16xf32, #tpu.memory_space<hbm>>
        %dma_start3A_47 = arith.constant 48 : i32
        %dma_start3A_48 = tpu.memref_slice %arg6[%add3A_20, %dma_start3A_47] : memref<160000x128xf32, #tpu.memory_space<hbm>> -> memref<128x16xf32, #tpu.memory_space<hbm>>
        tpu.enqueue_dma source(%arg11 : memref<128x16xf32, #tpu.memory_space<vmem>>) target(%dma_start3A_48 : memref<128x16xf32, #tpu.memory_space<hbm>>) target_semaphore(%run_scoped3A : memref<!tpu.dma_semaphore, #tpu.memory_space<semaphore_mem>>)
        %dma_wait3A_49 = arith.constant 48 : i32
        %dma_wait3A_50 = tpu.memref_slice %arg6[%add3A_20, %dma_wait3A_49] : memref<160000x128xf32, #tpu.memory_space<hbm>> -> memref<128x16xf32, #tpu.memory_space<hbm>>
        %dma_wait3A_51 = arith.constant 48 : i32
        %dma_wait3A_52 = tpu.memref_slice %arg6[%add3A_20, %dma_wait3A_51] : memref<160000x128xf32, #tpu.memory_space<hbm>> -> memref<128x16xf32, #tpu.memory_space<hbm>>
        tpu.wait_dma2 semaphore(%run_scoped3A : memref<!tpu.dma_semaphore, #tpu.memory_space<semaphore_mem>>) src(%arg11 : memref<128x16xf32, #tpu.memory_space<vmem>>) dst(%dma_wait3A_52 : memref<128x16xf32, #tpu.memory_space<hbm>>)
        tpu.yield
      }) : () -> ()
      %add3A_30 = arith.constant 1 : i32
      %add3A_31 = arith.addi %scan3A_16, %add3A_30 : i32
      %mul3A_32 = arith.constant 128 : i32
      %mul3A_33 = arith.muli %add3A_31, %mul3A_32 : i32
      %min3A_34 = arith.constant 4872 : i32
      %min3A_35 = arith.minsi %mul3A_33, %min3A_34 : i32
      %dma_start3A_36 = tpu.memref_slice %arg7[%min3A_35] : memref<5000xi32, #tpu.memory_space<vmem>> -> memref<128xi32, #tpu.memory_space<vmem>>
      %dma_start3A_37 = arith.constant 0 : i32
      %dma_start3A_38 = arith.constant 0 : i32
      %dma_start3A_39 = tpu.memref_slice %arg4[%dma_start3A_37, %dma_start3A_38] : memref<50000x48xf32, #tpu.memory_space<hbm>> -> memref<50000x48xf32, #tpu.memory_space<hbm>>
      tpu.enqueue_indirect_dma source(%dma_start3A_39 : memref<50000x48xf32, #tpu.memory_space<hbm>>) target(%arg9 : memref<128x48xf32, #tpu.memory_space<vmem>>) offsets(%dma_start3A_36 : memref<128xi32, #tpu.memory_space<vmem>>) semaphore(%arg12 : memref<!tpu.dma_semaphore, #tpu.memory_space<semaphore_mem>>)
      %dma_wait3A_40 = arith.constant 0 : i32
      %dma_wait3A_41 = tpu.memref_slice %arg7[%dma_wait3A_40] : memref<5000xi32, #tpu.memory_space<vmem>> -> memref<128xi32, #tpu.memory_space<vmem>>
      %dma_wait3A_42 = arith.constant 0 : i32
      %dma_wait3A_43 = arith.constant 0 : i32
      %dma_wait3A_44 = tpu.memref_slice %arg4[%dma_wait3A_42, %dma_wait3A_43] : memref<50000x48xf32, #tpu.memory_space<hbm>> -> memref<50000x48xf32, #tpu.memory_space<hbm>>
      tpu.wait_indirect_dma semaphore(%arg13 : memref<!tpu.dma_semaphore, #tpu.memory_space<semaphore_mem>>) src(%dma_wait3A_44 : memref<50000x48xf32, #tpu.memory_space<hbm>>) dst(%arg10 : memref<128x48xf32, #tpu.memory_space<vmem>>)
      "tpu.region"() ({
        %run_scoped3A = tpu.sem_alloc : memref<!tpu.dma_semaphore, #tpu.memory_space<semaphore_mem>>
        %dma_start3A_45 = arith.constant 64 : i32
        %dma_start3A_46 = tpu.memref_slice %arg6[%add3A_20, %dma_start3A_45] : memref<160000x128xf32, #tpu.memory_space<hbm>> -> memref<128x48xf32, #tpu.memory_space<hbm>>
        %dma_start3A_47 = arith.constant 64 : i32
        %dma_start3A_48 = tpu.memref_slice %arg6[%add3A_20, %dma_start3A_47] : memref<160000x128xf32, #tpu.memory_space<hbm>> -> memref<128x48xf32, #tpu.memory_space<hbm>>
        tpu.enqueue_dma source(%arg10 : memref<128x48xf32, #tpu.memory_space<vmem>>) target(%dma_start3A_48 : memref<128x48xf32, #tpu.memory_space<hbm>>) target_semaphore(%run_scoped3A : memref<!tpu.dma_semaphore, #tpu.memory_space<semaphore_mem>>)
        %dma_wait3A_49 = arith.constant 64 : i32
        %dma_wait3A_50 = tpu.memref_slice %arg6[%add3A_20, %dma_wait3A_49] : memref<160000x128xf32, #tpu.memory_space<hbm>> -> memref<128x48xf32, #tpu.memory_space<hbm>>
        %dma_wait3A_51 = arith.constant 64 : i32
        %dma_wait3A_52 = tpu.memref_slice %arg6[%add3A_20, %dma_wait3A_51] : memref<160000x128xf32, #tpu.memory_space<hbm>> -> memref<128x48xf32, #tpu.memory_space<hbm>>
        tpu.wait_dma2 semaphore(%run_scoped3A : memref<!tpu.dma_semaphore, #tpu.memory_space<semaphore_mem>>) src(%arg10 : memref<128x48xf32, #tpu.memory_space<vmem>>) dst(%dma_wait3A_52 : memref<128x48xf32, #tpu.memory_space<hbm>>)
        tpu.yield
      }) : () -> ()
      "tpu.region"() ({
        %run_scoped3A = tpu.sem_alloc : memref<!tpu.dma_semaphore, #tpu.memory_space<semaphore_mem>>
        %dma_start3A_45 = arith.constant 112 : i32
        %dma_start3A_46 = tpu.memref_slice %arg6[%add3A_20, %dma_start3A_45] : memref<160000x128xf32, #tpu.memory_space<hbm>> -> memref<128x16xf32, #tpu.memory_space<hbm>>
        %dma_start3A_47 = arith.constant 112 : i32
        %dma_start3A_48 = tpu.memref_slice %arg6[%add3A_20, %dma_start3A_47] : memref<160000x128xf32, #tpu.memory_space<hbm>> -> memref<128x16xf32, #tpu.memory_space<hbm>>
        tpu.enqueue_dma source(%arg11 : memref<128x16xf32, #tpu.memory_space<vmem>>) target(%dma_start3A_48 : memref<128x16xf32, #tpu.memory_space<hbm>>) target_semaphore(%run_scoped3A : memref<!tpu.dma_semaphore, #tpu.memory_space<semaphore_mem>>)
        %dma_wait3A_49 = arith.constant 112 : i32
        %dma_wait3A_50 = tpu.memref_slice %arg6[%add3A_20, %dma_wait3A_49] : memref<160000x128xf32, #tpu.memory_space<hbm>> -> memref<128x16xf32, #tpu.memory_space<hbm>>
        %dma_wait3A_51 = arith.constant 112 : i32
        %dma_wait3A_52 = tpu.memref_slice %arg6[%add3A_20, %dma_wait3A_51] : memref<160000x128xf32, #tpu.memory_space<hbm>> -> memref<128x16xf32, #tpu.memory_space<hbm>>
        tpu.wait_dma2 semaphore(%run_scoped3A : memref<!tpu.dma_semaphore, #tpu.memory_space<semaphore_mem>>) src(%arg11 : memref<128x16xf32, #tpu.memory_space<vmem>>) dst(%dma_wait3A_52 : memref<128x16xf32, #tpu.memory_space<hbm>>)
        tpu.yield
      }) : () -> ()
    }
    %scan3A_11 = arith.constant 40 : i32
    %dma_wait3A = arith.constant 0 : i32
    %dma_wait3A_12 = tpu.memref_slice %arg7[%dma_wait3A] : memref<5000xi32, #tpu.memory_space<vmem>> -> memref<128xi32, #tpu.memory_space<vmem>>
    %dma_wait3A_13 = arith.constant 0 : i32
    %dma_wait3A_14 = arith.constant 0 : i32
    %dma_wait3A_15 = tpu.memref_slice %arg4[%dma_wait3A_13, %dma_wait3A_14] : memref<50000x48xf32, #tpu.memory_space<hbm>> -> memref<50000x48xf32, #tpu.memory_space<hbm>>
    tpu.wait_indirect_dma semaphore(%arg12 : memref<!tpu.dma_semaphore, #tpu.memory_space<semaphore_mem>>) src(%dma_wait3A_15 : memref<50000x48xf32, #tpu.memory_space<hbm>>) dst(%arg9 : memref<128x48xf32, #tpu.memory_space<vmem>>)
    return
  }
}

#map = affine_map<(d0, d1) -> (0)>
#map1 = affine_map<(d0, d1) -> (0, 0)>
module attributes {stable_mosaic.version = 14 : i64} {
  func.func @k(%arg0: i32, %arg1: i32, %arg2: memref<160000xi32, #tpu.memory_space<hbm>>, %arg3: memref<160000xi32, #tpu.memory_space<hbm>>, %arg4: memref<50000x48xf32, #tpu.memory_space<hbm>>, %arg5: memref<128x16xf32, #tpu.memory_space<hbm>>, %arg6: memref<160000x128xf32, #tpu.memory_space<hbm>>, %arg7: memref<5000xi32, #tpu.memory_space<vmem>>, %arg8: memref<5000xi32, #tpu.memory_space<vmem>>, %arg9: memref<128x48xf32, #tpu.memory_space<vmem>>, %arg10: memref<128x48xf32, #tpu.memory_space<vmem>>, %arg11: memref<128x16xf32, #tpu.memory_space<vmem>>, %arg12: memref<!tpu.dma_semaphore, #tpu.memory_space<semaphore_mem>>, %arg13: memref<!tpu.dma_semaphore, #tpu.memory_space<semaphore_mem>>) attributes {dimension_semantics = [#tpu.dimension_semantics<core_parallel>, #tpu.dimension_semantics<subcore_parallel>], iteration_bounds = array<i64: 2, 16>, scalar_prefetch = 0 : i64, scratch_operands = 7 : i64, tpu.core_type = #tpu.core_type<sc_vector_subcore>, window_params = [{transform_indices = #map}, {transform_indices = #map}, {transform_indices = #map1}, {transform_indices = #map1}, {transform_indices = #map1}]} {
    %mul3A = arith.constant 2 : i32
    %mul3A_0 = arith.muli %arg1, %mul3A : i32
    %add3A = arith.addi %mul3A_0, %arg0 : i32
    %mul3A_1 = arith.constant 5000 : i32
    %mul3A_2 = arith.muli %add3A, %mul3A_1 : i32
    "tpu.region"() ({
      %run_scoped3A = tpu.sem_alloc : memref<!tpu.dma_semaphore, #tpu.memory_space<semaphore_mem>>
      %dma_start3A_16 = tpu.memref_slice %arg2[%mul3A_2] : memref<160000xi32, #tpu.memory_space<hbm>> -> memref<5000xi32, #tpu.memory_space<hbm>>
      %dma_start3A_17 = tpu.memref_slice %arg2[%mul3A_2] : memref<160000xi32, #tpu.memory_space<hbm>> -> memref<5000xi32, #tpu.memory_space<hbm>>
      tpu.enqueue_dma source(%dma_start3A_17 : memref<5000xi32, #tpu.memory_space<hbm>>) target(%arg7 : memref<5000xi32, #tpu.memory_space<vmem>>) target_semaphore(%run_scoped3A : memref<!tpu.dma_semaphore, #tpu.memory_space<semaphore_mem>>)
      %dma_wait3A_18 = tpu.memref_slice %arg2[%mul3A_2] : memref<160000xi32, #tpu.memory_space<hbm>> -> memref<5000xi32, #tpu.memory_space<hbm>>
      %dma_wait3A_19 = tpu.memref_slice %arg2[%mul3A_2] : memref<160000xi32, #tpu.memory_space<hbm>> -> memref<5000xi32, #tpu.memory_space<hbm>>
      tpu.wait_dma2 semaphore(%run_scoped3A : memref<!tpu.dma_semaphore, #tpu.memory_space<semaphore_mem>>) src(%dma_wait3A_19 : memref<5000xi32, #tpu.memory_space<hbm>>) dst(%arg7 : memref<5000xi32, #tpu.memory_space<vmem>>)
      tpu.yield
    }) : () -> ()
    "tpu.region"() ({
      %run_scoped3A = tpu.sem_alloc : memref<!tpu.dma_semaphore, #tpu.memory_space<semaphore_mem>>
      %dma_start3A_16 = tpu.memref_slice %arg3[%mul3A_2] : memref<160000xi32, #tpu.memory_space<hbm>> -> memref<5000xi32, #tpu.memory_space<hbm>>
      %dma_start3A_17 = tpu.memref_slice %arg3[%mul3A_2] : memref<160000xi32, #tpu.memory_space<hbm>> -> memref<5000xi32, #tpu.memory_space<hbm>>
      tpu.enqueue_dma source(%dma_start3A_17 : memref<5000xi32, #tpu.memory_space<hbm>>) target(%arg8 : memref<5000xi32, #tpu.memory_space<vmem>>) target_semaphore(%run_scoped3A : memref<!tpu.dma_semaphore, #tpu.memory_space<semaphore_mem>>)
      %dma_wait3A_18 = tpu.memref_slice %arg3[%mul3A_2] : memref<160000xi32, #tpu.memory_space<hbm>> -> memref<5000xi32, #tpu.memory_space<hbm>>
      %dma_wait3A_19 = tpu.memref_slice %arg3[%mul3A_2] : memref<160000xi32, #tpu.memory_space<hbm>> -> memref<5000xi32, #tpu.memory_space<hbm>>
      tpu.wait_dma2 semaphore(%run_scoped3A : memref<!tpu.dma_semaphore, #tpu.memory_space<semaphore_mem>>) src(%dma_wait3A_19 : memref<5000xi32, #tpu.memory_space<hbm>>) dst(%arg8 : memref<5000xi32, #tpu.memory_space<vmem>>)
      tpu.yield
    }) : () -> ()
    "tpu.region"() ({
      %run_scoped3A = tpu.sem_alloc : memref<!tpu.dma_semaphore, #tpu.memory_space<semaphore_mem>>
      tpu.enqueue_dma source(%arg5 : memref<128x16xf32, #tpu.memory_space<hbm>>) target(%arg11 : memref<128x16xf32, #tpu.memory_space<vmem>>) target_semaphore(%run_scoped3A : memref<!tpu.dma_semaphore, #tpu.memory_space<semaphore_mem>>)
      tpu.wait_dma2 semaphore(%run_scoped3A : memref<!tpu.dma_semaphore, #tpu.memory_space<semaphore_mem>>) src(%arg5 : memref<128x16xf32, #tpu.memory_space<hbm>>) dst(%arg11 : memref<128x16xf32, #tpu.memory_space<vmem>>)
      tpu.yield
    }) : () -> ()
    %dma_start3A = arith.constant 0 : i32
    %dma_start3A_3 = tpu.memref_slice %arg7[%dma_start3A] : memref<5000xi32, #tpu.memory_space<vmem>> -> memref<128xi32, #tpu.memory_space<vmem>>
    %dma_start3A_4 = arith.constant 0 : i32
    %dma_start3A_5 = arith.constant 0 : i32
    %dma_start3A_6 = tpu.memref_slice %arg4[%dma_start3A_4, %dma_start3A_5] : memref<50000x48xf32, #tpu.memory_space<hbm>> -> memref<50000x48xf32, #tpu.memory_space<hbm>>
    tpu.enqueue_indirect_dma source(%dma_start3A_6 : memref<50000x48xf32, #tpu.memory_space<hbm>>) target(%arg9 : memref<128x48xf32, #tpu.memory_space<vmem>>) offsets(%dma_start3A_3 : memref<128xi32, #tpu.memory_space<vmem>>) semaphore(%arg12 : memref<!tpu.dma_semaphore, #tpu.memory_space<semaphore_mem>>)
    %scan3A = arith.constant 0 : i32
    %scan3A_7 = arith.constant 0 : i32
    %scan3A_8 = arith.constant 40 : i32
    %scan3A_9 = arith.addi %scan3A_7, %scan3A_8 : i32
    %scan3A_10 = arith.constant 1 : i32
    scf.for %scan3A_16 = %scan3A_7 to %scan3A_9 step %scan3A_10  : i32 {
      %mul3A_17 = arith.constant 128 : i32
      %mul3A_18 = arith.muli %scan3A_16, %mul3A_17 : i32
      %min3A = arith.constant 4872 : i32
      %min3A_19 = arith.minsi %mul3A_18, %min3A : i32
      %add3A_20 = arith.addi %mul3A_2, %min3A_19 : i32
      %dma_start3A_21 = tpu.memref_slice %arg8[%min3A_19] : memref<5000xi32, #tpu.memory_space<vmem>> -> memref<128xi32, #tpu.memory_space<vmem>>
      %dma_start3A_22 = arith.constant 0 : i32
      %dma_start3A_23 = arith.constant 0 : i32
      %dma_start3A_24 = tpu.memref_slice %arg4[%dma_start3A_22, %dma_start3A_23] : memref<50000x48xf32, #tpu.memory_space<hbm>> -> memref<50000x48xf32, #tpu.memory_space<hbm>>
      tpu.enqueue_indirect_dma source(%dma_start3A_24 : memref<50000x48xf32, #tpu.memory_space<hbm>>) target(%arg10 : memref<128x48xf32, #tpu.memory_space<vmem>>) offsets(%dma_start3A_21 : memref<128xi32, #tpu.memory_space<vmem>>) semaphore(%arg13 : memref<!tpu.dma_semaphore, #tpu.memory_space<semaphore_mem>>)
      %dma_wait3A_25 = arith.constant 0 : i32
      %dma_wait3A_26 = tpu.memref_slice %arg7[%dma_wait3A_25] : memref<5000xi32, #tpu.memory_space<vmem>> -> memref<128xi32, #tpu.memory_space<vmem>>
      %dma_wait3A_27 = arith.constant 0 : i32
      %dma_wait3A_28 = arith.constant 0 : i32
      %dma_wait3A_29 = tpu.memref_slice %arg4[%dma_wait3A_27, %dma_wait3A_28] : memref<50000x48xf32, #tpu.memory_space<hbm>> -> memref<50000x48xf32, #tpu.memory_space<hbm>>
      tpu.wait_indirect_dma semaphore(%arg12 : memref<!tpu.dma_semaphore, #tpu.memory_space<semaphore_mem>>) src(%dma_wait3A_29 : memref<50000x48xf32, #tpu.memory_space<hbm>>) dst(%arg9 : memref<128x48xf32, #tpu.memory_space<vmem>>)
      "tpu.region"() ({
        %run_scoped3A = tpu.sem_alloc : memref<!tpu.dma_semaphore, #tpu.memory_space<semaphore_mem>>
        %dma_start3A_45 = arith.constant 0 : i32
        %dma_start3A_46 = tpu.memref_slice %arg6[%add3A_20, %dma_start3A_45] : memref<160000x128xf32, #tpu.memory_space<hbm>> -> memref<128x48xf32, #tpu.memory_space<hbm>>
        %dma_start3A_47 = arith.constant 0 : i32
        %dma_start3A_48 = tpu.memref_slice %arg6[%add3A_20, %dma_start3A_47] : memref<160000x128xf32, #tpu.memory_space<hbm>> -> memref<128x48xf32, #tpu.memory_space<hbm>>
        tpu.enqueue_dma source(%arg9 : memref<128x48xf32, #tpu.memory_space<vmem>>) target(%dma_start3A_48 : memref<128x48xf32, #tpu.memory_space<hbm>>) target_semaphore(%run_scoped3A : memref<!tpu.dma_semaphore, #tpu.memory_space<semaphore_mem>>)
        %dma_wait3A_49 = arith.constant 0 : i32
        %dma_wait3A_50 = tpu.memref_slice %arg6[%add3A_20, %dma_wait3A_49] : memref<160000x128xf32, #tpu.memory_space<hbm>> -> memref<128x48xf32, #tpu.memory_space<hbm>>
        %dma_wait3A_51 = arith.constant 0 : i32
        %dma_wait3A_52 = tpu.memref_slice %arg6[%add3A_20, %dma_wait3A_51] : memref<160000x128xf32, #tpu.memory_space<hbm>> -> memref<128x48xf32, #tpu.memory_space<hbm>>
        tpu.wait_dma2 semaphore(%run_scoped3A : memref<!tpu.dma_semaphore, #tpu.memory_space<semaphore_mem>>) src(%arg9 : memref<128x48xf32, #tpu.memory_space<vmem>>) dst(%dma_wait3A_52 : memref<128x48xf32, #tpu.memory_space<hbm>>)
        tpu.yield
      }) : () -> ()
      "tpu.region"() ({
        %run_scoped3A = tpu.sem_alloc : memref<!tpu.dma_semaphore, #tpu.memory_space<semaphore_mem>>
        %dma_start3A_45 = arith.constant 48 : i32
        %dma_start3A_46 = tpu.memref_slice %arg6[%add3A_20, %dma_start3A_45] : memref<160000x128xf32, #tpu.memory_space<hbm>> -> memref<128x16xf32, #tpu.memory_space<hbm>>
        %dma_start3A_47 = arith.constant 48 : i32
        %dma_start3A_48 = tpu.memref_slice %arg6[%add3A_20, %dma_start3A_47] : memref<160000x128xf32, #tpu.memory_space<hbm>> -> memref<128x16xf32, #tpu.memory_space<hbm>>
        tpu.enqueue_dma source(%arg11 : memref<128x16xf32, #tpu.memory_space<vmem>>) target(%dma_start3A_48 : memref<128x16xf32, #tpu.memory_space<hbm>>) target_semaphore(%run_scoped3A : memref<!tpu.dma_semaphore, #tpu.memory_space<semaphore_mem>>)
        %dma_wait3A_49 = arith.constant 48 : i32
        %dma_wait3A_50 = tpu.memref_slice %arg6[%add3A_20, %dma_wait3A_49] : memref<160000x128xf32, #tpu.memory_space<hbm>> -> memref<128x16xf32, #tpu.memory_space<hbm>>
        %dma_wait3A_51 = arith.constant 48 : i32
        %dma_wait3A_52 = tpu.memref_slice %arg6[%add3A_20, %dma_wait3A_51] : memref<160000x128xf32, #tpu.memory_space<hbm>> -> memref<128x16xf32, #tpu.memory_space<hbm>>
        tpu.wait_dma2 semaphore(%run_scoped3A : memref<!tpu.dma_semaphore, #tpu.memory_space<semaphore_mem>>) src(%arg11 : memref<128x16xf32, #tpu.memory_space<vmem>>) dst(%dma_wait3A_52 : memref<128x16xf32, #tpu.memory_space<hbm>>)
        tpu.yield
      }) : () -> ()
      %add3A_30 = arith.constant 1 : i32
      %add3A_31 = arith.addi %scan3A_16, %add3A_30 : i32
      %mul3A_32 = arith.constant 128 : i32
      %mul3A_33 = arith.muli %add3A_31, %mul3A_32 : i32
      %min3A_34 = arith.constant 4872 : i32
      %min3A_35 = arith.minsi %mul3A_33, %min3A_34 : i32
      %dma_start3A_36 = tpu.memref_slice %arg7[%min3A_35] : memref<5000xi32, #tpu.memory_space<vmem>> -> memref<128xi32, #tpu.memory_space<vmem>>
      %dma_start3A_37 = arith.constant 0 : i32
      %dma_start3A_38 = arith.constant 0 : i32
      %dma_start3A_39 = tpu.memref_slice %arg4[%dma_start3A_37, %dma_start3A_38] : memref<50000x48xf32, #tpu.memory_space<hbm>> -> memref<50000x48xf32, #tpu.memory_space<hbm>>
      tpu.enqueue_indirect_dma source(%dma_start3A_39 : memref<50000x48xf32, #tpu.memory_space<hbm>>) target(%arg9 : memref<128x48xf32, #tpu.memory_space<vmem>>) offsets(%dma_start3A_36 : memref<128xi32, #tpu.memory_space<vmem>>) semaphore(%arg12 : memref<!tpu.dma_semaphore, #tpu.memory_space<semaphore_mem>>)
      %dma_wait3A_40 = arith.constant 0 : i32
      %dma_wait3A_41 = tpu.memref_slice %arg7[%dma_wait3A_40] : memref<5000xi32, #tpu.memory_space<vmem>> -> memref<128xi32, #tpu.memory_space<vmem>>
      %dma_wait3A_42 = arith.constant 0 : i32
      %dma_wait3A_43 = arith.constant 0 : i32
      %dma_wait3A_44 = tpu.memref_slice %arg4[%dma_wait3A_42, %dma_wait3A_43] : memref<50000x48xf32, #tpu.memory_space<hbm>> -> memref<50000x48xf32, #tpu.memory_space<hbm>>
      tpu.wait_indirect_dma semaphore(%arg13 : memref<!tpu.dma_semaphore, #tpu.memory_space<semaphore_mem>>) src(%dma_wait3A_44 : memref<50000x48xf32, #tpu.memory_space<hbm>>) dst(%arg10 : memref<128x48xf32, #tpu.memory_space<vmem>>)
      "tpu.region"() ({
        %run_scoped3A = tpu.sem_alloc : memref<!tpu.dma_semaphore, #tpu.memory_space<semaphore_mem>>
        %dma_start3A_45 = arith.constant 64 : i32
        %dma_start3A_46 = tpu.memref_slice %arg6[%add3A_20, %dma_start3A_45] : memref<160000x128xf32, #tpu.memory_space<hbm>> -> memref<128x48xf32, #tpu.memory_space<hbm>>
        %dma_start3A_47 = arith.constant 64 : i32
        %dma_start3A_48 = tpu.memref_slice %arg6[%add3A_20, %dma_start3A_47] : memref<160000x128xf32, #tpu.memory_space<hbm>> -> memref<128x48xf32, #tpu.memory_space<hbm>>
        tpu.enqueue_dma source(%arg10 : memref<128x48xf32, #tpu.memory_space<vmem>>) target(%dma_start3A_48 : memref<128x48xf32, #tpu.memory_space<hbm>>) target_semaphore(%run_scoped3A : memref<!tpu.dma_semaphore, #tpu.memory_space<semaphore_mem>>)
        %dma_wait3A_49 = arith.constant 64 : i32
        %dma_wait3A_50 = tpu.memref_slice %arg6[%add3A_20, %dma_wait3A_49] : memref<160000x128xf32, #tpu.memory_space<hbm>> -> memref<128x48xf32, #tpu.memory_space<hbm>>
        %dma_wait3A_51 = arith.constant 64 : i32
        %dma_wait3A_52 = tpu.memref_slice %arg6[%add3A_20, %dma_wait3A_51] : memref<160000x128xf32, #tpu.memory_space<hbm>> -> memref<128x48xf32, #tpu.memory_space<hbm>>
        tpu.wait_dma2 semaphore(%run_scoped3A : memref<!tpu.dma_semaphore, #tpu.memory_space<semaphore_mem>>) src(%arg10 : memref<128x48xf32, #tpu.memory_space<vmem>>) dst(%dma_wait3A_52 : memref<128x48xf32, #tpu.memory_space<hbm>>)
        tpu.yield
      }) : () -> ()
      "tpu.region"() ({
        %run_scoped3A = tpu.sem_alloc : memref<!tpu.dma_semaphore, #tpu.memory_space<semaphore_mem>>
        %dma_start3A_45 = arith.constant 112 : i32
        %dma_start3A_46 = tpu.memref_slice %arg6[%add3A_20, %dma_start3A_45] : memref<160000x128xf32, #tpu.memory_space<hbm>> -> memref<128x16xf32, #tpu.memory_space<hbm>>
        %dma_start3A_47 = arith.constant 112 : i32
        %dma_start3A_48 = tpu.memref_slice %arg6[%add3A_20, %dma_start3A_47] : memref<160000x128xf32, #tpu.memory_space<hbm>> -> memref<128x16xf32, #tpu.memory_space<hbm>>
        tpu.enqueue_dma source(%arg11 : memref<128x16xf32, #tpu.memory_space<vmem>>) target(%dma_start3A_48 : memref<128x16xf32, #tpu.memory_space<hbm>>) target_semaphore(%run_scoped3A : memref<!tpu.dma_semaphore, #tpu.memory_space<semaphore_mem>>)
        %dma_wait3A_49 = arith.constant 112 : i32
        %dma_wait3A_50 = tpu.memref_slice %arg6[%add3A_20, %dma_wait3A_49] : memref<160000x128xf32, #tpu.memory_space<hbm>> -> memref<128x16xf32, #tpu.memory_space<hbm>>
        %dma_wait3A_51 = arith.constant 112 : i32
        %dma_wait3A_52 = tpu.memref_slice %arg6[%add3A_20, %dma_wait3A_51] : memref<160000x128xf32, #tpu.memory_space<hbm>> -> memref<128x16xf32, #tpu.memory_space<hbm>>
        tpu.wait_dma2 semaphore(%run_scoped3A : memref<!tpu.dma_semaphore, #tpu.memory_space<semaphore_mem>>) src(%arg11 : memref<128x16xf32, #tpu.memory_space<vmem>>) dst(%dma_wait3A_52 : memref<128x16xf32, #tpu.memory_space<hbm>>)
        tpu.yield
      }) : () -> ()
    }
    %scan3A_11 = arith.constant 40 : i32
    %dma_wait3A = arith.constant 0 : i32
    %dma_wait3A_12 = tpu.memref_slice %arg7[%dma_wait3A] : memref<5000xi32, #tpu.memory_space<vmem>> -> memref<128xi32, #tpu.memory_space<vmem>>
    %dma_wait3A_13 = arith.constant 0 : i32
    %dma_wait3A_14 = arith.constant 0 : i32
    %dma_wait3A_15 = tpu.memref_slice %arg4[%dma_wait3A_13, %dma_wait3A_14] : memref<50000x48xf32, #tpu.memory_space<hbm>> -> memref<50000x48xf32, #tpu.memory_space<hbm>>
    tpu.wait_indirect_dma semaphore(%arg12 : memref<!tpu.dma_semaphore, #tpu.memory_space<semaphore_mem>>) src(%dma_wait3A_15 : memref<50000x48xf32, #tpu.memory_space<hbm>>) dst(%arg9 : memref<128x48xf32, #tpu.memory_space<vmem>>)
    return
  }
}

#map = affine_map<(d0, d1) -> (0)>
#map1 = affine_map<(d0, d1) -> (0, 0)>
module attributes {stable_mosaic.version = 14 : i64} {
  func.func @k(%arg0: i32, %arg1: i32, %arg2: memref<160000xi32, #tpu.memory_space<hbm>>, %arg3: memref<160000xi32, #tpu.memory_space<hbm>>, %arg4: memref<50000x48xf32, #tpu.memory_space<hbm>>, %arg5: memref<128x16xf32, #tpu.memory_space<hbm>>, %arg6: memref<160000x128xf32, #tpu.memory_space<hbm>>, %arg7: memref<5000xi32, #tpu.memory_space<vmem>>, %arg8: memref<5000xi32, #tpu.memory_space<vmem>>, %arg9: memref<128x48xf32, #tpu.memory_space<vmem>>, %arg10: memref<128x48xf32, #tpu.memory_space<vmem>>, %arg11: memref<128x16xf32, #tpu.memory_space<vmem>>, %arg12: memref<!tpu.dma_semaphore, #tpu.memory_space<semaphore_mem>>, %arg13: memref<!tpu.dma_semaphore, #tpu.memory_space<semaphore_mem>>) attributes {dimension_semantics = [#tpu.dimension_semantics<core_parallel>, #tpu.dimension_semantics<subcore_parallel>], iteration_bounds = array<i64: 2, 16>, scalar_prefetch = 0 : i64, scratch_operands = 7 : i64, tpu.core_type = #tpu.core_type<sc_vector_subcore>, window_params = [{transform_indices = #map}, {transform_indices = #map}, {transform_indices = #map1}, {transform_indices = #map1}, {transform_indices = #map1}]} {
    %mul3A = arith.constant 2 : i32
    %mul3A_0 = arith.muli %arg1, %mul3A : i32
    %add3A = arith.addi %mul3A_0, %arg0 : i32
    %mul3A_1 = arith.constant 5000 : i32
    %mul3A_2 = arith.muli %add3A, %mul3A_1 : i32
    "tpu.region"() ({
      %run_scoped3A = tpu.sem_alloc : memref<!tpu.dma_semaphore, #tpu.memory_space<semaphore_mem>>
      %dma_start3A_16 = tpu.memref_slice %arg2[%mul3A_2] : memref<160000xi32, #tpu.memory_space<hbm>> -> memref<5000xi32, #tpu.memory_space<hbm>>
      %dma_start3A_17 = tpu.memref_slice %arg2[%mul3A_2] : memref<160000xi32, #tpu.memory_space<hbm>> -> memref<5000xi32, #tpu.memory_space<hbm>>
      tpu.enqueue_dma source(%dma_start3A_17 : memref<5000xi32, #tpu.memory_space<hbm>>) target(%arg7 : memref<5000xi32, #tpu.memory_space<vmem>>) target_semaphore(%run_scoped3A : memref<!tpu.dma_semaphore, #tpu.memory_space<semaphore_mem>>)
      %dma_wait3A_18 = tpu.memref_slice %arg2[%mul3A_2] : memref<160000xi32, #tpu.memory_space<hbm>> -> memref<5000xi32, #tpu.memory_space<hbm>>
      %dma_wait3A_19 = tpu.memref_slice %arg2[%mul3A_2] : memref<160000xi32, #tpu.memory_space<hbm>> -> memref<5000xi32, #tpu.memory_space<hbm>>
      tpu.wait_dma2 semaphore(%run_scoped3A : memref<!tpu.dma_semaphore, #tpu.memory_space<semaphore_mem>>) src(%dma_wait3A_19 : memref<5000xi32, #tpu.memory_space<hbm>>) dst(%arg7 : memref<5000xi32, #tpu.memory_space<vmem>>)
      tpu.yield
    }) : () -> ()
    "tpu.region"() ({
      %run_scoped3A = tpu.sem_alloc : memref<!tpu.dma_semaphore, #tpu.memory_space<semaphore_mem>>
      %dma_start3A_16 = tpu.memref_slice %arg3[%mul3A_2] : memref<160000xi32, #tpu.memory_space<hbm>> -> memref<5000xi32, #tpu.memory_space<hbm>>
      %dma_start3A_17 = tpu.memref_slice %arg3[%mul3A_2] : memref<160000xi32, #tpu.memory_space<hbm>> -> memref<5000xi32, #tpu.memory_space<hbm>>
      tpu.enqueue_dma source(%dma_start3A_17 : memref<5000xi32, #tpu.memory_space<hbm>>) target(%arg8 : memref<5000xi32, #tpu.memory_space<vmem>>) target_semaphore(%run_scoped3A : memref<!tpu.dma_semaphore, #tpu.memory_space<semaphore_mem>>)
      %dma_wait3A_18 = tpu.memref_slice %arg3[%mul3A_2] : memref<160000xi32, #tpu.memory_space<hbm>> -> memref<5000xi32, #tpu.memory_space<hbm>>
      %dma_wait3A_19 = tpu.memref_slice %arg3[%mul3A_2] : memref<160000xi32, #tpu.memory_space<hbm>> -> memref<5000xi32, #tpu.memory_space<hbm>>
      tpu.wait_dma2 semaphore(%run_scoped3A : memref<!tpu.dma_semaphore, #tpu.memory_space<semaphore_mem>>) src(%dma_wait3A_19 : memref<5000xi32, #tpu.memory_space<hbm>>) dst(%arg8 : memref<5000xi32, #tpu.memory_space<vmem>>)
      tpu.yield
    }) : () -> ()
    "tpu.region"() ({
      %run_scoped3A = tpu.sem_alloc : memref<!tpu.dma_semaphore, #tpu.memory_space<semaphore_mem>>
      tpu.enqueue_dma source(%arg5 : memref<128x16xf32, #tpu.memory_space<hbm>>) target(%arg11 : memref<128x16xf32, #tpu.memory_space<vmem>>) target_semaphore(%run_scoped3A : memref<!tpu.dma_semaphore, #tpu.memory_space<semaphore_mem>>)
      tpu.wait_dma2 semaphore(%run_scoped3A : memref<!tpu.dma_semaphore, #tpu.memory_space<semaphore_mem>>) src(%arg5 : memref<128x16xf32, #tpu.memory_space<hbm>>) dst(%arg11 : memref<128x16xf32, #tpu.memory_space<vmem>>)
      tpu.yield
    }) : () -> ()
    %dma_start3A = arith.constant 0 : i32
    %dma_start3A_3 = tpu.memref_slice %arg7[%dma_start3A] : memref<5000xi32, #tpu.memory_space<vmem>> -> memref<128xi32, #tpu.memory_space<vmem>>
    %dma_start3A_4 = arith.constant 0 : i32
    %dma_start3A_5 = arith.constant 0 : i32
    %dma_start3A_6 = tpu.memref_slice %arg4[%dma_start3A_4, %dma_start3A_5] : memref<50000x48xf32, #tpu.memory_space<hbm>> -> memref<50000x48xf32, #tpu.memory_space<hbm>>
    tpu.enqueue_indirect_dma source(%dma_start3A_6 : memref<50000x48xf32, #tpu.memory_space<hbm>>) target(%arg9 : memref<128x48xf32, #tpu.memory_space<vmem>>) offsets(%dma_start3A_3 : memref<128xi32, #tpu.memory_space<vmem>>) semaphore(%arg12 : memref<!tpu.dma_semaphore, #tpu.memory_space<semaphore_mem>>)
    %scan3A = arith.constant 0 : i32
    %scan3A_7 = arith.constant 0 : i32
    %scan3A_8 = arith.constant 40 : i32
    %scan3A_9 = arith.addi %scan3A_7, %scan3A_8 : i32
    %scan3A_10 = arith.constant 1 : i32
    scf.for %scan3A_16 = %scan3A_7 to %scan3A_9 step %scan3A_10  : i32 {
      %mul3A_17 = arith.constant 128 : i32
      %mul3A_18 = arith.muli %scan3A_16, %mul3A_17 : i32
      %min3A = arith.constant 4872 : i32
      %min3A_19 = arith.minsi %mul3A_18, %min3A : i32
      %add3A_20 = arith.addi %mul3A_2, %min3A_19 : i32
      %dma_start3A_21 = tpu.memref_slice %arg8[%min3A_19] : memref<5000xi32, #tpu.memory_space<vmem>> -> memref<128xi32, #tpu.memory_space<vmem>>
      %dma_start3A_22 = arith.constant 0 : i32
      %dma_start3A_23 = arith.constant 0 : i32
      %dma_start3A_24 = tpu.memref_slice %arg4[%dma_start3A_22, %dma_start3A_23] : memref<50000x48xf32, #tpu.memory_space<hbm>> -> memref<50000x48xf32, #tpu.memory_space<hbm>>
      tpu.enqueue_indirect_dma source(%dma_start3A_24 : memref<50000x48xf32, #tpu.memory_space<hbm>>) target(%arg10 : memref<128x48xf32, #tpu.memory_space<vmem>>) offsets(%dma_start3A_21 : memref<128xi32, #tpu.memory_space<vmem>>) semaphore(%arg13 : memref<!tpu.dma_semaphore, #tpu.memory_space<semaphore_mem>>)
      %dma_wait3A_25 = arith.constant 0 : i32
      %dma_wait3A_26 = tpu.memref_slice %arg7[%dma_wait3A_25] : memref<5000xi32, #tpu.memory_space<vmem>> -> memref<128xi32, #tpu.memory_space<vmem>>
      %dma_wait3A_27 = arith.constant 0 : i32
      %dma_wait3A_28 = arith.constant 0 : i32
      %dma_wait3A_29 = tpu.memref_slice %arg4[%dma_wait3A_27, %dma_wait3A_28] : memref<50000x48xf32, #tpu.memory_space<hbm>> -> memref<50000x48xf32, #tpu.memory_space<hbm>>
      tpu.wait_indirect_dma semaphore(%arg12 : memref<!tpu.dma_semaphore, #tpu.memory_space<semaphore_mem>>) src(%dma_wait3A_29 : memref<50000x48xf32, #tpu.memory_space<hbm>>) dst(%arg9 : memref<128x48xf32, #tpu.memory_space<vmem>>)
      "tpu.region"() ({
        %run_scoped3A = tpu.sem_alloc : memref<!tpu.dma_semaphore, #tpu.memory_space<semaphore_mem>>
        %dma_start3A_45 = arith.constant 0 : i32
        %dma_start3A_46 = tpu.memref_slice %arg6[%add3A_20, %dma_start3A_45] : memref<160000x128xf32, #tpu.memory_space<hbm>> -> memref<128x48xf32, #tpu.memory_space<hbm>>
        %dma_start3A_47 = arith.constant 0 : i32
        %dma_start3A_48 = tpu.memref_slice %arg6[%add3A_20, %dma_start3A_47] : memref<160000x128xf32, #tpu.memory_space<hbm>> -> memref<128x48xf32, #tpu.memory_space<hbm>>
        tpu.enqueue_dma source(%arg9 : memref<128x48xf32, #tpu.memory_space<vmem>>) target(%dma_start3A_48 : memref<128x48xf32, #tpu.memory_space<hbm>>) target_semaphore(%run_scoped3A : memref<!tpu.dma_semaphore, #tpu.memory_space<semaphore_mem>>)
        %dma_wait3A_49 = arith.constant 0 : i32
        %dma_wait3A_50 = tpu.memref_slice %arg6[%add3A_20, %dma_wait3A_49] : memref<160000x128xf32, #tpu.memory_space<hbm>> -> memref<128x48xf32, #tpu.memory_space<hbm>>
        %dma_wait3A_51 = arith.constant 0 : i32
        %dma_wait3A_52 = tpu.memref_slice %arg6[%add3A_20, %dma_wait3A_51] : memref<160000x128xf32, #tpu.memory_space<hbm>> -> memref<128x48xf32, #tpu.memory_space<hbm>>
        tpu.wait_dma2 semaphore(%run_scoped3A : memref<!tpu.dma_semaphore, #tpu.memory_space<semaphore_mem>>) src(%arg9 : memref<128x48xf32, #tpu.memory_space<vmem>>) dst(%dma_wait3A_52 : memref<128x48xf32, #tpu.memory_space<hbm>>)
        tpu.yield
      }) : () -> ()
      "tpu.region"() ({
        %run_scoped3A = tpu.sem_alloc : memref<!tpu.dma_semaphore, #tpu.memory_space<semaphore_mem>>
        %dma_start3A_45 = arith.constant 48 : i32
        %dma_start3A_46 = tpu.memref_slice %arg6[%add3A_20, %dma_start3A_45] : memref<160000x128xf32, #tpu.memory_space<hbm>> -> memref<128x16xf32, #tpu.memory_space<hbm>>
        %dma_start3A_47 = arith.constant 48 : i32
        %dma_start3A_48 = tpu.memref_slice %arg6[%add3A_20, %dma_start3A_47] : memref<160000x128xf32, #tpu.memory_space<hbm>> -> memref<128x16xf32, #tpu.memory_space<hbm>>
        tpu.enqueue_dma source(%arg11 : memref<128x16xf32, #tpu.memory_space<vmem>>) target(%dma_start3A_48 : memref<128x16xf32, #tpu.memory_space<hbm>>) target_semaphore(%run_scoped3A : memref<!tpu.dma_semaphore, #tpu.memory_space<semaphore_mem>>)
        %dma_wait3A_49 = arith.constant 48 : i32
        %dma_wait3A_50 = tpu.memref_slice %arg6[%add3A_20, %dma_wait3A_49] : memref<160000x128xf32, #tpu.memory_space<hbm>> -> memref<128x16xf32, #tpu.memory_space<hbm>>
        %dma_wait3A_51 = arith.constant 48 : i32
        %dma_wait3A_52 = tpu.memref_slice %arg6[%add3A_20, %dma_wait3A_51] : memref<160000x128xf32, #tpu.memory_space<hbm>> -> memref<128x16xf32, #tpu.memory_space<hbm>>
        tpu.wait_dma2 semaphore(%run_scoped3A : memref<!tpu.dma_semaphore, #tpu.memory_space<semaphore_mem>>) src(%arg11 : memref<128x16xf32, #tpu.memory_space<vmem>>) dst(%dma_wait3A_52 : memref<128x16xf32, #tpu.memory_space<hbm>>)
        tpu.yield
      }) : () -> ()
      %add3A_30 = arith.constant 1 : i32
      %add3A_31 = arith.addi %scan3A_16, %add3A_30 : i32
      %mul3A_32 = arith.constant 128 : i32
      %mul3A_33 = arith.muli %add3A_31, %mul3A_32 : i32
      %min3A_34 = arith.constant 4872 : i32
      %min3A_35 = arith.minsi %mul3A_33, %min3A_34 : i32
      %dma_start3A_36 = tpu.memref_slice %arg7[%min3A_35] : memref<5000xi32, #tpu.memory_space<vmem>> -> memref<128xi32, #tpu.memory_space<vmem>>
      %dma_start3A_37 = arith.constant 0 : i32
      %dma_start3A_38 = arith.constant 0 : i32
      %dma_start3A_39 = tpu.memref_slice %arg4[%dma_start3A_37, %dma_start3A_38] : memref<50000x48xf32, #tpu.memory_space<hbm>> -> memref<50000x48xf32, #tpu.memory_space<hbm>>
      tpu.enqueue_indirect_dma source(%dma_start3A_39 : memref<50000x48xf32, #tpu.memory_space<hbm>>) target(%arg9 : memref<128x48xf32, #tpu.memory_space<vmem>>) offsets(%dma_start3A_36 : memref<128xi32, #tpu.memory_space<vmem>>) semaphore(%arg12 : memref<!tpu.dma_semaphore, #tpu.memory_space<semaphore_mem>>)
      %dma_wait3A_40 = arith.constant 0 : i32
      %dma_wait3A_41 = tpu.memref_slice %arg7[%dma_wait3A_40] : memref<5000xi32, #tpu.memory_space<vmem>> -> memref<128xi32, #tpu.memory_space<vmem>>
      %dma_wait3A_42 = arith.constant 0 : i32
      %dma_wait3A_43 = arith.constant 0 : i32
      %dma_wait3A_44 = tpu.memref_slice %arg4[%dma_wait3A_42, %dma_wait3A_43] : memref<50000x48xf32, #tpu.memory_space<hbm>> -> memref<50000x48xf32, #tpu.memory_space<hbm>>
      tpu.wait_indirect_dma semaphore(%arg13 : memref<!tpu.dma_semaphore, #tpu.memory_space<semaphore_mem>>) src(%dma_wait3A_44 : memref<50000x48xf32, #tpu.memory_space<hbm>>) dst(%arg10 : memref<128x48xf32, #tpu.memory_space<vmem>>)
      "tpu.region"() ({
        %run_scoped3A = tpu.sem_alloc : memref<!tpu.dma_semaphore, #tpu.memory_space<semaphore_mem>>
        %dma_start3A_45 = arith.constant 64 : i32
        %dma_start3A_46 = tpu.memref_slice %arg6[%add3A_20, %dma_start3A_45] : memref<160000x128xf32, #tpu.memory_space<hbm>> -> memref<128x48xf32, #tpu.memory_space<hbm>>
        %dma_start3A_47 = arith.constant 64 : i32
        %dma_start3A_48 = tpu.memref_slice %arg6[%add3A_20, %dma_start3A_47] : memref<160000x128xf32, #tpu.memory_space<hbm>> -> memref<128x48xf32, #tpu.memory_space<hbm>>
        tpu.enqueue_dma source(%arg10 : memref<128x48xf32, #tpu.memory_space<vmem>>) target(%dma_start3A_48 : memref<128x48xf32, #tpu.memory_space<hbm>>) target_semaphore(%run_scoped3A : memref<!tpu.dma_semaphore, #tpu.memory_space<semaphore_mem>>)
        %dma_wait3A_49 = arith.constant 64 : i32
        %dma_wait3A_50 = tpu.memref_slice %arg6[%add3A_20, %dma_wait3A_49] : memref<160000x128xf32, #tpu.memory_space<hbm>> -> memref<128x48xf32, #tpu.memory_space<hbm>>
        %dma_wait3A_51 = arith.constant 64 : i32
        %dma_wait3A_52 = tpu.memref_slice %arg6[%add3A_20, %dma_wait3A_51] : memref<160000x128xf32, #tpu.memory_space<hbm>> -> memref<128x48xf32, #tpu.memory_space<hbm>>
        tpu.wait_dma2 semaphore(%run_scoped3A : memref<!tpu.dma_semaphore, #tpu.memory_space<semaphore_mem>>) src(%arg10 : memref<128x48xf32, #tpu.memory_space<vmem>>) dst(%dma_wait3A_52 : memref<128x48xf32, #tpu.memory_space<hbm>>)
        tpu.yield
      }) : () -> ()
      "tpu.region"() ({
        %run_scoped3A = tpu.sem_alloc : memref<!tpu.dma_semaphore, #tpu.memory_space<semaphore_mem>>
        %dma_start3A_45 = arith.constant 112 : i32
        %dma_start3A_46 = tpu.memref_slice %arg6[%add3A_20, %dma_start3A_45] : memref<160000x128xf32, #tpu.memory_space<hbm>> -> memref<128x16xf32, #tpu.memory_space<hbm>>
        %dma_start3A_47 = arith.constant 112 : i32
        %dma_start3A_48 = tpu.memref_slice %arg6[%add3A_20, %dma_start3A_47] : memref<160000x128xf32, #tpu.memory_space<hbm>> -> memref<128x16xf32, #tpu.memory_space<hbm>>
        tpu.enqueue_dma source(%arg11 : memref<128x16xf32, #tpu.memory_space<vmem>>) target(%dma_start3A_48 : memref<128x16xf32, #tpu.memory_space<hbm>>) target_semaphore(%run_scoped3A : memref<!tpu.dma_semaphore, #tpu.memory_space<semaphore_mem>>)
        %dma_wait3A_49 = arith.constant 112 : i32
        %dma_wait3A_50 = tpu.memref_slice %arg6[%add3A_20, %dma_wait3A_49] : memref<160000x128xf32, #tpu.memory_space<hbm>> -> memref<128x16xf32, #tpu.memory_space<hbm>>
        %dma_wait3A_51 = arith.constant 112 : i32
        %dma_wait3A_52 = tpu.memref_slice %arg6[%add3A_20, %dma_wait3A_51] : memref<160000x128xf32, #tpu.memory_space<hbm>> -> memref<128x16xf32, #tpu.memory_space<hbm>>
        tpu.wait_dma2 semaphore(%run_scoped3A : memref<!tpu.dma_semaphore, #tpu.memory_space<semaphore_mem>>) src(%arg11 : memref<128x16xf32, #tpu.memory_space<vmem>>) dst(%dma_wait3A_52 : memref<128x16xf32, #tpu.memory_space<hbm>>)
        tpu.yield
      }) : () -> ()
    }
    %scan3A_11 = arith.constant 40 : i32
    %dma_wait3A = arith.constant 0 : i32
    %dma_wait3A_12 = tpu.memref_slice %arg7[%dma_wait3A] : memref<5000xi32, #tpu.memory_space<vmem>> -> memref<128xi32, #tpu.memory_space<vmem>>
    %dma_wait3A_13 = arith.constant 0 : i32
    %dma_wait3A_14 = arith.constant 0 : i32
    %dma_wait3A_15 = tpu.memref_slice %arg4[%dma_wait3A_13, %dma_wait3A_14] : memref<50000x48xf32, #tpu.memory_space<hbm>> -> memref<50000x48xf32, #tpu.memory_space<hbm>>
    tpu.wait_indirect_dma semaphore(%arg12 : memref<!tpu.dma_semaphore, #tpu.memory_space<semaphore_mem>>) src(%dma_wait3A_15 : memref<50000x48xf32, #tpu.memory_space<hbm>>) dst(%arg9 : memref<128x48xf32, #tpu.memory_space<vmem>>)
    return
  }
}

#map = affine_map<(d0, d1) -> (0)>
#map1 = affine_map<(d0, d1) -> (0, 0)>
module attributes {stable_mosaic.version = 14 : i64} {
  func.func @k(%arg0: i32, %arg1: i32, %arg2: memref<160000xi32, #tpu.memory_space<hbm>>, %arg3: memref<160000xi32, #tpu.memory_space<hbm>>, %arg4: memref<50000x48xf32, #tpu.memory_space<hbm>>, %arg5: memref<128x16xf32, #tpu.memory_space<hbm>>, %arg6: memref<160000x128xf32, #tpu.memory_space<hbm>>, %arg7: memref<5000xi32, #tpu.memory_space<vmem>>, %arg8: memref<5000xi32, #tpu.memory_space<vmem>>, %arg9: memref<128x48xf32, #tpu.memory_space<vmem>>, %arg10: memref<128x48xf32, #tpu.memory_space<vmem>>, %arg11: memref<128x16xf32, #tpu.memory_space<vmem>>, %arg12: memref<!tpu.dma_semaphore, #tpu.memory_space<semaphore_mem>>, %arg13: memref<!tpu.dma_semaphore, #tpu.memory_space<semaphore_mem>>) attributes {dimension_semantics = [#tpu.dimension_semantics<core_parallel>, #tpu.dimension_semantics<subcore_parallel>], iteration_bounds = array<i64: 2, 16>, scalar_prefetch = 0 : i64, scratch_operands = 7 : i64, tpu.core_type = #tpu.core_type<sc_vector_subcore>, window_params = [{transform_indices = #map}, {transform_indices = #map}, {transform_indices = #map1}, {transform_indices = #map1}, {transform_indices = #map1}]} {
    %mul3A = arith.constant 2 : i32
    %mul3A_0 = arith.muli %arg1, %mul3A : i32
    %add3A = arith.addi %mul3A_0, %arg0 : i32
    %mul3A_1 = arith.constant 5000 : i32
    %mul3A_2 = arith.muli %add3A, %mul3A_1 : i32
    "tpu.region"() ({
      %run_scoped3A = tpu.sem_alloc : memref<!tpu.dma_semaphore, #tpu.memory_space<semaphore_mem>>
      %dma_start3A_16 = tpu.memref_slice %arg2[%mul3A_2] : memref<160000xi32, #tpu.memory_space<hbm>> -> memref<5000xi32, #tpu.memory_space<hbm>>
      %dma_start3A_17 = tpu.memref_slice %arg2[%mul3A_2] : memref<160000xi32, #tpu.memory_space<hbm>> -> memref<5000xi32, #tpu.memory_space<hbm>>
      tpu.enqueue_dma source(%dma_start3A_17 : memref<5000xi32, #tpu.memory_space<hbm>>) target(%arg7 : memref<5000xi32, #tpu.memory_space<vmem>>) target_semaphore(%run_scoped3A : memref<!tpu.dma_semaphore, #tpu.memory_space<semaphore_mem>>)
      %dma_wait3A_18 = tpu.memref_slice %arg2[%mul3A_2] : memref<160000xi32, #tpu.memory_space<hbm>> -> memref<5000xi32, #tpu.memory_space<hbm>>
      %dma_wait3A_19 = tpu.memref_slice %arg2[%mul3A_2] : memref<160000xi32, #tpu.memory_space<hbm>> -> memref<5000xi32, #tpu.memory_space<hbm>>
      tpu.wait_dma2 semaphore(%run_scoped3A : memref<!tpu.dma_semaphore, #tpu.memory_space<semaphore_mem>>) src(%dma_wait3A_19 : memref<5000xi32, #tpu.memory_space<hbm>>) dst(%arg7 : memref<5000xi32, #tpu.memory_space<vmem>>)
      tpu.yield
    }) : () -> ()
    "tpu.region"() ({
      %run_scoped3A = tpu.sem_alloc : memref<!tpu.dma_semaphore, #tpu.memory_space<semaphore_mem>>
      %dma_start3A_16 = tpu.memref_slice %arg3[%mul3A_2] : memref<160000xi32, #tpu.memory_space<hbm>> -> memref<5000xi32, #tpu.memory_space<hbm>>
      %dma_start3A_17 = tpu.memref_slice %arg3[%mul3A_2] : memref<160000xi32, #tpu.memory_space<hbm>> -> memref<5000xi32, #tpu.memory_space<hbm>>
      tpu.enqueue_dma source(%dma_start3A_17 : memref<5000xi32, #tpu.memory_space<hbm>>) target(%arg8 : memref<5000xi32, #tpu.memory_space<vmem>>) target_semaphore(%run_scoped3A : memref<!tpu.dma_semaphore, #tpu.memory_space<semaphore_mem>>)
      %dma_wait3A_18 = tpu.memref_slice %arg3[%mul3A_2] : memref<160000xi32, #tpu.memory_space<hbm>> -> memref<5000xi32, #tpu.memory_space<hbm>>
      %dma_wait3A_19 = tpu.memref_slice %arg3[%mul3A_2] : memref<160000xi32, #tpu.memory_space<hbm>> -> memref<5000xi32, #tpu.memory_space<hbm>>
      tpu.wait_dma2 semaphore(%run_scoped3A : memref<!tpu.dma_semaphore, #tpu.memory_space<semaphore_mem>>) src(%dma_wait3A_19 : memref<5000xi32, #tpu.memory_space<hbm>>) dst(%arg8 : memref<5000xi32, #tpu.memory_space<vmem>>)
      tpu.yield
    }) : () -> ()
    "tpu.region"() ({
      %run_scoped3A = tpu.sem_alloc : memref<!tpu.dma_semaphore, #tpu.memory_space<semaphore_mem>>
      tpu.enqueue_dma source(%arg5 : memref<128x16xf32, #tpu.memory_space<hbm>>) target(%arg11 : memref<128x16xf32, #tpu.memory_space<vmem>>) target_semaphore(%run_scoped3A : memref<!tpu.dma_semaphore, #tpu.memory_space<semaphore_mem>>)
      tpu.wait_dma2 semaphore(%run_scoped3A : memref<!tpu.dma_semaphore, #tpu.memory_space<semaphore_mem>>) src(%arg5 : memref<128x16xf32, #tpu.memory_space<hbm>>) dst(%arg11 : memref<128x16xf32, #tpu.memory_space<vmem>>)
      tpu.yield
    }) : () -> ()
    %dma_start3A = arith.constant 0 : i32
    %dma_start3A_3 = tpu.memref_slice %arg7[%dma_start3A] : memref<5000xi32, #tpu.memory_space<vmem>> -> memref<128xi32, #tpu.memory_space<vmem>>
    %dma_start3A_4 = arith.constant 0 : i32
    %dma_start3A_5 = arith.constant 0 : i32
    %dma_start3A_6 = tpu.memref_slice %arg4[%dma_start3A_4, %dma_start3A_5] : memref<50000x48xf32, #tpu.memory_space<hbm>> -> memref<50000x48xf32, #tpu.memory_space<hbm>>
    tpu.enqueue_indirect_dma source(%dma_start3A_6 : memref<50000x48xf32, #tpu.memory_space<hbm>>) target(%arg9 : memref<128x48xf32, #tpu.memory_space<vmem>>) offsets(%dma_start3A_3 : memref<128xi32, #tpu.memory_space<vmem>>) semaphore(%arg12 : memref<!tpu.dma_semaphore, #tpu.memory_space<semaphore_mem>>)
    %scan3A = arith.constant 0 : i32
    %scan3A_7 = arith.constant 0 : i32
    %scan3A_8 = arith.constant 40 : i32
    %scan3A_9 = arith.addi %scan3A_7, %scan3A_8 : i32
    %scan3A_10 = arith.constant 1 : i32
    scf.for %scan3A_16 = %scan3A_7 to %scan3A_9 step %scan3A_10  : i32 {
      %mul3A_17 = arith.constant 128 : i32
      %mul3A_18 = arith.muli %scan3A_16, %mul3A_17 : i32
      %min3A = arith.constant 4872 : i32
      %min3A_19 = arith.minsi %mul3A_18, %min3A : i32
      %add3A_20 = arith.addi %mul3A_2, %min3A_19 : i32
      %dma_start3A_21 = tpu.memref_slice %arg8[%min3A_19] : memref<5000xi32, #tpu.memory_space<vmem>> -> memref<128xi32, #tpu.memory_space<vmem>>
      %dma_start3A_22 = arith.constant 0 : i32
      %dma_start3A_23 = arith.constant 0 : i32
      %dma_start3A_24 = tpu.memref_slice %arg4[%dma_start3A_22, %dma_start3A_23] : memref<50000x48xf32, #tpu.memory_space<hbm>> -> memref<50000x48xf32, #tpu.memory_space<hbm>>
      tpu.enqueue_indirect_dma source(%dma_start3A_24 : memref<50000x48xf32, #tpu.memory_space<hbm>>) target(%arg10 : memref<128x48xf32, #tpu.memory_space<vmem>>) offsets(%dma_start3A_21 : memref<128xi32, #tpu.memory_space<vmem>>) semaphore(%arg13 : memref<!tpu.dma_semaphore, #tpu.memory_space<semaphore_mem>>)
      %dma_wait3A_25 = arith.constant 0 : i32
      %dma_wait3A_26 = tpu.memref_slice %arg7[%dma_wait3A_25] : memref<5000xi32, #tpu.memory_space<vmem>> -> memref<128xi32, #tpu.memory_space<vmem>>
      %dma_wait3A_27 = arith.constant 0 : i32
      %dma_wait3A_28 = arith.constant 0 : i32
      %dma_wait3A_29 = tpu.memref_slice %arg4[%dma_wait3A_27, %dma_wait3A_28] : memref<50000x48xf32, #tpu.memory_space<hbm>> -> memref<50000x48xf32, #tpu.memory_space<hbm>>
      tpu.wait_indirect_dma semaphore(%arg12 : memref<!tpu.dma_semaphore, #tpu.memory_space<semaphore_mem>>) src(%dma_wait3A_29 : memref<50000x48xf32, #tpu.memory_space<hbm>>) dst(%arg9 : memref<128x48xf32, #tpu.memory_space<vmem>>)
      "tpu.region"() ({
        %run_scoped3A = tpu.sem_alloc : memref<!tpu.dma_semaphore, #tpu.memory_space<semaphore_mem>>
        %dma_start3A_45 = arith.constant 0 : i32
        %dma_start3A_46 = tpu.memref_slice %arg6[%add3A_20, %dma_start3A_45] : memref<160000x128xf32, #tpu.memory_space<hbm>> -> memref<128x48xf32, #tpu.memory_space<hbm>>
        %dma_start3A_47 = arith.constant 0 : i32
        %dma_start3A_48 = tpu.memref_slice %arg6[%add3A_20, %dma_start3A_47] : memref<160000x128xf32, #tpu.memory_space<hbm>> -> memref<128x48xf32, #tpu.memory_space<hbm>>
        tpu.enqueue_dma source(%arg9 : memref<128x48xf32, #tpu.memory_space<vmem>>) target(%dma_start3A_48 : memref<128x48xf32, #tpu.memory_space<hbm>>) target_semaphore(%run_scoped3A : memref<!tpu.dma_semaphore, #tpu.memory_space<semaphore_mem>>)
        %dma_wait3A_49 = arith.constant 0 : i32
        %dma_wait3A_50 = tpu.memref_slice %arg6[%add3A_20, %dma_wait3A_49] : memref<160000x128xf32, #tpu.memory_space<hbm>> -> memref<128x48xf32, #tpu.memory_space<hbm>>
        %dma_wait3A_51 = arith.constant 0 : i32
        %dma_wait3A_52 = tpu.memref_slice %arg6[%add3A_20, %dma_wait3A_51] : memref<160000x128xf32, #tpu.memory_space<hbm>> -> memref<128x48xf32, #tpu.memory_space<hbm>>
        tpu.wait_dma2 semaphore(%run_scoped3A : memref<!tpu.dma_semaphore, #tpu.memory_space<semaphore_mem>>) src(%arg9 : memref<128x48xf32, #tpu.memory_space<vmem>>) dst(%dma_wait3A_52 : memref<128x48xf32, #tpu.memory_space<hbm>>)
        tpu.yield
      }) : () -> ()
      "tpu.region"() ({
        %run_scoped3A = tpu.sem_alloc : memref<!tpu.dma_semaphore, #tpu.memory_space<semaphore_mem>>
        %dma_start3A_45 = arith.constant 48 : i32
        %dma_start3A_46 = tpu.memref_slice %arg6[%add3A_20, %dma_start3A_45] : memref<160000x128xf32, #tpu.memory_space<hbm>> -> memref<128x16xf32, #tpu.memory_space<hbm>>
        %dma_start3A_47 = arith.constant 48 : i32
        %dma_start3A_48 = tpu.memref_slice %arg6[%add3A_20, %dma_start3A_47] : memref<160000x128xf32, #tpu.memory_space<hbm>> -> memref<128x16xf32, #tpu.memory_space<hbm>>
        tpu.enqueue_dma source(%arg11 : memref<128x16xf32, #tpu.memory_space<vmem>>) target(%dma_start3A_48 : memref<128x16xf32, #tpu.memory_space<hbm>>) target_semaphore(%run_scoped3A : memref<!tpu.dma_semaphore, #tpu.memory_space<semaphore_mem>>)
        %dma_wait3A_49 = arith.constant 48 : i32
        %dma_wait3A_50 = tpu.memref_slice %arg6[%add3A_20, %dma_wait3A_49] : memref<160000x128xf32, #tpu.memory_space<hbm>> -> memref<128x16xf32, #tpu.memory_space<hbm>>
        %dma_wait3A_51 = arith.constant 48 : i32
        %dma_wait3A_52 = tpu.memref_slice %arg6[%add3A_20, %dma_wait3A_51] : memref<160000x128xf32, #tpu.memory_space<hbm>> -> memref<128x16xf32, #tpu.memory_space<hbm>>
        tpu.wait_dma2 semaphore(%run_scoped3A : memref<!tpu.dma_semaphore, #tpu.memory_space<semaphore_mem>>) src(%arg11 : memref<128x16xf32, #tpu.memory_space<vmem>>) dst(%dma_wait3A_52 : memref<128x16xf32, #tpu.memory_space<hbm>>)
        tpu.yield
      }) : () -> ()
      %add3A_30 = arith.constant 1 : i32
      %add3A_31 = arith.addi %scan3A_16, %add3A_30 : i32
      %mul3A_32 = arith.constant 128 : i32
      %mul3A_33 = arith.muli %add3A_31, %mul3A_32 : i32
      %min3A_34 = arith.constant 4872 : i32
      %min3A_35 = arith.minsi %mul3A_33, %min3A_34 : i32
      %dma_start3A_36 = tpu.memref_slice %arg7[%min3A_35] : memref<5000xi32, #tpu.memory_space<vmem>> -> memref<128xi32, #tpu.memory_space<vmem>>
      %dma_start3A_37 = arith.constant 0 : i32
      %dma_start3A_38 = arith.constant 0 : i32
      %dma_start3A_39 = tpu.memref_slice %arg4[%dma_start3A_37, %dma_start3A_38] : memref<50000x48xf32, #tpu.memory_space<hbm>> -> memref<50000x48xf32, #tpu.memory_space<hbm>>
      tpu.enqueue_indirect_dma source(%dma_start3A_39 : memref<50000x48xf32, #tpu.memory_space<hbm>>) target(%arg9 : memref<128x48xf32, #tpu.memory_space<vmem>>) offsets(%dma_start3A_36 : memref<128xi32, #tpu.memory_space<vmem>>) semaphore(%arg12 : memref<!tpu.dma_semaphore, #tpu.memory_space<semaphore_mem>>)
      %dma_wait3A_40 = arith.constant 0 : i32
      %dma_wait3A_41 = tpu.memref_slice %arg7[%dma_wait3A_40] : memref<5000xi32, #tpu.memory_space<vmem>> -> memref<128xi32, #tpu.memory_space<vmem>>
      %dma_wait3A_42 = arith.constant 0 : i32
      %dma_wait3A_43 = arith.constant 0 : i32
      %dma_wait3A_44 = tpu.memref_slice %arg4[%dma_wait3A_42, %dma_wait3A_43] : memref<50000x48xf32, #tpu.memory_space<hbm>> -> memref<50000x48xf32, #tpu.memory_space<hbm>>
      tpu.wait_indirect_dma semaphore(%arg13 : memref<!tpu.dma_semaphore, #tpu.memory_space<semaphore_mem>>) src(%dma_wait3A_44 : memref<50000x48xf32, #tpu.memory_space<hbm>>) dst(%arg10 : memref<128x48xf32, #tpu.memory_space<vmem>>)
      "tpu.region"() ({
        %run_scoped3A = tpu.sem_alloc : memref<!tpu.dma_semaphore, #tpu.memory_space<semaphore_mem>>
        %dma_start3A_45 = arith.constant 64 : i32
        %dma_start3A_46 = tpu.memref_slice %arg6[%add3A_20, %dma_start3A_45] : memref<160000x128xf32, #tpu.memory_space<hbm>> -> memref<128x48xf32, #tpu.memory_space<hbm>>
        %dma_start3A_47 = arith.constant 64 : i32
        %dma_start3A_48 = tpu.memref_slice %arg6[%add3A_20, %dma_start3A_47] : memref<160000x128xf32, #tpu.memory_space<hbm>> -> memref<128x48xf32, #tpu.memory_space<hbm>>
        tpu.enqueue_dma source(%arg10 : memref<128x48xf32, #tpu.memory_space<vmem>>) target(%dma_start3A_48 : memref<128x48xf32, #tpu.memory_space<hbm>>) target_semaphore(%run_scoped3A : memref<!tpu.dma_semaphore, #tpu.memory_space<semaphore_mem>>)
        %dma_wait3A_49 = arith.constant 64 : i32
        %dma_wait3A_50 = tpu.memref_slice %arg6[%add3A_20, %dma_wait3A_49] : memref<160000x128xf32, #tpu.memory_space<hbm>> -> memref<128x48xf32, #tpu.memory_space<hbm>>
        %dma_wait3A_51 = arith.constant 64 : i32
        %dma_wait3A_52 = tpu.memref_slice %arg6[%add3A_20, %dma_wait3A_51] : memref<160000x128xf32, #tpu.memory_space<hbm>> -> memref<128x48xf32, #tpu.memory_space<hbm>>
        tpu.wait_dma2 semaphore(%run_scoped3A : memref<!tpu.dma_semaphore, #tpu.memory_space<semaphore_mem>>) src(%arg10 : memref<128x48xf32, #tpu.memory_space<vmem>>) dst(%dma_wait3A_52 : memref<128x48xf32, #tpu.memory_space<hbm>>)
        tpu.yield
      }) : () -> ()
      "tpu.region"() ({
        %run_scoped3A = tpu.sem_alloc : memref<!tpu.dma_semaphore, #tpu.memory_space<semaphore_mem>>
        %dma_start3A_45 = arith.constant 112 : i32
        %dma_start3A_46 = tpu.memref_slice %arg6[%add3A_20, %dma_start3A_45] : memref<160000x128xf32, #tpu.memory_space<hbm>> -> memref<128x16xf32, #tpu.memory_space<hbm>>
        %dma_start3A_47 = arith.constant 112 : i32
        %dma_start3A_48 = tpu.memref_slice %arg6[%add3A_20, %dma_start3A_47] : memref<160000x128xf32, #tpu.memory_space<hbm>> -> memref<128x16xf32, #tpu.memory_space<hbm>>
        tpu.enqueue_dma source(%arg11 : memref<128x16xf32, #tpu.memory_space<vmem>>) target(%dma_start3A_48 : memref<128x16xf32, #tpu.memory_space<hbm>>) target_semaphore(%run_scoped3A : memref<!tpu.dma_semaphore, #tpu.memory_space<semaphore_mem>>)
        %dma_wait3A_49 = arith.constant 112 : i32
        %dma_wait3A_50 = tpu.memref_slice %arg6[%add3A_20, %dma_wait3A_49] : memref<160000x128xf32, #tpu.memory_space<hbm>> -> memref<128x16xf32, #tpu.memory_space<hbm>>
        %dma_wait3A_51 = arith.constant 112 : i32
        %dma_wait3A_52 = tpu.memref_slice %arg6[%add3A_20, %dma_wait3A_51] : memref<160000x128xf32, #tpu.memory_space<hbm>> -> memref<128x16xf32, #tpu.memory_space<hbm>>
        tpu.wait_dma2 semaphore(%run_scoped3A : memref<!tpu.dma_semaphore, #tpu.memory_space<semaphore_mem>>) src(%arg11 : memref<128x16xf32, #tpu.memory_space<vmem>>) dst(%dma_wait3A_52 : memref<128x16xf32, #tpu.memory_space<hbm>>)
        tpu.yield
      }) : () -> ()
    }
    %scan3A_11 = arith.constant 40 : i32
    %dma_wait3A = arith.constant 0 : i32
    %dma_wait3A_12 = tpu.memref_slice %arg7[%dma_wait3A] : memref<5000xi32, #tpu.memory_space<vmem>> -> memref<128xi32, #tpu.memory_space<vmem>>
    %dma_wait3A_13 = arith.constant 0 : i32
    %dma_wait3A_14 = arith.constant 0 : i32
    %dma_wait3A_15 = tpu.memref_slice %arg4[%dma_wait3A_13, %dma_wait3A_14] : memref<50000x48xf32, #tpu.memory_space<hbm>> -> memref<50000x48xf32, #tpu.memory_space<hbm>>
    tpu.wait_indirect_dma semaphore(%arg12 : memref<!tpu.dma_semaphore, #tpu.memory_space<semaphore_mem>>) src(%dma_wait3A_15 : memref<50000x48xf32, #tpu.memory_space<hbm>>) dst(%arg9 : memref<128x48xf32, #tpu.memory_space<vmem>>)
    return
  }
}

module attributes {stable_mosaic.version = 14 : i64} {
  func.func @_tc_body(%arg0: i32, %arg1: memref<6400x128xf32, #tpu.memory_space<vmem>>, %arg2: memref<32x6400xf32, #tpu.memory_space<vmem>>, %arg3: memref<3x6400xf32, #tpu.memory_space<vmem>>, %arg4: memref<80x128xbf16, #tpu.memory_space<vmem>>, %arg5: memref<32x41xbf16, #tpu.memory_space<vmem>>, %arg6: memref<32x1xf32, #tpu.memory_space<vmem>>, %arg7: memref<9x1xf32, #tpu.memory_space<vmem>>, %arg8: memref<9x1xf32, #tpu.memory_space<vmem>>, %arg9: memref<32x32xbf16, #tpu.memory_space<vmem>>, %arg10: memref<32x1xf32, #tpu.memory_space<vmem>>, %arg11: memref<32x1xf32, #tpu.memory_space<vmem>>, %arg12: memref<32x32xbf16, #tpu.memory_space<vmem>>, %arg13: memref<32x1xf32, #tpu.memory_space<vmem>>, %arg14: memref<32x1xf32, #tpu.memory_space<vmem>>, %arg15: memref<1x16xf32, #tpu.memory_space<vmem>>, %arg16: memref<32x1xf32, #tpu.memory_space<vmem>>, %arg17: memref<32x1xf32, #tpu.memory_space<vmem>>, %arg18: memref<1x32xbf16, #tpu.memory_space<vmem>>, %arg19: memref<128x34xbf16, #tpu.memory_space<vmem>>, %arg20: memref<128x1xbf16, #tpu.memory_space<vmem>>, %arg21: memref<32x130xbf16, #tpu.memory_space<vmem>>, %arg22: memref<32x1xf32, #tpu.memory_space<vmem>>, %arg23: memref<32x1xf32, #tpu.memory_space<vmem>>, %arg24: memref<32x1xf32, #tpu.memory_space<vmem>>, %arg25: memref<32x6400xf32, #tpu.memory_space<vmem>>, %arg26: memref<3x6400xf32, #tpu.memory_space<vmem>>) attributes {dimension_semantics = [#tpu.dimension_semantics<arbitrary>], iteration_bounds = array<i64: 25>, scalar_prefetch = 0 : i64, scratch_operands = 0 : i64, tpu.core_type = #tpu.core_type<tc>, window_params = [{transform_indices = @transform_0, window_bounds = array<i64: 6400, 128>}, {transform_indices = @transform_1, window_bounds = array<i64: 32, 6400>}, {transform_indices = @transform_2, window_bounds = array<i64: 3, 6400>}, {pipeline_mode = #tpu.pipeline_mode<synchronous>, transform_indices = @transform_3, window_bounds = array<i64: 80, 128>}, {pipeline_mode = #tpu.pipeline_mode<synchronous>, transform_indices = @transform_4, window_bounds = array<i64: 32, 41>}, {pipeline_mode = #tpu.pipeline_mode<synchronous>, transform_indices = @transform_5, window_bounds = array<i64: 32, 1>}, {pipeline_mode = #tpu.pipeline_mode<synchronous>, transform_indices = @transform_6, window_bounds = array<i64: 9, 1>}, {pipeline_mode = #tpu.pipeline_mode<synchronous>, transform_indices = @transform_7, window_bounds = array<i64: 9, 1>}, {pipeline_mode = #tpu.pipeline_mode<synchronous>, transform_indices = @transform_8, window_bounds = array<i64: 32, 32>}, {pipeline_mode = #tpu.pipeline_mode<synchronous>, transform_indices = @transform_9, window_bounds = array<i64: 32, 1>}, {pipeline_mode = #tpu.pipeline_mode<synchronous>, transform_indices = @transform_10, window_bounds = array<i64: 32, 1>}, {pipeline_mode = #tpu.pipeline_mode<synchronous>, transform_indices = @transform_11, window_bounds = array<i64: 32, 32>}, {pipeline_mode = #tpu.pipeline_mode<synchronous>, transform_indices = @transform_12, window_bounds = array<i64: 32, 1>}, {pipeline_mode = #tpu.pipeline_mode<synchronous>, transform_indices = @transform_13, window_bounds = array<i64: 32, 1>}, {pipeline_mode = #tpu.pipeline_mode<synchronous>, transform_indices = @transform_14, window_bounds = array<i64: 1, 16>}, {pipeline_mode = #tpu.pipeline_mode<synchronous>, transform_indices = @transform_15, window_bounds = array<i64: 32, 1>}, {pipeline_mode = #tpu.pipeline_mode<synchronous>, transform_indices = @transform_16, window_bounds = array<i64: 32, 1>}, {pipeline_mode = #tpu.pipeline_mode<synchronous>, transform_indices = @transform_17, window_bounds = array<i64: 1, 32>}, {pipeline_mode = #tpu.pipeline_mode<synchronous>, transform_indices = @transform_18, window_bounds = array<i64: 128, 34>}, {pipeline_mode = #tpu.pipeline_mode<synchronous>, transform_indices = @transform_19, window_bounds = array<i64: 128, 1>}, {pipeline_mode = #tpu.pipeline_mode<synchronous>, transform_indices = @transform_20, window_bounds = array<i64: 32, 130>}, {pipeline_mode = #tpu.pipeline_mode<synchronous>, transform_indices = @transform_21, window_bounds = array<i64: 32, 1>}, {pipeline_mode = #tpu.pipeline_mode<synchronous>, transform_indices = @transform_22, window_bounds = array<i64: 32, 1>}, {pipeline_mode = #tpu.pipeline_mode<synchronous>, transform_indices = @transform_23, window_bounds = array<i64: 32, 1>}, {transform_indices = @transform_24, window_bounds = array<i64: 32, 6400>}, {transform_indices = @transform_25, window_bounds = array<i64: 3, 6400>}]} {
    %get3A = arith.constant 0 : index
    %get3A_0 = arith.constant 0 : index
    %get3A_1 = vector.load %arg2[%get3A, %get3A_0] : memref<32x6400xf32, #tpu.memory_space<vmem>>, vector<32x6400xf32>
    %get3A_2 = arith.constant 0 : index
    %get3A_3 = arith.constant 0 : index
    %get3A_4 = vector.load %arg3[%get3A_2, %get3A_3] : memref<3x6400xf32, #tpu.memory_space<vmem>>, vector<3x6400xf32>
    %slice3A = vector.extract_strided_slice %get3A_4 {offsets = [0, 0], sizes = [1, 6400], strides = [1, 1]} : vector<3x6400xf32> to vector<1x6400xf32>
    %slice3A_5 = vector.extract_strided_slice %get3A_4 {offsets = [1, 0], sizes = [1, 6400], strides = [1, 1]} : vector<3x6400xf32> to vector<1x6400xf32>
    %slice3A_6 = vector.extract_strided_slice %get3A_4 {offsets = [2, 0], sizes = [1, 6400], strides = [1, 1]} : vector<3x6400xf32> to vector<1x6400xf32>
    %get3A_7 = arith.constant 0 : index
    %get3A_8 = arith.constant 0 : index
    %get3A_9 = vector.load %arg4[%get3A_7, %get3A_8] : memref<80x128xbf16, #tpu.memory_space<vmem>>, vector<80x128xbf16>
    %get3A_10 = arith.constant 0 : index
    %get3A_11 = arith.constant 0 : index
    %get3A_12 = vector.load %arg1[%get3A_10, %get3A_11] : memref<6400x128xf32, #tpu.memory_space<vmem>>, vector<6400x128xf32>
    %convert_element_type3A = arith.truncf %get3A_12 : vector<6400x128xf32> to vector<6400x128xbf16>
    %dot_general3A = arith.constant dense<0.000000e+00> : vector<80x6400xf32>
    %dot_general3A_13 = tpu.matmul %get3A_9, %convert_element_type3A, %dot_general3A {dimension_numbers = #tpu.dot_dimension_numbers<[1], [1], [0], [0], [0, 0, 1, 0], [], []>, transpose_lhs_hint = false} : vector<80x128xbf16>, vector<6400x128xbf16>, vector<80x6400xf32> -> vector<80x6400xf32>
    %get3A_14 = arith.constant 0 : index
    %get3A_15 = arith.constant 0 : index
    %get3A_16 = vector.load %arg8[%get3A_14, %get3A_15] : memref<9x1xf32, #tpu.memory_space<vmem>>, vector<9x1xf32>
    %slice3A_17 = vector.extract_strided_slice %dot_general3A_13 {offsets = [32, 0], sizes = [9, 6400], strides = [1, 1]} : vector<80x6400xf32> to vector<9x6400xf32>
    %mul3A = vector.broadcast %get3A_16 : vector<9x1xf32> to vector<9x6400xf32>
    %mul3A_18 = vector.broadcast %slice3A : vector<1x6400xf32> to vector<9x6400xf32>
    %mul3A_19 = arith.mulf %mul3A, %mul3A_18 : vector<9x6400xf32>
    %add3A = arith.addf %slice3A_17, %mul3A_19 : vector<9x6400xf32>
    %slice3A_20 = vector.extract_strided_slice %dot_general3A_13 {offsets = [48, 0], sizes = [9, 6400], strides = [1, 1]} : vector<80x6400xf32> to vector<9x6400xf32>
    %mul3A_21 = vector.broadcast %get3A_16 : vector<9x1xf32> to vector<9x6400xf32>
    %mul3A_22 = vector.broadcast %slice3A_5 : vector<1x6400xf32> to vector<9x6400xf32>
    %mul3A_23 = arith.mulf %mul3A_21, %mul3A_22 : vector<9x6400xf32>
    %add3A_24 = arith.addf %slice3A_20, %mul3A_23 : vector<9x6400xf32>
    %slice3A_25 = vector.extract_strided_slice %dot_general3A_13 {offsets = [64, 0], sizes = [9, 6400], strides = [1, 1]} : vector<80x6400xf32> to vector<9x6400xf32>
    %mul3A_26 = vector.broadcast %get3A_16 : vector<9x1xf32> to vector<9x6400xf32>
    %mul3A_27 = vector.broadcast %slice3A_6 : vector<1x6400xf32> to vector<9x6400xf32>
    %mul3A_28 = arith.mulf %mul3A_26, %mul3A_27 : vector<9x6400xf32>
    %add3A_29 = arith.addf %slice3A_25, %mul3A_28 : vector<9x6400xf32>
    %mul3A_30 = arith.mulf %add3A, %add3A : vector<9x6400xf32>
    %mul3A_31 = arith.mulf %add3A_24, %add3A_24 : vector<9x6400xf32>
    %add3A_32 = arith.addf %mul3A_30, %mul3A_31 : vector<9x6400xf32>
    %mul3A_33 = arith.mulf %add3A_29, %add3A_29 : vector<9x6400xf32>
    %add3A_34 = arith.addf %add3A_32, %mul3A_33 : vector<9x6400xf32>
    %add3A_35 = arith.constant 9.99999993E-9 : f32
    %add3A_36 = vector.broadcast %add3A_35 : f32 to vector<9x6400xf32>
    %add3A_37 = arith.addf %add3A_34, %add3A_36 : vector<9x6400xf32>
    %sqrt3A = math.sqrt %add3A_37 : vector<9x6400xf32>
    %convert_element_type3A_38 = arith.truncf %get3A_1 : vector<32x6400xf32> to vector<32x6400xbf16>
    %convert_element_type3A_39 = arith.truncf %sqrt3A : vector<9x6400xf32> to vector<9x6400xbf16>
    %concatenate3A = tpu.concatenate %convert_element_type3A_38, %convert_element_type3A_39 in 0 : vector<32x6400xbf16>, vector<9x6400xbf16> -> vector<41x6400xbf16>
    %slice3A_40 = vector.extract_strided_slice %dot_general3A_13 {offsets = [0, 0], sizes = [32, 6400], strides = [1, 1]} : vector<80x6400xf32> to vector<32x6400xf32>
    %get3A_41 = arith.constant 0 : index
    %get3A_42 = arith.constant 0 : index
    %get3A_43 = vector.load %arg5[%get3A_41, %get3A_42] : memref<32x41xbf16, #tpu.memory_space<vmem>>, vector<32x41xbf16>
    %dot_general3A_44 = arith.constant dense<0.000000e+00> : vector<32x6400xf32>
    %dot_general3A_45 = tpu.matmul %get3A_43, %concatenate3A, %dot_general3A_44 {dimension_numbers = #tpu.dot_dimension_numbers<[1], [0], [0], [1], [0, 0, 1, 1], [], []>, transpose_lhs_hint = false} : vector<32x41xbf16>, vector<41x6400xbf16>, vector<32x6400xf32> -> vector<32x6400xf32>
    %add3A_46 = arith.addf %slice3A_40, %dot_general3A_45 : vector<32x6400xf32>
    %get3A_47 = arith.constant 0 : index
    %get3A_48 = arith.constant 0 : index
    %get3A_49 = vector.load %arg6[%get3A_47, %get3A_48] : memref<32x1xf32, #tpu.memory_space<vmem>>, vector<32x1xf32>
    %add3A_50 = vector.broadcast %get3A_49 : vector<32x1xf32> to vector<32x6400xf32>
    %add3A_51 = arith.addf %add3A_46, %add3A_50 : vector<32x6400xf32>
    %get3A_52 = arith.constant 0 : index
    %get3A_53 = arith.constant 0 : index
    %get3A_54 = vector.load %arg7[%get3A_52, %get3A_53] : memref<9x1xf32, #tpu.memory_space<vmem>>, vector<9x1xf32>
    %mul3A_55 = vector.broadcast %get3A_54 : vector<9x1xf32> to vector<9x6400xf32>
    %mul3A_56 = arith.mulf %add3A, %mul3A_55 : vector<9x6400xf32>
    %reduce_sum3A = arith.constant dense<0.000000e+00> : vector<6400xf32>
    %reduce_sum3A_57 = vector.multi_reduction <add>, %mul3A_56, %reduce_sum3A [0] : vector<9x6400xf32> to vector<6400xf32>
    %broadcast_in_dim3A = vector.shape_cast %reduce_sum3A_57 : vector<6400xf32> to vector<1x6400xf32>
    %mul3A_58 = vector.broadcast %get3A_54 : vector<9x1xf32> to vector<9x6400xf32>
    %mul3A_59 = arith.mulf %add3A_24, %mul3A_58 : vector<9x6400xf32>
    %reduce_sum3A_60 = arith.constant dense<0.000000e+00> : vector<6400xf32>
    %reduce_sum3A_61 = vector.multi_reduction <add>, %mul3A_59, %reduce_sum3A_60 [0] : vector<9x6400xf32> to vector<6400xf32>
    %broadcast_in_dim3A_62 = vector.shape_cast %reduce_sum3A_61 : vector<6400xf32> to vector<1x6400xf32>
    %mul3A_63 = vector.broadcast %get3A_54 : vector<9x1xf32> to vector<9x6400xf32>
    %mul3A_64 = arith.mulf %add3A_29, %mul3A_63 : vector<9x6400xf32>
    %reduce_sum3A_65 = arith.constant dense<0.000000e+00> : vector<6400xf32>
    %reduce_sum3A_66 = vector.multi_reduction <add>, %mul3A_64, %reduce_sum3A_65 [0] : vector<9x6400xf32> to vector<6400xf32>
    %broadcast_in_dim3A_67 = vector.shape_cast %reduce_sum3A_66 : vector<6400xf32> to vector<1x6400xf32>
    %mul3A_68 = arith.mulf %broadcast_in_dim3A, %broadcast_in_dim3A : vector<1x6400xf32>
    %mul3A_69 = arith.mulf %broadcast_in_dim3A_62, %broadcast_in_dim3A_62 : vector<1x6400xf32>
    %add3A_70 = arith.addf %mul3A_68, %mul3A_69 : vector<1x6400xf32>
    %mul3A_71 = arith.mulf %broadcast_in_dim3A_67, %broadcast_in_dim3A_67 : vector<1x6400xf32>
    %add3A_72 = arith.addf %add3A_70, %mul3A_71 : vector<1x6400xf32>
    %add3A_73 = arith.constant 9.99999993E-9 : f32
    %add3A_74 = vector.broadcast %add3A_73 : f32 to vector<1x6400xf32>
    %add3A_75 = arith.addf %add3A_72, %add3A_74 : vector<1x6400xf32>
    %sqrt3A_76 = math.sqrt %add3A_75 : vector<1x6400xf32>
    %logistic3A = arith.negf %sqrt3A_76 : vector<1x6400xf32>
    %logistic3A_77 = math.exp %logistic3A : vector<1x6400xf32>
    %logistic3A_78 = arith.constant 1.000000e+00 : f32
    %logistic3A_79 = vector.broadcast %logistic3A_78 : f32 to vector<1x6400xf32>
    %logistic3A_80 = arith.addf %logistic3A_79, %logistic3A_77 : vector<1x6400xf32>
    %logistic3A_81 = arith.divf %logistic3A_79, %logistic3A_80 : vector<1x6400xf32>
    %mul3A_82 = arith.mulf %broadcast_in_dim3A, %logistic3A_81 : vector<1x6400xf32>
    %mul3A_83 = arith.mulf %broadcast_in_dim3A_62, %logistic3A_81 : vector<1x6400xf32>
    %mul3A_84 = arith.mulf %broadcast_in_dim3A_67, %logistic3A_81 : vector<1x6400xf32>
    %max3A = arith.constant 0.000000e+00 : f32
    %max3A_85 = vector.broadcast %max3A : f32 to vector<32x6400xf32>
    %max3A_86 = arith.maximumf %add3A_51, %max3A_85 : vector<32x6400xf32>
    %get3A_87 = arith.constant 0 : index
    %get3A_88 = arith.constant 0 : index
    %get3A_89 = vector.load %arg15[%get3A_87, %get3A_88] : memref<1x16xf32, #tpu.memory_space<vmem>>, vector<1x1xf32>
    %get3A_90 = vector.extract %get3A_89[0, 0] : f32 from vector<1x1xf32>
    %mul3A_91 = vector.broadcast %get3A_90 : f32 to vector<1x6400xf32>
    %mul3A_92 = arith.mulf %mul3A_82, %mul3A_91 : vector<1x6400xf32>
    %get3A_93 = arith.constant 0 : index
    %get3A_94 = arith.constant 0 : index
    %get3A_95 = vector.load %arg15[%get3A_93, %get3A_94] : memref<1x16xf32, #tpu.memory_space<vmem>>, vector<1x1xf32>
    %get3A_96 = vector.extract %get3A_95[0, 0] : f32 from vector<1x1xf32>
    %mul3A_97 = vector.broadcast %get3A_96 : f32 to vector<1x6400xf32>
    %mul3A_98 = arith.mulf %mul3A_83, %mul3A_97 : vector<1x6400xf32>
    %get3A_99 = arith.constant 0 : index
    %get3A_100 = arith.constant 0 : index
    %get3A_101 = vector.load %arg15[%get3A_99, %get3A_100] : memref<1x16xf32, #tpu.memory_space<vmem>>, vector<1x1xf32>
    %get3A_102 = vector.extract %get3A_101[0, 0] : f32 from vector<1x1xf32>
    %mul3A_103 = vector.broadcast %get3A_102 : f32 to vector<1x6400xf32>
    %mul3A_104 = arith.mulf %mul3A_84, %mul3A_103 : vector<1x6400xf32>
    %mul3A_105 = arith.mulf %mul3A_92, %mul3A_92 : vector<1x6400xf32>
    %mul3A_106 = arith.mulf %mul3A_98, %mul3A_98 : vector<1x6400xf32>
    %add3A_107 = arith.addf %mul3A_105, %mul3A_106 : vector<1x6400xf32>
    %mul3A_108 = arith.mulf %mul3A_104, %mul3A_104 : vector<1x6400xf32>
    %add3A_109 = arith.addf %add3A_107, %mul3A_108 : vector<1x6400xf32>
    %add3A_110 = arith.constant 9.99999993E-9 : f32
    %add3A_111 = vector.broadcast %add3A_110 : f32 to vector<1x6400xf32>
    %add3A_112 = arith.addf %add3A_109, %add3A_111 : vector<1x6400xf32>
    %sqrt3A_113 = math.sqrt %add3A_112 : vector<1x6400xf32>
    %convert_element_type3A_114 = arith.truncf %max3A_86 : vector<32x6400xf32> to vector<32x6400xbf16>
    %get3A_115 = arith.constant 0 : index
    %get3A_116 = arith.constant 0 : index
    %get3A_117 = vector.load %arg9[%get3A_115, %get3A_116] : memref<32x32xbf16, #tpu.memory_space<vmem>>, vector<32x32xbf16>
    %dot_general3A_118 = arith.constant dense<0.000000e+00> : vector<32x6400xf32>
    %dot_general3A_119 = tpu.matmul %get3A_117, %convert_element_type3A_114, %dot_general3A_118 {dimension_numbers = #tpu.dot_dimension_numbers<[1], [0], [0], [1], [0, 0, 1, 1], [], []>, transpose_lhs_hint = false} : vector<32x32xbf16>, vector<32x6400xbf16>, vector<32x6400xf32> -> vector<32x6400xf32>
    %get3A_120 = arith.constant 0 : index
    %get3A_121 = arith.constant 0 : index
    %get3A_122 = vector.load %arg10[%get3A_120, %get3A_121] : memref<32x1xf32, #tpu.memory_space<vmem>>, vector<32x1xf32>
    %mul3A_123 = vector.broadcast %get3A_122 : vector<32x1xf32> to vector<32x6400xf32>
    %mul3A_124 = vector.broadcast %sqrt3A_113 : vector<1x6400xf32> to vector<32x6400xf32>
    %mul3A_125 = arith.mulf %mul3A_123, %mul3A_124 : vector<32x6400xf32>
    %add3A_126 = arith.addf %dot_general3A_119, %mul3A_125 : vector<32x6400xf32>
    %get3A_127 = arith.constant 0 : index
    %get3A_128 = arith.constant 0 : index
    %get3A_129 = vector.load %arg11[%get3A_127, %get3A_128] : memref<32x1xf32, #tpu.memory_space<vmem>>, vector<32x1xf32>
    %add3A_130 = vector.broadcast %get3A_129 : vector<32x1xf32> to vector<32x6400xf32>
    %add3A_131 = arith.addf %add3A_126, %add3A_130 : vector<32x6400xf32>
    %get3A_132 = arith.constant 0 : index
    %get3A_133 = arith.constant 1 : index
    %get3A_134 = vector.load %arg15[%get3A_132, %get3A_133] : memref<1x16xf32, #tpu.memory_space<vmem>>, vector<1x1xf32>
    %get3A_135 = vector.extract %get3A_134[0, 0] : f32 from vector<1x1xf32>
    %mul3A_136 = vector.broadcast %get3A_135 : f32 to vector<1x6400xf32>
    %mul3A_137 = arith.mulf %mul3A_92, %mul3A_136 : vector<1x6400xf32>
    %get3A_138 = arith.constant 0 : index
    %get3A_139 = arith.constant 1 : index
    %get3A_140 = vector.load %arg15[%get3A_138, %get3A_139] : memref<1x16xf32, #tpu.memory_space<vmem>>, vector<1x1xf32>
    %get3A_141 = vector.extract %get3A_140[0, 0] : f32 from vector<1x1xf32>
    %mul3A_142 = vector.broadcast %get3A_141 : f32 to vector<1x6400xf32>
    %mul3A_143 = arith.mulf %mul3A_98, %mul3A_142 : vector<1x6400xf32>
    %get3A_144 = arith.constant 0 : index
    %get3A_145 = arith.constant 1 : index
    %get3A_146 = vector.load %arg15[%get3A_144, %get3A_145] : memref<1x16xf32, #tpu.memory_space<vmem>>, vector<1x1xf32>
    %get3A_147 = vector.extract %get3A_146[0, 0] : f32 from vector<1x1xf32>
    %mul3A_148 = vector.broadcast %get3A_147 : f32 to vector<1x6400xf32>
    %mul3A_149 = arith.mulf %mul3A_104, %mul3A_148 : vector<1x6400xf32>
    %mul3A_150 = arith.mulf %mul3A_137, %mul3A_137 : vector<1x6400xf32>
    %mul3A_151 = arith.mulf %mul3A_143, %mul3A_143 : vector<1x6400xf32>
    %add3A_152 = arith.addf %mul3A_150, %mul3A_151 : vector<1x6400xf32>
    %mul3A_153 = arith.mulf %mul3A_149, %mul3A_149 : vector<1x6400xf32>
    %add3A_154 = arith.addf %add3A_152, %mul3A_153 : vector<1x6400xf32>
    %add3A_155 = arith.constant 9.99999993E-9 : f32
    %add3A_156 = vector.broadcast %add3A_155 : f32 to vector<1x6400xf32>
    %add3A_157 = arith.addf %add3A_154, %add3A_156 : vector<1x6400xf32>
    %sqrt3A_158 = math.sqrt %add3A_157 : vector<1x6400xf32>
    %logistic3A_159 = arith.negf %sqrt3A_158 : vector<1x6400xf32>
    %logistic3A_160 = math.exp %logistic3A_159 : vector<1x6400xf32>
    %logistic3A_161 = arith.constant 1.000000e+00 : f32
    %logistic3A_162 = vector.broadcast %logistic3A_161 : f32 to vector<1x6400xf32>
    %logistic3A_163 = arith.addf %logistic3A_162, %logistic3A_160 : vector<1x6400xf32>
    %logistic3A_164 = arith.divf %logistic3A_162, %logistic3A_163 : vector<1x6400xf32>
    %mul3A_165 = arith.mulf %mul3A_137, %logistic3A_164 : vector<1x6400xf32>
    %mul3A_166 = arith.mulf %mul3A_143, %logistic3A_164 : vector<1x6400xf32>
    %mul3A_167 = arith.mulf %mul3A_149, %logistic3A_164 : vector<1x6400xf32>
    %max3A_168 = arith.constant 0.000000e+00 : f32
    %max3A_169 = vector.broadcast %max3A_168 : f32 to vector<32x6400xf32>
    %max3A_170 = arith.maximumf %add3A_131, %max3A_169 : vector<32x6400xf32>
    %get3A_171 = arith.constant 0 : index
    %get3A_172 = arith.constant 2 : index
    %get3A_173 = vector.load %arg15[%get3A_171, %get3A_172] : memref<1x16xf32, #tpu.memory_space<vmem>>, vector<1x1xf32>
    %get3A_174 = vector.extract %get3A_173[0, 0] : f32 from vector<1x1xf32>
    %mul3A_175 = vector.broadcast %get3A_174 : f32 to vector<1x6400xf32>
    %mul3A_176 = arith.mulf %mul3A_165, %mul3A_175 : vector<1x6400xf32>
    %get3A_177 = arith.constant 0 : index
    %get3A_178 = arith.constant 2 : index
    %get3A_179 = vector.load %arg15[%get3A_177, %get3A_178] : memref<1x16xf32, #tpu.memory_space<vmem>>, vector<1x1xf32>
    %get3A_180 = vector.extract %get3A_179[0, 0] : f32 from vector<1x1xf32>
    %mul3A_181 = vector.broadcast %get3A_180 : f32 to vector<1x6400xf32>
    %mul3A_182 = arith.mulf %mul3A_166, %mul3A_181 : vector<1x6400xf32>
    %get3A_183 = arith.constant 0 : index
    %get3A_184 = arith.constant 2 : index
    %get3A_185 = vector.load %arg15[%get3A_183, %get3A_184] : memref<1x16xf32, #tpu.memory_space<vmem>>, vector<1x1xf32>
    %get3A_186 = vector.extract %get3A_185[0, 0] : f32 from vector<1x1xf32>
    %mul3A_187 = vector.broadcast %get3A_186 : f32 to vector<1x6400xf32>
    %mul3A_188 = arith.mulf %mul3A_167, %mul3A_187 : vector<1x6400xf32>
    %mul3A_189 = arith.mulf %mul3A_176, %mul3A_176 : vector<1x6400xf32>
    %mul3A_190 = arith.mulf %mul3A_182, %mul3A_182 : vector<1x6400xf32>
    %add3A_191 = arith.addf %mul3A_189, %mul3A_190 : vector<1x6400xf32>
    %mul3A_192 = arith.mulf %mul3A_188, %mul3A_188 : vector<1x6400xf32>
    %add3A_193 = arith.addf %add3A_191, %mul3A_192 : vector<1x6400xf32>
    %add3A_194 = arith.constant 9.99999993E-9 : f32
    %add3A_195 = vector.broadcast %add3A_194 : f32 to vector<1x6400xf32>
    %add3A_196 = arith.addf %add3A_193, %add3A_195 : vector<1x6400xf32>
    %sqrt3A_197 = math.sqrt %add3A_196 : vector<1x6400xf32>
    %convert_element_type3A_198 = arith.truncf %max3A_170 : vector<32x6400xf32> to vector<32x6400xbf16>
    %get3A_199 = arith.constant 0 : index
    %get3A_200 = arith.constant 0 : index
    %get3A_201 = vector.load %arg12[%get3A_199, %get3A_200] : memref<32x32xbf16, #tpu.memory_space<vmem>>, vector<32x32xbf16>
    %dot_general3A_202 = arith.constant dense<0.000000e+00> : vector<32x6400xf32>
    %dot_general3A_203 = tpu.matmul %get3A_201, %convert_element_type3A_198, %dot_general3A_202 {dimension_numbers = #tpu.dot_dimension_numbers<[1], [0], [0], [1], [0, 0, 1, 1], [], []>, transpose_lhs_hint = false} : vector<32x32xbf16>, vector<32x6400xbf16>, vector<32x6400xf32> -> vector<32x6400xf32>
    %get3A_204 = arith.constant 0 : index
    %get3A_205 = arith.constant 0 : index
    %get3A_206 = vector.load %arg13[%get3A_204, %get3A_205] : memref<32x1xf32, #tpu.memory_space<vmem>>, vector<32x1xf32>
    %mul3A_207 = vector.broadcast %get3A_206 : vector<32x1xf32> to vector<32x6400xf32>
    %mul3A_208 = vector.broadcast %sqrt3A_197 : vector<1x6400xf32> to vector<32x6400xf32>
    %mul3A_209 = arith.mulf %mul3A_207, %mul3A_208 : vector<32x6400xf32>
    %add3A_210 = arith.addf %dot_general3A_203, %mul3A_209 : vector<32x6400xf32>
    %get3A_211 = arith.constant 0 : index
    %get3A_212 = arith.constant 0 : index
    %get3A_213 = vector.load %arg14[%get3A_211, %get3A_212] : memref<32x1xf32, #tpu.memory_space<vmem>>, vector<32x1xf32>
    %add3A_214 = vector.broadcast %get3A_213 : vector<32x1xf32> to vector<32x6400xf32>
    %add3A_215 = arith.addf %add3A_210, %add3A_214 : vector<32x6400xf32>
    %get3A_216 = arith.constant 0 : index
    %get3A_217 = arith.constant 3 : index
    %get3A_218 = vector.load %arg15[%get3A_216, %get3A_217] : memref<1x16xf32, #tpu.memory_space<vmem>>, vector<1x1xf32>
    %get3A_219 = vector.extract %get3A_218[0, 0] : f32 from vector<1x1xf32>
    %mul3A_220 = vector.broadcast %get3A_219 : f32 to vector<1x6400xf32>
    %mul3A_221 = arith.mulf %mul3A_176, %mul3A_220 : vector<1x6400xf32>
    %get3A_222 = arith.constant 0 : index
    %get3A_223 = arith.constant 3 : index
    %get3A_224 = vector.load %arg15[%get3A_222, %get3A_223] : memref<1x16xf32, #tpu.memory_space<vmem>>, vector<1x1xf32>
    %get3A_225 = vector.extract %get3A_224[0, 0] : f32 from vector<1x1xf32>
    %mul3A_226 = vector.broadcast %get3A_225 : f32 to vector<1x6400xf32>
    %mul3A_227 = arith.mulf %mul3A_182, %mul3A_226 : vector<1x6400xf32>
    %get3A_228 = arith.constant 0 : index
    %get3A_229 = arith.constant 3 : index
    %get3A_230 = vector.load %arg15[%get3A_228, %get3A_229] : memref<1x16xf32, #tpu.memory_space<vmem>>, vector<1x1xf32>
    %get3A_231 = vector.extract %get3A_230[0, 0] : f32 from vector<1x1xf32>
    %mul3A_232 = vector.broadcast %get3A_231 : f32 to vector<1x6400xf32>
    %mul3A_233 = arith.mulf %mul3A_188, %mul3A_232 : vector<1x6400xf32>
    %add3A_234 = arith.addf %get3A_1, %add3A_215 : vector<32x6400xf32>
    %add3A_235 = arith.addf %slice3A, %mul3A_221 : vector<1x6400xf32>
    %add3A_236 = arith.addf %slice3A_5, %mul3A_227 : vector<1x6400xf32>
    %add3A_237 = arith.addf %slice3A_6, %mul3A_233 : vector<1x6400xf32>
    %mul3A_238 = arith.mulf %add3A_235, %add3A_235 : vector<1x6400xf32>
    %mul3A_239 = arith.mulf %add3A_236, %add3A_236 : vector<1x6400xf32>
    %add3A_240 = arith.addf %mul3A_238, %mul3A_239 : vector<1x6400xf32>
    %mul3A_241 = arith.mulf %add3A_237, %add3A_237 : vector<1x6400xf32>
    %add3A_242 = arith.addf %add3A_240, %mul3A_241 : vector<1x6400xf32>
    %add3A_243 = arith.constant 9.99999993E-9 : f32
    %add3A_244 = vector.broadcast %add3A_243 : f32 to vector<1x6400xf32>
    %add3A_245 = arith.addf %add3A_242, %add3A_244 : vector<1x6400xf32>
    %rsqrt3A = math.rsqrt %add3A_245 : vector<1x6400xf32>
    %mul3A_246 = arith.mulf %add3A_235, %rsqrt3A : vector<1x6400xf32>
    %mul3A_247 = arith.mulf %add3A_236, %rsqrt3A : vector<1x6400xf32>
    %mul3A_248 = arith.mulf %add3A_237, %rsqrt3A : vector<1x6400xf32>
    %convert_element_type3A_249 = arith.truncf %add3A_234 : vector<32x6400xf32> to vector<32x6400xbf16>
    %get3A_250 = arith.constant 0 : index
    %get3A_251 = arith.constant 0 : index
    %get3A_252 = vector.load %arg18[%get3A_250, %get3A_251] : memref<1x32xbf16, #tpu.memory_space<vmem>>, vector<1x32xbf16>
    %dot_general3A_253 = arith.constant dense<0.000000e+00> : vector<1x6400xf32>
    %dot_general3A_254 = tpu.matmul %get3A_252, %convert_element_type3A_249, %dot_general3A_253 {dimension_numbers = #tpu.dot_dimension_numbers<[1], [0], [0], [1], [0, 0, 1, 1], [], []>, transpose_lhs_hint = false} : vector<1x32xbf16>, vector<32x6400xbf16>, vector<1x6400xf32> -> vector<1x6400xf32>
    %mul3A_255 = arith.mulf %add3A_234, %add3A_234 : vector<32x6400xf32>
    %convert_element_type3A_256 = arith.truncf %mul3A_255 : vector<32x6400xf32> to vector<32x6400xbf16>
    %get3A_257 = arith.constant 0 : index
    %get3A_258 = arith.constant 0 : index
    %get3A_259 = vector.load %arg18[%get3A_257, %get3A_258] : memref<1x32xbf16, #tpu.memory_space<vmem>>, vector<1x32xbf16>
    %dot_general3A_260 = arith.constant dense<0.000000e+00> : vector<1x6400xf32>
    %dot_general3A_261 = tpu.matmul %get3A_259, %convert_element_type3A_256, %dot_general3A_260 {dimension_numbers = #tpu.dot_dimension_numbers<[1], [0], [0], [1], [0, 0, 1, 1], [], []>, transpose_lhs_hint = false} : vector<1x32xbf16>, vector<32x6400xbf16>, vector<1x6400xf32> -> vector<1x6400xf32>
    %mul3A_262 = arith.mulf %dot_general3A_254, %dot_general3A_254 : vector<1x6400xf32>
    %sub3A = arith.subf %dot_general3A_261, %mul3A_262 : vector<1x6400xf32>
    %sub3A_263 = vector.broadcast %dot_general3A_254 : vector<1x6400xf32> to vector<32x6400xf32>
    %sub3A_264 = arith.subf %add3A_234, %sub3A_263 : vector<32x6400xf32>
    %add3A_265 = arith.constant 9.99999974E-6 : f32
    %add3A_266 = vector.broadcast %add3A_265 : f32 to vector<1x6400xf32>
    %add3A_267 = arith.addf %sub3A, %add3A_266 : vector<1x6400xf32>
    %rsqrt3A_268 = math.rsqrt %add3A_267 : vector<1x6400xf32>
    %mul3A_269 = vector.broadcast %rsqrt3A_268 : vector<1x6400xf32> to vector<32x6400xf32>
    %mul3A_270 = arith.mulf %sub3A_264, %mul3A_269 : vector<32x6400xf32>
    %get3A_271 = arith.constant 0 : index
    %get3A_272 = arith.constant 0 : index
    %get3A_273 = vector.load %arg16[%get3A_271, %get3A_272] : memref<32x1xf32, #tpu.memory_space<vmem>>, vector<32x1xf32>
    %mul3A_274 = vector.broadcast %get3A_273 : vector<32x1xf32> to vector<32x6400xf32>
    %mul3A_275 = arith.mulf %mul3A_270, %mul3A_274 : vector<32x6400xf32>
    %get3A_276 = arith.constant 0 : index
    %get3A_277 = arith.constant 0 : index
    %get3A_278 = vector.load %arg17[%get3A_276, %get3A_277] : memref<32x1xf32, #tpu.memory_space<vmem>>, vector<32x1xf32>
    %add3A_279 = vector.broadcast %get3A_278 : vector<32x1xf32> to vector<32x6400xf32>
    %add3A_280 = arith.addf %mul3A_275, %add3A_279 : vector<32x6400xf32>
    %get3A_281 = arith.constant 0 : index
    %get3A_282 = arith.constant 4 : index
    %get3A_283 = vector.load %arg15[%get3A_281, %get3A_282] : memref<1x16xf32, #tpu.memory_space<vmem>>, vector<1x1xf32>
    %get3A_284 = vector.extract %get3A_283[0, 0] : f32 from vector<1x1xf32>
    %mul3A_285 = vector.broadcast %get3A_284 : f32 to vector<1x6400xf32>
    %mul3A_286 = arith.mulf %mul3A_246, %mul3A_285 : vector<1x6400xf32>
    %get3A_287 = arith.constant 0 : index
    %get3A_288 = arith.constant 4 : index
    %get3A_289 = vector.load %arg15[%get3A_287, %get3A_288] : memref<1x16xf32, #tpu.memory_space<vmem>>, vector<1x1xf32>
    %get3A_290 = vector.extract %get3A_289[0, 0] : f32 from vector<1x1xf32>
    %mul3A_291 = vector.broadcast %get3A_290 : f32 to vector<1x6400xf32>
    %mul3A_292 = arith.mulf %mul3A_247, %mul3A_291 : vector<1x6400xf32>
    %get3A_293 = arith.constant 0 : index
    %get3A_294 = arith.constant 4 : index
    %get3A_295 = vector.load %arg15[%get3A_293, %get3A_294] : memref<1x16xf32, #tpu.memory_space<vmem>>, vector<1x1xf32>
    %get3A_296 = vector.extract %get3A_295[0, 0] : f32 from vector<1x1xf32>
    %mul3A_297 = vector.broadcast %get3A_296 : f32 to vector<1x6400xf32>
    %mul3A_298 = arith.mulf %mul3A_248, %mul3A_297 : vector<1x6400xf32>
    %get3A_299 = arith.constant 0 : index
    %get3A_300 = arith.constant 5 : index
    %get3A_301 = vector.load %arg15[%get3A_299, %get3A_300] : memref<1x16xf32, #tpu.memory_space<vmem>>, vector<1x1xf32>
    %get3A_302 = vector.extract %get3A_301[0, 0] : f32 from vector<1x1xf32>
    %mul3A_303 = vector.broadcast %get3A_302 : f32 to vector<1x6400xf32>
    %mul3A_304 = arith.mulf %mul3A_246, %mul3A_303 : vector<1x6400xf32>
    %get3A_305 = arith.constant 0 : index
    %get3A_306 = arith.constant 5 : index
    %get3A_307 = vector.load %arg15[%get3A_305, %get3A_306] : memref<1x16xf32, #tpu.memory_space<vmem>>, vector<1x1xf32>
    %get3A_308 = vector.extract %get3A_307[0, 0] : f32 from vector<1x1xf32>
    %mul3A_309 = vector.broadcast %get3A_308 : f32 to vector<1x6400xf32>
    %mul3A_310 = arith.mulf %mul3A_247, %mul3A_309 : vector<1x6400xf32>
    %get3A_311 = arith.constant 0 : index
    %get3A_312 = arith.constant 5 : index
    %get3A_313 = vector.load %arg15[%get3A_311, %get3A_312] : memref<1x16xf32, #tpu.memory_space<vmem>>, vector<1x1xf32>
    %get3A_314 = vector.extract %get3A_313[0, 0] : f32 from vector<1x1xf32>
    %mul3A_315 = vector.broadcast %get3A_314 : f32 to vector<1x6400xf32>
    %mul3A_316 = arith.mulf %mul3A_248, %mul3A_315 : vector<1x6400xf32>
    %mul3A_317 = arith.mulf %mul3A_286, %mul3A_286 : vector<1x6400xf32>
    %mul3A_318 = arith.mulf %mul3A_292, %mul3A_292 : vector<1x6400xf32>
    %add3A_319 = arith.addf %mul3A_317, %mul3A_318 : vector<1x6400xf32>
    %mul3A_320 = arith.mulf %mul3A_298, %mul3A_298 : vector<1x6400xf32>
    %add3A_321 = arith.addf %add3A_319, %mul3A_320 : vector<1x6400xf32>
    %add3A_322 = arith.constant 9.99999993E-9 : f32
    %add3A_323 = vector.broadcast %add3A_322 : f32 to vector<1x6400xf32>
    %add3A_324 = arith.addf %add3A_321, %add3A_323 : vector<1x6400xf32>
    %sqrt3A_325 = math.sqrt %add3A_324 : vector<1x6400xf32>
    %mul3A_326 = arith.mulf %mul3A_304, %mul3A_304 : vector<1x6400xf32>
    %mul3A_327 = arith.mulf %mul3A_310, %mul3A_310 : vector<1x6400xf32>
    %add3A_328 = arith.addf %mul3A_326, %mul3A_327 : vector<1x6400xf32>
    %mul3A_329 = arith.mulf %mul3A_316, %mul3A_316 : vector<1x6400xf32>
    %add3A_330 = arith.addf %add3A_328, %mul3A_329 : vector<1x6400xf32>
    %add3A_331 = arith.constant 9.99999993E-9 : f32
    %add3A_332 = vector.broadcast %add3A_331 : f32 to vector<1x6400xf32>
    %add3A_333 = arith.addf %add3A_330, %add3A_332 : vector<1x6400xf32>
    %sqrt3A_334 = math.sqrt %add3A_333 : vector<1x6400xf32>
    %convert_element_type3A_335 = arith.truncf %add3A_280 : vector<32x6400xf32> to vector<32x6400xbf16>
    %convert_element_type3A_336 = arith.truncf %sqrt3A_325 : vector<1x6400xf32> to vector<1x6400xbf16>
    %convert_element_type3A_337 = arith.truncf %sqrt3A_334 : vector<1x6400xf32> to vector<1x6400xbf16>
    %concatenate3A_338 = tpu.concatenate %convert_element_type3A_335, %convert_element_type3A_336, %convert_element_type3A_337 in 0 : vector<32x6400xbf16>, vector<1x6400xbf16>, vector<1x6400xbf16> -> vector<34x6400xbf16>
    %get3A_339 = arith.constant 0 : index
    %get3A_340 = arith.constant 0 : index
    %get3A_341 = vector.load %arg19[%get3A_339, %get3A_340] : memref<128x34xbf16, #tpu.memory_space<vmem>>, vector<128x34xbf16>
    %dot_general3A_342 = arith.constant dense<0.000000e+00> : vector<128x6400xf32>
    %dot_general3A_343 = tpu.matmul %get3A_341, %concatenate3A_338, %dot_general3A_342 {dimension_numbers = #tpu.dot_dimension_numbers<[1], [0], [0], [1], [0, 0, 1, 1], [], []>, transpose_lhs_hint = false} : vector<128x34xbf16>, vector<34x6400xbf16>, vector<128x6400xf32> -> vector<128x6400xf32>
    %convert_element_type3A_344 = arith.truncf %dot_general3A_343 : vector<128x6400xf32> to vector<128x6400xbf16>
    %get3A_345 = arith.constant 0 : index
    %get3A_346 = arith.constant 0 : index
    %get3A_347 = vector.load %arg20[%get3A_345, %get3A_346] : memref<128x1xbf16, #tpu.memory_space<vmem>>, vector<128x1xbf16>
    %add3A_348 = vector.broadcast %get3A_347 : vector<128x1xbf16> to vector<128x6400xbf16>
    %add3A_349 = arith.addf %convert_element_type3A_344, %add3A_348 : vector<128x6400xbf16>
    %get3A_350 = arith.constant 0 : index
    %get3A_351 = arith.constant 6 : index
    %get3A_352 = vector.load %arg15[%get3A_350, %get3A_351] : memref<1x16xf32, #tpu.memory_space<vmem>>, vector<1x1xf32>
    %get3A_353 = vector.extract %get3A_352[0, 0] : f32 from vector<1x1xf32>
    %mul3A_354 = vector.broadcast %get3A_353 : f32 to vector<1x6400xf32>
    %mul3A_355 = arith.mulf %mul3A_354, %mul3A_286 : vector<1x6400xf32>
    %get3A_356 = arith.constant 0 : index
    %get3A_357 = arith.constant 7 : index
    %get3A_358 = vector.load %arg15[%get3A_356, %get3A_357] : memref<1x16xf32, #tpu.memory_space<vmem>>, vector<1x1xf32>
    %get3A_359 = vector.extract %get3A_358[0, 0] : f32 from vector<1x1xf32>
    %mul3A_360 = vector.broadcast %get3A_359 : f32 to vector<1x6400xf32>
    %mul3A_361 = arith.mulf %mul3A_360, %mul3A_304 : vector<1x6400xf32>
    %add3A_362 = arith.addf %mul3A_355, %mul3A_361 : vector<1x6400xf32>
    %get3A_363 = arith.constant 0 : index
    %get3A_364 = arith.constant 6 : index
    %get3A_365 = vector.load %arg15[%get3A_363, %get3A_364] : memref<1x16xf32, #tpu.memory_space<vmem>>, vector<1x1xf32>
    %get3A_366 = vector.extract %get3A_365[0, 0] : f32 from vector<1x1xf32>
    %mul3A_367 = vector.broadcast %get3A_366 : f32 to vector<1x6400xf32>
    %mul3A_368 = arith.mulf %mul3A_367, %mul3A_292 : vector<1x6400xf32>
    %get3A_369 = arith.constant 0 : index
    %get3A_370 = arith.constant 7 : index
    %get3A_371 = vector.load %arg15[%get3A_369, %get3A_370] : memref<1x16xf32, #tpu.memory_space<vmem>>, vector<1x1xf32>
    %get3A_372 = vector.extract %get3A_371[0, 0] : f32 from vector<1x1xf32>
    %mul3A_373 = vector.broadcast %get3A_372 : f32 to vector<1x6400xf32>
    %mul3A_374 = arith.mulf %mul3A_373, %mul3A_310 : vector<1x6400xf32>
    %add3A_375 = arith.addf %mul3A_368, %mul3A_374 : vector<1x6400xf32>
    %get3A_376 = arith.constant 0 : index
    %get3A_377 = arith.constant 6 : index
    %get3A_378 = vector.load %arg15[%get3A_376, %get3A_377] : memref<1x16xf32, #tpu.memory_space<vmem>>, vector<1x1xf32>
    %get3A_379 = vector.extract %get3A_378[0, 0] : f32 from vector<1x1xf32>
    %mul3A_380 = vector.broadcast %get3A_379 : f32 to vector<1x6400xf32>
    %mul3A_381 = arith.mulf %mul3A_380, %mul3A_298 : vector<1x6400xf32>
    %get3A_382 = arith.constant 0 : index
    %get3A_383 = arith.constant 7 : index
    %get3A_384 = vector.load %arg15[%get3A_382, %get3A_383] : memref<1x16xf32, #tpu.memory_space<vmem>>, vector<1x1xf32>
    %get3A_385 = vector.extract %get3A_384[0, 0] : f32 from vector<1x1xf32>
    %mul3A_386 = vector.broadcast %get3A_385 : f32 to vector<1x6400xf32>
    %mul3A_387 = arith.mulf %mul3A_386, %mul3A_316 : vector<1x6400xf32>
    %add3A_388 = arith.addf %mul3A_381, %mul3A_387 : vector<1x6400xf32>
    %get3A_389 = arith.constant 0 : index
    %get3A_390 = arith.constant 8 : index
    %get3A_391 = vector.load %arg15[%get3A_389, %get3A_390] : memref<1x16xf32, #tpu.memory_space<vmem>>, vector<1x1xf32>
    %get3A_392 = vector.extract %get3A_391[0, 0] : f32 from vector<1x1xf32>
    %mul3A_393 = vector.broadcast %get3A_392 : f32 to vector<1x6400xf32>
    %mul3A_394 = arith.mulf %mul3A_393, %mul3A_286 : vector<1x6400xf32>
    %get3A_395 = arith.constant 0 : index
    %get3A_396 = arith.constant 9 : index
    %get3A_397 = vector.load %arg15[%get3A_395, %get3A_396] : memref<1x16xf32, #tpu.memory_space<vmem>>, vector<1x1xf32>
    %get3A_398 = vector.extract %get3A_397[0, 0] : f32 from vector<1x1xf32>
    %mul3A_399 = vector.broadcast %get3A_398 : f32 to vector<1x6400xf32>
    %mul3A_400 = arith.mulf %mul3A_399, %mul3A_304 : vector<1x6400xf32>
    %add3A_401 = arith.addf %mul3A_394, %mul3A_400 : vector<1x6400xf32>
    %get3A_402 = arith.constant 0 : index
    %get3A_403 = arith.constant 8 : index
    %get3A_404 = vector.load %arg15[%get3A_402, %get3A_403] : memref<1x16xf32, #tpu.memory_space<vmem>>, vector<1x1xf32>
    %get3A_405 = vector.extract %get3A_404[0, 0] : f32 from vector<1x1xf32>
    %mul3A_406 = vector.broadcast %get3A_405 : f32 to vector<1x6400xf32>
    %mul3A_407 = arith.mulf %mul3A_406, %mul3A_292 : vector<1x6400xf32>
    %get3A_408 = arith.constant 0 : index
    %get3A_409 = arith.constant 9 : index
    %get3A_410 = vector.load %arg15[%get3A_408, %get3A_409] : memref<1x16xf32, #tpu.memory_space<vmem>>, vector<1x1xf32>
    %get3A_411 = vector.extract %get3A_410[0, 0] : f32 from vector<1x1xf32>
    %mul3A_412 = vector.broadcast %get3A_411 : f32 to vector<1x6400xf32>
    %mul3A_413 = arith.mulf %mul3A_412, %mul3A_310 : vector<1x6400xf32>
    %add3A_414 = arith.addf %mul3A_407, %mul3A_413 : vector<1x6400xf32>
    %get3A_415 = arith.constant 0 : index
    %get3A_416 = arith.constant 8 : index
    %get3A_417 = vector.load %arg15[%get3A_415, %get3A_416] : memref<1x16xf32, #tpu.memory_space<vmem>>, vector<1x1xf32>
    %get3A_418 = vector.extract %get3A_417[0, 0] : f32 from vector<1x1xf32>
    %mul3A_419 = vector.broadcast %get3A_418 : f32 to vector<1x6400xf32>
    %mul3A_420 = arith.mulf %mul3A_419, %mul3A_298 : vector<1x6400xf32>
    %get3A_421 = arith.constant 0 : index
    %get3A_422 = arith.constant 9 : index
    %get3A_423 = vector.load %arg15[%get3A_421, %get3A_422] : memref<1x16xf32, #tpu.memory_space<vmem>>, vector<1x1xf32>
    %get3A_424 = vector.extract %get3A_423[0, 0] : f32 from vector<1x1xf32>
    %mul3A_425 = vector.broadcast %get3A_424 : f32 to vector<1x6400xf32>
    %mul3A_426 = arith.mulf %mul3A_425, %mul3A_316 : vector<1x6400xf32>
    %add3A_427 = arith.addf %mul3A_420, %mul3A_426 : vector<1x6400xf32>
    %mul3A_428 = arith.mulf %add3A_362, %add3A_362 : vector<1x6400xf32>
    %mul3A_429 = arith.mulf %add3A_375, %add3A_375 : vector<1x6400xf32>
    %add3A_430 = arith.addf %mul3A_428, %mul3A_429 : vector<1x6400xf32>
    %mul3A_431 = arith.mulf %add3A_388, %add3A_388 : vector<1x6400xf32>
    %add3A_432 = arith.addf %add3A_430, %mul3A_431 : vector<1x6400xf32>
    %add3A_433 = arith.constant 9.99999993E-9 : f32
    %add3A_434 = vector.broadcast %add3A_433 : f32 to vector<1x6400xf32>
    %add3A_435 = arith.addf %add3A_432, %add3A_434 : vector<1x6400xf32>
    %sqrt3A_436 = math.sqrt %add3A_435 : vector<1x6400xf32>
    %logistic3A_437 = arith.negf %sqrt3A_436 : vector<1x6400xf32>
    %logistic3A_438 = math.exp %logistic3A_437 : vector<1x6400xf32>
    %logistic3A_439 = arith.constant 1.000000e+00 : f32
    %logistic3A_440 = vector.broadcast %logistic3A_439 : f32 to vector<1x6400xf32>
    %logistic3A_441 = arith.addf %logistic3A_440, %logistic3A_438 : vector<1x6400xf32>
    %logistic3A_442 = arith.divf %logistic3A_440, %logistic3A_441 : vector<1x6400xf32>
    %mul3A_443 = arith.mulf %add3A_401, %add3A_401 : vector<1x6400xf32>
    %mul3A_444 = arith.mulf %add3A_414, %add3A_414 : vector<1x6400xf32>
    %add3A_445 = arith.addf %mul3A_443, %mul3A_444 : vector<1x6400xf32>
    %mul3A_446 = arith.mulf %add3A_427, %add3A_427 : vector<1x6400xf32>
    %add3A_447 = arith.addf %add3A_445, %mul3A_446 : vector<1x6400xf32>
    %add3A_448 = arith.constant 9.99999993E-9 : f32
    %add3A_449 = vector.broadcast %add3A_448 : f32 to vector<1x6400xf32>
    %add3A_450 = arith.addf %add3A_447, %add3A_449 : vector<1x6400xf32>
    %sqrt3A_451 = math.sqrt %add3A_450 : vector<1x6400xf32>
    %logistic3A_452 = arith.negf %sqrt3A_451 : vector<1x6400xf32>
    %logistic3A_453 = math.exp %logistic3A_452 : vector<1x6400xf32>
    %logistic3A_454 = arith.constant 1.000000e+00 : f32
    %logistic3A_455 = vector.broadcast %logistic3A_454 : f32 to vector<1x6400xf32>
    %logistic3A_456 = arith.addf %logistic3A_455, %logistic3A_453 : vector<1x6400xf32>
    %logistic3A_457 = arith.divf %logistic3A_455, %logistic3A_456 : vector<1x6400xf32>
    %mul3A_458 = arith.mulf %add3A_362, %logistic3A_442 : vector<1x6400xf32>
    %mul3A_459 = arith.mulf %add3A_375, %logistic3A_442 : vector<1x6400xf32>
    %mul3A_460 = arith.mulf %add3A_388, %logistic3A_442 : vector<1x6400xf32>
    %mul3A_461 = arith.mulf %add3A_401, %logistic3A_457 : vector<1x6400xf32>
    %mul3A_462 = arith.mulf %add3A_414, %logistic3A_457 : vector<1x6400xf32>
    %mul3A_463 = arith.mulf %add3A_427, %logistic3A_457 : vector<1x6400xf32>
    %max3A_464 = arith.constant 0.000000e+00 : bf16
    %max3A_465 = vector.broadcast %max3A_464 : bf16 to vector<128x6400xbf16>
    %max3A_466 = arith.maximumf %add3A_349, %max3A_465 : vector<128x6400xbf16>
    %get3A_467 = arith.constant 0 : index
    %get3A_468 = arith.constant 10 : index
    %get3A_469 = vector.load %arg15[%get3A_467, %get3A_468] : memref<1x16xf32, #tpu.memory_space<vmem>>, vector<1x1xf32>
    %get3A_470 = vector.extract %get3A_469[0, 0] : f32 from vector<1x1xf32>
    %mul3A_471 = vector.broadcast %get3A_470 : f32 to vector<1x6400xf32>
    %mul3A_472 = arith.mulf %mul3A_471, %mul3A_458 : vector<1x6400xf32>
    %get3A_473 = arith.constant 0 : index
    %get3A_474 = arith.constant 11 : index
    %get3A_475 = vector.load %arg15[%get3A_473, %get3A_474] : memref<1x16xf32, #tpu.memory_space<vmem>>, vector<1x1xf32>
    %get3A_476 = vector.extract %get3A_475[0, 0] : f32 from vector<1x1xf32>
    %mul3A_477 = vector.broadcast %get3A_476 : f32 to vector<1x6400xf32>
    %mul3A_478 = arith.mulf %mul3A_477, %mul3A_461 : vector<1x6400xf32>
    %add3A_479 = arith.addf %mul3A_472, %mul3A_478 : vector<1x6400xf32>
    %get3A_480 = arith.constant 0 : index
    %get3A_481 = arith.constant 10 : index
    %get3A_482 = vector.load %arg15[%get3A_480, %get3A_481] : memref<1x16xf32, #tpu.memory_space<vmem>>, vector<1x1xf32>
    %get3A_483 = vector.extract %get3A_482[0, 0] : f32 from vector<1x1xf32>
    %mul3A_484 = vector.broadcast %get3A_483 : f32 to vector<1x6400xf32>
    %mul3A_485 = arith.mulf %mul3A_484, %mul3A_459 : vector<1x6400xf32>
    %get3A_486 = arith.constant 0 : index
    %get3A_487 = arith.constant 11 : index
    %get3A_488 = vector.load %arg15[%get3A_486, %get3A_487] : memref<1x16xf32, #tpu.memory_space<vmem>>, vector<1x1xf32>
    %get3A_489 = vector.extract %get3A_488[0, 0] : f32 from vector<1x1xf32>
    %mul3A_490 = vector.broadcast %get3A_489 : f32 to vector<1x6400xf32>
    %mul3A_491 = arith.mulf %mul3A_490, %mul3A_462 : vector<1x6400xf32>
    %add3A_492 = arith.addf %mul3A_485, %mul3A_491 : vector<1x6400xf32>
    %get3A_493 = arith.constant 0 : index
    %get3A_494 = arith.constant 10 : index
    %get3A_495 = vector.load %arg15[%get3A_493, %get3A_494] : memref<1x16xf32, #tpu.memory_space<vmem>>, vector<1x1xf32>
    %get3A_496 = vector.extract %get3A_495[0, 0] : f32 from vector<1x1xf32>
    %mul3A_497 = vector.broadcast %get3A_496 : f32 to vector<1x6400xf32>
    %mul3A_498 = arith.mulf %mul3A_497, %mul3A_460 : vector<1x6400xf32>
    %get3A_499 = arith.constant 0 : index
    %get3A_500 = arith.constant 11 : index
    %get3A_501 = vector.load %arg15[%get3A_499, %get3A_500] : memref<1x16xf32, #tpu.memory_space<vmem>>, vector<1x1xf32>
    %get3A_502 = vector.extract %get3A_501[0, 0] : f32 from vector<1x1xf32>
    %mul3A_503 = vector.broadcast %get3A_502 : f32 to vector<1x6400xf32>
    %mul3A_504 = arith.mulf %mul3A_503, %mul3A_463 : vector<1x6400xf32>
    %add3A_505 = arith.addf %mul3A_498, %mul3A_504 : vector<1x6400xf32>
    %get3A_506 = arith.constant 0 : index
    %get3A_507 = arith.constant 12 : index
    %get3A_508 = vector.load %arg15[%get3A_506, %get3A_507] : memref<1x16xf32, #tpu.memory_space<vmem>>, vector<1x1xf32>
    %get3A_509 = vector.extract %get3A_508[0, 0] : f32 from vector<1x1xf32>
    %mul3A_510 = vector.broadcast %get3A_509 : f32 to vector<1x6400xf32>
    %mul3A_511 = arith.mulf %mul3A_510, %mul3A_458 : vector<1x6400xf32>
    %get3A_512 = arith.constant 0 : index
    %get3A_513 = arith.constant 13 : index
    %get3A_514 = vector.load %arg15[%get3A_512, %get3A_513] : memref<1x16xf32, #tpu.memory_space<vmem>>, vector<1x1xf32>
    %get3A_515 = vector.extract %get3A_514[0, 0] : f32 from vector<1x1xf32>
    %mul3A_516 = vector.broadcast %get3A_515 : f32 to vector<1x6400xf32>
    %mul3A_517 = arith.mulf %mul3A_516, %mul3A_461 : vector<1x6400xf32>
    %add3A_518 = arith.addf %mul3A_511, %mul3A_517 : vector<1x6400xf32>
    %get3A_519 = arith.constant 0 : index
    %get3A_520 = arith.constant 12 : index
    %get3A_521 = vector.load %arg15[%get3A_519, %get3A_520] : memref<1x16xf32, #tpu.memory_space<vmem>>, vector<1x1xf32>
    %get3A_522 = vector.extract %get3A_521[0, 0] : f32 from vector<1x1xf32>
    %mul3A_523 = vector.broadcast %get3A_522 : f32 to vector<1x6400xf32>
    %mul3A_524 = arith.mulf %mul3A_523, %mul3A_459 : vector<1x6400xf32>
    %get3A_525 = arith.constant 0 : index
    %get3A_526 = arith.constant 13 : index
    %get3A_527 = vector.load %arg15[%get3A_525, %get3A_526] : memref<1x16xf32, #tpu.memory_space<vmem>>, vector<1x1xf32>
    %get3A_528 = vector.extract %get3A_527[0, 0] : f32 from vector<1x1xf32>
    %mul3A_529 = vector.broadcast %get3A_528 : f32 to vector<1x6400xf32>
    %mul3A_530 = arith.mulf %mul3A_529, %mul3A_462 : vector<1x6400xf32>
    %add3A_531 = arith.addf %mul3A_524, %mul3A_530 : vector<1x6400xf32>
    %get3A_532 = arith.constant 0 : index
    %get3A_533 = arith.constant 12 : index
    %get3A_534 = vector.load %arg15[%get3A_532, %get3A_533] : memref<1x16xf32, #tpu.memory_space<vmem>>, vector<1x1xf32>
    %get3A_535 = vector.extract %get3A_534[0, 0] : f32 from vector<1x1xf32>
    %mul3A_536 = vector.broadcast %get3A_535 : f32 to vector<1x6400xf32>
    %mul3A_537 = arith.mulf %mul3A_536, %mul3A_460 : vector<1x6400xf32>
    %get3A_538 = arith.constant 0 : index
    %get3A_539 = arith.constant 13 : index
    %get3A_540 = vector.load %arg15[%get3A_538, %get3A_539] : memref<1x16xf32, #tpu.memory_space<vmem>>, vector<1x1xf32>
    %get3A_541 = vector.extract %get3A_540[0, 0] : f32 from vector<1x1xf32>
    %mul3A_542 = vector.broadcast %get3A_541 : f32 to vector<1x6400xf32>
    %mul3A_543 = arith.mulf %mul3A_542, %mul3A_463 : vector<1x6400xf32>
    %add3A_544 = arith.addf %mul3A_537, %mul3A_543 : vector<1x6400xf32>
    %mul3A_545 = arith.mulf %add3A_479, %add3A_479 : vector<1x6400xf32>
    %mul3A_546 = arith.mulf %add3A_492, %add3A_492 : vector<1x6400xf32>
    %add3A_547 = arith.addf %mul3A_545, %mul3A_546 : vector<1x6400xf32>
    %mul3A_548 = arith.mulf %add3A_505, %add3A_505 : vector<1x6400xf32>
    %add3A_549 = arith.addf %add3A_547, %mul3A_548 : vector<1x6400xf32>
    %add3A_550 = arith.constant 9.99999993E-9 : f32
    %add3A_551 = vector.broadcast %add3A_550 : f32 to vector<1x6400xf32>
    %add3A_552 = arith.addf %add3A_549, %add3A_551 : vector<1x6400xf32>
    %sqrt3A_553 = math.sqrt %add3A_552 : vector<1x6400xf32>
    %mul3A_554 = arith.mulf %add3A_518, %add3A_518 : vector<1x6400xf32>
    %mul3A_555 = arith.mulf %add3A_531, %add3A_531 : vector<1x6400xf32>
    %add3A_556 = arith.addf %mul3A_554, %mul3A_555 : vector<1x6400xf32>
    %mul3A_557 = arith.mulf %add3A_544, %add3A_544 : vector<1x6400xf32>
    %add3A_558 = arith.addf %add3A_556, %mul3A_557 : vector<1x6400xf32>
    %add3A_559 = arith.constant 9.99999993E-9 : f32
    %add3A_560 = vector.broadcast %add3A_559 : f32 to vector<1x6400xf32>
    %add3A_561 = arith.addf %add3A_558, %add3A_560 : vector<1x6400xf32>
    %sqrt3A_562 = math.sqrt %add3A_561 : vector<1x6400xf32>
    %convert_element_type3A_563 = arith.truncf %sqrt3A_553 : vector<1x6400xf32> to vector<1x6400xbf16>
    %convert_element_type3A_564 = arith.truncf %sqrt3A_562 : vector<1x6400xf32> to vector<1x6400xbf16>
    %concatenate3A_565 = tpu.concatenate %max3A_466, %convert_element_type3A_563, %convert_element_type3A_564 in 0 : vector<128x6400xbf16>, vector<1x6400xbf16>, vector<1x6400xbf16> -> vector<130x6400xbf16>
    %get3A_566 = arith.constant 0 : index
    %get3A_567 = arith.constant 0 : index
    %get3A_568 = vector.load %arg21[%get3A_566, %get3A_567] : memref<32x130xbf16, #tpu.memory_space<vmem>>, vector<32x130xbf16>
    %dot_general3A_569 = arith.constant dense<0.000000e+00> : vector<32x6400xf32>
    %dot_general3A_570 = tpu.matmul %get3A_568, %concatenate3A_565, %dot_general3A_569 {dimension_numbers = #tpu.dot_dimension_numbers<[1], [0], [0], [1], [0, 0, 1, 1], [], []>, transpose_lhs_hint = false} : vector<32x130xbf16>, vector<130x6400xbf16>, vector<32x6400xf32> -> vector<32x6400xf32>
    %get3A_571 = arith.constant 0 : index
    %get3A_572 = arith.constant 0 : index
    %get3A_573 = vector.load %arg22[%get3A_571, %get3A_572] : memref<32x1xf32, #tpu.memory_space<vmem>>, vector<32x1xf32>
    %add3A_574 = vector.broadcast %get3A_573 : vector<32x1xf32> to vector<32x6400xf32>
    %add3A_575 = arith.addf %dot_general3A_570, %add3A_574 : vector<32x6400xf32>
    %get3A_576 = arith.constant 0 : index
    %get3A_577 = arith.constant 14 : index
    %get3A_578 = vector.load %arg15[%get3A_576, %get3A_577] : memref<1x16xf32, #tpu.memory_space<vmem>>, vector<1x1xf32>
    %get3A_579 = vector.extract %get3A_578[0, 0] : f32 from vector<1x1xf32>
    %mul3A_580 = vector.broadcast %get3A_579 : f32 to vector<1x6400xf32>
    %mul3A_581 = arith.mulf %mul3A_580, %add3A_479 : vector<1x6400xf32>
    %get3A_582 = arith.constant 0 : index
    %get3A_583 = arith.constant 15 : index
    %get3A_584 = vector.load %arg15[%get3A_582, %get3A_583] : memref<1x16xf32, #tpu.memory_space<vmem>>, vector<1x1xf32>
    %get3A_585 = vector.extract %get3A_584[0, 0] : f32 from vector<1x1xf32>
    %mul3A_586 = vector.broadcast %get3A_585 : f32 to vector<1x6400xf32>
    %mul3A_587 = arith.mulf %mul3A_586, %add3A_518 : vector<1x6400xf32>
    %add3A_588 = arith.addf %mul3A_581, %mul3A_587 : vector<1x6400xf32>
    %get3A_589 = arith.constant 0 : index
    %get3A_590 = arith.constant 14 : index
    %get3A_591 = vector.load %arg15[%get3A_589, %get3A_590] : memref<1x16xf32, #tpu.memory_space<vmem>>, vector<1x1xf32>
    %get3A_592 = vector.extract %get3A_591[0, 0] : f32 from vector<1x1xf32>
    %mul3A_593 = vector.broadcast %get3A_592 : f32 to vector<1x6400xf32>
    %mul3A_594 = arith.mulf %mul3A_593, %add3A_492 : vector<1x6400xf32>
    %get3A_595 = arith.constant 0 : index
    %get3A_596 = arith.constant 15 : index
    %get3A_597 = vector.load %arg15[%get3A_595, %get3A_596] : memref<1x16xf32, #tpu.memory_space<vmem>>, vector<1x1xf32>
    %get3A_598 = vector.extract %get3A_597[0, 0] : f32 from vector<1x1xf32>
    %mul3A_599 = vector.broadcast %get3A_598 : f32 to vector<1x6400xf32>
    %mul3A_600 = arith.mulf %mul3A_599, %add3A_531 : vector<1x6400xf32>
    %add3A_601 = arith.addf %mul3A_594, %mul3A_600 : vector<1x6400xf32>
    %get3A_602 = arith.constant 0 : index
    %get3A_603 = arith.constant 14 : index
    %get3A_604 = vector.load %arg15[%get3A_602, %get3A_603] : memref<1x16xf32, #tpu.memory_space<vmem>>, vector<1x1xf32>
    %get3A_605 = vector.extract %get3A_604[0, 0] : f32 from vector<1x1xf32>
    %mul3A_606 = vector.broadcast %get3A_605 : f32 to vector<1x6400xf32>
    %mul3A_607 = arith.mulf %mul3A_606, %add3A_505 : vector<1x6400xf32>
    %get3A_608 = arith.constant 0 : index
    %get3A_609 = arith.constant 15 : index
    %get3A_610 = vector.load %arg15[%get3A_608, %get3A_609] : memref<1x16xf32, #tpu.memory_space<vmem>>, vector<1x1xf32>
    %get3A_611 = vector.extract %get3A_610[0, 0] : f32 from vector<1x1xf32>
    %mul3A_612 = vector.broadcast %get3A_611 : f32 to vector<1x6400xf32>
    %mul3A_613 = arith.mulf %mul3A_612, %add3A_544 : vector<1x6400xf32>
    %add3A_614 = arith.addf %mul3A_607, %mul3A_613 : vector<1x6400xf32>
    %add3A_615 = arith.addf %add3A_280, %add3A_575 : vector<32x6400xf32>
    %add3A_616 = arith.addf %mul3A_246, %add3A_588 : vector<1x6400xf32>
    %add3A_617 = arith.addf %mul3A_247, %add3A_601 : vector<1x6400xf32>
    %add3A_618 = arith.addf %mul3A_248, %add3A_614 : vector<1x6400xf32>
    %mul3A_619 = arith.mulf %add3A_616, %add3A_616 : vector<1x6400xf32>
    %mul3A_620 = arith.mulf %add3A_617, %add3A_617 : vector<1x6400xf32>
    %add3A_621 = arith.addf %mul3A_619, %mul3A_620 : vector<1x6400xf32>
    %mul3A_622 = arith.mulf %add3A_618, %add3A_618 : vector<1x6400xf32>
    %add3A_623 = arith.addf %add3A_621, %mul3A_622 : vector<1x6400xf32>
    %add3A_624 = arith.constant 9.99999993E-9 : f32
    %add3A_625 = vector.broadcast %add3A_624 : f32 to vector<1x6400xf32>
    %add3A_626 = arith.addf %add3A_623, %add3A_625 : vector<1x6400xf32>
    %rsqrt3A_627 = math.rsqrt %add3A_626 : vector<1x6400xf32>
    %mul3A_628 = arith.mulf %add3A_616, %rsqrt3A_627 : vector<1x6400xf32>
    %mul3A_629 = arith.mulf %add3A_617, %rsqrt3A_627 : vector<1x6400xf32>
    %mul3A_630 = arith.mulf %add3A_618, %rsqrt3A_627 : vector<1x6400xf32>
    %convert_element_type3A_631 = arith.truncf %add3A_615 : vector<32x6400xf32> to vector<32x6400xbf16>
    %get3A_632 = arith.constant 0 : index
    %get3A_633 = arith.constant 0 : index
    %get3A_634 = vector.load %arg18[%get3A_632, %get3A_633] : memref<1x32xbf16, #tpu.memory_space<vmem>>, vector<1x32xbf16>
    %dot_general3A_635 = arith.constant dense<0.000000e+00> : vector<1x6400xf32>
    %dot_general3A_636 = tpu.matmul %get3A_634, %convert_element_type3A_631, %dot_general3A_635 {dimension_numbers = #tpu.dot_dimension_numbers<[1], [0], [0], [1], [0, 0, 1, 1], [], []>, transpose_lhs_hint = false} : vector<1x32xbf16>, vector<32x6400xbf16>, vector<1x6400xf32> -> vector<1x6400xf32>
    %mul3A_637 = arith.mulf %add3A_615, %add3A_615 : vector<32x6400xf32>
    %convert_element_type3A_638 = arith.truncf %mul3A_637 : vector<32x6400xf32> to vector<32x6400xbf16>
    %get3A_639 = arith.constant 0 : index
    %get3A_640 = arith.constant 0 : index
    %get3A_641 = vector.load %arg18[%get3A_639, %get3A_640] : memref<1x32xbf16, #tpu.memory_space<vmem>>, vector<1x32xbf16>
    %dot_general3A_642 = arith.constant dense<0.000000e+00> : vector<1x6400xf32>
    %dot_general3A_643 = tpu.matmul %get3A_641, %convert_element_type3A_638, %dot_general3A_642 {dimension_numbers = #tpu.dot_dimension_numbers<[1], [0], [0], [1], [0, 0, 1, 1], [], []>, transpose_lhs_hint = false} : vector<1x32xbf16>, vector<32x6400xbf16>, vector<1x6400xf32> -> vector<1x6400xf32>
    %mul3A_644 = arith.mulf %dot_general3A_636, %dot_general3A_636 : vector<1x6400xf32>
    %sub3A_645 = arith.subf %dot_general3A_643, %mul3A_644 : vector<1x6400xf32>
    %sub3A_646 = vector.broadcast %dot_general3A_636 : vector<1x6400xf32> to vector<32x6400xf32>
    %sub3A_647 = arith.subf %add3A_615, %sub3A_646 : vector<32x6400xf32>
    %add3A_648 = arith.constant 9.99999974E-6 : f32
    %add3A_649 = vector.broadcast %add3A_648 : f32 to vector<1x6400xf32>
    %add3A_650 = arith.addf %sub3A_645, %add3A_649 : vector<1x6400xf32>
    %rsqrt3A_651 = math.rsqrt %add3A_650 : vector<1x6400xf32>
    %mul3A_652 = vector.broadcast %rsqrt3A_651 : vector<1x6400xf32> to vector<32x6400xf32>
    %mul3A_653 = arith.mulf %sub3A_647, %mul3A_652 : vector<32x6400xf32>
    %get3A_654 = arith.constant 0 : index
    %get3A_655 = arith.constant 0 : index
    %get3A_656 = vector.load %arg23[%get3A_654, %get3A_655] : memref<32x1xf32, #tpu.memory_space<vmem>>, vector<32x1xf32>
    %mul3A_657 = vector.broadcast %get3A_656 : vector<32x1xf32> to vector<32x6400xf32>
    %mul3A_658 = arith.mulf %mul3A_653, %mul3A_657 : vector<32x6400xf32>
    %get3A_659 = arith.constant 0 : index
    %get3A_660 = arith.constant 0 : index
    %get3A_661 = vector.load %arg24[%get3A_659, %get3A_660] : memref<32x1xf32, #tpu.memory_space<vmem>>, vector<32x1xf32>
    %add3A_662 = vector.broadcast %get3A_661 : vector<32x1xf32> to vector<32x6400xf32>
    %add3A_663 = arith.addf %mul3A_658, %add3A_662 : vector<32x6400xf32>
    %swap3A = arith.constant 0 : index
    %swap3A_664 = arith.constant 0 : index
    %swap3A_665 = vector.load %arg25[%swap3A, %swap3A_664] : memref<32x6400xf32, #tpu.memory_space<vmem>>, vector<32x6400xf32>
    tpu.vector_store %arg25[%swap3A, %swap3A_664], %add3A_663 {strides = array<i32>} : memref<32x6400xf32, #tpu.memory_space<vmem>>, vector<32x6400xf32>,
    %concatenate3A_666 = tpu.concatenate %mul3A_628, %mul3A_629, %mul3A_630 in 0 : vector<1x6400xf32>, vector<1x6400xf32>, vector<1x6400xf32> -> vector<3x6400xf32>
    %swap3A_667 = arith.constant 0 : index
    %swap3A_668 = arith.constant 0 : index
    %swap3A_669 = vector.load %arg26[%swap3A_667, %swap3A_668] : memref<3x6400xf32, #tpu.memory_space<vmem>>, vector<3x6400xf32>
    tpu.vector_store %arg26[%swap3A_667, %swap3A_668], %concatenate3A_666 {strides = array<i32>} : memref<3x6400xf32, #tpu.memory_space<vmem>>, vector<3x6400xf32>,
    return
  }
  func.func @transform_0(%arg0: i32) -> (i32, i32) {
    %c0_i32 = arith.constant 0 : i32
    %c0_i32_0 = arith.constant 0 : i32
    return %arg0, %c0_i32 : i32, i32
  }
  func.func @transform_1(%arg0: i32) -> (i32, i32) {
    %add3A = arith.constant 25 : i32
    %add3A_0 = arith.addi %arg0, %add3A : i32
    %c0_i32 = arith.constant 0 : i32
    %c0_i32_1 = arith.constant 0 : i32
    return %c0_i32, %add3A_0 : i32, i32
  }
  func.func @transform_2(%arg0: i32) -> (i32, i32) {
    %add3A = arith.constant 25 : i32
    %add3A_0 = arith.addi %arg0, %add3A : i32
    %c0_i32 = arith.constant 0 : i32
    %c0_i32_1 = arith.constant 0 : i32
    return %c0_i32, %add3A_0 : i32, i32
  }
  func.func @transform_3(%arg0: i32) -> (i32, i32) {
    %c0_i32 = arith.constant 0 : i32
    %c0_i32_0 = arith.constant 0 : i32
    %c0_i32_1 = arith.constant 0 : i32
    return %c0_i32, %c0_i32_0 : i32, i32
  }
  func.func @transform_4(%arg0: i32) -> (i32, i32) {
    %c0_i32 = arith.constant 0 : i32
    %c0_i32_0 = arith.constant 0 : i32
    %c0_i32_1 = arith.constant 0 : i32
    return %c0_i32, %c0_i32_0 : i32, i32
  }
  func.func @transform_5(%arg0: i32) -> (i32, i32) {
    %c0_i32 = arith.constant 0 : i32
    %c0_i32_0 = arith.constant 0 : i32
    %c0_i32_1 = arith.constant 0 : i32
    return %c0_i32, %c0_i32_0 : i32, i32
  }
  func.func @transform_6(%arg0: i32) -> (i32, i32) {
    %c0_i32 = arith.constant 0 : i32
    %c0_i32_0 = arith.constant 0 : i32
    %c0_i32_1 = arith.constant 0 : i32
    return %c0_i32, %c0_i32_0 : i32, i32
  }
  func.func @transform_7(%arg0: i32) -> (i32, i32) {
    %c0_i32 = arith.constant 0 : i32
    %c0_i32_0 = arith.constant 0 : i32
    %c0_i32_1 = arith.constant 0 : i32
    return %c0_i32, %c0_i32_0 : i32, i32
  }
  func.func @transform_8(%arg0: i32) -> (i32, i32) {
    %c0_i32 = arith.constant 0 : i32
    %c0_i32_0 = arith.constant 0 : i32
    %c0_i32_1 = arith.constant 0 : i32
    return %c0_i32, %c0_i32_0 : i32, i32
  }
  func.func @transform_9(%arg0: i32) -> (i32, i32) {
    %c0_i32 = arith.constant 0 : i32
    %c0_i32_0 = arith.constant 0 : i32
    %c0_i32_1 = arith.constant 0 : i32
    return %c0_i32, %c0_i32_0 : i32, i32
  }
  func.func @transform_10(%arg0: i32) -> (i32, i32) {
    %c0_i32 = arith.constant 0 : i32
    %c0_i32_0 = arith.constant 0 : i32
    %c0_i32_1 = arith.constant 0 : i32
    return %c0_i32, %c0_i32_0 : i32, i32
  }
  func.func @transform_11(%arg0: i32) -> (i32, i32) {
    %c0_i32 = arith.constant 0 : i32
    %c0_i32_0 = arith.constant 0 : i32
    %c0_i32_1 = arith.constant 0 : i32
    return %c0_i32, %c0_i32_0 : i32, i32
  }
  func.func @transform_12(%arg0: i32) -> (i32, i32) {
    %c0_i32 = arith.constant 0 : i32
    %c0_i32_0 = arith.constant 0 : i32
    %c0_i32_1 = arith.constant 0 : i32
    return %c0_i32, %c0_i32_0 : i32, i32
  }
  func.func @transform_13(%arg0: i32) -> (i32, i32) {
    %c0_i32 = arith.constant 0 : i32
    %c0_i32_0 = arith.constant 0 : i32
    %c0_i32_1 = arith.constant 0 : i32
    return %c0_i32, %c0_i32_0 : i32, i32
  }
  func.func @transform_14(%arg0: i32) -> (i32, i32) {
    %c0_i32 = arith.constant 0 : i32
    %c0_i32_0 = arith.constant 0 : i32
    %c0_i32_1 = arith.constant 0 : i32
    return %c0_i32, %c0_i32_0 : i32, i32
  }
  func.func @transform_15(%arg0: i32) -> (i32, i32) {
    %c0_i32 = arith.constant 0 : i32
    %c0_i32_0 = arith.constant 0 : i32
    %c0_i32_1 = arith.constant 0 : i32
    return %c0_i32, %c0_i32_0 : i32, i32
  }
  func.func @transform_16(%arg0: i32) -> (i32, i32) {
    %c0_i32 = arith.constant 0 : i32
    %c0_i32_0 = arith.constant 0 : i32
    %c0_i32_1 = arith.constant 0 : i32
    return %c0_i32, %c0_i32_0 : i32, i32
  }
  func.func @transform_17(%arg0: i32) -> (i32, i32) {
    %c0_i32 = arith.constant 0 : i32
    %c0_i32_0 = arith.constant 0 : i32
    %c0_i32_1 = arith.constant 0 : i32
    return %c0_i32, %c0_i32_0 : i32, i32
  }
  func.func @transform_18(%arg0: i32) -> (i32, i32) {
    %c0_i32 = arith.constant 0 : i32
    %c0_i32_0 = arith.constant 0 : i32
    %c0_i32_1 = arith.constant 0 : i32
    return %c0_i32, %c0_i32_0 : i32, i32
  }
  func.func @transform_19(%arg0: i32) -> (i32, i32) {
    %c0_i32 = arith.constant 0 : i32
    %c0_i32_0 = arith.constant 0 : i32
    %c0_i32_1 = arith.constant 0 : i32
    return %c0_i32, %c0_i32_0 : i32, i32
  }
  func.func @transform_20(%arg0: i32) -> (i32, i32) {
    %c0_i32 = arith.constant 0 : i32
    %c0_i32_0 = arith.constant 0 : i32
    %c0_i32_1 = arith.constant 0 : i32
    return %c0_i32, %c0_i32_0 : i32, i32
  }
  func.func @transform_21(%arg0: i32) -> (i32, i32) {
    %c0_i32 = arith.constant 0 : i32
    %c0_i32_0 = arith.constant 0 : i32
    %c0_i32_1 = arith.constant 0 : i32
    return %c0_i32, %c0_i32_0 : i32, i32
  }
  func.func @transform_22(%arg0: i32) -> (i32, i32) {
    %c0_i32 = arith.constant 0 : i32
    %c0_i32_0 = arith.constant 0 : i32
    %c0_i32_1 = arith.constant 0 : i32
    return %c0_i32, %c0_i32_0 : i32, i32
  }
  func.func @transform_23(%arg0: i32) -> (i32, i32) {
    %c0_i32 = arith.constant 0 : i32
    %c0_i32_0 = arith.constant 0 : i32
    %c0_i32_1 = arith.constant 0 : i32
    return %c0_i32, %c0_i32_0 : i32, i32
  }
  func.func @transform_24(%arg0: i32) -> (i32, i32) {
    %c0_i32 = arith.constant 0 : i32
    %c0_i32_0 = arith.constant 0 : i32
    return %c0_i32, %arg0 : i32, i32
  }
  func.func @transform_25(%arg0: i32) -> (i32, i32) {
    %c0_i32 = arith.constant 0 : i32
    %c0_i32_0 = arith.constant 0 : i32
    return %c0_i32, %arg0 : i32, i32
  }
}

module attributes {stable_mosaic.version = 14 : i64} {
  func.func @_tc_body(%arg0: i32, %arg1: memref<6400x128xf32, #tpu.memory_space<vmem>>, %arg2: memref<32x6400xf32, #tpu.memory_space<vmem>>, %arg3: memref<3x6400xf32, #tpu.memory_space<vmem>>, %arg4: memref<80x128xbf16, #tpu.memory_space<vmem>>, %arg5: memref<32x41xbf16, #tpu.memory_space<vmem>>, %arg6: memref<32x1xf32, #tpu.memory_space<vmem>>, %arg7: memref<9x1xf32, #tpu.memory_space<vmem>>, %arg8: memref<9x1xf32, #tpu.memory_space<vmem>>, %arg9: memref<32x32xbf16, #tpu.memory_space<vmem>>, %arg10: memref<32x1xf32, #tpu.memory_space<vmem>>, %arg11: memref<32x1xf32, #tpu.memory_space<vmem>>, %arg12: memref<32x32xbf16, #tpu.memory_space<vmem>>, %arg13: memref<32x1xf32, #tpu.memory_space<vmem>>, %arg14: memref<32x1xf32, #tpu.memory_space<vmem>>, %arg15: memref<1x16xf32, #tpu.memory_space<vmem>>, %arg16: memref<32x1xf32, #tpu.memory_space<vmem>>, %arg17: memref<32x1xf32, #tpu.memory_space<vmem>>, %arg18: memref<1x32xbf16, #tpu.memory_space<vmem>>, %arg19: memref<128x34xbf16, #tpu.memory_space<vmem>>, %arg20: memref<128x1xbf16, #tpu.memory_space<vmem>>, %arg21: memref<32x130xbf16, #tpu.memory_space<vmem>>, %arg22: memref<32x1xf32, #tpu.memory_space<vmem>>, %arg23: memref<32x1xf32, #tpu.memory_space<vmem>>, %arg24: memref<32x1xf32, #tpu.memory_space<vmem>>, %arg25: memref<32x6400xf32, #tpu.memory_space<vmem>>, %arg26: memref<3x6400xf32, #tpu.memory_space<vmem>>) attributes {dimension_semantics = [#tpu.dimension_semantics<arbitrary>], iteration_bounds = array<i64: 25>, scalar_prefetch = 0 : i64, scratch_operands = 0 : i64, tpu.core_type = #tpu.core_type<tc>, window_params = [{transform_indices = @transform_0, window_bounds = array<i64: 6400, 128>}, {transform_indices = @transform_1, window_bounds = array<i64: 32, 6400>}, {transform_indices = @transform_2, window_bounds = array<i64: 3, 6400>}, {pipeline_mode = #tpu.pipeline_mode<synchronous>, transform_indices = @transform_3, window_bounds = array<i64: 80, 128>}, {pipeline_mode = #tpu.pipeline_mode<synchronous>, transform_indices = @transform_4, window_bounds = array<i64: 32, 41>}, {pipeline_mode = #tpu.pipeline_mode<synchronous>, transform_indices = @transform_5, window_bounds = array<i64: 32, 1>}, {pipeline_mode = #tpu.pipeline_mode<synchronous>, transform_indices = @transform_6, window_bounds = array<i64: 9, 1>}, {pipeline_mode = #tpu.pipeline_mode<synchronous>, transform_indices = @transform_7, window_bounds = array<i64: 9, 1>}, {pipeline_mode = #tpu.pipeline_mode<synchronous>, transform_indices = @transform_8, window_bounds = array<i64: 32, 32>}, {pipeline_mode = #tpu.pipeline_mode<synchronous>, transform_indices = @transform_9, window_bounds = array<i64: 32, 1>}, {pipeline_mode = #tpu.pipeline_mode<synchronous>, transform_indices = @transform_10, window_bounds = array<i64: 32, 1>}, {pipeline_mode = #tpu.pipeline_mode<synchronous>, transform_indices = @transform_11, window_bounds = array<i64: 32, 32>}, {pipeline_mode = #tpu.pipeline_mode<synchronous>, transform_indices = @transform_12, window_bounds = array<i64: 32, 1>}, {pipeline_mode = #tpu.pipeline_mode<synchronous>, transform_indices = @transform_13, window_bounds = array<i64: 32, 1>}, {pipeline_mode = #tpu.pipeline_mode<synchronous>, transform_indices = @transform_14, window_bounds = array<i64: 1, 16>}, {pipeline_mode = #tpu.pipeline_mode<synchronous>, transform_indices = @transform_15, window_bounds = array<i64: 32, 1>}, {pipeline_mode = #tpu.pipeline_mode<synchronous>, transform_indices = @transform_16, window_bounds = array<i64: 32, 1>}, {pipeline_mode = #tpu.pipeline_mode<synchronous>, transform_indices = @transform_17, window_bounds = array<i64: 1, 32>}, {pipeline_mode = #tpu.pipeline_mode<synchronous>, transform_indices = @transform_18, window_bounds = array<i64: 128, 34>}, {pipeline_mode = #tpu.pipeline_mode<synchronous>, transform_indices = @transform_19, window_bounds = array<i64: 128, 1>}, {pipeline_mode = #tpu.pipeline_mode<synchronous>, transform_indices = @transform_20, window_bounds = array<i64: 32, 130>}, {pipeline_mode = #tpu.pipeline_mode<synchronous>, transform_indices = @transform_21, window_bounds = array<i64: 32, 1>}, {pipeline_mode = #tpu.pipeline_mode<synchronous>, transform_indices = @transform_22, window_bounds = array<i64: 32, 1>}, {pipeline_mode = #tpu.pipeline_mode<synchronous>, transform_indices = @transform_23, window_bounds = array<i64: 32, 1>}, {transform_indices = @transform_24, window_bounds = array<i64: 32, 6400>}, {transform_indices = @transform_25, window_bounds = array<i64: 3, 6400>}]} {
    %get3A = arith.constant 0 : index
    %get3A_0 = arith.constant 0 : index
    %get3A_1 = vector.load %arg2[%get3A, %get3A_0] : memref<32x6400xf32, #tpu.memory_space<vmem>>, vector<32x6400xf32>
    %get3A_2 = arith.constant 0 : index
    %get3A_3 = arith.constant 0 : index
    %get3A_4 = vector.load %arg3[%get3A_2, %get3A_3] : memref<3x6400xf32, #tpu.memory_space<vmem>>, vector<3x6400xf32>
    %slice3A = vector.extract_strided_slice %get3A_4 {offsets = [0, 0], sizes = [1, 6400], strides = [1, 1]} : vector<3x6400xf32> to vector<1x6400xf32>
    %slice3A_5 = vector.extract_strided_slice %get3A_4 {offsets = [1, 0], sizes = [1, 6400], strides = [1, 1]} : vector<3x6400xf32> to vector<1x6400xf32>
    %slice3A_6 = vector.extract_strided_slice %get3A_4 {offsets = [2, 0], sizes = [1, 6400], strides = [1, 1]} : vector<3x6400xf32> to vector<1x6400xf32>
    %get3A_7 = arith.constant 0 : index
    %get3A_8 = arith.constant 0 : index
    %get3A_9 = vector.load %arg4[%get3A_7, %get3A_8] : memref<80x128xbf16, #tpu.memory_space<vmem>>, vector<80x128xbf16>
    %get3A_10 = arith.constant 0 : index
    %get3A_11 = arith.constant 0 : index
    %get3A_12 = vector.load %arg1[%get3A_10, %get3A_11] : memref<6400x128xf32, #tpu.memory_space<vmem>>, vector<6400x128xf32>
    %convert_element_type3A = arith.truncf %get3A_12 : vector<6400x128xf32> to vector<6400x128xbf16>
    %dot_general3A = arith.constant dense<0.000000e+00> : vector<80x6400xf32>
    %dot_general3A_13 = tpu.matmul %get3A_9, %convert_element_type3A, %dot_general3A {dimension_numbers = #tpu.dot_dimension_numbers<[1], [1], [0], [0], [0, 0, 1, 0], [], []>, transpose_lhs_hint = false} : vector<80x128xbf16>, vector<6400x128xbf16>, vector<80x6400xf32> -> vector<80x6400xf32>
    %get3A_14 = arith.constant 0 : index
    %get3A_15 = arith.constant 0 : index
    %get3A_16 = vector.load %arg8[%get3A_14, %get3A_15] : memref<9x1xf32, #tpu.memory_space<vmem>>, vector<9x1xf32>
    %slice3A_17 = vector.extract_strided_slice %dot_general3A_13 {offsets = [32, 0], sizes = [9, 6400], strides = [1, 1]} : vector<80x6400xf32> to vector<9x6400xf32>
    %mul3A = vector.broadcast %get3A_16 : vector<9x1xf32> to vector<9x6400xf32>
    %mul3A_18 = vector.broadcast %slice3A : vector<1x6400xf32> to vector<9x6400xf32>
    %mul3A_19 = arith.mulf %mul3A, %mul3A_18 : vector<9x6400xf32>
    %add3A = arith.addf %slice3A_17, %mul3A_19 : vector<9x6400xf32>
    %slice3A_20 = vector.extract_strided_slice %dot_general3A_13 {offsets = [48, 0], sizes = [9, 6400], strides = [1, 1]} : vector<80x6400xf32> to vector<9x6400xf32>
    %mul3A_21 = vector.broadcast %get3A_16 : vector<9x1xf32> to vector<9x6400xf32>
    %mul3A_22 = vector.broadcast %slice3A_5 : vector<1x6400xf32> to vector<9x6400xf32>
    %mul3A_23 = arith.mulf %mul3A_21, %mul3A_22 : vector<9x6400xf32>
    %add3A_24 = arith.addf %slice3A_20, %mul3A_23 : vector<9x6400xf32>
    %slice3A_25 = vector.extract_strided_slice %dot_general3A_13 {offsets = [64, 0], sizes = [9, 6400], strides = [1, 1]} : vector<80x6400xf32> to vector<9x6400xf32>
    %mul3A_26 = vector.broadcast %get3A_16 : vector<9x1xf32> to vector<9x6400xf32>
    %mul3A_27 = vector.broadcast %slice3A_6 : vector<1x6400xf32> to vector<9x6400xf32>
    %mul3A_28 = arith.mulf %mul3A_26, %mul3A_27 : vector<9x6400xf32>
    %add3A_29 = arith.addf %slice3A_25, %mul3A_28 : vector<9x6400xf32>
    %mul3A_30 = arith.mulf %add3A, %add3A : vector<9x6400xf32>
    %mul3A_31 = arith.mulf %add3A_24, %add3A_24 : vector<9x6400xf32>
    %add3A_32 = arith.addf %mul3A_30, %mul3A_31 : vector<9x6400xf32>
    %mul3A_33 = arith.mulf %add3A_29, %add3A_29 : vector<9x6400xf32>
    %add3A_34 = arith.addf %add3A_32, %mul3A_33 : vector<9x6400xf32>
    %add3A_35 = arith.constant 9.99999993E-9 : f32
    %add3A_36 = vector.broadcast %add3A_35 : f32 to vector<9x6400xf32>
    %add3A_37 = arith.addf %add3A_34, %add3A_36 : vector<9x6400xf32>
    %sqrt3A = math.sqrt %add3A_37 : vector<9x6400xf32>
    %convert_element_type3A_38 = arith.truncf %get3A_1 : vector<32x6400xf32> to vector<32x6400xbf16>
    %convert_element_type3A_39 = arith.truncf %sqrt3A : vector<9x6400xf32> to vector<9x6400xbf16>
    %concatenate3A = tpu.concatenate %convert_element_type3A_38, %convert_element_type3A_39 in 0 : vector<32x6400xbf16>, vector<9x6400xbf16> -> vector<41x6400xbf16>
    %slice3A_40 = vector.extract_strided_slice %dot_general3A_13 {offsets = [0, 0], sizes = [32, 6400], strides = [1, 1]} : vector<80x6400xf32> to vector<32x6400xf32>
    %get3A_41 = arith.constant 0 : index
    %get3A_42 = arith.constant 0 : index
    %get3A_43 = vector.load %arg5[%get3A_41, %get3A_42] : memref<32x41xbf16, #tpu.memory_space<vmem>>, vector<32x41xbf16>
    %dot_general3A_44 = arith.constant dense<0.000000e+00> : vector<32x6400xf32>
    %dot_general3A_45 = tpu.matmul %get3A_43, %concatenate3A, %dot_general3A_44 {dimension_numbers = #tpu.dot_dimension_numbers<[1], [0], [0], [1], [0, 0, 1, 1], [], []>, transpose_lhs_hint = false} : vector<32x41xbf16>, vector<41x6400xbf16>, vector<32x6400xf32> -> vector<32x6400xf32>
    %add3A_46 = arith.addf %slice3A_40, %dot_general3A_45 : vector<32x6400xf32>
    %get3A_47 = arith.constant 0 : index
    %get3A_48 = arith.constant 0 : index
    %get3A_49 = vector.load %arg6[%get3A_47, %get3A_48] : memref<32x1xf32, #tpu.memory_space<vmem>>, vector<32x1xf32>
    %add3A_50 = vector.broadcast %get3A_49 : vector<32x1xf32> to vector<32x6400xf32>
    %add3A_51 = arith.addf %add3A_46, %add3A_50 : vector<32x6400xf32>
    %get3A_52 = arith.constant 0 : index
    %get3A_53 = arith.constant 0 : index
    %get3A_54 = vector.load %arg7[%get3A_52, %get3A_53] : memref<9x1xf32, #tpu.memory_space<vmem>>, vector<9x1xf32>
    %mul3A_55 = vector.broadcast %get3A_54 : vector<9x1xf32> to vector<9x6400xf32>
    %mul3A_56 = arith.mulf %add3A, %mul3A_55 : vector<9x6400xf32>
    %reduce_sum3A = arith.constant dense<0.000000e+00> : vector<6400xf32>
    %reduce_sum3A_57 = vector.multi_reduction <add>, %mul3A_56, %reduce_sum3A [0] : vector<9x6400xf32> to vector<6400xf32>
    %broadcast_in_dim3A = vector.shape_cast %reduce_sum3A_57 : vector<6400xf32> to vector<1x6400xf32>
    %mul3A_58 = vector.broadcast %get3A_54 : vector<9x1xf32> to vector<9x6400xf32>
    %mul3A_59 = arith.mulf %add3A_24, %mul3A_58 : vector<9x6400xf32>
    %reduce_sum3A_60 = arith.constant dense<0.000000e+00> : vector<6400xf32>
    %reduce_sum3A_61 = vector.multi_reduction <add>, %mul3A_59, %reduce_sum3A_60 [0] : vector<9x6400xf32> to vector<6400xf32>
    %broadcast_in_dim3A_62 = vector.shape_cast %reduce_sum3A_61 : vector<6400xf32> to vector<1x6400xf32>
    %mul3A_63 = vector.broadcast %get3A_54 : vector<9x1xf32> to vector<9x6400xf32>
    %mul3A_64 = arith.mulf %add3A_29, %mul3A_63 : vector<9x6400xf32>
    %reduce_sum3A_65 = arith.constant dense<0.000000e+00> : vector<6400xf32>
    %reduce_sum3A_66 = vector.multi_reduction <add>, %mul3A_64, %reduce_sum3A_65 [0] : vector<9x6400xf32> to vector<6400xf32>
    %broadcast_in_dim3A_67 = vector.shape_cast %reduce_sum3A_66 : vector<6400xf32> to vector<1x6400xf32>
    %mul3A_68 = arith.mulf %broadcast_in_dim3A, %broadcast_in_dim3A : vector<1x6400xf32>
    %mul3A_69 = arith.mulf %broadcast_in_dim3A_62, %broadcast_in_dim3A_62 : vector<1x6400xf32>
    %add3A_70 = arith.addf %mul3A_68, %mul3A_69 : vector<1x6400xf32>
    %mul3A_71 = arith.mulf %broadcast_in_dim3A_67, %broadcast_in_dim3A_67 : vector<1x6400xf32>
    %add3A_72 = arith.addf %add3A_70, %mul3A_71 : vector<1x6400xf32>
    %add3A_73 = arith.constant 9.99999993E-9 : f32
    %add3A_74 = vector.broadcast %add3A_73 : f32 to vector<1x6400xf32>
    %add3A_75 = arith.addf %add3A_72, %add3A_74 : vector<1x6400xf32>
    %sqrt3A_76 = math.sqrt %add3A_75 : vector<1x6400xf32>
    %logistic3A = arith.negf %sqrt3A_76 : vector<1x6400xf32>
    %logistic3A_77 = math.exp %logistic3A : vector<1x6400xf32>
    %logistic3A_78 = arith.constant 1.000000e+00 : f32
    %logistic3A_79 = vector.broadcast %logistic3A_78 : f32 to vector<1x6400xf32>
    %logistic3A_80 = arith.addf %logistic3A_79, %logistic3A_77 : vector<1x6400xf32>
    %logistic3A_81 = arith.divf %logistic3A_79, %logistic3A_80 : vector<1x6400xf32>
    %mul3A_82 = arith.mulf %broadcast_in_dim3A, %logistic3A_81 : vector<1x6400xf32>
    %mul3A_83 = arith.mulf %broadcast_in_dim3A_62, %logistic3A_81 : vector<1x6400xf32>
    %mul3A_84 = arith.mulf %broadcast_in_dim3A_67, %logistic3A_81 : vector<1x6400xf32>
    %max3A = arith.constant 0.000000e+00 : f32
    %max3A_85 = vector.broadcast %max3A : f32 to vector<32x6400xf32>
    %max3A_86 = arith.maximumf %add3A_51, %max3A_85 : vector<32x6400xf32>
    %get3A_87 = arith.constant 0 : index
    %get3A_88 = arith.constant 0 : index
    %get3A_89 = vector.load %arg15[%get3A_87, %get3A_88] : memref<1x16xf32, #tpu.memory_space<vmem>>, vector<1x1xf32>
    %get3A_90 = vector.extract %get3A_89[0, 0] : f32 from vector<1x1xf32>
    %mul3A_91 = vector.broadcast %get3A_90 : f32 to vector<1x6400xf32>
    %mul3A_92 = arith.mulf %mul3A_82, %mul3A_91 : vector<1x6400xf32>
    %get3A_93 = arith.constant 0 : index
    %get3A_94 = arith.constant 0 : index
    %get3A_95 = vector.load %arg15[%get3A_93, %get3A_94] : memref<1x16xf32, #tpu.memory_space<vmem>>, vector<1x1xf32>
    %get3A_96 = vector.extract %get3A_95[0, 0] : f32 from vector<1x1xf32>
    %mul3A_97 = vector.broadcast %get3A_96 : f32 to vector<1x6400xf32>
    %mul3A_98 = arith.mulf %mul3A_83, %mul3A_97 : vector<1x6400xf32>
    %get3A_99 = arith.constant 0 : index
    %get3A_100 = arith.constant 0 : index
    %get3A_101 = vector.load %arg15[%get3A_99, %get3A_100] : memref<1x16xf32, #tpu.memory_space<vmem>>, vector<1x1xf32>
    %get3A_102 = vector.extract %get3A_101[0, 0] : f32 from vector<1x1xf32>
    %mul3A_103 = vector.broadcast %get3A_102 : f32 to vector<1x6400xf32>
    %mul3A_104 = arith.mulf %mul3A_84, %mul3A_103 : vector<1x6400xf32>
    %mul3A_105 = arith.mulf %mul3A_92, %mul3A_92 : vector<1x6400xf32>
    %mul3A_106 = arith.mulf %mul3A_98, %mul3A_98 : vector<1x6400xf32>
    %add3A_107 = arith.addf %mul3A_105, %mul3A_106 : vector<1x6400xf32>
    %mul3A_108 = arith.mulf %mul3A_104, %mul3A_104 : vector<1x6400xf32>
    %add3A_109 = arith.addf %add3A_107, %mul3A_108 : vector<1x6400xf32>
    %add3A_110 = arith.constant 9.99999993E-9 : f32
    %add3A_111 = vector.broadcast %add3A_110 : f32 to vector<1x6400xf32>
    %add3A_112 = arith.addf %add3A_109, %add3A_111 : vector<1x6400xf32>
    %sqrt3A_113 = math.sqrt %add3A_112 : vector<1x6400xf32>
    %convert_element_type3A_114 = arith.truncf %max3A_86 : vector<32x6400xf32> to vector<32x6400xbf16>
    %get3A_115 = arith.constant 0 : index
    %get3A_116 = arith.constant 0 : index
    %get3A_117 = vector.load %arg9[%get3A_115, %get3A_116] : memref<32x32xbf16, #tpu.memory_space<vmem>>, vector<32x32xbf16>
    %dot_general3A_118 = arith.constant dense<0.000000e+00> : vector<32x6400xf32>
    %dot_general3A_119 = tpu.matmul %get3A_117, %convert_element_type3A_114, %dot_general3A_118 {dimension_numbers = #tpu.dot_dimension_numbers<[1], [0], [0], [1], [0, 0, 1, 1], [], []>, transpose_lhs_hint = false} : vector<32x32xbf16>, vector<32x6400xbf16>, vector<32x6400xf32> -> vector<32x6400xf32>
    %get3A_120 = arith.constant 0 : index
    %get3A_121 = arith.constant 0 : index
    %get3A_122 = vector.load %arg10[%get3A_120, %get3A_121] : memref<32x1xf32, #tpu.memory_space<vmem>>, vector<32x1xf32>
    %mul3A_123 = vector.broadcast %get3A_122 : vector<32x1xf32> to vector<32x6400xf32>
    %mul3A_124 = vector.broadcast %sqrt3A_113 : vector<1x6400xf32> to vector<32x6400xf32>
    %mul3A_125 = arith.mulf %mul3A_123, %mul3A_124 : vector<32x6400xf32>
    %add3A_126 = arith.addf %dot_general3A_119, %mul3A_125 : vector<32x6400xf32>
    %get3A_127 = arith.constant 0 : index
    %get3A_128 = arith.constant 0 : index
    %get3A_129 = vector.load %arg11[%get3A_127, %get3A_128] : memref<32x1xf32, #tpu.memory_space<vmem>>, vector<32x1xf32>
    %add3A_130 = vector.broadcast %get3A_129 : vector<32x1xf32> to vector<32x6400xf32>
    %add3A_131 = arith.addf %add3A_126, %add3A_130 : vector<32x6400xf32>
    %get3A_132 = arith.constant 0 : index
    %get3A_133 = arith.constant 1 : index
    %get3A_134 = vector.load %arg15[%get3A_132, %get3A_133] : memref<1x16xf32, #tpu.memory_space<vmem>>, vector<1x1xf32>
    %get3A_135 = vector.extract %get3A_134[0, 0] : f32 from vector<1x1xf32>
    %mul3A_136 = vector.broadcast %get3A_135 : f32 to vector<1x6400xf32>
    %mul3A_137 = arith.mulf %mul3A_92, %mul3A_136 : vector<1x6400xf32>
    %get3A_138 = arith.constant 0 : index
    %get3A_139 = arith.constant 1 : index
    %get3A_140 = vector.load %arg15[%get3A_138, %get3A_139] : memref<1x16xf32, #tpu.memory_space<vmem>>, vector<1x1xf32>
    %get3A_141 = vector.extract %get3A_140[0, 0] : f32 from vector<1x1xf32>
    %mul3A_142 = vector.broadcast %get3A_141 : f32 to vector<1x6400xf32>
    %mul3A_143 = arith.mulf %mul3A_98, %mul3A_142 : vector<1x6400xf32>
    %get3A_144 = arith.constant 0 : index
    %get3A_145 = arith.constant 1 : index
    %get3A_146 = vector.load %arg15[%get3A_144, %get3A_145] : memref<1x16xf32, #tpu.memory_space<vmem>>, vector<1x1xf32>
    %get3A_147 = vector.extract %get3A_146[0, 0] : f32 from vector<1x1xf32>
    %mul3A_148 = vector.broadcast %get3A_147 : f32 to vector<1x6400xf32>
    %mul3A_149 = arith.mulf %mul3A_104, %mul3A_148 : vector<1x6400xf32>
    %mul3A_150 = arith.mulf %mul3A_137, %mul3A_137 : vector<1x6400xf32>
    %mul3A_151 = arith.mulf %mul3A_143, %mul3A_143 : vector<1x6400xf32>
    %add3A_152 = arith.addf %mul3A_150, %mul3A_151 : vector<1x6400xf32>
    %mul3A_153 = arith.mulf %mul3A_149, %mul3A_149 : vector<1x6400xf32>
    %add3A_154 = arith.addf %add3A_152, %mul3A_153 : vector<1x6400xf32>
    %add3A_155 = arith.constant 9.99999993E-9 : f32
    %add3A_156 = vector.broadcast %add3A_155 : f32 to vector<1x6400xf32>
    %add3A_157 = arith.addf %add3A_154, %add3A_156 : vector<1x6400xf32>
    %sqrt3A_158 = math.sqrt %add3A_157 : vector<1x6400xf32>
    %logistic3A_159 = arith.negf %sqrt3A_158 : vector<1x6400xf32>
    %logistic3A_160 = math.exp %logistic3A_159 : vector<1x6400xf32>
    %logistic3A_161 = arith.constant 1.000000e+00 : f32
    %logistic3A_162 = vector.broadcast %logistic3A_161 : f32 to vector<1x6400xf32>
    %logistic3A_163 = arith.addf %logistic3A_162, %logistic3A_160 : vector<1x6400xf32>
    %logistic3A_164 = arith.divf %logistic3A_162, %logistic3A_163 : vector<1x6400xf32>
    %mul3A_165 = arith.mulf %mul3A_137, %logistic3A_164 : vector<1x6400xf32>
    %mul3A_166 = arith.mulf %mul3A_143, %logistic3A_164 : vector<1x6400xf32>
    %mul3A_167 = arith.mulf %mul3A_149, %logistic3A_164 : vector<1x6400xf32>
    %max3A_168 = arith.constant 0.000000e+00 : f32
    %max3A_169 = vector.broadcast %max3A_168 : f32 to vector<32x6400xf32>
    %max3A_170 = arith.maximumf %add3A_131, %max3A_169 : vector<32x6400xf32>
    %get3A_171 = arith.constant 0 : index
    %get3A_172 = arith.constant 2 : index
    %get3A_173 = vector.load %arg15[%get3A_171, %get3A_172] : memref<1x16xf32, #tpu.memory_space<vmem>>, vector<1x1xf32>
    %get3A_174 = vector.extract %get3A_173[0, 0] : f32 from vector<1x1xf32>
    %mul3A_175 = vector.broadcast %get3A_174 : f32 to vector<1x6400xf32>
    %mul3A_176 = arith.mulf %mul3A_165, %mul3A_175 : vector<1x6400xf32>
    %get3A_177 = arith.constant 0 : index
    %get3A_178 = arith.constant 2 : index
    %get3A_179 = vector.load %arg15[%get3A_177, %get3A_178] : memref<1x16xf32, #tpu.memory_space<vmem>>, vector<1x1xf32>
    %get3A_180 = vector.extract %get3A_179[0, 0] : f32 from vector<1x1xf32>
    %mul3A_181 = vector.broadcast %get3A_180 : f32 to vector<1x6400xf32>
    %mul3A_182 = arith.mulf %mul3A_166, %mul3A_181 : vector<1x6400xf32>
    %get3A_183 = arith.constant 0 : index
    %get3A_184 = arith.constant 2 : index
    %get3A_185 = vector.load %arg15[%get3A_183, %get3A_184] : memref<1x16xf32, #tpu.memory_space<vmem>>, vector<1x1xf32>
    %get3A_186 = vector.extract %get3A_185[0, 0] : f32 from vector<1x1xf32>
    %mul3A_187 = vector.broadcast %get3A_186 : f32 to vector<1x6400xf32>
    %mul3A_188 = arith.mulf %mul3A_167, %mul3A_187 : vector<1x6400xf32>
    %mul3A_189 = arith.mulf %mul3A_176, %mul3A_176 : vector<1x6400xf32>
    %mul3A_190 = arith.mulf %mul3A_182, %mul3A_182 : vector<1x6400xf32>
    %add3A_191 = arith.addf %mul3A_189, %mul3A_190 : vector<1x6400xf32>
    %mul3A_192 = arith.mulf %mul3A_188, %mul3A_188 : vector<1x6400xf32>
    %add3A_193 = arith.addf %add3A_191, %mul3A_192 : vector<1x6400xf32>
    %add3A_194 = arith.constant 9.99999993E-9 : f32
    %add3A_195 = vector.broadcast %add3A_194 : f32 to vector<1x6400xf32>
    %add3A_196 = arith.addf %add3A_193, %add3A_195 : vector<1x6400xf32>
    %sqrt3A_197 = math.sqrt %add3A_196 : vector<1x6400xf32>
    %convert_element_type3A_198 = arith.truncf %max3A_170 : vector<32x6400xf32> to vector<32x6400xbf16>
    %get3A_199 = arith.constant 0 : index
    %get3A_200 = arith.constant 0 : index
    %get3A_201 = vector.load %arg12[%get3A_199, %get3A_200] : memref<32x32xbf16, #tpu.memory_space<vmem>>, vector<32x32xbf16>
    %dot_general3A_202 = arith.constant dense<0.000000e+00> : vector<32x6400xf32>
    %dot_general3A_203 = tpu.matmul %get3A_201, %convert_element_type3A_198, %dot_general3A_202 {dimension_numbers = #tpu.dot_dimension_numbers<[1], [0], [0], [1], [0, 0, 1, 1], [], []>, transpose_lhs_hint = false} : vector<32x32xbf16>, vector<32x6400xbf16>, vector<32x6400xf32> -> vector<32x6400xf32>
    %get3A_204 = arith.constant 0 : index
    %get3A_205 = arith.constant 0 : index
    %get3A_206 = vector.load %arg13[%get3A_204, %get3A_205] : memref<32x1xf32, #tpu.memory_space<vmem>>, vector<32x1xf32>
    %mul3A_207 = vector.broadcast %get3A_206 : vector<32x1xf32> to vector<32x6400xf32>
    %mul3A_208 = vector.broadcast %sqrt3A_197 : vector<1x6400xf32> to vector<32x6400xf32>
    %mul3A_209 = arith.mulf %mul3A_207, %mul3A_208 : vector<32x6400xf32>
    %add3A_210 = arith.addf %dot_general3A_203, %mul3A_209 : vector<32x6400xf32>
    %get3A_211 = arith.constant 0 : index
    %get3A_212 = arith.constant 0 : index
    %get3A_213 = vector.load %arg14[%get3A_211, %get3A_212] : memref<32x1xf32, #tpu.memory_space<vmem>>, vector<32x1xf32>
    %add3A_214 = vector.broadcast %get3A_213 : vector<32x1xf32> to vector<32x6400xf32>
    %add3A_215 = arith.addf %add3A_210, %add3A_214 : vector<32x6400xf32>
    %get3A_216 = arith.constant 0 : index
    %get3A_217 = arith.constant 3 : index
    %get3A_218 = vector.load %arg15[%get3A_216, %get3A_217] : memref<1x16xf32, #tpu.memory_space<vmem>>, vector<1x1xf32>
    %get3A_219 = vector.extract %get3A_218[0, 0] : f32 from vector<1x1xf32>
    %mul3A_220 = vector.broadcast %get3A_219 : f32 to vector<1x6400xf32>
    %mul3A_221 = arith.mulf %mul3A_176, %mul3A_220 : vector<1x6400xf32>
    %get3A_222 = arith.constant 0 : index
    %get3A_223 = arith.constant 3 : index
    %get3A_224 = vector.load %arg15[%get3A_222, %get3A_223] : memref<1x16xf32, #tpu.memory_space<vmem>>, vector<1x1xf32>
    %get3A_225 = vector.extract %get3A_224[0, 0] : f32 from vector<1x1xf32>
    %mul3A_226 = vector.broadcast %get3A_225 : f32 to vector<1x6400xf32>
    %mul3A_227 = arith.mulf %mul3A_182, %mul3A_226 : vector<1x6400xf32>
    %get3A_228 = arith.constant 0 : index
    %get3A_229 = arith.constant 3 : index
    %get3A_230 = vector.load %arg15[%get3A_228, %get3A_229] : memref<1x16xf32, #tpu.memory_space<vmem>>, vector<1x1xf32>
    %get3A_231 = vector.extract %get3A_230[0, 0] : f32 from vector<1x1xf32>
    %mul3A_232 = vector.broadcast %get3A_231 : f32 to vector<1x6400xf32>
    %mul3A_233 = arith.mulf %mul3A_188, %mul3A_232 : vector<1x6400xf32>
    %add3A_234 = arith.addf %get3A_1, %add3A_215 : vector<32x6400xf32>
    %add3A_235 = arith.addf %slice3A, %mul3A_221 : vector<1x6400xf32>
    %add3A_236 = arith.addf %slice3A_5, %mul3A_227 : vector<1x6400xf32>
    %add3A_237 = arith.addf %slice3A_6, %mul3A_233 : vector<1x6400xf32>
    %mul3A_238 = arith.mulf %add3A_235, %add3A_235 : vector<1x6400xf32>
    %mul3A_239 = arith.mulf %add3A_236, %add3A_236 : vector<1x6400xf32>
    %add3A_240 = arith.addf %mul3A_238, %mul3A_239 : vector<1x6400xf32>
    %mul3A_241 = arith.mulf %add3A_237, %add3A_237 : vector<1x6400xf32>
    %add3A_242 = arith.addf %add3A_240, %mul3A_241 : vector<1x6400xf32>
    %add3A_243 = arith.constant 9.99999993E-9 : f32
    %add3A_244 = vector.broadcast %add3A_243 : f32 to vector<1x6400xf32>
    %add3A_245 = arith.addf %add3A_242, %add3A_244 : vector<1x6400xf32>
    %rsqrt3A = math.rsqrt %add3A_245 : vector<1x6400xf32>
    %mul3A_246 = arith.mulf %add3A_235, %rsqrt3A : vector<1x6400xf32>
    %mul3A_247 = arith.mulf %add3A_236, %rsqrt3A : vector<1x6400xf32>
    %mul3A_248 = arith.mulf %add3A_237, %rsqrt3A : vector<1x6400xf32>
    %convert_element_type3A_249 = arith.truncf %add3A_234 : vector<32x6400xf32> to vector<32x6400xbf16>
    %get3A_250 = arith.constant 0 : index
    %get3A_251 = arith.constant 0 : index
    %get3A_252 = vector.load %arg18[%get3A_250, %get3A_251] : memref<1x32xbf16, #tpu.memory_space<vmem>>, vector<1x32xbf16>
    %dot_general3A_253 = arith.constant dense<0.000000e+00> : vector<1x6400xf32>
    %dot_general3A_254 = tpu.matmul %get3A_252, %convert_element_type3A_249, %dot_general3A_253 {dimension_numbers = #tpu.dot_dimension_numbers<[1], [0], [0], [1], [0, 0, 1, 1], [], []>, transpose_lhs_hint = false} : vector<1x32xbf16>, vector<32x6400xbf16>, vector<1x6400xf32> -> vector<1x6400xf32>
    %mul3A_255 = arith.mulf %add3A_234, %add3A_234 : vector<32x6400xf32>
    %convert_element_type3A_256 = arith.truncf %mul3A_255 : vector<32x6400xf32> to vector<32x6400xbf16>
    %get3A_257 = arith.constant 0 : index
    %get3A_258 = arith.constant 0 : index
    %get3A_259 = vector.load %arg18[%get3A_257, %get3A_258] : memref<1x32xbf16, #tpu.memory_space<vmem>>, vector<1x32xbf16>
    %dot_general3A_260 = arith.constant dense<0.000000e+00> : vector<1x6400xf32>
    %dot_general3A_261 = tpu.matmul %get3A_259, %convert_element_type3A_256, %dot_general3A_260 {dimension_numbers = #tpu.dot_dimension_numbers<[1], [0], [0], [1], [0, 0, 1, 1], [], []>, transpose_lhs_hint = false} : vector<1x32xbf16>, vector<32x6400xbf16>, vector<1x6400xf32> -> vector<1x6400xf32>
    %mul3A_262 = arith.mulf %dot_general3A_254, %dot_general3A_254 : vector<1x6400xf32>
    %sub3A = arith.subf %dot_general3A_261, %mul3A_262 : vector<1x6400xf32>
    %sub3A_263 = vector.broadcast %dot_general3A_254 : vector<1x6400xf32> to vector<32x6400xf32>
    %sub3A_264 = arith.subf %add3A_234, %sub3A_263 : vector<32x6400xf32>
    %add3A_265 = arith.constant 9.99999974E-6 : f32
    %add3A_266 = vector.broadcast %add3A_265 : f32 to vector<1x6400xf32>
    %add3A_267 = arith.addf %sub3A, %add3A_266 : vector<1x6400xf32>
    %rsqrt3A_268 = math.rsqrt %add3A_267 : vector<1x6400xf32>
    %mul3A_269 = vector.broadcast %rsqrt3A_268 : vector<1x6400xf32> to vector<32x6400xf32>
    %mul3A_270 = arith.mulf %sub3A_264, %mul3A_269 : vector<32x6400xf32>
    %get3A_271 = arith.constant 0 : index
    %get3A_272 = arith.constant 0 : index
    %get3A_273 = vector.load %arg16[%get3A_271, %get3A_272] : memref<32x1xf32, #tpu.memory_space<vmem>>, vector<32x1xf32>
    %mul3A_274 = vector.broadcast %get3A_273 : vector<32x1xf32> to vector<32x6400xf32>
    %mul3A_275 = arith.mulf %mul3A_270, %mul3A_274 : vector<32x6400xf32>
    %get3A_276 = arith.constant 0 : index
    %get3A_277 = arith.constant 0 : index
    %get3A_278 = vector.load %arg17[%get3A_276, %get3A_277] : memref<32x1xf32, #tpu.memory_space<vmem>>, vector<32x1xf32>
    %add3A_279 = vector.broadcast %get3A_278 : vector<32x1xf32> to vector<32x6400xf32>
    %add3A_280 = arith.addf %mul3A_275, %add3A_279 : vector<32x6400xf32>
    %get3A_281 = arith.constant 0 : index
    %get3A_282 = arith.constant 4 : index
    %get3A_283 = vector.load %arg15[%get3A_281, %get3A_282] : memref<1x16xf32, #tpu.memory_space<vmem>>, vector<1x1xf32>
    %get3A_284 = vector.extract %get3A_283[0, 0] : f32 from vector<1x1xf32>
    %mul3A_285 = vector.broadcast %get3A_284 : f32 to vector<1x6400xf32>
    %mul3A_286 = arith.mulf %mul3A_246, %mul3A_285 : vector<1x6400xf32>
    %get3A_287 = arith.constant 0 : index
    %get3A_288 = arith.constant 4 : index
    %get3A_289 = vector.load %arg15[%get3A_287, %get3A_288] : memref<1x16xf32, #tpu.memory_space<vmem>>, vector<1x1xf32>
    %get3A_290 = vector.extract %get3A_289[0, 0] : f32 from vector<1x1xf32>
    %mul3A_291 = vector.broadcast %get3A_290 : f32 to vector<1x6400xf32>
    %mul3A_292 = arith.mulf %mul3A_247, %mul3A_291 : vector<1x6400xf32>
    %get3A_293 = arith.constant 0 : index
    %get3A_294 = arith.constant 4 : index
    %get3A_295 = vector.load %arg15[%get3A_293, %get3A_294] : memref<1x16xf32, #tpu.memory_space<vmem>>, vector<1x1xf32>
    %get3A_296 = vector.extract %get3A_295[0, 0] : f32 from vector<1x1xf32>
    %mul3A_297 = vector.broadcast %get3A_296 : f32 to vector<1x6400xf32>
    %mul3A_298 = arith.mulf %mul3A_248, %mul3A_297 : vector<1x6400xf32>
    %get3A_299 = arith.constant 0 : index
    %get3A_300 = arith.constant 5 : index
    %get3A_301 = vector.load %arg15[%get3A_299, %get3A_300] : memref<1x16xf32, #tpu.memory_space<vmem>>, vector<1x1xf32>
    %get3A_302 = vector.extract %get3A_301[0, 0] : f32 from vector<1x1xf32>
    %mul3A_303 = vector.broadcast %get3A_302 : f32 to vector<1x6400xf32>
    %mul3A_304 = arith.mulf %mul3A_246, %mul3A_303 : vector<1x6400xf32>
    %get3A_305 = arith.constant 0 : index
    %get3A_306 = arith.constant 5 : index
    %get3A_307 = vector.load %arg15[%get3A_305, %get3A_306] : memref<1x16xf32, #tpu.memory_space<vmem>>, vector<1x1xf32>
    %get3A_308 = vector.extract %get3A_307[0, 0] : f32 from vector<1x1xf32>
    %mul3A_309 = vector.broadcast %get3A_308 : f32 to vector<1x6400xf32>
    %mul3A_310 = arith.mulf %mul3A_247, %mul3A_309 : vector<1x6400xf32>
    %get3A_311 = arith.constant 0 : index
    %get3A_312 = arith.constant 5 : index
    %get3A_313 = vector.load %arg15[%get3A_311, %get3A_312] : memref<1x16xf32, #tpu.memory_space<vmem>>, vector<1x1xf32>
    %get3A_314 = vector.extract %get3A_313[0, 0] : f32 from vector<1x1xf32>
    %mul3A_315 = vector.broadcast %get3A_314 : f32 to vector<1x6400xf32>
    %mul3A_316 = arith.mulf %mul3A_248, %mul3A_315 : vector<1x6400xf32>
    %mul3A_317 = arith.mulf %mul3A_286, %mul3A_286 : vector<1x6400xf32>
    %mul3A_318 = arith.mulf %mul3A_292, %mul3A_292 : vector<1x6400xf32>
    %add3A_319 = arith.addf %mul3A_317, %mul3A_318 : vector<1x6400xf32>
    %mul3A_320 = arith.mulf %mul3A_298, %mul3A_298 : vector<1x6400xf32>
    %add3A_321 = arith.addf %add3A_319, %mul3A_320 : vector<1x6400xf32>
    %add3A_322 = arith.constant 9.99999993E-9 : f32
    %add3A_323 = vector.broadcast %add3A_322 : f32 to vector<1x6400xf32>
    %add3A_324 = arith.addf %add3A_321, %add3A_323 : vector<1x6400xf32>
    %sqrt3A_325 = math.sqrt %add3A_324 : vector<1x6400xf32>
    %mul3A_326 = arith.mulf %mul3A_304, %mul3A_304 : vector<1x6400xf32>
    %mul3A_327 = arith.mulf %mul3A_310, %mul3A_310 : vector<1x6400xf32>
    %add3A_328 = arith.addf %mul3A_326, %mul3A_327 : vector<1x6400xf32>
    %mul3A_329 = arith.mulf %mul3A_316, %mul3A_316 : vector<1x6400xf32>
    %add3A_330 = arith.addf %add3A_328, %mul3A_329 : vector<1x6400xf32>
    %add3A_331 = arith.constant 9.99999993E-9 : f32
    %add3A_332 = vector.broadcast %add3A_331 : f32 to vector<1x6400xf32>
    %add3A_333 = arith.addf %add3A_330, %add3A_332 : vector<1x6400xf32>
    %sqrt3A_334 = math.sqrt %add3A_333 : vector<1x6400xf32>
    %convert_element_type3A_335 = arith.truncf %add3A_280 : vector<32x6400xf32> to vector<32x6400xbf16>
    %convert_element_type3A_336 = arith.truncf %sqrt3A_325 : vector<1x6400xf32> to vector<1x6400xbf16>
    %convert_element_type3A_337 = arith.truncf %sqrt3A_334 : vector<1x6400xf32> to vector<1x6400xbf16>
    %concatenate3A_338 = tpu.concatenate %convert_element_type3A_335, %convert_element_type3A_336, %convert_element_type3A_337 in 0 : vector<32x6400xbf16>, vector<1x6400xbf16>, vector<1x6400xbf16> -> vector<34x6400xbf16>
    %get3A_339 = arith.constant 0 : index
    %get3A_340 = arith.constant 0 : index
    %get3A_341 = vector.load %arg19[%get3A_339, %get3A_340] : memref<128x34xbf16, #tpu.memory_space<vmem>>, vector<128x34xbf16>
    %dot_general3A_342 = arith.constant dense<0.000000e+00> : vector<128x6400xf32>
    %dot_general3A_343 = tpu.matmul %get3A_341, %concatenate3A_338, %dot_general3A_342 {dimension_numbers = #tpu.dot_dimension_numbers<[1], [0], [0], [1], [0, 0, 1, 1], [], []>, transpose_lhs_hint = false} : vector<128x34xbf16>, vector<34x6400xbf16>, vector<128x6400xf32> -> vector<128x6400xf32>
    %convert_element_type3A_344 = arith.truncf %dot_general3A_343 : vector<128x6400xf32> to vector<128x6400xbf16>
    %get3A_345 = arith.constant 0 : index
    %get3A_346 = arith.constant 0 : index
    %get3A_347 = vector.load %arg20[%get3A_345, %get3A_346] : memref<128x1xbf16, #tpu.memory_space<vmem>>, vector<128x1xbf16>
    %add3A_348 = vector.broadcast %get3A_347 : vector<128x1xbf16> to vector<128x6400xbf16>
    %add3A_349 = arith.addf %convert_element_type3A_344, %add3A_348 : vector<128x6400xbf16>
    %get3A_350 = arith.constant 0 : index
    %get3A_351 = arith.constant 6 : index
    %get3A_352 = vector.load %arg15[%get3A_350, %get3A_351] : memref<1x16xf32, #tpu.memory_space<vmem>>, vector<1x1xf32>
    %get3A_353 = vector.extract %get3A_352[0, 0] : f32 from vector<1x1xf32>
    %mul3A_354 = vector.broadcast %get3A_353 : f32 to vector<1x6400xf32>
    %mul3A_355 = arith.mulf %mul3A_354, %mul3A_286 : vector<1x6400xf32>
    %get3A_356 = arith.constant 0 : index
    %get3A_357 = arith.constant 7 : index
    %get3A_358 = vector.load %arg15[%get3A_356, %get3A_357] : memref<1x16xf32, #tpu.memory_space<vmem>>, vector<1x1xf32>
    %get3A_359 = vector.extract %get3A_358[0, 0] : f32 from vector<1x1xf32>
    %mul3A_360 = vector.broadcast %get3A_359 : f32 to vector<1x6400xf32>
    %mul3A_361 = arith.mulf %mul3A_360, %mul3A_304 : vector<1x6400xf32>
    %add3A_362 = arith.addf %mul3A_355, %mul3A_361 : vector<1x6400xf32>
    %get3A_363 = arith.constant 0 : index
    %get3A_364 = arith.constant 6 : index
    %get3A_365 = vector.load %arg15[%get3A_363, %get3A_364] : memref<1x16xf32, #tpu.memory_space<vmem>>, vector<1x1xf32>
    %get3A_366 = vector.extract %get3A_365[0, 0] : f32 from vector<1x1xf32>
    %mul3A_367 = vector.broadcast %get3A_366 : f32 to vector<1x6400xf32>
    %mul3A_368 = arith.mulf %mul3A_367, %mul3A_292 : vector<1x6400xf32>
    %get3A_369 = arith.constant 0 : index
    %get3A_370 = arith.constant 7 : index
    %get3A_371 = vector.load %arg15[%get3A_369, %get3A_370] : memref<1x16xf32, #tpu.memory_space<vmem>>, vector<1x1xf32>
    %get3A_372 = vector.extract %get3A_371[0, 0] : f32 from vector<1x1xf32>
    %mul3A_373 = vector.broadcast %get3A_372 : f32 to vector<1x6400xf32>
    %mul3A_374 = arith.mulf %mul3A_373, %mul3A_310 : vector<1x6400xf32>
    %add3A_375 = arith.addf %mul3A_368, %mul3A_374 : vector<1x6400xf32>
    %get3A_376 = arith.constant 0 : index
    %get3A_377 = arith.constant 6 : index
    %get3A_378 = vector.load %arg15[%get3A_376, %get3A_377] : memref<1x16xf32, #tpu.memory_space<vmem>>, vector<1x1xf32>
    %get3A_379 = vector.extract %get3A_378[0, 0] : f32 from vector<1x1xf32>
    %mul3A_380 = vector.broadcast %get3A_379 : f32 to vector<1x6400xf32>
    %mul3A_381 = arith.mulf %mul3A_380, %mul3A_298 : vector<1x6400xf32>
    %get3A_382 = arith.constant 0 : index
    %get3A_383 = arith.constant 7 : index
    %get3A_384 = vector.load %arg15[%get3A_382, %get3A_383] : memref<1x16xf32, #tpu.memory_space<vmem>>, vector<1x1xf32>
    %get3A_385 = vector.extract %get3A_384[0, 0] : f32 from vector<1x1xf32>
    %mul3A_386 = vector.broadcast %get3A_385 : f32 to vector<1x6400xf32>
    %mul3A_387 = arith.mulf %mul3A_386, %mul3A_316 : vector<1x6400xf32>
    %add3A_388 = arith.addf %mul3A_381, %mul3A_387 : vector<1x6400xf32>
    %get3A_389 = arith.constant 0 : index
    %get3A_390 = arith.constant 8 : index
    %get3A_391 = vector.load %arg15[%get3A_389, %get3A_390] : memref<1x16xf32, #tpu.memory_space<vmem>>, vector<1x1xf32>
    %get3A_392 = vector.extract %get3A_391[0, 0] : f32 from vector<1x1xf32>
    %mul3A_393 = vector.broadcast %get3A_392 : f32 to vector<1x6400xf32>
    %mul3A_394 = arith.mulf %mul3A_393, %mul3A_286 : vector<1x6400xf32>
    %get3A_395 = arith.constant 0 : index
    %get3A_396 = arith.constant 9 : index
    %get3A_397 = vector.load %arg15[%get3A_395, %get3A_396] : memref<1x16xf32, #tpu.memory_space<vmem>>, vector<1x1xf32>
    %get3A_398 = vector.extract %get3A_397[0, 0] : f32 from vector<1x1xf32>
    %mul3A_399 = vector.broadcast %get3A_398 : f32 to vector<1x6400xf32>
    %mul3A_400 = arith.mulf %mul3A_399, %mul3A_304 : vector<1x6400xf32>
    %add3A_401 = arith.addf %mul3A_394, %mul3A_400 : vector<1x6400xf32>
    %get3A_402 = arith.constant 0 : index
    %get3A_403 = arith.constant 8 : index
    %get3A_404 = vector.load %arg15[%get3A_402, %get3A_403] : memref<1x16xf32, #tpu.memory_space<vmem>>, vector<1x1xf32>
    %get3A_405 = vector.extract %get3A_404[0, 0] : f32 from vector<1x1xf32>
    %mul3A_406 = vector.broadcast %get3A_405 : f32 to vector<1x6400xf32>
    %mul3A_407 = arith.mulf %mul3A_406, %mul3A_292 : vector<1x6400xf32>
    %get3A_408 = arith.constant 0 : index
    %get3A_409 = arith.constant 9 : index
    %get3A_410 = vector.load %arg15[%get3A_408, %get3A_409] : memref<1x16xf32, #tpu.memory_space<vmem>>, vector<1x1xf32>
    %get3A_411 = vector.extract %get3A_410[0, 0] : f32 from vector<1x1xf32>
    %mul3A_412 = vector.broadcast %get3A_411 : f32 to vector<1x6400xf32>
    %mul3A_413 = arith.mulf %mul3A_412, %mul3A_310 : vector<1x6400xf32>
    %add3A_414 = arith.addf %mul3A_407, %mul3A_413 : vector<1x6400xf32>
    %get3A_415 = arith.constant 0 : index
    %get3A_416 = arith.constant 8 : index
    %get3A_417 = vector.load %arg15[%get3A_415, %get3A_416] : memref<1x16xf32, #tpu.memory_space<vmem>>, vector<1x1xf32>
    %get3A_418 = vector.extract %get3A_417[0, 0] : f32 from vector<1x1xf32>
    %mul3A_419 = vector.broadcast %get3A_418 : f32 to vector<1x6400xf32>
    %mul3A_420 = arith.mulf %mul3A_419, %mul3A_298 : vector<1x6400xf32>
    %get3A_421 = arith.constant 0 : index
    %get3A_422 = arith.constant 9 : index
    %get3A_423 = vector.load %arg15[%get3A_421, %get3A_422] : memref<1x16xf32, #tpu.memory_space<vmem>>, vector<1x1xf32>
    %get3A_424 = vector.extract %get3A_423[0, 0] : f32 from vector<1x1xf32>
    %mul3A_425 = vector.broadcast %get3A_424 : f32 to vector<1x6400xf32>
    %mul3A_426 = arith.mulf %mul3A_425, %mul3A_316 : vector<1x6400xf32>
    %add3A_427 = arith.addf %mul3A_420, %mul3A_426 : vector<1x6400xf32>
    %mul3A_428 = arith.mulf %add3A_362, %add3A_362 : vector<1x6400xf32>
    %mul3A_429 = arith.mulf %add3A_375, %add3A_375 : vector<1x6400xf32>
    %add3A_430 = arith.addf %mul3A_428, %mul3A_429 : vector<1x6400xf32>
    %mul3A_431 = arith.mulf %add3A_388, %add3A_388 : vector<1x6400xf32>
    %add3A_432 = arith.addf %add3A_430, %mul3A_431 : vector<1x6400xf32>
    %add3A_433 = arith.constant 9.99999993E-9 : f32
    %add3A_434 = vector.broadcast %add3A_433 : f32 to vector<1x6400xf32>
    %add3A_435 = arith.addf %add3A_432, %add3A_434 : vector<1x6400xf32>
    %sqrt3A_436 = math.sqrt %add3A_435 : vector<1x6400xf32>
    %logistic3A_437 = arith.negf %sqrt3A_436 : vector<1x6400xf32>
    %logistic3A_438 = math.exp %logistic3A_437 : vector<1x6400xf32>
    %logistic3A_439 = arith.constant 1.000000e+00 : f32
    %logistic3A_440 = vector.broadcast %logistic3A_439 : f32 to vector<1x6400xf32>
    %logistic3A_441 = arith.addf %logistic3A_440, %logistic3A_438 : vector<1x6400xf32>
    %logistic3A_442 = arith.divf %logistic3A_440, %logistic3A_441 : vector<1x6400xf32>
    %mul3A_443 = arith.mulf %add3A_401, %add3A_401 : vector<1x6400xf32>
    %mul3A_444 = arith.mulf %add3A_414, %add3A_414 : vector<1x6400xf32>
    %add3A_445 = arith.addf %mul3A_443, %mul3A_444 : vector<1x6400xf32>
    %mul3A_446 = arith.mulf %add3A_427, %add3A_427 : vector<1x6400xf32>
    %add3A_447 = arith.addf %add3A_445, %mul3A_446 : vector<1x6400xf32>
    %add3A_448 = arith.constant 9.99999993E-9 : f32
    %add3A_449 = vector.broadcast %add3A_448 : f32 to vector<1x6400xf32>
    %add3A_450 = arith.addf %add3A_447, %add3A_449 : vector<1x6400xf32>
    %sqrt3A_451 = math.sqrt %add3A_450 : vector<1x6400xf32>
    %logistic3A_452 = arith.negf %sqrt3A_451 : vector<1x6400xf32>
    %logistic3A_453 = math.exp %logistic3A_452 : vector<1x6400xf32>
    %logistic3A_454 = arith.constant 1.000000e+00 : f32
    %logistic3A_455 = vector.broadcast %logistic3A_454 : f32 to vector<1x6400xf32>
    %logistic3A_456 = arith.addf %logistic3A_455, %logistic3A_453 : vector<1x6400xf32>
    %logistic3A_457 = arith.divf %logistic3A_455, %logistic3A_456 : vector<1x6400xf32>
    %mul3A_458 = arith.mulf %add3A_362, %logistic3A_442 : vector<1x6400xf32>
    %mul3A_459 = arith.mulf %add3A_375, %logistic3A_442 : vector<1x6400xf32>
    %mul3A_460 = arith.mulf %add3A_388, %logistic3A_442 : vector<1x6400xf32>
    %mul3A_461 = arith.mulf %add3A_401, %logistic3A_457 : vector<1x6400xf32>
    %mul3A_462 = arith.mulf %add3A_414, %logistic3A_457 : vector<1x6400xf32>
    %mul3A_463 = arith.mulf %add3A_427, %logistic3A_457 : vector<1x6400xf32>
    %max3A_464 = arith.constant 0.000000e+00 : bf16
    %max3A_465 = vector.broadcast %max3A_464 : bf16 to vector<128x6400xbf16>
    %max3A_466 = arith.maximumf %add3A_349, %max3A_465 : vector<128x6400xbf16>
    %get3A_467 = arith.constant 0 : index
    %get3A_468 = arith.constant 10 : index
    %get3A_469 = vector.load %arg15[%get3A_467, %get3A_468] : memref<1x16xf32, #tpu.memory_space<vmem>>, vector<1x1xf32>
    %get3A_470 = vector.extract %get3A_469[0, 0] : f32 from vector<1x1xf32>
    %mul3A_471 = vector.broadcast %get3A_470 : f32 to vector<1x6400xf32>
    %mul3A_472 = arith.mulf %mul3A_471, %mul3A_458 : vector<1x6400xf32>
    %get3A_473 = arith.constant 0 : index
    %get3A_474 = arith.constant 11 : index
    %get3A_475 = vector.load %arg15[%get3A_473, %get3A_474] : memref<1x16xf32, #tpu.memory_space<vmem>>, vector<1x1xf32>
    %get3A_476 = vector.extract %get3A_475[0, 0] : f32 from vector<1x1xf32>
    %mul3A_477 = vector.broadcast %get3A_476 : f32 to vector<1x6400xf32>
    %mul3A_478 = arith.mulf %mul3A_477, %mul3A_461 : vector<1x6400xf32>
    %add3A_479 = arith.addf %mul3A_472, %mul3A_478 : vector<1x6400xf32>
    %get3A_480 = arith.constant 0 : index
    %get3A_481 = arith.constant 10 : index
    %get3A_482 = vector.load %arg15[%get3A_480, %get3A_481] : memref<1x16xf32, #tpu.memory_space<vmem>>, vector<1x1xf32>
    %get3A_483 = vector.extract %get3A_482[0, 0] : f32 from vector<1x1xf32>
    %mul3A_484 = vector.broadcast %get3A_483 : f32 to vector<1x6400xf32>
    %mul3A_485 = arith.mulf %mul3A_484, %mul3A_459 : vector<1x6400xf32>
    %get3A_486 = arith.constant 0 : index
    %get3A_487 = arith.constant 11 : index
    %get3A_488 = vector.load %arg15[%get3A_486, %get3A_487] : memref<1x16xf32, #tpu.memory_space<vmem>>, vector<1x1xf32>
    %get3A_489 = vector.extract %get3A_488[0, 0] : f32 from vector<1x1xf32>
    %mul3A_490 = vector.broadcast %get3A_489 : f32 to vector<1x6400xf32>
    %mul3A_491 = arith.mulf %mul3A_490, %mul3A_462 : vector<1x6400xf32>
    %add3A_492 = arith.addf %mul3A_485, %mul3A_491 : vector<1x6400xf32>
    %get3A_493 = arith.constant 0 : index
    %get3A_494 = arith.constant 10 : index
    %get3A_495 = vector.load %arg15[%get3A_493, %get3A_494] : memref<1x16xf32, #tpu.memory_space<vmem>>, vector<1x1xf32>
    %get3A_496 = vector.extract %get3A_495[0, 0] : f32 from vector<1x1xf32>
    %mul3A_497 = vector.broadcast %get3A_496 : f32 to vector<1x6400xf32>
    %mul3A_498 = arith.mulf %mul3A_497, %mul3A_460 : vector<1x6400xf32>
    %get3A_499 = arith.constant 0 : index
    %get3A_500 = arith.constant 11 : index
    %get3A_501 = vector.load %arg15[%get3A_499, %get3A_500] : memref<1x16xf32, #tpu.memory_space<vmem>>, vector<1x1xf32>
    %get3A_502 = vector.extract %get3A_501[0, 0] : f32 from vector<1x1xf32>
    %mul3A_503 = vector.broadcast %get3A_502 : f32 to vector<1x6400xf32>
    %mul3A_504 = arith.mulf %mul3A_503, %mul3A_463 : vector<1x6400xf32>
    %add3A_505 = arith.addf %mul3A_498, %mul3A_504 : vector<1x6400xf32>
    %get3A_506 = arith.constant 0 : index
    %get3A_507 = arith.constant 12 : index
    %get3A_508 = vector.load %arg15[%get3A_506, %get3A_507] : memref<1x16xf32, #tpu.memory_space<vmem>>, vector<1x1xf32>
    %get3A_509 = vector.extract %get3A_508[0, 0] : f32 from vector<1x1xf32>
    %mul3A_510 = vector.broadcast %get3A_509 : f32 to vector<1x6400xf32>
    %mul3A_511 = arith.mulf %mul3A_510, %mul3A_458 : vector<1x6400xf32>
    %get3A_512 = arith.constant 0 : index
    %get3A_513 = arith.constant 13 : index
    %get3A_514 = vector.load %arg15[%get3A_512, %get3A_513] : memref<1x16xf32, #tpu.memory_space<vmem>>, vector<1x1xf32>
    %get3A_515 = vector.extract %get3A_514[0, 0] : f32 from vector<1x1xf32>
    %mul3A_516 = vector.broadcast %get3A_515 : f32 to vector<1x6400xf32>
    %mul3A_517 = arith.mulf %mul3A_516, %mul3A_461 : vector<1x6400xf32>
    %add3A_518 = arith.addf %mul3A_511, %mul3A_517 : vector<1x6400xf32>
    %get3A_519 = arith.constant 0 : index
    %get3A_520 = arith.constant 12 : index
    %get3A_521 = vector.load %arg15[%get3A_519, %get3A_520] : memref<1x16xf32, #tpu.memory_space<vmem>>, vector<1x1xf32>
    %get3A_522 = vector.extract %get3A_521[0, 0] : f32 from vector<1x1xf32>
    %mul3A_523 = vector.broadcast %get3A_522 : f32 to vector<1x6400xf32>
    %mul3A_524 = arith.mulf %mul3A_523, %mul3A_459 : vector<1x6400xf32>
    %get3A_525 = arith.constant 0 : index
    %get3A_526 = arith.constant 13 : index
    %get3A_527 = vector.load %arg15[%get3A_525, %get3A_526] : memref<1x16xf32, #tpu.memory_space<vmem>>, vector<1x1xf32>
    %get3A_528 = vector.extract %get3A_527[0, 0] : f32 from vector<1x1xf32>
    %mul3A_529 = vector.broadcast %get3A_528 : f32 to vector<1x6400xf32>
    %mul3A_530 = arith.mulf %mul3A_529, %mul3A_462 : vector<1x6400xf32>
    %add3A_531 = arith.addf %mul3A_524, %mul3A_530 : vector<1x6400xf32>
    %get3A_532 = arith.constant 0 : index
    %get3A_533 = arith.constant 12 : index
    %get3A_534 = vector.load %arg15[%get3A_532, %get3A_533] : memref<1x16xf32, #tpu.memory_space<vmem>>, vector<1x1xf32>
    %get3A_535 = vector.extract %get3A_534[0, 0] : f32 from vector<1x1xf32>
    %mul3A_536 = vector.broadcast %get3A_535 : f32 to vector<1x6400xf32>
    %mul3A_537 = arith.mulf %mul3A_536, %mul3A_460 : vector<1x6400xf32>
    %get3A_538 = arith.constant 0 : index
    %get3A_539 = arith.constant 13 : index
    %get3A_540 = vector.load %arg15[%get3A_538, %get3A_539] : memref<1x16xf32, #tpu.memory_space<vmem>>, vector<1x1xf32>
    %get3A_541 = vector.extract %get3A_540[0, 0] : f32 from vector<1x1xf32>
    %mul3A_542 = vector.broadcast %get3A_541 : f32 to vector<1x6400xf32>
    %mul3A_543 = arith.mulf %mul3A_542, %mul3A_463 : vector<1x6400xf32>
    %add3A_544 = arith.addf %mul3A_537, %mul3A_543 : vector<1x6400xf32>
    %mul3A_545 = arith.mulf %add3A_479, %add3A_479 : vector<1x6400xf32>
    %mul3A_546 = arith.mulf %add3A_492, %add3A_492 : vector<1x6400xf32>
    %add3A_547 = arith.addf %mul3A_545, %mul3A_546 : vector<1x6400xf32>
    %mul3A_548 = arith.mulf %add3A_505, %add3A_505 : vector<1x6400xf32>
    %add3A_549 = arith.addf %add3A_547, %mul3A_548 : vector<1x6400xf32>
    %add3A_550 = arith.constant 9.99999993E-9 : f32
    %add3A_551 = vector.broadcast %add3A_550 : f32 to vector<1x6400xf32>
    %add3A_552 = arith.addf %add3A_549, %add3A_551 : vector<1x6400xf32>
    %sqrt3A_553 = math.sqrt %add3A_552 : vector<1x6400xf32>
    %mul3A_554 = arith.mulf %add3A_518, %add3A_518 : vector<1x6400xf32>
    %mul3A_555 = arith.mulf %add3A_531, %add3A_531 : vector<1x6400xf32>
    %add3A_556 = arith.addf %mul3A_554, %mul3A_555 : vector<1x6400xf32>
    %mul3A_557 = arith.mulf %add3A_544, %add3A_544 : vector<1x6400xf32>
    %add3A_558 = arith.addf %add3A_556, %mul3A_557 : vector<1x6400xf32>
    %add3A_559 = arith.constant 9.99999993E-9 : f32
    %add3A_560 = vector.broadcast %add3A_559 : f32 to vector<1x6400xf32>
    %add3A_561 = arith.addf %add3A_558, %add3A_560 : vector<1x6400xf32>
    %sqrt3A_562 = math.sqrt %add3A_561 : vector<1x6400xf32>
    %convert_element_type3A_563 = arith.truncf %sqrt3A_553 : vector<1x6400xf32> to vector<1x6400xbf16>
    %convert_element_type3A_564 = arith.truncf %sqrt3A_562 : vector<1x6400xf32> to vector<1x6400xbf16>
    %concatenate3A_565 = tpu.concatenate %max3A_466, %convert_element_type3A_563, %convert_element_type3A_564 in 0 : vector<128x6400xbf16>, vector<1x6400xbf16>, vector<1x6400xbf16> -> vector<130x6400xbf16>
    %get3A_566 = arith.constant 0 : index
    %get3A_567 = arith.constant 0 : index
    %get3A_568 = vector.load %arg21[%get3A_566, %get3A_567] : memref<32x130xbf16, #tpu.memory_space<vmem>>, vector<32x130xbf16>
    %dot_general3A_569 = arith.constant dense<0.000000e+00> : vector<32x6400xf32>
    %dot_general3A_570 = tpu.matmul %get3A_568, %concatenate3A_565, %dot_general3A_569 {dimension_numbers = #tpu.dot_dimension_numbers<[1], [0], [0], [1], [0, 0, 1, 1], [], []>, transpose_lhs_hint = false} : vector<32x130xbf16>, vector<130x6400xbf16>, vector<32x6400xf32> -> vector<32x6400xf32>
    %get3A_571 = arith.constant 0 : index
    %get3A_572 = arith.constant 0 : index
    %get3A_573 = vector.load %arg22[%get3A_571, %get3A_572] : memref<32x1xf32, #tpu.memory_space<vmem>>, vector<32x1xf32>
    %add3A_574 = vector.broadcast %get3A_573 : vector<32x1xf32> to vector<32x6400xf32>
    %add3A_575 = arith.addf %dot_general3A_570, %add3A_574 : vector<32x6400xf32>
    %get3A_576 = arith.constant 0 : index
    %get3A_577 = arith.constant 14 : index
    %get3A_578 = vector.load %arg15[%get3A_576, %get3A_577] : memref<1x16xf32, #tpu.memory_space<vmem>>, vector<1x1xf32>
    %get3A_579 = vector.extract %get3A_578[0, 0] : f32 from vector<1x1xf32>
    %mul3A_580 = vector.broadcast %get3A_579 : f32 to vector<1x6400xf32>
    %mul3A_581 = arith.mulf %mul3A_580, %add3A_479 : vector<1x6400xf32>
    %get3A_582 = arith.constant 0 : index
    %get3A_583 = arith.constant 15 : index
    %get3A_584 = vector.load %arg15[%get3A_582, %get3A_583] : memref<1x16xf32, #tpu.memory_space<vmem>>, vector<1x1xf32>
    %get3A_585 = vector.extract %get3A_584[0, 0] : f32 from vector<1x1xf32>
    %mul3A_586 = vector.broadcast %get3A_585 : f32 to vector<1x6400xf32>
    %mul3A_587 = arith.mulf %mul3A_586, %add3A_518 : vector<1x6400xf32>
    %add3A_588 = arith.addf %mul3A_581, %mul3A_587 : vector<1x6400xf32>
    %get3A_589 = arith.constant 0 : index
    %get3A_590 = arith.constant 14 : index
    %get3A_591 = vector.load %arg15[%get3A_589, %get3A_590] : memref<1x16xf32, #tpu.memory_space<vmem>>, vector<1x1xf32>
    %get3A_592 = vector.extract %get3A_591[0, 0] : f32 from vector<1x1xf32>
    %mul3A_593 = vector.broadcast %get3A_592 : f32 to vector<1x6400xf32>
    %mul3A_594 = arith.mulf %mul3A_593, %add3A_492 : vector<1x6400xf32>
    %get3A_595 = arith.constant 0 : index
    %get3A_596 = arith.constant 15 : index
    %get3A_597 = vector.load %arg15[%get3A_595, %get3A_596] : memref<1x16xf32, #tpu.memory_space<vmem>>, vector<1x1xf32>
    %get3A_598 = vector.extract %get3A_597[0, 0] : f32 from vector<1x1xf32>
    %mul3A_599 = vector.broadcast %get3A_598 : f32 to vector<1x6400xf32>
    %mul3A_600 = arith.mulf %mul3A_599, %add3A_531 : vector<1x6400xf32>
    %add3A_601 = arith.addf %mul3A_594, %mul3A_600 : vector<1x6400xf32>
    %get3A_602 = arith.constant 0 : index
    %get3A_603 = arith.constant 14 : index
    %get3A_604 = vector.load %arg15[%get3A_602, %get3A_603] : memref<1x16xf32, #tpu.memory_space<vmem>>, vector<1x1xf32>
    %get3A_605 = vector.extract %get3A_604[0, 0] : f32 from vector<1x1xf32>
    %mul3A_606 = vector.broadcast %get3A_605 : f32 to vector<1x6400xf32>
    %mul3A_607 = arith.mulf %mul3A_606, %add3A_505 : vector<1x6400xf32>
    %get3A_608 = arith.constant 0 : index
    %get3A_609 = arith.constant 15 : index
    %get3A_610 = vector.load %arg15[%get3A_608, %get3A_609] : memref<1x16xf32, #tpu.memory_space<vmem>>, vector<1x1xf32>
    %get3A_611 = vector.extract %get3A_610[0, 0] : f32 from vector<1x1xf32>
    %mul3A_612 = vector.broadcast %get3A_611 : f32 to vector<1x6400xf32>
    %mul3A_613 = arith.mulf %mul3A_612, %add3A_544 : vector<1x6400xf32>
    %add3A_614 = arith.addf %mul3A_607, %mul3A_613 : vector<1x6400xf32>
    %add3A_615 = arith.addf %add3A_280, %add3A_575 : vector<32x6400xf32>
    %add3A_616 = arith.addf %mul3A_246, %add3A_588 : vector<1x6400xf32>
    %add3A_617 = arith.addf %mul3A_247, %add3A_601 : vector<1x6400xf32>
    %add3A_618 = arith.addf %mul3A_248, %add3A_614 : vector<1x6400xf32>
    %mul3A_619 = arith.mulf %add3A_616, %add3A_616 : vector<1x6400xf32>
    %mul3A_620 = arith.mulf %add3A_617, %add3A_617 : vector<1x6400xf32>
    %add3A_621 = arith.addf %mul3A_619, %mul3A_620 : vector<1x6400xf32>
    %mul3A_622 = arith.mulf %add3A_618, %add3A_618 : vector<1x6400xf32>
    %add3A_623 = arith.addf %add3A_621, %mul3A_622 : vector<1x6400xf32>
    %add3A_624 = arith.constant 9.99999993E-9 : f32
    %add3A_625 = vector.broadcast %add3A_624 : f32 to vector<1x6400xf32>
    %add3A_626 = arith.addf %add3A_623, %add3A_625 : vector<1x6400xf32>
    %rsqrt3A_627 = math.rsqrt %add3A_626 : vector<1x6400xf32>
    %mul3A_628 = arith.mulf %add3A_616, %rsqrt3A_627 : vector<1x6400xf32>
    %mul3A_629 = arith.mulf %add3A_617, %rsqrt3A_627 : vector<1x6400xf32>
    %mul3A_630 = arith.mulf %add3A_618, %rsqrt3A_627 : vector<1x6400xf32>
    %convert_element_type3A_631 = arith.truncf %add3A_615 : vector<32x6400xf32> to vector<32x6400xbf16>
    %get3A_632 = arith.constant 0 : index
    %get3A_633 = arith.constant 0 : index
    %get3A_634 = vector.load %arg18[%get3A_632, %get3A_633] : memref<1x32xbf16, #tpu.memory_space<vmem>>, vector<1x32xbf16>
    %dot_general3A_635 = arith.constant dense<0.000000e+00> : vector<1x6400xf32>
    %dot_general3A_636 = tpu.matmul %get3A_634, %convert_element_type3A_631, %dot_general3A_635 {dimension_numbers = #tpu.dot_dimension_numbers<[1], [0], [0], [1], [0, 0, 1, 1], [], []>, transpose_lhs_hint = false} : vector<1x32xbf16>, vector<32x6400xbf16>, vector<1x6400xf32> -> vector<1x6400xf32>
    %mul3A_637 = arith.mulf %add3A_615, %add3A_615 : vector<32x6400xf32>
    %convert_element_type3A_638 = arith.truncf %mul3A_637 : vector<32x6400xf32> to vector<32x6400xbf16>
    %get3A_639 = arith.constant 0 : index
    %get3A_640 = arith.constant 0 : index
    %get3A_641 = vector.load %arg18[%get3A_639, %get3A_640] : memref<1x32xbf16, #tpu.memory_space<vmem>>, vector<1x32xbf16>
    %dot_general3A_642 = arith.constant dense<0.000000e+00> : vector<1x6400xf32>
    %dot_general3A_643 = tpu.matmul %get3A_641, %convert_element_type3A_638, %dot_general3A_642 {dimension_numbers = #tpu.dot_dimension_numbers<[1], [0], [0], [1], [0, 0, 1, 1], [], []>, transpose_lhs_hint = false} : vector<1x32xbf16>, vector<32x6400xbf16>, vector<1x6400xf32> -> vector<1x6400xf32>
    %mul3A_644 = arith.mulf %dot_general3A_636, %dot_general3A_636 : vector<1x6400xf32>
    %sub3A_645 = arith.subf %dot_general3A_643, %mul3A_644 : vector<1x6400xf32>
    %sub3A_646 = vector.broadcast %dot_general3A_636 : vector<1x6400xf32> to vector<32x6400xf32>
    %sub3A_647 = arith.subf %add3A_615, %sub3A_646 : vector<32x6400xf32>
    %add3A_648 = arith.constant 9.99999974E-6 : f32
    %add3A_649 = vector.broadcast %add3A_648 : f32 to vector<1x6400xf32>
    %add3A_650 = arith.addf %sub3A_645, %add3A_649 : vector<1x6400xf32>
    %rsqrt3A_651 = math.rsqrt %add3A_650 : vector<1x6400xf32>
    %mul3A_652 = vector.broadcast %rsqrt3A_651 : vector<1x6400xf32> to vector<32x6400xf32>
    %mul3A_653 = arith.mulf %sub3A_647, %mul3A_652 : vector<32x6400xf32>
    %get3A_654 = arith.constant 0 : index
    %get3A_655 = arith.constant 0 : index
    %get3A_656 = vector.load %arg23[%get3A_654, %get3A_655] : memref<32x1xf32, #tpu.memory_space<vmem>>, vector<32x1xf32>
    %mul3A_657 = vector.broadcast %get3A_656 : vector<32x1xf32> to vector<32x6400xf32>
    %mul3A_658 = arith.mulf %mul3A_653, %mul3A_657 : vector<32x6400xf32>
    %get3A_659 = arith.constant 0 : index
    %get3A_660 = arith.constant 0 : index
    %get3A_661 = vector.load %arg24[%get3A_659, %get3A_660] : memref<32x1xf32, #tpu.memory_space<vmem>>, vector<32x1xf32>
    %add3A_662 = vector.broadcast %get3A_661 : vector<32x1xf32> to vector<32x6400xf32>
    %add3A_663 = arith.addf %mul3A_658, %add3A_662 : vector<32x6400xf32>
    %swap3A = arith.constant 0 : index
    %swap3A_664 = arith.constant 0 : index
    %swap3A_665 = vector.load %arg25[%swap3A, %swap3A_664] : memref<32x6400xf32, #tpu.memory_space<vmem>>, vector<32x6400xf32>
    tpu.vector_store %arg25[%swap3A, %swap3A_664], %add3A_663 {strides = array<i32>} : memref<32x6400xf32, #tpu.memory_space<vmem>>, vector<32x6400xf32>,
    %concatenate3A_666 = tpu.concatenate %mul3A_628, %mul3A_629, %mul3A_630 in 0 : vector<1x6400xf32>, vector<1x6400xf32>, vector<1x6400xf32> -> vector<3x6400xf32>
    %swap3A_667 = arith.constant 0 : index
    %swap3A_668 = arith.constant 0 : index
    %swap3A_669 = vector.load %arg26[%swap3A_667, %swap3A_668] : memref<3x6400xf32, #tpu.memory_space<vmem>>, vector<3x6400xf32>
    tpu.vector_store %arg26[%swap3A_667, %swap3A_668], %concatenate3A_666 {strides = array<i32>} : memref<3x6400xf32, #tpu.memory_space<vmem>>, vector<3x6400xf32>,
    return
  }
  func.func @transform_0(%arg0: i32) -> (i32, i32) {
    %c0_i32 = arith.constant 0 : i32
    %c0_i32_0 = arith.constant 0 : i32
    return %arg0, %c0_i32 : i32, i32
  }
  func.func @transform_1(%arg0: i32) -> (i32, i32) {
    %add3A = arith.constant 0 : i32
    %add3A_0 = arith.addi %arg0, %add3A : i32
    %c0_i32 = arith.constant 0 : i32
    %c0_i32_1 = arith.constant 0 : i32
    return %c0_i32, %add3A_0 : i32, i32
  }
  func.func @transform_2(%arg0: i32) -> (i32, i32) {
    %add3A = arith.constant 0 : i32
    %add3A_0 = arith.addi %arg0, %add3A : i32
    %c0_i32 = arith.constant 0 : i32
    %c0_i32_1 = arith.constant 0 : i32
    return %c0_i32, %add3A_0 : i32, i32
  }
  func.func @transform_3(%arg0: i32) -> (i32, i32) {
    %c0_i32 = arith.constant 0 : i32
    %c0_i32_0 = arith.constant 0 : i32
    %c0_i32_1 = arith.constant 0 : i32
    return %c0_i32, %c0_i32_0 : i32, i32
  }
  func.func @transform_4(%arg0: i32) -> (i32, i32) {
    %c0_i32 = arith.constant 0 : i32
    %c0_i32_0 = arith.constant 0 : i32
    %c0_i32_1 = arith.constant 0 : i32
    return %c0_i32, %c0_i32_0 : i32, i32
  }
  func.func @transform_5(%arg0: i32) -> (i32, i32) {
    %c0_i32 = arith.constant 0 : i32
    %c0_i32_0 = arith.constant 0 : i32
    %c0_i32_1 = arith.constant 0 : i32
    return %c0_i32, %c0_i32_0 : i32, i32
  }
  func.func @transform_6(%arg0: i32) -> (i32, i32) {
    %c0_i32 = arith.constant 0 : i32
    %c0_i32_0 = arith.constant 0 : i32
    %c0_i32_1 = arith.constant 0 : i32
    return %c0_i32, %c0_i32_0 : i32, i32
  }
  func.func @transform_7(%arg0: i32) -> (i32, i32) {
    %c0_i32 = arith.constant 0 : i32
    %c0_i32_0 = arith.constant 0 : i32
    %c0_i32_1 = arith.constant 0 : i32
    return %c0_i32, %c0_i32_0 : i32, i32
  }
  func.func @transform_8(%arg0: i32) -> (i32, i32) {
    %c0_i32 = arith.constant 0 : i32
    %c0_i32_0 = arith.constant 0 : i32
    %c0_i32_1 = arith.constant 0 : i32
    return %c0_i32, %c0_i32_0 : i32, i32
  }
  func.func @transform_9(%arg0: i32) -> (i32, i32) {
    %c0_i32 = arith.constant 0 : i32
    %c0_i32_0 = arith.constant 0 : i32
    %c0_i32_1 = arith.constant 0 : i32
    return %c0_i32, %c0_i32_0 : i32, i32
  }
  func.func @transform_10(%arg0: i32) -> (i32, i32) {
    %c0_i32 = arith.constant 0 : i32
    %c0_i32_0 = arith.constant 0 : i32
    %c0_i32_1 = arith.constant 0 : i32
    return %c0_i32, %c0_i32_0 : i32, i32
  }
  func.func @transform_11(%arg0: i32) -> (i32, i32) {
    %c0_i32 = arith.constant 0 : i32
    %c0_i32_0 = arith.constant 0 : i32
    %c0_i32_1 = arith.constant 0 : i32
    return %c0_i32, %c0_i32_0 : i32, i32
  }
  func.func @transform_12(%arg0: i32) -> (i32, i32) {
    %c0_i32 = arith.constant 0 : i32
    %c0_i32_0 = arith.constant 0 : i32
    %c0_i32_1 = arith.constant 0 : i32
    return %c0_i32, %c0_i32_0 : i32, i32
  }
  func.func @transform_13(%arg0: i32) -> (i32, i32) {
    %c0_i32 = arith.constant 0 : i32
    %c0_i32_0 = arith.constant 0 : i32
    %c0_i32_1 = arith.constant 0 : i32
    return %c0_i32, %c0_i32_0 : i32, i32
  }
  func.func @transform_14(%arg0: i32) -> (i32, i32) {
    %c0_i32 = arith.constant 0 : i32
    %c0_i32_0 = arith.constant 0 : i32
    %c0_i32_1 = arith.constant 0 : i32
    return %c0_i32, %c0_i32_0 : i32, i32
  }
  func.func @transform_15(%arg0: i32) -> (i32, i32) {
    %c0_i32 = arith.constant 0 : i32
    %c0_i32_0 = arith.constant 0 : i32
    %c0_i32_1 = arith.constant 0 : i32
    return %c0_i32, %c0_i32_0 : i32, i32
  }
  func.func @transform_16(%arg0: i32) -> (i32, i32) {
    %c0_i32 = arith.constant 0 : i32
    %c0_i32_0 = arith.constant 0 : i32
    %c0_i32_1 = arith.constant 0 : i32
    return %c0_i32, %c0_i32_0 : i32, i32
  }
  func.func @transform_17(%arg0: i32) -> (i32, i32) {
    %c0_i32 = arith.constant 0 : i32
    %c0_i32_0 = arith.constant 0 : i32
    %c0_i32_1 = arith.constant 0 : i32
    return %c0_i32, %c0_i32_0 : i32, i32
  }
  func.func @transform_18(%arg0: i32) -> (i32, i32) {
    %c0_i32 = arith.constant 0 : i32
    %c0_i32_0 = arith.constant 0 : i32
    %c0_i32_1 = arith.constant 0 : i32
    return %c0_i32, %c0_i32_0 : i32, i32
  }
  func.func @transform_19(%arg0: i32) -> (i32, i32) {
    %c0_i32 = arith.constant 0 : i32
    %c0_i32_0 = arith.constant 0 : i32
    %c0_i32_1 = arith.constant 0 : i32
    return %c0_i32, %c0_i32_0 : i32, i32
  }
  func.func @transform_20(%arg0: i32) -> (i32, i32) {
    %c0_i32 = arith.constant 0 : i32
    %c0_i32_0 = arith.constant 0 : i32
    %c0_i32_1 = arith.constant 0 : i32
    return %c0_i32, %c0_i32_0 : i32, i32
  }
  func.func @transform_21(%arg0: i32) -> (i32, i32) {
    %c0_i32 = arith.constant 0 : i32
    %c0_i32_0 = arith.constant 0 : i32
    %c0_i32_1 = arith.constant 0 : i32
    return %c0_i32, %c0_i32_0 : i32, i32
  }
  func.func @transform_22(%arg0: i32) -> (i32, i32) {
    %c0_i32 = arith.constant 0 : i32
    %c0_i32_0 = arith.constant 0 : i32
    %c0_i32_1 = arith.constant 0 : i32
    return %c0_i32, %c0_i32_0 : i32, i32
  }
  func.func @transform_23(%arg0: i32) -> (i32, i32) {
    %c0_i32 = arith.constant 0 : i32
    %c0_i32_0 = arith.constant 0 : i32
    %c0_i32_1 = arith.constant 0 : i32
    return %c0_i32, %c0_i32_0 : i32, i32
  }
  func.func @transform_24(%arg0: i32) -> (i32, i32) {
    %c0_i32 = arith.constant 0 : i32
    %c0_i32_0 = arith.constant 0 : i32
    return %c0_i32, %arg0 : i32, i32
  }
  func.func @transform_25(%arg0: i32) -> (i32, i32) {
    %c0_i32 = arith.constant 0 : i32
    %c0_i32_0 = arith.constant 0 : i32
    return %c0_i32, %arg0 : i32, i32
  }
}

module attributes {stable_mosaic.version = 14 : i64} {
  func.func @_tc_body(%arg0: i32, %arg1: memref<6400x128xf32, #tpu.memory_space<vmem>>, %arg2: memref<32x6400xf32, #tpu.memory_space<vmem>>, %arg3: memref<3x6400xf32, #tpu.memory_space<vmem>>, %arg4: memref<80x128xbf16, #tpu.memory_space<vmem>>, %arg5: memref<32x41xbf16, #tpu.memory_space<vmem>>, %arg6: memref<32x1xf32, #tpu.memory_space<vmem>>, %arg7: memref<9x1xf32, #tpu.memory_space<vmem>>, %arg8: memref<9x1xf32, #tpu.memory_space<vmem>>, %arg9: memref<32x32xbf16, #tpu.memory_space<vmem>>, %arg10: memref<32x1xf32, #tpu.memory_space<vmem>>, %arg11: memref<32x1xf32, #tpu.memory_space<vmem>>, %arg12: memref<32x32xbf16, #tpu.memory_space<vmem>>, %arg13: memref<32x1xf32, #tpu.memory_space<vmem>>, %arg14: memref<32x1xf32, #tpu.memory_space<vmem>>, %arg15: memref<1x16xf32, #tpu.memory_space<vmem>>, %arg16: memref<32x1xf32, #tpu.memory_space<vmem>>, %arg17: memref<32x1xf32, #tpu.memory_space<vmem>>, %arg18: memref<1x32xbf16, #tpu.memory_space<vmem>>, %arg19: memref<128x34xbf16, #tpu.memory_space<vmem>>, %arg20: memref<128x1xbf16, #tpu.memory_space<vmem>>, %arg21: memref<32x130xbf16, #tpu.memory_space<vmem>>, %arg22: memref<32x1xf32, #tpu.memory_space<vmem>>, %arg23: memref<32x1xf32, #tpu.memory_space<vmem>>, %arg24: memref<32x1xf32, #tpu.memory_space<vmem>>, %arg25: memref<32x6400xf32, #tpu.memory_space<vmem>>, %arg26: memref<3x6400xf32, #tpu.memory_space<vmem>>) attributes {dimension_semantics = [#tpu.dimension_semantics<arbitrary>], iteration_bounds = array<i64: 25>, scalar_prefetch = 0 : i64, scratch_operands = 0 : i64, tpu.core_type = #tpu.core_type<tc>, window_params = [{transform_indices = @transform_0, window_bounds = array<i64: 6400, 128>}, {transform_indices = @transform_1, window_bounds = array<i64: 32, 6400>}, {transform_indices = @transform_2, window_bounds = array<i64: 3, 6400>}, {pipeline_mode = #tpu.pipeline_mode<synchronous>, transform_indices = @transform_3, window_bounds = array<i64: 80, 128>}, {pipeline_mode = #tpu.pipeline_mode<synchronous>, transform_indices = @transform_4, window_bounds = array<i64: 32, 41>}, {pipeline_mode = #tpu.pipeline_mode<synchronous>, transform_indices = @transform_5, window_bounds = array<i64: 32, 1>}, {pipeline_mode = #tpu.pipeline_mode<synchronous>, transform_indices = @transform_6, window_bounds = array<i64: 9, 1>}, {pipeline_mode = #tpu.pipeline_mode<synchronous>, transform_indices = @transform_7, window_bounds = array<i64: 9, 1>}, {pipeline_mode = #tpu.pipeline_mode<synchronous>, transform_indices = @transform_8, window_bounds = array<i64: 32, 32>}, {pipeline_mode = #tpu.pipeline_mode<synchronous>, transform_indices = @transform_9, window_bounds = array<i64: 32, 1>}, {pipeline_mode = #tpu.pipeline_mode<synchronous>, transform_indices = @transform_10, window_bounds = array<i64: 32, 1>}, {pipeline_mode = #tpu.pipeline_mode<synchronous>, transform_indices = @transform_11, window_bounds = array<i64: 32, 32>}, {pipeline_mode = #tpu.pipeline_mode<synchronous>, transform_indices = @transform_12, window_bounds = array<i64: 32, 1>}, {pipeline_mode = #tpu.pipeline_mode<synchronous>, transform_indices = @transform_13, window_bounds = array<i64: 32, 1>}, {pipeline_mode = #tpu.pipeline_mode<synchronous>, transform_indices = @transform_14, window_bounds = array<i64: 1, 16>}, {pipeline_mode = #tpu.pipeline_mode<synchronous>, transform_indices = @transform_15, window_bounds = array<i64: 32, 1>}, {pipeline_mode = #tpu.pipeline_mode<synchronous>, transform_indices = @transform_16, window_bounds = array<i64: 32, 1>}, {pipeline_mode = #tpu.pipeline_mode<synchronous>, transform_indices = @transform_17, window_bounds = array<i64: 1, 32>}, {pipeline_mode = #tpu.pipeline_mode<synchronous>, transform_indices = @transform_18, window_bounds = array<i64: 128, 34>}, {pipeline_mode = #tpu.pipeline_mode<synchronous>, transform_indices = @transform_19, window_bounds = array<i64: 128, 1>}, {pipeline_mode = #tpu.pipeline_mode<synchronous>, transform_indices = @transform_20, window_bounds = array<i64: 32, 130>}, {pipeline_mode = #tpu.pipeline_mode<synchronous>, transform_indices = @transform_21, window_bounds = array<i64: 32, 1>}, {pipeline_mode = #tpu.pipeline_mode<synchronous>, transform_indices = @transform_22, window_bounds = array<i64: 32, 1>}, {pipeline_mode = #tpu.pipeline_mode<synchronous>, transform_indices = @transform_23, window_bounds = array<i64: 32, 1>}, {transform_indices = @transform_24, window_bounds = array<i64: 32, 6400>}, {transform_indices = @transform_25, window_bounds = array<i64: 3, 6400>}]} {
    %get3A = arith.constant 0 : index
    %get3A_0 = arith.constant 0 : index
    %get3A_1 = vector.load %arg2[%get3A, %get3A_0] : memref<32x6400xf32, #tpu.memory_space<vmem>>, vector<32x6400xf32>
    %get3A_2 = arith.constant 0 : index
    %get3A_3 = arith.constant 0 : index
    %get3A_4 = vector.load %arg3[%get3A_2, %get3A_3] : memref<3x6400xf32, #tpu.memory_space<vmem>>, vector<3x6400xf32>
    %slice3A = vector.extract_strided_slice %get3A_4 {offsets = [0, 0], sizes = [1, 6400], strides = [1, 1]} : vector<3x6400xf32> to vector<1x6400xf32>
    %slice3A_5 = vector.extract_strided_slice %get3A_4 {offsets = [1, 0], sizes = [1, 6400], strides = [1, 1]} : vector<3x6400xf32> to vector<1x6400xf32>
    %slice3A_6 = vector.extract_strided_slice %get3A_4 {offsets = [2, 0], sizes = [1, 6400], strides = [1, 1]} : vector<3x6400xf32> to vector<1x6400xf32>
    %get3A_7 = arith.constant 0 : index
    %get3A_8 = arith.constant 0 : index
    %get3A_9 = vector.load %arg4[%get3A_7, %get3A_8] : memref<80x128xbf16, #tpu.memory_space<vmem>>, vector<80x128xbf16>
    %get3A_10 = arith.constant 0 : index
    %get3A_11 = arith.constant 0 : index
    %get3A_12 = vector.load %arg1[%get3A_10, %get3A_11] : memref<6400x128xf32, #tpu.memory_space<vmem>>, vector<6400x128xf32>
    %convert_element_type3A = arith.truncf %get3A_12 : vector<6400x128xf32> to vector<6400x128xbf16>
    %dot_general3A = arith.constant dense<0.000000e+00> : vector<80x6400xf32>
    %dot_general3A_13 = tpu.matmul %get3A_9, %convert_element_type3A, %dot_general3A {dimension_numbers = #tpu.dot_dimension_numbers<[1], [1], [0], [0], [0, 0, 1, 0], [], []>, transpose_lhs_hint = false} : vector<80x128xbf16>, vector<6400x128xbf16>, vector<80x6400xf32> -> vector<80x6400xf32>
    %get3A_14 = arith.constant 0 : index
    %get3A_15 = arith.constant 0 : index
    %get3A_16 = vector.load %arg8[%get3A_14, %get3A_15] : memref<9x1xf32, #tpu.memory_space<vmem>>, vector<9x1xf32>
    %slice3A_17 = vector.extract_strided_slice %dot_general3A_13 {offsets = [32, 0], sizes = [9, 6400], strides = [1, 1]} : vector<80x6400xf32> to vector<9x6400xf32>
    %mul3A = vector.broadcast %get3A_16 : vector<9x1xf32> to vector<9x6400xf32>
    %mul3A_18 = vector.broadcast %slice3A : vector<1x6400xf32> to vector<9x6400xf32>
    %mul3A_19 = arith.mulf %mul3A, %mul3A_18 : vector<9x6400xf32>
    %add3A = arith.addf %slice3A_17, %mul3A_19 : vector<9x6400xf32>
    %slice3A_20 = vector.extract_strided_slice %dot_general3A_13 {offsets = [48, 0], sizes = [9, 6400], strides = [1, 1]} : vector<80x6400xf32> to vector<9x6400xf32>
    %mul3A_21 = vector.broadcast %get3A_16 : vector<9x1xf32> to vector<9x6400xf32>
    %mul3A_22 = vector.broadcast %slice3A_5 : vector<1x6400xf32> to vector<9x6400xf32>
    %mul3A_23 = arith.mulf %mul3A_21, %mul3A_22 : vector<9x6400xf32>
    %add3A_24 = arith.addf %slice3A_20, %mul3A_23 : vector<9x6400xf32>
    %slice3A_25 = vector.extract_strided_slice %dot_general3A_13 {offsets = [64, 0], sizes = [9, 6400], strides = [1, 1]} : vector<80x6400xf32> to vector<9x6400xf32>
    %mul3A_26 = vector.broadcast %get3A_16 : vector<9x1xf32> to vector<9x6400xf32>
    %mul3A_27 = vector.broadcast %slice3A_6 : vector<1x6400xf32> to vector<9x6400xf32>
    %mul3A_28 = arith.mulf %mul3A_26, %mul3A_27 : vector<9x6400xf32>
    %add3A_29 = arith.addf %slice3A_25, %mul3A_28 : vector<9x6400xf32>
    %mul3A_30 = arith.mulf %add3A, %add3A : vector<9x6400xf32>
    %mul3A_31 = arith.mulf %add3A_24, %add3A_24 : vector<9x6400xf32>
    %add3A_32 = arith.addf %mul3A_30, %mul3A_31 : vector<9x6400xf32>
    %mul3A_33 = arith.mulf %add3A_29, %add3A_29 : vector<9x6400xf32>
    %add3A_34 = arith.addf %add3A_32, %mul3A_33 : vector<9x6400xf32>
    %add3A_35 = arith.constant 9.99999993E-9 : f32
    %add3A_36 = vector.broadcast %add3A_35 : f32 to vector<9x6400xf32>
    %add3A_37 = arith.addf %add3A_34, %add3A_36 : vector<9x6400xf32>
    %sqrt3A = math.sqrt %add3A_37 : vector<9x6400xf32>
    %convert_element_type3A_38 = arith.truncf %get3A_1 : vector<32x6400xf32> to vector<32x6400xbf16>
    %convert_element_type3A_39 = arith.truncf %sqrt3A : vector<9x6400xf32> to vector<9x6400xbf16>
    %concatenate3A = tpu.concatenate %convert_element_type3A_38, %convert_element_type3A_39 in 0 : vector<32x6400xbf16>, vector<9x6400xbf16> -> vector<41x6400xbf16>
    %slice3A_40 = vector.extract_strided_slice %dot_general3A_13 {offsets = [0, 0], sizes = [32, 6400], strides = [1, 1]} : vector<80x6400xf32> to vector<32x6400xf32>
    %get3A_41 = arith.constant 0 : index
    %get3A_42 = arith.constant 0 : index
    %get3A_43 = vector.load %arg5[%get3A_41, %get3A_42] : memref<32x41xbf16, #tpu.memory_space<vmem>>, vector<32x41xbf16>
    %dot_general3A_44 = arith.constant dense<0.000000e+00> : vector<32x6400xf32>
    %dot_general3A_45 = tpu.matmul %get3A_43, %concatenate3A, %dot_general3A_44 {dimension_numbers = #tpu.dot_dimension_numbers<[1], [0], [0], [1], [0, 0, 1, 1], [], []>, transpose_lhs_hint = false} : vector<32x41xbf16>, vector<41x6400xbf16>, vector<32x6400xf32> -> vector<32x6400xf32>
    %add3A_46 = arith.addf %slice3A_40, %dot_general3A_45 : vector<32x6400xf32>
    %get3A_47 = arith.constant 0 : index
    %get3A_48 = arith.constant 0 : index
    %get3A_49 = vector.load %arg6[%get3A_47, %get3A_48] : memref<32x1xf32, #tpu.memory_space<vmem>>, vector<32x1xf32>
    %add3A_50 = vector.broadcast %get3A_49 : vector<32x1xf32> to vector<32x6400xf32>
    %add3A_51 = arith.addf %add3A_46, %add3A_50 : vector<32x6400xf32>
    %get3A_52 = arith.constant 0 : index
    %get3A_53 = arith.constant 0 : index
    %get3A_54 = vector.load %arg7[%get3A_52, %get3A_53] : memref<9x1xf32, #tpu.memory_space<vmem>>, vector<9x1xf32>
    %mul3A_55 = vector.broadcast %get3A_54 : vector<9x1xf32> to vector<9x6400xf32>
    %mul3A_56 = arith.mulf %add3A, %mul3A_55 : vector<9x6400xf32>
    %reduce_sum3A = arith.constant dense<0.000000e+00> : vector<6400xf32>
    %reduce_sum3A_57 = vector.multi_reduction <add>, %mul3A_56, %reduce_sum3A [0] : vector<9x6400xf32> to vector<6400xf32>
    %broadcast_in_dim3A = vector.shape_cast %reduce_sum3A_57 : vector<6400xf32> to vector<1x6400xf32>
    %mul3A_58 = vector.broadcast %get3A_54 : vector<9x1xf32> to vector<9x6400xf32>
    %mul3A_59 = arith.mulf %add3A_24, %mul3A_58 : vector<9x6400xf32>
    %reduce_sum3A_60 = arith.constant dense<0.000000e+00> : vector<6400xf32>
    %reduce_sum3A_61 = vector.multi_reduction <add>, %mul3A_59, %reduce_sum3A_60 [0] : vector<9x6400xf32> to vector<6400xf32>
    %broadcast_in_dim3A_62 = vector.shape_cast %reduce_sum3A_61 : vector<6400xf32> to vector<1x6400xf32>
    %mul3A_63 = vector.broadcast %get3A_54 : vector<9x1xf32> to vector<9x6400xf32>
    %mul3A_64 = arith.mulf %add3A_29, %mul3A_63 : vector<9x6400xf32>
    %reduce_sum3A_65 = arith.constant dense<0.000000e+00> : vector<6400xf32>
    %reduce_sum3A_66 = vector.multi_reduction <add>, %mul3A_64, %reduce_sum3A_65 [0] : vector<9x6400xf32> to vector<6400xf32>
    %broadcast_in_dim3A_67 = vector.shape_cast %reduce_sum3A_66 : vector<6400xf32> to vector<1x6400xf32>
    %mul3A_68 = arith.mulf %broadcast_in_dim3A, %broadcast_in_dim3A : vector<1x6400xf32>
    %mul3A_69 = arith.mulf %broadcast_in_dim3A_62, %broadcast_in_dim3A_62 : vector<1x6400xf32>
    %add3A_70 = arith.addf %mul3A_68, %mul3A_69 : vector<1x6400xf32>
    %mul3A_71 = arith.mulf %broadcast_in_dim3A_67, %broadcast_in_dim3A_67 : vector<1x6400xf32>
    %add3A_72 = arith.addf %add3A_70, %mul3A_71 : vector<1x6400xf32>
    %add3A_73 = arith.constant 9.99999993E-9 : f32
    %add3A_74 = vector.broadcast %add3A_73 : f32 to vector<1x6400xf32>
    %add3A_75 = arith.addf %add3A_72, %add3A_74 : vector<1x6400xf32>
    %sqrt3A_76 = math.sqrt %add3A_75 : vector<1x6400xf32>
    %logistic3A = arith.negf %sqrt3A_76 : vector<1x6400xf32>
    %logistic3A_77 = math.exp %logistic3A : vector<1x6400xf32>
    %logistic3A_78 = arith.constant 1.000000e+00 : f32
    %logistic3A_79 = vector.broadcast %logistic3A_78 : f32 to vector<1x6400xf32>
    %logistic3A_80 = arith.addf %logistic3A_79, %logistic3A_77 : vector<1x6400xf32>
    %logistic3A_81 = arith.divf %logistic3A_79, %logistic3A_80 : vector<1x6400xf32>
    %mul3A_82 = arith.mulf %broadcast_in_dim3A, %logistic3A_81 : vector<1x6400xf32>
    %mul3A_83 = arith.mulf %broadcast_in_dim3A_62, %logistic3A_81 : vector<1x6400xf32>
    %mul3A_84 = arith.mulf %broadcast_in_dim3A_67, %logistic3A_81 : vector<1x6400xf32>
    %max3A = arith.constant 0.000000e+00 : f32
    %max3A_85 = vector.broadcast %max3A : f32 to vector<32x6400xf32>
    %max3A_86 = arith.maximumf %add3A_51, %max3A_85 : vector<32x6400xf32>
    %get3A_87 = arith.constant 0 : index
    %get3A_88 = arith.constant 0 : index
    %get3A_89 = vector.load %arg15[%get3A_87, %get3A_88] : memref<1x16xf32, #tpu.memory_space<vmem>>, vector<1x1xf32>
    %get3A_90 = vector.extract %get3A_89[0, 0] : f32 from vector<1x1xf32>
    %mul3A_91 = vector.broadcast %get3A_90 : f32 to vector<1x6400xf32>
    %mul3A_92 = arith.mulf %mul3A_82, %mul3A_91 : vector<1x6400xf32>
    %get3A_93 = arith.constant 0 : index
    %get3A_94 = arith.constant 0 : index
    %get3A_95 = vector.load %arg15[%get3A_93, %get3A_94] : memref<1x16xf32, #tpu.memory_space<vmem>>, vector<1x1xf32>
    %get3A_96 = vector.extract %get3A_95[0, 0] : f32 from vector<1x1xf32>
    %mul3A_97 = vector.broadcast %get3A_96 : f32 to vector<1x6400xf32>
    %mul3A_98 = arith.mulf %mul3A_83, %mul3A_97 : vector<1x6400xf32>
    %get3A_99 = arith.constant 0 : index
    %get3A_100 = arith.constant 0 : index
    %get3A_101 = vector.load %arg15[%get3A_99, %get3A_100] : memref<1x16xf32, #tpu.memory_space<vmem>>, vector<1x1xf32>
    %get3A_102 = vector.extract %get3A_101[0, 0] : f32 from vector<1x1xf32>
    %mul3A_103 = vector.broadcast %get3A_102 : f32 to vector<1x6400xf32>
    %mul3A_104 = arith.mulf %mul3A_84, %mul3A_103 : vector<1x6400xf32>
    %mul3A_105 = arith.mulf %mul3A_92, %mul3A_92 : vector<1x6400xf32>
    %mul3A_106 = arith.mulf %mul3A_98, %mul3A_98 : vector<1x6400xf32>
    %add3A_107 = arith.addf %mul3A_105, %mul3A_106 : vector<1x6400xf32>
    %mul3A_108 = arith.mulf %mul3A_104, %mul3A_104 : vector<1x6400xf32>
    %add3A_109 = arith.addf %add3A_107, %mul3A_108 : vector<1x6400xf32>
    %add3A_110 = arith.constant 9.99999993E-9 : f32
    %add3A_111 = vector.broadcast %add3A_110 : f32 to vector<1x6400xf32>
    %add3A_112 = arith.addf %add3A_109, %add3A_111 : vector<1x6400xf32>
    %sqrt3A_113 = math.sqrt %add3A_112 : vector<1x6400xf32>
    %convert_element_type3A_114 = arith.truncf %max3A_86 : vector<32x6400xf32> to vector<32x6400xbf16>
    %get3A_115 = arith.constant 0 : index
    %get3A_116 = arith.constant 0 : index
    %get3A_117 = vector.load %arg9[%get3A_115, %get3A_116] : memref<32x32xbf16, #tpu.memory_space<vmem>>, vector<32x32xbf16>
    %dot_general3A_118 = arith.constant dense<0.000000e+00> : vector<32x6400xf32>
    %dot_general3A_119 = tpu.matmul %get3A_117, %convert_element_type3A_114, %dot_general3A_118 {dimension_numbers = #tpu.dot_dimension_numbers<[1], [0], [0], [1], [0, 0, 1, 1], [], []>, transpose_lhs_hint = false} : vector<32x32xbf16>, vector<32x6400xbf16>, vector<32x6400xf32> -> vector<32x6400xf32>
    %get3A_120 = arith.constant 0 : index
    %get3A_121 = arith.constant 0 : index
    %get3A_122 = vector.load %arg10[%get3A_120, %get3A_121] : memref<32x1xf32, #tpu.memory_space<vmem>>, vector<32x1xf32>
    %mul3A_123 = vector.broadcast %get3A_122 : vector<32x1xf32> to vector<32x6400xf32>
    %mul3A_124 = vector.broadcast %sqrt3A_113 : vector<1x6400xf32> to vector<32x6400xf32>
    %mul3A_125 = arith.mulf %mul3A_123, %mul3A_124 : vector<32x6400xf32>
    %add3A_126 = arith.addf %dot_general3A_119, %mul3A_125 : vector<32x6400xf32>
    %get3A_127 = arith.constant 0 : index
    %get3A_128 = arith.constant 0 : index
    %get3A_129 = vector.load %arg11[%get3A_127, %get3A_128] : memref<32x1xf32, #tpu.memory_space<vmem>>, vector<32x1xf32>
    %add3A_130 = vector.broadcast %get3A_129 : vector<32x1xf32> to vector<32x6400xf32>
    %add3A_131 = arith.addf %add3A_126, %add3A_130 : vector<32x6400xf32>
    %get3A_132 = arith.constant 0 : index
    %get3A_133 = arith.constant 1 : index
    %get3A_134 = vector.load %arg15[%get3A_132, %get3A_133] : memref<1x16xf32, #tpu.memory_space<vmem>>, vector<1x1xf32>
    %get3A_135 = vector.extract %get3A_134[0, 0] : f32 from vector<1x1xf32>
    %mul3A_136 = vector.broadcast %get3A_135 : f32 to vector<1x6400xf32>
    %mul3A_137 = arith.mulf %mul3A_92, %mul3A_136 : vector<1x6400xf32>
    %get3A_138 = arith.constant 0 : index
    %get3A_139 = arith.constant 1 : index
    %get3A_140 = vector.load %arg15[%get3A_138, %get3A_139] : memref<1x16xf32, #tpu.memory_space<vmem>>, vector<1x1xf32>
    %get3A_141 = vector.extract %get3A_140[0, 0] : f32 from vector<1x1xf32>
    %mul3A_142 = vector.broadcast %get3A_141 : f32 to vector<1x6400xf32>
    %mul3A_143 = arith.mulf %mul3A_98, %mul3A_142 : vector<1x6400xf32>
    %get3A_144 = arith.constant 0 : index
    %get3A_145 = arith.constant 1 : index
    %get3A_146 = vector.load %arg15[%get3A_144, %get3A_145] : memref<1x16xf32, #tpu.memory_space<vmem>>, vector<1x1xf32>
    %get3A_147 = vector.extract %get3A_146[0, 0] : f32 from vector<1x1xf32>
    %mul3A_148 = vector.broadcast %get3A_147 : f32 to vector<1x6400xf32>
    %mul3A_149 = arith.mulf %mul3A_104, %mul3A_148 : vector<1x6400xf32>
    %mul3A_150 = arith.mulf %mul3A_137, %mul3A_137 : vector<1x6400xf32>
    %mul3A_151 = arith.mulf %mul3A_143, %mul3A_143 : vector<1x6400xf32>
    %add3A_152 = arith.addf %mul3A_150, %mul3A_151 : vector<1x6400xf32>
    %mul3A_153 = arith.mulf %mul3A_149, %mul3A_149 : vector<1x6400xf32>
    %add3A_154 = arith.addf %add3A_152, %mul3A_153 : vector<1x6400xf32>
    %add3A_155 = arith.constant 9.99999993E-9 : f32
    %add3A_156 = vector.broadcast %add3A_155 : f32 to vector<1x6400xf32>
    %add3A_157 = arith.addf %add3A_154, %add3A_156 : vector<1x6400xf32>
    %sqrt3A_158 = math.sqrt %add3A_157 : vector<1x6400xf32>
    %logistic3A_159 = arith.negf %sqrt3A_158 : vector<1x6400xf32>
    %logistic3A_160 = math.exp %logistic3A_159 : vector<1x6400xf32>
    %logistic3A_161 = arith.constant 1.000000e+00 : f32
    %logistic3A_162 = vector.broadcast %logistic3A_161 : f32 to vector<1x6400xf32>
    %logistic3A_163 = arith.addf %logistic3A_162, %logistic3A_160 : vector<1x6400xf32>
    %logistic3A_164 = arith.divf %logistic3A_162, %logistic3A_163 : vector<1x6400xf32>
    %mul3A_165 = arith.mulf %mul3A_137, %logistic3A_164 : vector<1x6400xf32>
    %mul3A_166 = arith.mulf %mul3A_143, %logistic3A_164 : vector<1x6400xf32>
    %mul3A_167 = arith.mulf %mul3A_149, %logistic3A_164 : vector<1x6400xf32>
    %max3A_168 = arith.constant 0.000000e+00 : f32
    %max3A_169 = vector.broadcast %max3A_168 : f32 to vector<32x6400xf32>
    %max3A_170 = arith.maximumf %add3A_131, %max3A_169 : vector<32x6400xf32>
    %get3A_171 = arith.constant 0 : index
    %get3A_172 = arith.constant 2 : index
    %get3A_173 = vector.load %arg15[%get3A_171, %get3A_172] : memref<1x16xf32, #tpu.memory_space<vmem>>, vector<1x1xf32>
    %get3A_174 = vector.extract %get3A_173[0, 0] : f32 from vector<1x1xf32>
    %mul3A_175 = vector.broadcast %get3A_174 : f32 to vector<1x6400xf32>
    %mul3A_176 = arith.mulf %mul3A_165, %mul3A_175 : vector<1x6400xf32>
    %get3A_177 = arith.constant 0 : index
    %get3A_178 = arith.constant 2 : index
    %get3A_179 = vector.load %arg15[%get3A_177, %get3A_178] : memref<1x16xf32, #tpu.memory_space<vmem>>, vector<1x1xf32>
    %get3A_180 = vector.extract %get3A_179[0, 0] : f32 from vector<1x1xf32>
    %mul3A_181 = vector.broadcast %get3A_180 : f32 to vector<1x6400xf32>
    %mul3A_182 = arith.mulf %mul3A_166, %mul3A_181 : vector<1x6400xf32>
    %get3A_183 = arith.constant 0 : index
    %get3A_184 = arith.constant 2 : index
    %get3A_185 = vector.load %arg15[%get3A_183, %get3A_184] : memref<1x16xf32, #tpu.memory_space<vmem>>, vector<1x1xf32>
    %get3A_186 = vector.extract %get3A_185[0, 0] : f32 from vector<1x1xf32>
    %mul3A_187 = vector.broadcast %get3A_186 : f32 to vector<1x6400xf32>
    %mul3A_188 = arith.mulf %mul3A_167, %mul3A_187 : vector<1x6400xf32>
    %mul3A_189 = arith.mulf %mul3A_176, %mul3A_176 : vector<1x6400xf32>
    %mul3A_190 = arith.mulf %mul3A_182, %mul3A_182 : vector<1x6400xf32>
    %add3A_191 = arith.addf %mul3A_189, %mul3A_190 : vector<1x6400xf32>
    %mul3A_192 = arith.mulf %mul3A_188, %mul3A_188 : vector<1x6400xf32>
    %add3A_193 = arith.addf %add3A_191, %mul3A_192 : vector<1x6400xf32>
    %add3A_194 = arith.constant 9.99999993E-9 : f32
    %add3A_195 = vector.broadcast %add3A_194 : f32 to vector<1x6400xf32>
    %add3A_196 = arith.addf %add3A_193, %add3A_195 : vector<1x6400xf32>
    %sqrt3A_197 = math.sqrt %add3A_196 : vector<1x6400xf32>
    %convert_element_type3A_198 = arith.truncf %max3A_170 : vector<32x6400xf32> to vector<32x6400xbf16>
    %get3A_199 = arith.constant 0 : index
    %get3A_200 = arith.constant 0 : index
    %get3A_201 = vector.load %arg12[%get3A_199, %get3A_200] : memref<32x32xbf16, #tpu.memory_space<vmem>>, vector<32x32xbf16>
    %dot_general3A_202 = arith.constant dense<0.000000e+00> : vector<32x6400xf32>
    %dot_general3A_203 = tpu.matmul %get3A_201, %convert_element_type3A_198, %dot_general3A_202 {dimension_numbers = #tpu.dot_dimension_numbers<[1], [0], [0], [1], [0, 0, 1, 1], [], []>, transpose_lhs_hint = false} : vector<32x32xbf16>, vector<32x6400xbf16>, vector<32x6400xf32> -> vector<32x6400xf32>
    %get3A_204 = arith.constant 0 : index
    %get3A_205 = arith.constant 0 : index
    %get3A_206 = vector.load %arg13[%get3A_204, %get3A_205] : memref<32x1xf32, #tpu.memory_space<vmem>>, vector<32x1xf32>
    %mul3A_207 = vector.broadcast %get3A_206 : vector<32x1xf32> to vector<32x6400xf32>
    %mul3A_208 = vector.broadcast %sqrt3A_197 : vector<1x6400xf32> to vector<32x6400xf32>
    %mul3A_209 = arith.mulf %mul3A_207, %mul3A_208 : vector<32x6400xf32>
    %add3A_210 = arith.addf %dot_general3A_203, %mul3A_209 : vector<32x6400xf32>
    %get3A_211 = arith.constant 0 : index
    %get3A_212 = arith.constant 0 : index
    %get3A_213 = vector.load %arg14[%get3A_211, %get3A_212] : memref<32x1xf32, #tpu.memory_space<vmem>>, vector<32x1xf32>
    %add3A_214 = vector.broadcast %get3A_213 : vector<32x1xf32> to vector<32x6400xf32>
    %add3A_215 = arith.addf %add3A_210, %add3A_214 : vector<32x6400xf32>
    %get3A_216 = arith.constant 0 : index
    %get3A_217 = arith.constant 3 : index
    %get3A_218 = vector.load %arg15[%get3A_216, %get3A_217] : memref<1x16xf32, #tpu.memory_space<vmem>>, vector<1x1xf32>
    %get3A_219 = vector.extract %get3A_218[0, 0] : f32 from vector<1x1xf32>
    %mul3A_220 = vector.broadcast %get3A_219 : f32 to vector<1x6400xf32>
    %mul3A_221 = arith.mulf %mul3A_176, %mul3A_220 : vector<1x6400xf32>
    %get3A_222 = arith.constant 0 : index
    %get3A_223 = arith.constant 3 : index
    %get3A_224 = vector.load %arg15[%get3A_222, %get3A_223] : memref<1x16xf32, #tpu.memory_space<vmem>>, vector<1x1xf32>
    %get3A_225 = vector.extract %get3A_224[0, 0] : f32 from vector<1x1xf32>
    %mul3A_226 = vector.broadcast %get3A_225 : f32 to vector<1x6400xf32>
    %mul3A_227 = arith.mulf %mul3A_182, %mul3A_226 : vector<1x6400xf32>
    %get3A_228 = arith.constant 0 : index
    %get3A_229 = arith.constant 3 : index
    %get3A_230 = vector.load %arg15[%get3A_228, %get3A_229] : memref<1x16xf32, #tpu.memory_space<vmem>>, vector<1x1xf32>
    %get3A_231 = vector.extract %get3A_230[0, 0] : f32 from vector<1x1xf32>
    %mul3A_232 = vector.broadcast %get3A_231 : f32 to vector<1x6400xf32>
    %mul3A_233 = arith.mulf %mul3A_188, %mul3A_232 : vector<1x6400xf32>
    %add3A_234 = arith.addf %get3A_1, %add3A_215 : vector<32x6400xf32>
    %add3A_235 = arith.addf %slice3A, %mul3A_221 : vector<1x6400xf32>
    %add3A_236 = arith.addf %slice3A_5, %mul3A_227 : vector<1x6400xf32>
    %add3A_237 = arith.addf %slice3A_6, %mul3A_233 : vector<1x6400xf32>
    %mul3A_238 = arith.mulf %add3A_235, %add3A_235 : vector<1x6400xf32>
    %mul3A_239 = arith.mulf %add3A_236, %add3A_236 : vector<1x6400xf32>
    %add3A_240 = arith.addf %mul3A_238, %mul3A_239 : vector<1x6400xf32>
    %mul3A_241 = arith.mulf %add3A_237, %add3A_237 : vector<1x6400xf32>
    %add3A_242 = arith.addf %add3A_240, %mul3A_241 : vector<1x6400xf32>
    %add3A_243 = arith.constant 9.99999993E-9 : f32
    %add3A_244 = vector.broadcast %add3A_243 : f32 to vector<1x6400xf32>
    %add3A_245 = arith.addf %add3A_242, %add3A_244 : vector<1x6400xf32>
    %rsqrt3A = math.rsqrt %add3A_245 : vector<1x6400xf32>
    %mul3A_246 = arith.mulf %add3A_235, %rsqrt3A : vector<1x6400xf32>
    %mul3A_247 = arith.mulf %add3A_236, %rsqrt3A : vector<1x6400xf32>
    %mul3A_248 = arith.mulf %add3A_237, %rsqrt3A : vector<1x6400xf32>
    %convert_element_type3A_249 = arith.truncf %add3A_234 : vector<32x6400xf32> to vector<32x6400xbf16>
    %get3A_250 = arith.constant 0 : index
    %get3A_251 = arith.constant 0 : index
    %get3A_252 = vector.load %arg18[%get3A_250, %get3A_251] : memref<1x32xbf16, #tpu.memory_space<vmem>>, vector<1x32xbf16>
    %dot_general3A_253 = arith.constant dense<0.000000e+00> : vector<1x6400xf32>
    %dot_general3A_254 = tpu.matmul %get3A_252, %convert_element_type3A_249, %dot_general3A_253 {dimension_numbers = #tpu.dot_dimension_numbers<[1], [0], [0], [1], [0, 0, 1, 1], [], []>, transpose_lhs_hint = false} : vector<1x32xbf16>, vector<32x6400xbf16>, vector<1x6400xf32> -> vector<1x6400xf32>
    %mul3A_255 = arith.mulf %add3A_234, %add3A_234 : vector<32x6400xf32>
    %convert_element_type3A_256 = arith.truncf %mul3A_255 : vector<32x6400xf32> to vector<32x6400xbf16>
    %get3A_257 = arith.constant 0 : index
    %get3A_258 = arith.constant 0 : index
    %get3A_259 = vector.load %arg18[%get3A_257, %get3A_258] : memref<1x32xbf16, #tpu.memory_space<vmem>>, vector<1x32xbf16>
    %dot_general3A_260 = arith.constant dense<0.000000e+00> : vector<1x6400xf32>
    %dot_general3A_261 = tpu.matmul %get3A_259, %convert_element_type3A_256, %dot_general3A_260 {dimension_numbers = #tpu.dot_dimension_numbers<[1], [0], [0], [1], [0, 0, 1, 1], [], []>, transpose_lhs_hint = false} : vector<1x32xbf16>, vector<32x6400xbf16>, vector<1x6400xf32> -> vector<1x6400xf32>
    %mul3A_262 = arith.mulf %dot_general3A_254, %dot_general3A_254 : vector<1x6400xf32>
    %sub3A = arith.subf %dot_general3A_261, %mul3A_262 : vector<1x6400xf32>
    %sub3A_263 = vector.broadcast %dot_general3A_254 : vector<1x6400xf32> to vector<32x6400xf32>
    %sub3A_264 = arith.subf %add3A_234, %sub3A_263 : vector<32x6400xf32>
    %add3A_265 = arith.constant 9.99999974E-6 : f32
    %add3A_266 = vector.broadcast %add3A_265 : f32 to vector<1x6400xf32>
    %add3A_267 = arith.addf %sub3A, %add3A_266 : vector<1x6400xf32>
    %rsqrt3A_268 = math.rsqrt %add3A_267 : vector<1x6400xf32>
    %mul3A_269 = vector.broadcast %rsqrt3A_268 : vector<1x6400xf32> to vector<32x6400xf32>
    %mul3A_270 = arith.mulf %sub3A_264, %mul3A_269 : vector<32x6400xf32>
    %get3A_271 = arith.constant 0 : index
    %get3A_272 = arith.constant 0 : index
    %get3A_273 = vector.load %arg16[%get3A_271, %get3A_272] : memref<32x1xf32, #tpu.memory_space<vmem>>, vector<32x1xf32>
    %mul3A_274 = vector.broadcast %get3A_273 : vector<32x1xf32> to vector<32x6400xf32>
    %mul3A_275 = arith.mulf %mul3A_270, %mul3A_274 : vector<32x6400xf32>
    %get3A_276 = arith.constant 0 : index
    %get3A_277 = arith.constant 0 : index
    %get3A_278 = vector.load %arg17[%get3A_276, %get3A_277] : memref<32x1xf32, #tpu.memory_space<vmem>>, vector<32x1xf32>
    %add3A_279 = vector.broadcast %get3A_278 : vector<32x1xf32> to vector<32x6400xf32>
    %add3A_280 = arith.addf %mul3A_275, %add3A_279 : vector<32x6400xf32>
    %get3A_281 = arith.constant 0 : index
    %get3A_282 = arith.constant 4 : index
    %get3A_283 = vector.load %arg15[%get3A_281, %get3A_282] : memref<1x16xf32, #tpu.memory_space<vmem>>, vector<1x1xf32>
    %get3A_284 = vector.extract %get3A_283[0, 0] : f32 from vector<1x1xf32>
    %mul3A_285 = vector.broadcast %get3A_284 : f32 to vector<1x6400xf32>
    %mul3A_286 = arith.mulf %mul3A_246, %mul3A_285 : vector<1x6400xf32>
    %get3A_287 = arith.constant 0 : index
    %get3A_288 = arith.constant 4 : index
    %get3A_289 = vector.load %arg15[%get3A_287, %get3A_288] : memref<1x16xf32, #tpu.memory_space<vmem>>, vector<1x1xf32>
    %get3A_290 = vector.extract %get3A_289[0, 0] : f32 from vector<1x1xf32>
    %mul3A_291 = vector.broadcast %get3A_290 : f32 to vector<1x6400xf32>
    %mul3A_292 = arith.mulf %mul3A_247, %mul3A_291 : vector<1x6400xf32>
    %get3A_293 = arith.constant 0 : index
    %get3A_294 = arith.constant 4 : index
    %get3A_295 = vector.load %arg15[%get3A_293, %get3A_294] : memref<1x16xf32, #tpu.memory_space<vmem>>, vector<1x1xf32>
    %get3A_296 = vector.extract %get3A_295[0, 0] : f32 from vector<1x1xf32>
    %mul3A_297 = vector.broadcast %get3A_296 : f32 to vector<1x6400xf32>
    %mul3A_298 = arith.mulf %mul3A_248, %mul3A_297 : vector<1x6400xf32>
    %get3A_299 = arith.constant 0 : index
    %get3A_300 = arith.constant 5 : index
    %get3A_301 = vector.load %arg15[%get3A_299, %get3A_300] : memref<1x16xf32, #tpu.memory_space<vmem>>, vector<1x1xf32>
    %get3A_302 = vector.extract %get3A_301[0, 0] : f32 from vector<1x1xf32>
    %mul3A_303 = vector.broadcast %get3A_302 : f32 to vector<1x6400xf32>
    %mul3A_304 = arith.mulf %mul3A_246, %mul3A_303 : vector<1x6400xf32>
    %get3A_305 = arith.constant 0 : index
    %get3A_306 = arith.constant 5 : index
    %get3A_307 = vector.load %arg15[%get3A_305, %get3A_306] : memref<1x16xf32, #tpu.memory_space<vmem>>, vector<1x1xf32>
    %get3A_308 = vector.extract %get3A_307[0, 0] : f32 from vector<1x1xf32>
    %mul3A_309 = vector.broadcast %get3A_308 : f32 to vector<1x6400xf32>
    %mul3A_310 = arith.mulf %mul3A_247, %mul3A_309 : vector<1x6400xf32>
    %get3A_311 = arith.constant 0 : index
    %get3A_312 = arith.constant 5 : index
    %get3A_313 = vector.load %arg15[%get3A_311, %get3A_312] : memref<1x16xf32, #tpu.memory_space<vmem>>, vector<1x1xf32>
    %get3A_314 = vector.extract %get3A_313[0, 0] : f32 from vector<1x1xf32>
    %mul3A_315 = vector.broadcast %get3A_314 : f32 to vector<1x6400xf32>
    %mul3A_316 = arith.mulf %mul3A_248, %mul3A_315 : vector<1x6400xf32>
    %mul3A_317 = arith.mulf %mul3A_286, %mul3A_286 : vector<1x6400xf32>
    %mul3A_318 = arith.mulf %mul3A_292, %mul3A_292 : vector<1x6400xf32>
    %add3A_319 = arith.addf %mul3A_317, %mul3A_318 : vector<1x6400xf32>
    %mul3A_320 = arith.mulf %mul3A_298, %mul3A_298 : vector<1x6400xf32>
    %add3A_321 = arith.addf %add3A_319, %mul3A_320 : vector<1x6400xf32>
    %add3A_322 = arith.constant 9.99999993E-9 : f32
    %add3A_323 = vector.broadcast %add3A_322 : f32 to vector<1x6400xf32>
    %add3A_324 = arith.addf %add3A_321, %add3A_323 : vector<1x6400xf32>
    %sqrt3A_325 = math.sqrt %add3A_324 : vector<1x6400xf32>
    %mul3A_326 = arith.mulf %mul3A_304, %mul3A_304 : vector<1x6400xf32>
    %mul3A_327 = arith.mulf %mul3A_310, %mul3A_310 : vector<1x6400xf32>
    %add3A_328 = arith.addf %mul3A_326, %mul3A_327 : vector<1x6400xf32>
    %mul3A_329 = arith.mulf %mul3A_316, %mul3A_316 : vector<1x6400xf32>
    %add3A_330 = arith.addf %add3A_328, %mul3A_329 : vector<1x6400xf32>
    %add3A_331 = arith.constant 9.99999993E-9 : f32
    %add3A_332 = vector.broadcast %add3A_331 : f32 to vector<1x6400xf32>
    %add3A_333 = arith.addf %add3A_330, %add3A_332 : vector<1x6400xf32>
    %sqrt3A_334 = math.sqrt %add3A_333 : vector<1x6400xf32>
    %convert_element_type3A_335 = arith.truncf %add3A_280 : vector<32x6400xf32> to vector<32x6400xbf16>
    %convert_element_type3A_336 = arith.truncf %sqrt3A_325 : vector<1x6400xf32> to vector<1x6400xbf16>
    %convert_element_type3A_337 = arith.truncf %sqrt3A_334 : vector<1x6400xf32> to vector<1x6400xbf16>
    %concatenate3A_338 = tpu.concatenate %convert_element_type3A_335, %convert_element_type3A_336, %convert_element_type3A_337 in 0 : vector<32x6400xbf16>, vector<1x6400xbf16>, vector<1x6400xbf16> -> vector<34x6400xbf16>
    %get3A_339 = arith.constant 0 : index
    %get3A_340 = arith.constant 0 : index
    %get3A_341 = vector.load %arg19[%get3A_339, %get3A_340] : memref<128x34xbf16, #tpu.memory_space<vmem>>, vector<128x34xbf16>
    %dot_general3A_342 = arith.constant dense<0.000000e+00> : vector<128x6400xf32>
    %dot_general3A_343 = tpu.matmul %get3A_341, %concatenate3A_338, %dot_general3A_342 {dimension_numbers = #tpu.dot_dimension_numbers<[1], [0], [0], [1], [0, 0, 1, 1], [], []>, transpose_lhs_hint = false} : vector<128x34xbf16>, vector<34x6400xbf16>, vector<128x6400xf32> -> vector<128x6400xf32>
    %convert_element_type3A_344 = arith.truncf %dot_general3A_343 : vector<128x6400xf32> to vector<128x6400xbf16>
    %get3A_345 = arith.constant 0 : index
    %get3A_346 = arith.constant 0 : index
    %get3A_347 = vector.load %arg20[%get3A_345, %get3A_346] : memref<128x1xbf16, #tpu.memory_space<vmem>>, vector<128x1xbf16>
    %add3A_348 = vector.broadcast %get3A_347 : vector<128x1xbf16> to vector<128x6400xbf16>
    %add3A_349 = arith.addf %convert_element_type3A_344, %add3A_348 : vector<128x6400xbf16>
    %get3A_350 = arith.constant 0 : index
    %get3A_351 = arith.constant 6 : index
    %get3A_352 = vector.load %arg15[%get3A_350, %get3A_351] : memref<1x16xf32, #tpu.memory_space<vmem>>, vector<1x1xf32>
    %get3A_353 = vector.extract %get3A_352[0, 0] : f32 from vector<1x1xf32>
    %mul3A_354 = vector.broadcast %get3A_353 : f32 to vector<1x6400xf32>
    %mul3A_355 = arith.mulf %mul3A_354, %mul3A_286 : vector<1x6400xf32>
    %get3A_356 = arith.constant 0 : index
    %get3A_357 = arith.constant 7 : index
    %get3A_358 = vector.load %arg15[%get3A_356, %get3A_357] : memref<1x16xf32, #tpu.memory_space<vmem>>, vector<1x1xf32>
    %get3A_359 = vector.extract %get3A_358[0, 0] : f32 from vector<1x1xf32>
    %mul3A_360 = vector.broadcast %get3A_359 : f32 to vector<1x6400xf32>
    %mul3A_361 = arith.mulf %mul3A_360, %mul3A_304 : vector<1x6400xf32>
    %add3A_362 = arith.addf %mul3A_355, %mul3A_361 : vector<1x6400xf32>
    %get3A_363 = arith.constant 0 : index
    %get3A_364 = arith.constant 6 : index
    %get3A_365 = vector.load %arg15[%get3A_363, %get3A_364] : memref<1x16xf32, #tpu.memory_space<vmem>>, vector<1x1xf32>
    %get3A_366 = vector.extract %get3A_365[0, 0] : f32 from vector<1x1xf32>
    %mul3A_367 = vector.broadcast %get3A_366 : f32 to vector<1x6400xf32>
    %mul3A_368 = arith.mulf %mul3A_367, %mul3A_292 : vector<1x6400xf32>
    %get3A_369 = arith.constant 0 : index
    %get3A_370 = arith.constant 7 : index
    %get3A_371 = vector.load %arg15[%get3A_369, %get3A_370] : memref<1x16xf32, #tpu.memory_space<vmem>>, vector<1x1xf32>
    %get3A_372 = vector.extract %get3A_371[0, 0] : f32 from vector<1x1xf32>
    %mul3A_373 = vector.broadcast %get3A_372 : f32 to vector<1x6400xf32>
    %mul3A_374 = arith.mulf %mul3A_373, %mul3A_310 : vector<1x6400xf32>
    %add3A_375 = arith.addf %mul3A_368, %mul3A_374 : vector<1x6400xf32>
    %get3A_376 = arith.constant 0 : index
    %get3A_377 = arith.constant 6 : index
    %get3A_378 = vector.load %arg15[%get3A_376, %get3A_377] : memref<1x16xf32, #tpu.memory_space<vmem>>, vector<1x1xf32>
    %get3A_379 = vector.extract %get3A_378[0, 0] : f32 from vector<1x1xf32>
    %mul3A_380 = vector.broadcast %get3A_379 : f32 to vector<1x6400xf32>
    %mul3A_381 = arith.mulf %mul3A_380, %mul3A_298 : vector<1x6400xf32>
    %get3A_382 = arith.constant 0 : index
    %get3A_383 = arith.constant 7 : index
    %get3A_384 = vector.load %arg15[%get3A_382, %get3A_383] : memref<1x16xf32, #tpu.memory_space<vmem>>, vector<1x1xf32>
    %get3A_385 = vector.extract %get3A_384[0, 0] : f32 from vector<1x1xf32>
    %mul3A_386 = vector.broadcast %get3A_385 : f32 to vector<1x6400xf32>
    %mul3A_387 = arith.mulf %mul3A_386, %mul3A_316 : vector<1x6400xf32>
    %add3A_388 = arith.addf %mul3A_381, %mul3A_387 : vector<1x6400xf32>
    %get3A_389 = arith.constant 0 : index
    %get3A_390 = arith.constant 8 : index
    %get3A_391 = vector.load %arg15[%get3A_389, %get3A_390] : memref<1x16xf32, #tpu.memory_space<vmem>>, vector<1x1xf32>
    %get3A_392 = vector.extract %get3A_391[0, 0] : f32 from vector<1x1xf32>
    %mul3A_393 = vector.broadcast %get3A_392 : f32 to vector<1x6400xf32>
    %mul3A_394 = arith.mulf %mul3A_393, %mul3A_286 : vector<1x6400xf32>
    %get3A_395 = arith.constant 0 : index
    %get3A_396 = arith.constant 9 : index
    %get3A_397 = vector.load %arg15[%get3A_395, %get3A_396] : memref<1x16xf32, #tpu.memory_space<vmem>>, vector<1x1xf32>
    %get3A_398 = vector.extract %get3A_397[0, 0] : f32 from vector<1x1xf32>
    %mul3A_399 = vector.broadcast %get3A_398 : f32 to vector<1x6400xf32>
    %mul3A_400 = arith.mulf %mul3A_399, %mul3A_304 : vector<1x6400xf32>
    %add3A_401 = arith.addf %mul3A_394, %mul3A_400 : vector<1x6400xf32>
    %get3A_402 = arith.constant 0 : index
    %get3A_403 = arith.constant 8 : index
    %get3A_404 = vector.load %arg15[%get3A_402, %get3A_403] : memref<1x16xf32, #tpu.memory_space<vmem>>, vector<1x1xf32>
    %get3A_405 = vector.extract %get3A_404[0, 0] : f32 from vector<1x1xf32>
    %mul3A_406 = vector.broadcast %get3A_405 : f32 to vector<1x6400xf32>
    %mul3A_407 = arith.mulf %mul3A_406, %mul3A_292 : vector<1x6400xf32>
    %get3A_408 = arith.constant 0 : index
    %get3A_409 = arith.constant 9 : index
    %get3A_410 = vector.load %arg15[%get3A_408, %get3A_409] : memref<1x16xf32, #tpu.memory_space<vmem>>, vector<1x1xf32>
    %get3A_411 = vector.extract %get3A_410[0, 0] : f32 from vector<1x1xf32>
    %mul3A_412 = vector.broadcast %get3A_411 : f32 to vector<1x6400xf32>
    %mul3A_413 = arith.mulf %mul3A_412, %mul3A_310 : vector<1x6400xf32>
    %add3A_414 = arith.addf %mul3A_407, %mul3A_413 : vector<1x6400xf32>
    %get3A_415 = arith.constant 0 : index
    %get3A_416 = arith.constant 8 : index
    %get3A_417 = vector.load %arg15[%get3A_415, %get3A_416] : memref<1x16xf32, #tpu.memory_space<vmem>>, vector<1x1xf32>
    %get3A_418 = vector.extract %get3A_417[0, 0] : f32 from vector<1x1xf32>
    %mul3A_419 = vector.broadcast %get3A_418 : f32 to vector<1x6400xf32>
    %mul3A_420 = arith.mulf %mul3A_419, %mul3A_298 : vector<1x6400xf32>
    %get3A_421 = arith.constant 0 : index
    %get3A_422 = arith.constant 9 : index
    %get3A_423 = vector.load %arg15[%get3A_421, %get3A_422] : memref<1x16xf32, #tpu.memory_space<vmem>>, vector<1x1xf32>
    %get3A_424 = vector.extract %get3A_423[0, 0] : f32 from vector<1x1xf32>
    %mul3A_425 = vector.broadcast %get3A_424 : f32 to vector<1x6400xf32>
    %mul3A_426 = arith.mulf %mul3A_425, %mul3A_316 : vector<1x6400xf32>
    %add3A_427 = arith.addf %mul3A_420, %mul3A_426 : vector<1x6400xf32>
    %mul3A_428 = arith.mulf %add3A_362, %add3A_362 : vector<1x6400xf32>
    %mul3A_429 = arith.mulf %add3A_375, %add3A_375 : vector<1x6400xf32>
    %add3A_430 = arith.addf %mul3A_428, %mul3A_429 : vector<1x6400xf32>
    %mul3A_431 = arith.mulf %add3A_388, %add3A_388 : vector<1x6400xf32>
    %add3A_432 = arith.addf %add3A_430, %mul3A_431 : vector<1x6400xf32>
    %add3A_433 = arith.constant 9.99999993E-9 : f32
    %add3A_434 = vector.broadcast %add3A_433 : f32 to vector<1x6400xf32>
    %add3A_435 = arith.addf %add3A_432, %add3A_434 : vector<1x6400xf32>
    %sqrt3A_436 = math.sqrt %add3A_435 : vector<1x6400xf32>
    %logistic3A_437 = arith.negf %sqrt3A_436 : vector<1x6400xf32>
    %logistic3A_438 = math.exp %logistic3A_437 : vector<1x6400xf32>
    %logistic3A_439 = arith.constant 1.000000e+00 : f32
    %logistic3A_440 = vector.broadcast %logistic3A_439 : f32 to vector<1x6400xf32>
    %logistic3A_441 = arith.addf %logistic3A_440, %logistic3A_438 : vector<1x6400xf32>
    %logistic3A_442 = arith.divf %logistic3A_440, %logistic3A_441 : vector<1x6400xf32>
    %mul3A_443 = arith.mulf %add3A_401, %add3A_401 : vector<1x6400xf32>
    %mul3A_444 = arith.mulf %add3A_414, %add3A_414 : vector<1x6400xf32>
    %add3A_445 = arith.addf %mul3A_443, %mul3A_444 : vector<1x6400xf32>
    %mul3A_446 = arith.mulf %add3A_427, %add3A_427 : vector<1x6400xf32>
    %add3A_447 = arith.addf %add3A_445, %mul3A_446 : vector<1x6400xf32>
    %add3A_448 = arith.constant 9.99999993E-9 : f32
    %add3A_449 = vector.broadcast %add3A_448 : f32 to vector<1x6400xf32>
    %add3A_450 = arith.addf %add3A_447, %add3A_449 : vector<1x6400xf32>
    %sqrt3A_451 = math.sqrt %add3A_450 : vector<1x6400xf32>
    %logistic3A_452 = arith.negf %sqrt3A_451 : vector<1x6400xf32>
    %logistic3A_453 = math.exp %logistic3A_452 : vector<1x6400xf32>
    %logistic3A_454 = arith.constant 1.000000e+00 : f32
    %logistic3A_455 = vector.broadcast %logistic3A_454 : f32 to vector<1x6400xf32>
    %logistic3A_456 = arith.addf %logistic3A_455, %logistic3A_453 : vector<1x6400xf32>
    %logistic3A_457 = arith.divf %logistic3A_455, %logistic3A_456 : vector<1x6400xf32>
    %mul3A_458 = arith.mulf %add3A_362, %logistic3A_442 : vector<1x6400xf32>
    %mul3A_459 = arith.mulf %add3A_375, %logistic3A_442 : vector<1x6400xf32>
    %mul3A_460 = arith.mulf %add3A_388, %logistic3A_442 : vector<1x6400xf32>
    %mul3A_461 = arith.mulf %add3A_401, %logistic3A_457 : vector<1x6400xf32>
    %mul3A_462 = arith.mulf %add3A_414, %logistic3A_457 : vector<1x6400xf32>
    %mul3A_463 = arith.mulf %add3A_427, %logistic3A_457 : vector<1x6400xf32>
    %max3A_464 = arith.constant 0.000000e+00 : bf16
    %max3A_465 = vector.broadcast %max3A_464 : bf16 to vector<128x6400xbf16>
    %max3A_466 = arith.maximumf %add3A_349, %max3A_465 : vector<128x6400xbf16>
    %get3A_467 = arith.constant 0 : index
    %get3A_468 = arith.constant 10 : index
    %get3A_469 = vector.load %arg15[%get3A_467, %get3A_468] : memref<1x16xf32, #tpu.memory_space<vmem>>, vector<1x1xf32>
    %get3A_470 = vector.extract %get3A_469[0, 0] : f32 from vector<1x1xf32>
    %mul3A_471 = vector.broadcast %get3A_470 : f32 to vector<1x6400xf32>
    %mul3A_472 = arith.mulf %mul3A_471, %mul3A_458 : vector<1x6400xf32>
    %get3A_473 = arith.constant 0 : index
    %get3A_474 = arith.constant 11 : index
    %get3A_475 = vector.load %arg15[%get3A_473, %get3A_474] : memref<1x16xf32, #tpu.memory_space<vmem>>, vector<1x1xf32>
    %get3A_476 = vector.extract %get3A_475[0, 0] : f32 from vector<1x1xf32>
    %mul3A_477 = vector.broadcast %get3A_476 : f32 to vector<1x6400xf32>
    %mul3A_478 = arith.mulf %mul3A_477, %mul3A_461 : vector<1x6400xf32>
    %add3A_479 = arith.addf %mul3A_472, %mul3A_478 : vector<1x6400xf32>
    %get3A_480 = arith.constant 0 : index
    %get3A_481 = arith.constant 10 : index
    %get3A_482 = vector.load %arg15[%get3A_480, %get3A_481] : memref<1x16xf32, #tpu.memory_space<vmem>>, vector<1x1xf32>
    %get3A_483 = vector.extract %get3A_482[0, 0] : f32 from vector<1x1xf32>
    %mul3A_484 = vector.broadcast %get3A_483 : f32 to vector<1x6400xf32>
    %mul3A_485 = arith.mulf %mul3A_484, %mul3A_459 : vector<1x6400xf32>
    %get3A_486 = arith.constant 0 : index
    %get3A_487 = arith.constant 11 : index
    %get3A_488 = vector.load %arg15[%get3A_486, %get3A_487] : memref<1x16xf32, #tpu.memory_space<vmem>>, vector<1x1xf32>
    %get3A_489 = vector.extract %get3A_488[0, 0] : f32 from vector<1x1xf32>
    %mul3A_490 = vector.broadcast %get3A_489 : f32 to vector<1x6400xf32>
    %mul3A_491 = arith.mulf %mul3A_490, %mul3A_462 : vector<1x6400xf32>
    %add3A_492 = arith.addf %mul3A_485, %mul3A_491 : vector<1x6400xf32>
    %get3A_493 = arith.constant 0 : index
    %get3A_494 = arith.constant 10 : index
    %get3A_495 = vector.load %arg15[%get3A_493, %get3A_494] : memref<1x16xf32, #tpu.memory_space<vmem>>, vector<1x1xf32>
    %get3A_496 = vector.extract %get3A_495[0, 0] : f32 from vector<1x1xf32>
    %mul3A_497 = vector.broadcast %get3A_496 : f32 to vector<1x6400xf32>
    %mul3A_498 = arith.mulf %mul3A_497, %mul3A_460 : vector<1x6400xf32>
    %get3A_499 = arith.constant 0 : index
    %get3A_500 = arith.constant 11 : index
    %get3A_501 = vector.load %arg15[%get3A_499, %get3A_500] : memref<1x16xf32, #tpu.memory_space<vmem>>, vector<1x1xf32>
    %get3A_502 = vector.extract %get3A_501[0, 0] : f32 from vector<1x1xf32>
    %mul3A_503 = vector.broadcast %get3A_502 : f32 to vector<1x6400xf32>
    %mul3A_504 = arith.mulf %mul3A_503, %mul3A_463 : vector<1x6400xf32>
    %add3A_505 = arith.addf %mul3A_498, %mul3A_504 : vector<1x6400xf32>
    %get3A_506 = arith.constant 0 : index
    %get3A_507 = arith.constant 12 : index
    %get3A_508 = vector.load %arg15[%get3A_506, %get3A_507] : memref<1x16xf32, #tpu.memory_space<vmem>>, vector<1x1xf32>
    %get3A_509 = vector.extract %get3A_508[0, 0] : f32 from vector<1x1xf32>
    %mul3A_510 = vector.broadcast %get3A_509 : f32 to vector<1x6400xf32>
    %mul3A_511 = arith.mulf %mul3A_510, %mul3A_458 : vector<1x6400xf32>
    %get3A_512 = arith.constant 0 : index
    %get3A_513 = arith.constant 13 : index
    %get3A_514 = vector.load %arg15[%get3A_512, %get3A_513] : memref<1x16xf32, #tpu.memory_space<vmem>>, vector<1x1xf32>
    %get3A_515 = vector.extract %get3A_514[0, 0] : f32 from vector<1x1xf32>
    %mul3A_516 = vector.broadcast %get3A_515 : f32 to vector<1x6400xf32>
    %mul3A_517 = arith.mulf %mul3A_516, %mul3A_461 : vector<1x6400xf32>
    %add3A_518 = arith.addf %mul3A_511, %mul3A_517 : vector<1x6400xf32>
    %get3A_519 = arith.constant 0 : index
    %get3A_520 = arith.constant 12 : index
    %get3A_521 = vector.load %arg15[%get3A_519, %get3A_520] : memref<1x16xf32, #tpu.memory_space<vmem>>, vector<1x1xf32>
    %get3A_522 = vector.extract %get3A_521[0, 0] : f32 from vector<1x1xf32>
    %mul3A_523 = vector.broadcast %get3A_522 : f32 to vector<1x6400xf32>
    %mul3A_524 = arith.mulf %mul3A_523, %mul3A_459 : vector<1x6400xf32>
    %get3A_525 = arith.constant 0 : index
    %get3A_526 = arith.constant 13 : index
    %get3A_527 = vector.load %arg15[%get3A_525, %get3A_526] : memref<1x16xf32, #tpu.memory_space<vmem>>, vector<1x1xf32>
    %get3A_528 = vector.extract %get3A_527[0, 0] : f32 from vector<1x1xf32>
    %mul3A_529 = vector.broadcast %get3A_528 : f32 to vector<1x6400xf32>
    %mul3A_530 = arith.mulf %mul3A_529, %mul3A_462 : vector<1x6400xf32>
    %add3A_531 = arith.addf %mul3A_524, %mul3A_530 : vector<1x6400xf32>
    %get3A_532 = arith.constant 0 : index
    %get3A_533 = arith.constant 12 : index
    %get3A_534 = vector.load %arg15[%get3A_532, %get3A_533] : memref<1x16xf32, #tpu.memory_space<vmem>>, vector<1x1xf32>
    %get3A_535 = vector.extract %get3A_534[0, 0] : f32 from vector<1x1xf32>
    %mul3A_536 = vector.broadcast %get3A_535 : f32 to vector<1x6400xf32>
    %mul3A_537 = arith.mulf %mul3A_536, %mul3A_460 : vector<1x6400xf32>
    %get3A_538 = arith.constant 0 : index
    %get3A_539 = arith.constant 13 : index
    %get3A_540 = vector.load %arg15[%get3A_538, %get3A_539] : memref<1x16xf32, #tpu.memory_space<vmem>>, vector<1x1xf32>
    %get3A_541 = vector.extract %get3A_540[0, 0] : f32 from vector<1x1xf32>
    %mul3A_542 = vector.broadcast %get3A_541 : f32 to vector<1x6400xf32>
    %mul3A_543 = arith.mulf %mul3A_542, %mul3A_463 : vector<1x6400xf32>
    %add3A_544 = arith.addf %mul3A_537, %mul3A_543 : vector<1x6400xf32>
    %mul3A_545 = arith.mulf %add3A_479, %add3A_479 : vector<1x6400xf32>
    %mul3A_546 = arith.mulf %add3A_492, %add3A_492 : vector<1x6400xf32>
    %add3A_547 = arith.addf %mul3A_545, %mul3A_546 : vector<1x6400xf32>
    %mul3A_548 = arith.mulf %add3A_505, %add3A_505 : vector<1x6400xf32>
    %add3A_549 = arith.addf %add3A_547, %mul3A_548 : vector<1x6400xf32>
    %add3A_550 = arith.constant 9.99999993E-9 : f32
    %add3A_551 = vector.broadcast %add3A_550 : f32 to vector<1x6400xf32>
    %add3A_552 = arith.addf %add3A_549, %add3A_551 : vector<1x6400xf32>
    %sqrt3A_553 = math.sqrt %add3A_552 : vector<1x6400xf32>
    %mul3A_554 = arith.mulf %add3A_518, %add3A_518 : vector<1x6400xf32>
    %mul3A_555 = arith.mulf %add3A_531, %add3A_531 : vector<1x6400xf32>
    %add3A_556 = arith.addf %mul3A_554, %mul3A_555 : vector<1x6400xf32>
    %mul3A_557 = arith.mulf %add3A_544, %add3A_544 : vector<1x6400xf32>
    %add3A_558 = arith.addf %add3A_556, %mul3A_557 : vector<1x6400xf32>
    %add3A_559 = arith.constant 9.99999993E-9 : f32
    %add3A_560 = vector.broadcast %add3A_559 : f32 to vector<1x6400xf32>
    %add3A_561 = arith.addf %add3A_558, %add3A_560 : vector<1x6400xf32>
    %sqrt3A_562 = math.sqrt %add3A_561 : vector<1x6400xf32>
    %convert_element_type3A_563 = arith.truncf %sqrt3A_553 : vector<1x6400xf32> to vector<1x6400xbf16>
    %convert_element_type3A_564 = arith.truncf %sqrt3A_562 : vector<1x6400xf32> to vector<1x6400xbf16>
    %concatenate3A_565 = tpu.concatenate %max3A_466, %convert_element_type3A_563, %convert_element_type3A_564 in 0 : vector<128x6400xbf16>, vector<1x6400xbf16>, vector<1x6400xbf16> -> vector<130x6400xbf16>
    %get3A_566 = arith.constant 0 : index
    %get3A_567 = arith.constant 0 : index
    %get3A_568 = vector.load %arg21[%get3A_566, %get3A_567] : memref<32x130xbf16, #tpu.memory_space<vmem>>, vector<32x130xbf16>
    %dot_general3A_569 = arith.constant dense<0.000000e+00> : vector<32x6400xf32>
    %dot_general3A_570 = tpu.matmul %get3A_568, %concatenate3A_565, %dot_general3A_569 {dimension_numbers = #tpu.dot_dimension_numbers<[1], [0], [0], [1], [0, 0, 1, 1], [], []>, transpose_lhs_hint = false} : vector<32x130xbf16>, vector<130x6400xbf16>, vector<32x6400xf32> -> vector<32x6400xf32>
    %get3A_571 = arith.constant 0 : index
    %get3A_572 = arith.constant 0 : index
    %get3A_573 = vector.load %arg22[%get3A_571, %get3A_572] : memref<32x1xf32, #tpu.memory_space<vmem>>, vector<32x1xf32>
    %add3A_574 = vector.broadcast %get3A_573 : vector<32x1xf32> to vector<32x6400xf32>
    %add3A_575 = arith.addf %dot_general3A_570, %add3A_574 : vector<32x6400xf32>
    %get3A_576 = arith.constant 0 : index
    %get3A_577 = arith.constant 14 : index
    %get3A_578 = vector.load %arg15[%get3A_576, %get3A_577] : memref<1x16xf32, #tpu.memory_space<vmem>>, vector<1x1xf32>
    %get3A_579 = vector.extract %get3A_578[0, 0] : f32 from vector<1x1xf32>
    %mul3A_580 = vector.broadcast %get3A_579 : f32 to vector<1x6400xf32>
    %mul3A_581 = arith.mulf %mul3A_580, %add3A_479 : vector<1x6400xf32>
    %get3A_582 = arith.constant 0 : index
    %get3A_583 = arith.constant 15 : index
    %get3A_584 = vector.load %arg15[%get3A_582, %get3A_583] : memref<1x16xf32, #tpu.memory_space<vmem>>, vector<1x1xf32>
    %get3A_585 = vector.extract %get3A_584[0, 0] : f32 from vector<1x1xf32>
    %mul3A_586 = vector.broadcast %get3A_585 : f32 to vector<1x6400xf32>
    %mul3A_587 = arith.mulf %mul3A_586, %add3A_518 : vector<1x6400xf32>
    %add3A_588 = arith.addf %mul3A_581, %mul3A_587 : vector<1x6400xf32>
    %get3A_589 = arith.constant 0 : index
    %get3A_590 = arith.constant 14 : index
    %get3A_591 = vector.load %arg15[%get3A_589, %get3A_590] : memref<1x16xf32, #tpu.memory_space<vmem>>, vector<1x1xf32>
    %get3A_592 = vector.extract %get3A_591[0, 0] : f32 from vector<1x1xf32>
    %mul3A_593 = vector.broadcast %get3A_592 : f32 to vector<1x6400xf32>
    %mul3A_594 = arith.mulf %mul3A_593, %add3A_492 : vector<1x6400xf32>
    %get3A_595 = arith.constant 0 : index
    %get3A_596 = arith.constant 15 : index
    %get3A_597 = vector.load %arg15[%get3A_595, %get3A_596] : memref<1x16xf32, #tpu.memory_space<vmem>>, vector<1x1xf32>
    %get3A_598 = vector.extract %get3A_597[0, 0] : f32 from vector<1x1xf32>
    %mul3A_599 = vector.broadcast %get3A_598 : f32 to vector<1x6400xf32>
    %mul3A_600 = arith.mulf %mul3A_599, %add3A_531 : vector<1x6400xf32>
    %add3A_601 = arith.addf %mul3A_594, %mul3A_600 : vector<1x6400xf32>
    %get3A_602 = arith.constant 0 : index
    %get3A_603 = arith.constant 14 : index
    %get3A_604 = vector.load %arg15[%get3A_602, %get3A_603] : memref<1x16xf32, #tpu.memory_space<vmem>>, vector<1x1xf32>
    %get3A_605 = vector.extract %get3A_604[0, 0] : f32 from vector<1x1xf32>
    %mul3A_606 = vector.broadcast %get3A_605 : f32 to vector<1x6400xf32>
    %mul3A_607 = arith.mulf %mul3A_606, %add3A_505 : vector<1x6400xf32>
    %get3A_608 = arith.constant 0 : index
    %get3A_609 = arith.constant 15 : index
    %get3A_610 = vector.load %arg15[%get3A_608, %get3A_609] : memref<1x16xf32, #tpu.memory_space<vmem>>, vector<1x1xf32>
    %get3A_611 = vector.extract %get3A_610[0, 0] : f32 from vector<1x1xf32>
    %mul3A_612 = vector.broadcast %get3A_611 : f32 to vector<1x6400xf32>
    %mul3A_613 = arith.mulf %mul3A_612, %add3A_544 : vector<1x6400xf32>
    %add3A_614 = arith.addf %mul3A_607, %mul3A_613 : vector<1x6400xf32>
    %add3A_615 = arith.addf %add3A_280, %add3A_575 : vector<32x6400xf32>
    %add3A_616 = arith.addf %mul3A_246, %add3A_588 : vector<1x6400xf32>
    %add3A_617 = arith.addf %mul3A_247, %add3A_601 : vector<1x6400xf32>
    %add3A_618 = arith.addf %mul3A_248, %add3A_614 : vector<1x6400xf32>
    %mul3A_619 = arith.mulf %add3A_616, %add3A_616 : vector<1x6400xf32>
    %mul3A_620 = arith.mulf %add3A_617, %add3A_617 : vector<1x6400xf32>
    %add3A_621 = arith.addf %mul3A_619, %mul3A_620 : vector<1x6400xf32>
    %mul3A_622 = arith.mulf %add3A_618, %add3A_618 : vector<1x6400xf32>
    %add3A_623 = arith.addf %add3A_621, %mul3A_622 : vector<1x6400xf32>
    %add3A_624 = arith.constant 9.99999993E-9 : f32
    %add3A_625 = vector.broadcast %add3A_624 : f32 to vector<1x6400xf32>
    %add3A_626 = arith.addf %add3A_623, %add3A_625 : vector<1x6400xf32>
    %rsqrt3A_627 = math.rsqrt %add3A_626 : vector<1x6400xf32>
    %mul3A_628 = arith.mulf %add3A_616, %rsqrt3A_627 : vector<1x6400xf32>
    %mul3A_629 = arith.mulf %add3A_617, %rsqrt3A_627 : vector<1x6400xf32>
    %mul3A_630 = arith.mulf %add3A_618, %rsqrt3A_627 : vector<1x6400xf32>
    %convert_element_type3A_631 = arith.truncf %add3A_615 : vector<32x6400xf32> to vector<32x6400xbf16>
    %get3A_632 = arith.constant 0 : index
    %get3A_633 = arith.constant 0 : index
    %get3A_634 = vector.load %arg18[%get3A_632, %get3A_633] : memref<1x32xbf16, #tpu.memory_space<vmem>>, vector<1x32xbf16>
    %dot_general3A_635 = arith.constant dense<0.000000e+00> : vector<1x6400xf32>
    %dot_general3A_636 = tpu.matmul %get3A_634, %convert_element_type3A_631, %dot_general3A_635 {dimension_numbers = #tpu.dot_dimension_numbers<[1], [0], [0], [1], [0, 0, 1, 1], [], []>, transpose_lhs_hint = false} : vector<1x32xbf16>, vector<32x6400xbf16>, vector<1x6400xf32> -> vector<1x6400xf32>
    %mul3A_637 = arith.mulf %add3A_615, %add3A_615 : vector<32x6400xf32>
    %convert_element_type3A_638 = arith.truncf %mul3A_637 : vector<32x6400xf32> to vector<32x6400xbf16>
    %get3A_639 = arith.constant 0 : index
    %get3A_640 = arith.constant 0 : index
    %get3A_641 = vector.load %arg18[%get3A_639, %get3A_640] : memref<1x32xbf16, #tpu.memory_space<vmem>>, vector<1x32xbf16>
    %dot_general3A_642 = arith.constant dense<0.000000e+00> : vector<1x6400xf32>
    %dot_general3A_643 = tpu.matmul %get3A_641, %convert_element_type3A_638, %dot_general3A_642 {dimension_numbers = #tpu.dot_dimension_numbers<[1], [0], [0], [1], [0, 0, 1, 1], [], []>, transpose_lhs_hint = false} : vector<1x32xbf16>, vector<32x6400xbf16>, vector<1x6400xf32> -> vector<1x6400xf32>
    %mul3A_644 = arith.mulf %dot_general3A_636, %dot_general3A_636 : vector<1x6400xf32>
    %sub3A_645 = arith.subf %dot_general3A_643, %mul3A_644 : vector<1x6400xf32>
    %sub3A_646 = vector.broadcast %dot_general3A_636 : vector<1x6400xf32> to vector<32x6400xf32>
    %sub3A_647 = arith.subf %add3A_615, %sub3A_646 : vector<32x6400xf32>
    %add3A_648 = arith.constant 9.99999974E-6 : f32
    %add3A_649 = vector.broadcast %add3A_648 : f32 to vector<1x6400xf32>
    %add3A_650 = arith.addf %sub3A_645, %add3A_649 : vector<1x6400xf32>
    %rsqrt3A_651 = math.rsqrt %add3A_650 : vector<1x6400xf32>
    %mul3A_652 = vector.broadcast %rsqrt3A_651 : vector<1x6400xf32> to vector<32x6400xf32>
    %mul3A_653 = arith.mulf %sub3A_647, %mul3A_652 : vector<32x6400xf32>
    %get3A_654 = arith.constant 0 : index
    %get3A_655 = arith.constant 0 : index
    %get3A_656 = vector.load %arg23[%get3A_654, %get3A_655] : memref<32x1xf32, #tpu.memory_space<vmem>>, vector<32x1xf32>
    %mul3A_657 = vector.broadcast %get3A_656 : vector<32x1xf32> to vector<32x6400xf32>
    %mul3A_658 = arith.mulf %mul3A_653, %mul3A_657 : vector<32x6400xf32>
    %get3A_659 = arith.constant 0 : index
    %get3A_660 = arith.constant 0 : index
    %get3A_661 = vector.load %arg24[%get3A_659, %get3A_660] : memref<32x1xf32, #tpu.memory_space<vmem>>, vector<32x1xf32>
    %add3A_662 = vector.broadcast %get3A_661 : vector<32x1xf32> to vector<32x6400xf32>
    %add3A_663 = arith.addf %mul3A_658, %add3A_662 : vector<32x6400xf32>
    %swap3A = arith.constant 0 : index
    %swap3A_664 = arith.constant 0 : index
    %swap3A_665 = vector.load %arg25[%swap3A, %swap3A_664] : memref<32x6400xf32, #tpu.memory_space<vmem>>, vector<32x6400xf32>
    tpu.vector_store %arg25[%swap3A, %swap3A_664], %add3A_663 {strides = array<i32>} : memref<32x6400xf32, #tpu.memory_space<vmem>>, vector<32x6400xf32>,
    %concatenate3A_666 = tpu.concatenate %mul3A_628, %mul3A_629, %mul3A_630 in 0 : vector<1x6400xf32>, vector<1x6400xf32>, vector<1x6400xf32> -> vector<3x6400xf32>
    %swap3A_667 = arith.constant 0 : index
    %swap3A_668 = arith.constant 0 : index
    %swap3A_669 = vector.load %arg26[%swap3A_667, %swap3A_668] : memref<3x6400xf32, #tpu.memory_space<vmem>>, vector<3x6400xf32>
    tpu.vector_store %arg26[%swap3A_667, %swap3A_668], %concatenate3A_666 {strides = array<i32>} : memref<3x6400xf32, #tpu.memory_space<vmem>>, vector<3x6400xf32>,
    return
  }
  func.func @transform_0(%arg0: i32) -> (i32, i32) {
    %c0_i32 = arith.constant 0 : i32
    %c0_i32_0 = arith.constant 0 : i32
    return %arg0, %c0_i32 : i32, i32
  }
  func.func @transform_1(%arg0: i32) -> (i32, i32) {
    %add3A = arith.constant 50 : i32
    %add3A_0 = arith.addi %arg0, %add3A : i32
    %c0_i32 = arith.constant 0 : i32
    %c0_i32_1 = arith.constant 0 : i32
    return %c0_i32, %add3A_0 : i32, i32
  }
  func.func @transform_2(%arg0: i32) -> (i32, i32) {
    %add3A = arith.constant 50 : i32
    %add3A_0 = arith.addi %arg0, %add3A : i32
    %c0_i32 = arith.constant 0 : i32
    %c0_i32_1 = arith.constant 0 : i32
    return %c0_i32, %add3A_0 : i32, i32
  }
  func.func @transform_3(%arg0: i32) -> (i32, i32) {
    %c0_i32 = arith.constant 0 : i32
    %c0_i32_0 = arith.constant 0 : i32
    %c0_i32_1 = arith.constant 0 : i32
    return %c0_i32, %c0_i32_0 : i32, i32
  }
  func.func @transform_4(%arg0: i32) -> (i32, i32) {
    %c0_i32 = arith.constant 0 : i32
    %c0_i32_0 = arith.constant 0 : i32
    %c0_i32_1 = arith.constant 0 : i32
    return %c0_i32, %c0_i32_0 : i32, i32
  }
  func.func @transform_5(%arg0: i32) -> (i32, i32) {
    %c0_i32 = arith.constant 0 : i32
    %c0_i32_0 = arith.constant 0 : i32
    %c0_i32_1 = arith.constant 0 : i32
    return %c0_i32, %c0_i32_0 : i32, i32
  }
  func.func @transform_6(%arg0: i32) -> (i32, i32) {
    %c0_i32 = arith.constant 0 : i32
    %c0_i32_0 = arith.constant 0 : i32
    %c0_i32_1 = arith.constant 0 : i32
    return %c0_i32, %c0_i32_0 : i32, i32
  }
  func.func @transform_7(%arg0: i32) -> (i32, i32) {
    %c0_i32 = arith.constant 0 : i32
    %c0_i32_0 = arith.constant 0 : i32
    %c0_i32_1 = arith.constant 0 : i32
    return %c0_i32, %c0_i32_0 : i32, i32
  }
  func.func @transform_8(%arg0: i32) -> (i32, i32) {
    %c0_i32 = arith.constant 0 : i32
    %c0_i32_0 = arith.constant 0 : i32
    %c0_i32_1 = arith.constant 0 : i32
    return %c0_i32, %c0_i32_0 : i32, i32
  }
  func.func @transform_9(%arg0: i32) -> (i32, i32) {
    %c0_i32 = arith.constant 0 : i32
    %c0_i32_0 = arith.constant 0 : i32
    %c0_i32_1 = arith.constant 0 : i32
    return %c0_i32, %c0_i32_0 : i32, i32
  }
  func.func @transform_10(%arg0: i32) -> (i32, i32) {
    %c0_i32 = arith.constant 0 : i32
    %c0_i32_0 = arith.constant 0 : i32
    %c0_i32_1 = arith.constant 0 : i32
    return %c0_i32, %c0_i32_0 : i32, i32
  }
  func.func @transform_11(%arg0: i32) -> (i32, i32) {
    %c0_i32 = arith.constant 0 : i32
    %c0_i32_0 = arith.constant 0 : i32
    %c0_i32_1 = arith.constant 0 : i32
    return %c0_i32, %c0_i32_0 : i32, i32
  }
  func.func @transform_12(%arg0: i32) -> (i32, i32) {
    %c0_i32 = arith.constant 0 : i32
    %c0_i32_0 = arith.constant 0 : i32
    %c0_i32_1 = arith.constant 0 : i32
    return %c0_i32, %c0_i32_0 : i32, i32
  }
  func.func @transform_13(%arg0: i32) -> (i32, i32) {
    %c0_i32 = arith.constant 0 : i32
    %c0_i32_0 = arith.constant 0 : i32
    %c0_i32_1 = arith.constant 0 : i32
    return %c0_i32, %c0_i32_0 : i32, i32
  }
  func.func @transform_14(%arg0: i32) -> (i32, i32) {
    %c0_i32 = arith.constant 0 : i32
    %c0_i32_0 = arith.constant 0 : i32
    %c0_i32_1 = arith.constant 0 : i32
    return %c0_i32, %c0_i32_0 : i32, i32
  }
  func.func @transform_15(%arg0: i32) -> (i32, i32) {
    %c0_i32 = arith.constant 0 : i32
    %c0_i32_0 = arith.constant 0 : i32
    %c0_i32_1 = arith.constant 0 : i32
    return %c0_i32, %c0_i32_0 : i32, i32
  }
  func.func @transform_16(%arg0: i32) -> (i32, i32) {
    %c0_i32 = arith.constant 0 : i32
    %c0_i32_0 = arith.constant 0 : i32
    %c0_i32_1 = arith.constant 0 : i32
    return %c0_i32, %c0_i32_0 : i32, i32
  }
  func.func @transform_17(%arg0: i32) -> (i32, i32) {
    %c0_i32 = arith.constant 0 : i32
    %c0_i32_0 = arith.constant 0 : i32
    %c0_i32_1 = arith.constant 0 : i32
    return %c0_i32, %c0_i32_0 : i32, i32
  }
  func.func @transform_18(%arg0: i32) -> (i32, i32) {
    %c0_i32 = arith.constant 0 : i32
    %c0_i32_0 = arith.constant 0 : i32
    %c0_i32_1 = arith.constant 0 : i32
    return %c0_i32, %c0_i32_0 : i32, i32
  }
  func.func @transform_19(%arg0: i32) -> (i32, i32) {
    %c0_i32 = arith.constant 0 : i32
    %c0_i32_0 = arith.constant 0 : i32
    %c0_i32_1 = arith.constant 0 : i32
    return %c0_i32, %c0_i32_0 : i32, i32
  }
  func.func @transform_20(%arg0: i32) -> (i32, i32) {
    %c0_i32 = arith.constant 0 : i32
    %c0_i32_0 = arith.constant 0 : i32
    %c0_i32_1 = arith.constant 0 : i32
    return %c0_i32, %c0_i32_0 : i32, i32
  }
  func.func @transform_21(%arg0: i32) -> (i32, i32) {
    %c0_i32 = arith.constant 0 : i32
    %c0_i32_0 = arith.constant 0 : i32
    %c0_i32_1 = arith.constant 0 : i32
    return %c0_i32, %c0_i32_0 : i32, i32
  }
  func.func @transform_22(%arg0: i32) -> (i32, i32) {
    %c0_i32 = arith.constant 0 : i32
    %c0_i32_0 = arith.constant 0 : i32
    %c0_i32_1 = arith.constant 0 : i32
    return %c0_i32, %c0_i32_0 : i32, i32
  }
  func.func @transform_23(%arg0: i32) -> (i32, i32) {
    %c0_i32 = arith.constant 0 : i32
    %c0_i32_0 = arith.constant 0 : i32
    %c0_i32_1 = arith.constant 0 : i32
    return %c0_i32, %c0_i32_0 : i32, i32
  }
  func.func @transform_24(%arg0: i32) -> (i32, i32) {
    %c0_i32 = arith.constant 0 : i32
    %c0_i32_0 = arith.constant 0 : i32
    return %c0_i32, %arg0 : i32, i32
  }
  func.func @transform_25(%arg0: i32) -> (i32, i32) {
    %c0_i32 = arith.constant 0 : i32
    %c0_i32_0 = arith.constant 0 : i32
    return %c0_i32, %arg0 : i32, i32
  }
}

module attributes {stable_mosaic.version = 14 : i64} {
  func.func @_tc_body(%arg0: i32, %arg1: memref<6400x128xf32, #tpu.memory_space<vmem>>, %arg2: memref<32x6400xf32, #tpu.memory_space<vmem>>, %arg3: memref<3x6400xf32, #tpu.memory_space<vmem>>, %arg4: memref<80x128xbf16, #tpu.memory_space<vmem>>, %arg5: memref<32x41xbf16, #tpu.memory_space<vmem>>, %arg6: memref<32x1xf32, #tpu.memory_space<vmem>>, %arg7: memref<9x1xf32, #tpu.memory_space<vmem>>, %arg8: memref<9x1xf32, #tpu.memory_space<vmem>>, %arg9: memref<32x32xbf16, #tpu.memory_space<vmem>>, %arg10: memref<32x1xf32, #tpu.memory_space<vmem>>, %arg11: memref<32x1xf32, #tpu.memory_space<vmem>>, %arg12: memref<32x32xbf16, #tpu.memory_space<vmem>>, %arg13: memref<32x1xf32, #tpu.memory_space<vmem>>, %arg14: memref<32x1xf32, #tpu.memory_space<vmem>>, %arg15: memref<1x16xf32, #tpu.memory_space<vmem>>, %arg16: memref<32x1xf32, #tpu.memory_space<vmem>>, %arg17: memref<32x1xf32, #tpu.memory_space<vmem>>, %arg18: memref<1x32xbf16, #tpu.memory_space<vmem>>, %arg19: memref<128x34xbf16, #tpu.memory_space<vmem>>, %arg20: memref<128x1xbf16, #tpu.memory_space<vmem>>, %arg21: memref<32x130xbf16, #tpu.memory_space<vmem>>, %arg22: memref<32x1xf32, #tpu.memory_space<vmem>>, %arg23: memref<32x1xf32, #tpu.memory_space<vmem>>, %arg24: memref<32x1xf32, #tpu.memory_space<vmem>>, %arg25: memref<32x6400xf32, #tpu.memory_space<vmem>>, %arg26: memref<3x6400xf32, #tpu.memory_space<vmem>>) attributes {dimension_semantics = [#tpu.dimension_semantics<arbitrary>], iteration_bounds = array<i64: 25>, scalar_prefetch = 0 : i64, scratch_operands = 0 : i64, tpu.core_type = #tpu.core_type<tc>, window_params = [{transform_indices = @transform_0, window_bounds = array<i64: 6400, 128>}, {transform_indices = @transform_1, window_bounds = array<i64: 32, 6400>}, {transform_indices = @transform_2, window_bounds = array<i64: 3, 6400>}, {pipeline_mode = #tpu.pipeline_mode<synchronous>, transform_indices = @transform_3, window_bounds = array<i64: 80, 128>}, {pipeline_mode = #tpu.pipeline_mode<synchronous>, transform_indices = @transform_4, window_bounds = array<i64: 32, 41>}, {pipeline_mode = #tpu.pipeline_mode<synchronous>, transform_indices = @transform_5, window_bounds = array<i64: 32, 1>}, {pipeline_mode = #tpu.pipeline_mode<synchronous>, transform_indices = @transform_6, window_bounds = array<i64: 9, 1>}, {pipeline_mode = #tpu.pipeline_mode<synchronous>, transform_indices = @transform_7, window_bounds = array<i64: 9, 1>}, {pipeline_mode = #tpu.pipeline_mode<synchronous>, transform_indices = @transform_8, window_bounds = array<i64: 32, 32>}, {pipeline_mode = #tpu.pipeline_mode<synchronous>, transform_indices = @transform_9, window_bounds = array<i64: 32, 1>}, {pipeline_mode = #tpu.pipeline_mode<synchronous>, transform_indices = @transform_10, window_bounds = array<i64: 32, 1>}, {pipeline_mode = #tpu.pipeline_mode<synchronous>, transform_indices = @transform_11, window_bounds = array<i64: 32, 32>}, {pipeline_mode = #tpu.pipeline_mode<synchronous>, transform_indices = @transform_12, window_bounds = array<i64: 32, 1>}, {pipeline_mode = #tpu.pipeline_mode<synchronous>, transform_indices = @transform_13, window_bounds = array<i64: 32, 1>}, {pipeline_mode = #tpu.pipeline_mode<synchronous>, transform_indices = @transform_14, window_bounds = array<i64: 1, 16>}, {pipeline_mode = #tpu.pipeline_mode<synchronous>, transform_indices = @transform_15, window_bounds = array<i64: 32, 1>}, {pipeline_mode = #tpu.pipeline_mode<synchronous>, transform_indices = @transform_16, window_bounds = array<i64: 32, 1>}, {pipeline_mode = #tpu.pipeline_mode<synchronous>, transform_indices = @transform_17, window_bounds = array<i64: 1, 32>}, {pipeline_mode = #tpu.pipeline_mode<synchronous>, transform_indices = @transform_18, window_bounds = array<i64: 128, 34>}, {pipeline_mode = #tpu.pipeline_mode<synchronous>, transform_indices = @transform_19, window_bounds = array<i64: 128, 1>}, {pipeline_mode = #tpu.pipeline_mode<synchronous>, transform_indices = @transform_20, window_bounds = array<i64: 32, 130>}, {pipeline_mode = #tpu.pipeline_mode<synchronous>, transform_indices = @transform_21, window_bounds = array<i64: 32, 1>}, {pipeline_mode = #tpu.pipeline_mode<synchronous>, transform_indices = @transform_22, window_bounds = array<i64: 32, 1>}, {pipeline_mode = #tpu.pipeline_mode<synchronous>, transform_indices = @transform_23, window_bounds = array<i64: 32, 1>}, {transform_indices = @transform_24, window_bounds = array<i64: 32, 6400>}, {transform_indices = @transform_25, window_bounds = array<i64: 3, 6400>}]} {
    %get3A = arith.constant 0 : index
    %get3A_0 = arith.constant 0 : index
    %get3A_1 = vector.load %arg2[%get3A, %get3A_0] : memref<32x6400xf32, #tpu.memory_space<vmem>>, vector<32x6400xf32>
    %get3A_2 = arith.constant 0 : index
    %get3A_3 = arith.constant 0 : index
    %get3A_4 = vector.load %arg3[%get3A_2, %get3A_3] : memref<3x6400xf32, #tpu.memory_space<vmem>>, vector<3x6400xf32>
    %slice3A = vector.extract_strided_slice %get3A_4 {offsets = [0, 0], sizes = [1, 6400], strides = [1, 1]} : vector<3x6400xf32> to vector<1x6400xf32>
    %slice3A_5 = vector.extract_strided_slice %get3A_4 {offsets = [1, 0], sizes = [1, 6400], strides = [1, 1]} : vector<3x6400xf32> to vector<1x6400xf32>
    %slice3A_6 = vector.extract_strided_slice %get3A_4 {offsets = [2, 0], sizes = [1, 6400], strides = [1, 1]} : vector<3x6400xf32> to vector<1x6400xf32>
    %get3A_7 = arith.constant 0 : index
    %get3A_8 = arith.constant 0 : index
    %get3A_9 = vector.load %arg4[%get3A_7, %get3A_8] : memref<80x128xbf16, #tpu.memory_space<vmem>>, vector<80x128xbf16>
    %get3A_10 = arith.constant 0 : index
    %get3A_11 = arith.constant 0 : index
    %get3A_12 = vector.load %arg1[%get3A_10, %get3A_11] : memref<6400x128xf32, #tpu.memory_space<vmem>>, vector<6400x128xf32>
    %convert_element_type3A = arith.truncf %get3A_12 : vector<6400x128xf32> to vector<6400x128xbf16>
    %dot_general3A = arith.constant dense<0.000000e+00> : vector<80x6400xf32>
    %dot_general3A_13 = tpu.matmul %get3A_9, %convert_element_type3A, %dot_general3A {dimension_numbers = #tpu.dot_dimension_numbers<[1], [1], [0], [0], [0, 0, 1, 0], [], []>, transpose_lhs_hint = false} : vector<80x128xbf16>, vector<6400x128xbf16>, vector<80x6400xf32> -> vector<80x6400xf32>
    %get3A_14 = arith.constant 0 : index
    %get3A_15 = arith.constant 0 : index
    %get3A_16 = vector.load %arg8[%get3A_14, %get3A_15] : memref<9x1xf32, #tpu.memory_space<vmem>>, vector<9x1xf32>
    %slice3A_17 = vector.extract_strided_slice %dot_general3A_13 {offsets = [32, 0], sizes = [9, 6400], strides = [1, 1]} : vector<80x6400xf32> to vector<9x6400xf32>
    %mul3A = vector.broadcast %get3A_16 : vector<9x1xf32> to vector<9x6400xf32>
    %mul3A_18 = vector.broadcast %slice3A : vector<1x6400xf32> to vector<9x6400xf32>
    %mul3A_19 = arith.mulf %mul3A, %mul3A_18 : vector<9x6400xf32>
    %add3A = arith.addf %slice3A_17, %mul3A_19 : vector<9x6400xf32>
    %slice3A_20 = vector.extract_strided_slice %dot_general3A_13 {offsets = [48, 0], sizes = [9, 6400], strides = [1, 1]} : vector<80x6400xf32> to vector<9x6400xf32>
    %mul3A_21 = vector.broadcast %get3A_16 : vector<9x1xf32> to vector<9x6400xf32>
    %mul3A_22 = vector.broadcast %slice3A_5 : vector<1x6400xf32> to vector<9x6400xf32>
    %mul3A_23 = arith.mulf %mul3A_21, %mul3A_22 : vector<9x6400xf32>
    %add3A_24 = arith.addf %slice3A_20, %mul3A_23 : vector<9x6400xf32>
    %slice3A_25 = vector.extract_strided_slice %dot_general3A_13 {offsets = [64, 0], sizes = [9, 6400], strides = [1, 1]} : vector<80x6400xf32> to vector<9x6400xf32>
    %mul3A_26 = vector.broadcast %get3A_16 : vector<9x1xf32> to vector<9x6400xf32>
    %mul3A_27 = vector.broadcast %slice3A_6 : vector<1x6400xf32> to vector<9x6400xf32>
    %mul3A_28 = arith.mulf %mul3A_26, %mul3A_27 : vector<9x6400xf32>
    %add3A_29 = arith.addf %slice3A_25, %mul3A_28 : vector<9x6400xf32>
    %mul3A_30 = arith.mulf %add3A, %add3A : vector<9x6400xf32>
    %mul3A_31 = arith.mulf %add3A_24, %add3A_24 : vector<9x6400xf32>
    %add3A_32 = arith.addf %mul3A_30, %mul3A_31 : vector<9x6400xf32>
    %mul3A_33 = arith.mulf %add3A_29, %add3A_29 : vector<9x6400xf32>
    %add3A_34 = arith.addf %add3A_32, %mul3A_33 : vector<9x6400xf32>
    %add3A_35 = arith.constant 9.99999993E-9 : f32
    %add3A_36 = vector.broadcast %add3A_35 : f32 to vector<9x6400xf32>
    %add3A_37 = arith.addf %add3A_34, %add3A_36 : vector<9x6400xf32>
    %sqrt3A = math.sqrt %add3A_37 : vector<9x6400xf32>
    %convert_element_type3A_38 = arith.truncf %get3A_1 : vector<32x6400xf32> to vector<32x6400xbf16>
    %convert_element_type3A_39 = arith.truncf %sqrt3A : vector<9x6400xf32> to vector<9x6400xbf16>
    %concatenate3A = tpu.concatenate %convert_element_type3A_38, %convert_element_type3A_39 in 0 : vector<32x6400xbf16>, vector<9x6400xbf16> -> vector<41x6400xbf16>
    %slice3A_40 = vector.extract_strided_slice %dot_general3A_13 {offsets = [0, 0], sizes = [32, 6400], strides = [1, 1]} : vector<80x6400xf32> to vector<32x6400xf32>
    %get3A_41 = arith.constant 0 : index
    %get3A_42 = arith.constant 0 : index
    %get3A_43 = vector.load %arg5[%get3A_41, %get3A_42] : memref<32x41xbf16, #tpu.memory_space<vmem>>, vector<32x41xbf16>
    %dot_general3A_44 = arith.constant dense<0.000000e+00> : vector<32x6400xf32>
    %dot_general3A_45 = tpu.matmul %get3A_43, %concatenate3A, %dot_general3A_44 {dimension_numbers = #tpu.dot_dimension_numbers<[1], [0], [0], [1], [0, 0, 1, 1], [], []>, transpose_lhs_hint = false} : vector<32x41xbf16>, vector<41x6400xbf16>, vector<32x6400xf32> -> vector<32x6400xf32>
    %add3A_46 = arith.addf %slice3A_40, %dot_general3A_45 : vector<32x6400xf32>
    %get3A_47 = arith.constant 0 : index
    %get3A_48 = arith.constant 0 : index
    %get3A_49 = vector.load %arg6[%get3A_47, %get3A_48] : memref<32x1xf32, #tpu.memory_space<vmem>>, vector<32x1xf32>
    %add3A_50 = vector.broadcast %get3A_49 : vector<32x1xf32> to vector<32x6400xf32>
    %add3A_51 = arith.addf %add3A_46, %add3A_50 : vector<32x6400xf32>
    %get3A_52 = arith.constant 0 : index
    %get3A_53 = arith.constant 0 : index
    %get3A_54 = vector.load %arg7[%get3A_52, %get3A_53] : memref<9x1xf32, #tpu.memory_space<vmem>>, vector<9x1xf32>
    %mul3A_55 = vector.broadcast %get3A_54 : vector<9x1xf32> to vector<9x6400xf32>
    %mul3A_56 = arith.mulf %add3A, %mul3A_55 : vector<9x6400xf32>
    %reduce_sum3A = arith.constant dense<0.000000e+00> : vector<6400xf32>
    %reduce_sum3A_57 = vector.multi_reduction <add>, %mul3A_56, %reduce_sum3A [0] : vector<9x6400xf32> to vector<6400xf32>
    %broadcast_in_dim3A = vector.shape_cast %reduce_sum3A_57 : vector<6400xf32> to vector<1x6400xf32>
    %mul3A_58 = vector.broadcast %get3A_54 : vector<9x1xf32> to vector<9x6400xf32>
    %mul3A_59 = arith.mulf %add3A_24, %mul3A_58 : vector<9x6400xf32>
    %reduce_sum3A_60 = arith.constant dense<0.000000e+00> : vector<6400xf32>
    %reduce_sum3A_61 = vector.multi_reduction <add>, %mul3A_59, %reduce_sum3A_60 [0] : vector<9x6400xf32> to vector<6400xf32>
    %broadcast_in_dim3A_62 = vector.shape_cast %reduce_sum3A_61 : vector<6400xf32> to vector<1x6400xf32>
    %mul3A_63 = vector.broadcast %get3A_54 : vector<9x1xf32> to vector<9x6400xf32>
    %mul3A_64 = arith.mulf %add3A_29, %mul3A_63 : vector<9x6400xf32>
    %reduce_sum3A_65 = arith.constant dense<0.000000e+00> : vector<6400xf32>
    %reduce_sum3A_66 = vector.multi_reduction <add>, %mul3A_64, %reduce_sum3A_65 [0] : vector<9x6400xf32> to vector<6400xf32>
    %broadcast_in_dim3A_67 = vector.shape_cast %reduce_sum3A_66 : vector<6400xf32> to vector<1x6400xf32>
    %mul3A_68 = arith.mulf %broadcast_in_dim3A, %broadcast_in_dim3A : vector<1x6400xf32>
    %mul3A_69 = arith.mulf %broadcast_in_dim3A_62, %broadcast_in_dim3A_62 : vector<1x6400xf32>
    %add3A_70 = arith.addf %mul3A_68, %mul3A_69 : vector<1x6400xf32>
    %mul3A_71 = arith.mulf %broadcast_in_dim3A_67, %broadcast_in_dim3A_67 : vector<1x6400xf32>
    %add3A_72 = arith.addf %add3A_70, %mul3A_71 : vector<1x6400xf32>
    %add3A_73 = arith.constant 9.99999993E-9 : f32
    %add3A_74 = vector.broadcast %add3A_73 : f32 to vector<1x6400xf32>
    %add3A_75 = arith.addf %add3A_72, %add3A_74 : vector<1x6400xf32>
    %sqrt3A_76 = math.sqrt %add3A_75 : vector<1x6400xf32>
    %logistic3A = arith.negf %sqrt3A_76 : vector<1x6400xf32>
    %logistic3A_77 = math.exp %logistic3A : vector<1x6400xf32>
    %logistic3A_78 = arith.constant 1.000000e+00 : f32
    %logistic3A_79 = vector.broadcast %logistic3A_78 : f32 to vector<1x6400xf32>
    %logistic3A_80 = arith.addf %logistic3A_79, %logistic3A_77 : vector<1x6400xf32>
    %logistic3A_81 = arith.divf %logistic3A_79, %logistic3A_80 : vector<1x6400xf32>
    %mul3A_82 = arith.mulf %broadcast_in_dim3A, %logistic3A_81 : vector<1x6400xf32>
    %mul3A_83 = arith.mulf %broadcast_in_dim3A_62, %logistic3A_81 : vector<1x6400xf32>
    %mul3A_84 = arith.mulf %broadcast_in_dim3A_67, %logistic3A_81 : vector<1x6400xf32>
    %max3A = arith.constant 0.000000e+00 : f32
    %max3A_85 = vector.broadcast %max3A : f32 to vector<32x6400xf32>
    %max3A_86 = arith.maximumf %add3A_51, %max3A_85 : vector<32x6400xf32>
    %get3A_87 = arith.constant 0 : index
    %get3A_88 = arith.constant 0 : index
    %get3A_89 = vector.load %arg15[%get3A_87, %get3A_88] : memref<1x16xf32, #tpu.memory_space<vmem>>, vector<1x1xf32>
    %get3A_90 = vector.extract %get3A_89[0, 0] : f32 from vector<1x1xf32>
    %mul3A_91 = vector.broadcast %get3A_90 : f32 to vector<1x6400xf32>
    %mul3A_92 = arith.mulf %mul3A_82, %mul3A_91 : vector<1x6400xf32>
    %get3A_93 = arith.constant 0 : index
    %get3A_94 = arith.constant 0 : index
    %get3A_95 = vector.load %arg15[%get3A_93, %get3A_94] : memref<1x16xf32, #tpu.memory_space<vmem>>, vector<1x1xf32>
    %get3A_96 = vector.extract %get3A_95[0, 0] : f32 from vector<1x1xf32>
    %mul3A_97 = vector.broadcast %get3A_96 : f32 to vector<1x6400xf32>
    %mul3A_98 = arith.mulf %mul3A_83, %mul3A_97 : vector<1x6400xf32>
    %get3A_99 = arith.constant 0 : index
    %get3A_100 = arith.constant 0 : index
    %get3A_101 = vector.load %arg15[%get3A_99, %get3A_100] : memref<1x16xf32, #tpu.memory_space<vmem>>, vector<1x1xf32>
    %get3A_102 = vector.extract %get3A_101[0, 0] : f32 from vector<1x1xf32>
    %mul3A_103 = vector.broadcast %get3A_102 : f32 to vector<1x6400xf32>
    %mul3A_104 = arith.mulf %mul3A_84, %mul3A_103 : vector<1x6400xf32>
    %mul3A_105 = arith.mulf %mul3A_92, %mul3A_92 : vector<1x6400xf32>
    %mul3A_106 = arith.mulf %mul3A_98, %mul3A_98 : vector<1x6400xf32>
    %add3A_107 = arith.addf %mul3A_105, %mul3A_106 : vector<1x6400xf32>
    %mul3A_108 = arith.mulf %mul3A_104, %mul3A_104 : vector<1x6400xf32>
    %add3A_109 = arith.addf %add3A_107, %mul3A_108 : vector<1x6400xf32>
    %add3A_110 = arith.constant 9.99999993E-9 : f32
    %add3A_111 = vector.broadcast %add3A_110 : f32 to vector<1x6400xf32>
    %add3A_112 = arith.addf %add3A_109, %add3A_111 : vector<1x6400xf32>
    %sqrt3A_113 = math.sqrt %add3A_112 : vector<1x6400xf32>
    %convert_element_type3A_114 = arith.truncf %max3A_86 : vector<32x6400xf32> to vector<32x6400xbf16>
    %get3A_115 = arith.constant 0 : index
    %get3A_116 = arith.constant 0 : index
    %get3A_117 = vector.load %arg9[%get3A_115, %get3A_116] : memref<32x32xbf16, #tpu.memory_space<vmem>>, vector<32x32xbf16>
    %dot_general3A_118 = arith.constant dense<0.000000e+00> : vector<32x6400xf32>
    %dot_general3A_119 = tpu.matmul %get3A_117, %convert_element_type3A_114, %dot_general3A_118 {dimension_numbers = #tpu.dot_dimension_numbers<[1], [0], [0], [1], [0, 0, 1, 1], [], []>, transpose_lhs_hint = false} : vector<32x32xbf16>, vector<32x6400xbf16>, vector<32x6400xf32> -> vector<32x6400xf32>
    %get3A_120 = arith.constant 0 : index
    %get3A_121 = arith.constant 0 : index
    %get3A_122 = vector.load %arg10[%get3A_120, %get3A_121] : memref<32x1xf32, #tpu.memory_space<vmem>>, vector<32x1xf32>
    %mul3A_123 = vector.broadcast %get3A_122 : vector<32x1xf32> to vector<32x6400xf32>
    %mul3A_124 = vector.broadcast %sqrt3A_113 : vector<1x6400xf32> to vector<32x6400xf32>
    %mul3A_125 = arith.mulf %mul3A_123, %mul3A_124 : vector<32x6400xf32>
    %add3A_126 = arith.addf %dot_general3A_119, %mul3A_125 : vector<32x6400xf32>
    %get3A_127 = arith.constant 0 : index
    %get3A_128 = arith.constant 0 : index
    %get3A_129 = vector.load %arg11[%get3A_127, %get3A_128] : memref<32x1xf32, #tpu.memory_space<vmem>>, vector<32x1xf32>
    %add3A_130 = vector.broadcast %get3A_129 : vector<32x1xf32> to vector<32x6400xf32>
    %add3A_131 = arith.addf %add3A_126, %add3A_130 : vector<32x6400xf32>
    %get3A_132 = arith.constant 0 : index
    %get3A_133 = arith.constant 1 : index
    %get3A_134 = vector.load %arg15[%get3A_132, %get3A_133] : memref<1x16xf32, #tpu.memory_space<vmem>>, vector<1x1xf32>
    %get3A_135 = vector.extract %get3A_134[0, 0] : f32 from vector<1x1xf32>
    %mul3A_136 = vector.broadcast %get3A_135 : f32 to vector<1x6400xf32>
    %mul3A_137 = arith.mulf %mul3A_92, %mul3A_136 : vector<1x6400xf32>
    %get3A_138 = arith.constant 0 : index
    %get3A_139 = arith.constant 1 : index
    %get3A_140 = vector.load %arg15[%get3A_138, %get3A_139] : memref<1x16xf32, #tpu.memory_space<vmem>>, vector<1x1xf32>
    %get3A_141 = vector.extract %get3A_140[0, 0] : f32 from vector<1x1xf32>
    %mul3A_142 = vector.broadcast %get3A_141 : f32 to vector<1x6400xf32>
    %mul3A_143 = arith.mulf %mul3A_98, %mul3A_142 : vector<1x6400xf32>
    %get3A_144 = arith.constant 0 : index
    %get3A_145 = arith.constant 1 : index
    %get3A_146 = vector.load %arg15[%get3A_144, %get3A_145] : memref<1x16xf32, #tpu.memory_space<vmem>>, vector<1x1xf32>
    %get3A_147 = vector.extract %get3A_146[0, 0] : f32 from vector<1x1xf32>
    %mul3A_148 = vector.broadcast %get3A_147 : f32 to vector<1x6400xf32>
    %mul3A_149 = arith.mulf %mul3A_104, %mul3A_148 : vector<1x6400xf32>
    %mul3A_150 = arith.mulf %mul3A_137, %mul3A_137 : vector<1x6400xf32>
    %mul3A_151 = arith.mulf %mul3A_143, %mul3A_143 : vector<1x6400xf32>
    %add3A_152 = arith.addf %mul3A_150, %mul3A_151 : vector<1x6400xf32>
    %mul3A_153 = arith.mulf %mul3A_149, %mul3A_149 : vector<1x6400xf32>
    %add3A_154 = arith.addf %add3A_152, %mul3A_153 : vector<1x6400xf32>
    %add3A_155 = arith.constant 9.99999993E-9 : f32
    %add3A_156 = vector.broadcast %add3A_155 : f32 to vector<1x6400xf32>
    %add3A_157 = arith.addf %add3A_154, %add3A_156 : vector<1x6400xf32>
    %sqrt3A_158 = math.sqrt %add3A_157 : vector<1x6400xf32>
    %logistic3A_159 = arith.negf %sqrt3A_158 : vector<1x6400xf32>
    %logistic3A_160 = math.exp %logistic3A_159 : vector<1x6400xf32>
    %logistic3A_161 = arith.constant 1.000000e+00 : f32
    %logistic3A_162 = vector.broadcast %logistic3A_161 : f32 to vector<1x6400xf32>
    %logistic3A_163 = arith.addf %logistic3A_162, %logistic3A_160 : vector<1x6400xf32>
    %logistic3A_164 = arith.divf %logistic3A_162, %logistic3A_163 : vector<1x6400xf32>
    %mul3A_165 = arith.mulf %mul3A_137, %logistic3A_164 : vector<1x6400xf32>
    %mul3A_166 = arith.mulf %mul3A_143, %logistic3A_164 : vector<1x6400xf32>
    %mul3A_167 = arith.mulf %mul3A_149, %logistic3A_164 : vector<1x6400xf32>
    %max3A_168 = arith.constant 0.000000e+00 : f32
    %max3A_169 = vector.broadcast %max3A_168 : f32 to vector<32x6400xf32>
    %max3A_170 = arith.maximumf %add3A_131, %max3A_169 : vector<32x6400xf32>
    %get3A_171 = arith.constant 0 : index
    %get3A_172 = arith.constant 2 : index
    %get3A_173 = vector.load %arg15[%get3A_171, %get3A_172] : memref<1x16xf32, #tpu.memory_space<vmem>>, vector<1x1xf32>
    %get3A_174 = vector.extract %get3A_173[0, 0] : f32 from vector<1x1xf32>
    %mul3A_175 = vector.broadcast %get3A_174 : f32 to vector<1x6400xf32>
    %mul3A_176 = arith.mulf %mul3A_165, %mul3A_175 : vector<1x6400xf32>
    %get3A_177 = arith.constant 0 : index
    %get3A_178 = arith.constant 2 : index
    %get3A_179 = vector.load %arg15[%get3A_177, %get3A_178] : memref<1x16xf32, #tpu.memory_space<vmem>>, vector<1x1xf32>
    %get3A_180 = vector.extract %get3A_179[0, 0] : f32 from vector<1x1xf32>
    %mul3A_181 = vector.broadcast %get3A_180 : f32 to vector<1x6400xf32>
    %mul3A_182 = arith.mulf %mul3A_166, %mul3A_181 : vector<1x6400xf32>
    %get3A_183 = arith.constant 0 : index
    %get3A_184 = arith.constant 2 : index
    %get3A_185 = vector.load %arg15[%get3A_183, %get3A_184] : memref<1x16xf32, #tpu.memory_space<vmem>>, vector<1x1xf32>
    %get3A_186 = vector.extract %get3A_185[0, 0] : f32 from vector<1x1xf32>
    %mul3A_187 = vector.broadcast %get3A_186 : f32 to vector<1x6400xf32>
    %mul3A_188 = arith.mulf %mul3A_167, %mul3A_187 : vector<1x6400xf32>
    %mul3A_189 = arith.mulf %mul3A_176, %mul3A_176 : vector<1x6400xf32>
    %mul3A_190 = arith.mulf %mul3A_182, %mul3A_182 : vector<1x6400xf32>
    %add3A_191 = arith.addf %mul3A_189, %mul3A_190 : vector<1x6400xf32>
    %mul3A_192 = arith.mulf %mul3A_188, %mul3A_188 : vector<1x6400xf32>
    %add3A_193 = arith.addf %add3A_191, %mul3A_192 : vector<1x6400xf32>
    %add3A_194 = arith.constant 9.99999993E-9 : f32
    %add3A_195 = vector.broadcast %add3A_194 : f32 to vector<1x6400xf32>
    %add3A_196 = arith.addf %add3A_193, %add3A_195 : vector<1x6400xf32>
    %sqrt3A_197 = math.sqrt %add3A_196 : vector<1x6400xf32>
    %convert_element_type3A_198 = arith.truncf %max3A_170 : vector<32x6400xf32> to vector<32x6400xbf16>
    %get3A_199 = arith.constant 0 : index
    %get3A_200 = arith.constant 0 : index
    %get3A_201 = vector.load %arg12[%get3A_199, %get3A_200] : memref<32x32xbf16, #tpu.memory_space<vmem>>, vector<32x32xbf16>
    %dot_general3A_202 = arith.constant dense<0.000000e+00> : vector<32x6400xf32>
    %dot_general3A_203 = tpu.matmul %get3A_201, %convert_element_type3A_198, %dot_general3A_202 {dimension_numbers = #tpu.dot_dimension_numbers<[1], [0], [0], [1], [0, 0, 1, 1], [], []>, transpose_lhs_hint = false} : vector<32x32xbf16>, vector<32x6400xbf16>, vector<32x6400xf32> -> vector<32x6400xf32>
    %get3A_204 = arith.constant 0 : index
    %get3A_205 = arith.constant 0 : index
    %get3A_206 = vector.load %arg13[%get3A_204, %get3A_205] : memref<32x1xf32, #tpu.memory_space<vmem>>, vector<32x1xf32>
    %mul3A_207 = vector.broadcast %get3A_206 : vector<32x1xf32> to vector<32x6400xf32>
    %mul3A_208 = vector.broadcast %sqrt3A_197 : vector<1x6400xf32> to vector<32x6400xf32>
    %mul3A_209 = arith.mulf %mul3A_207, %mul3A_208 : vector<32x6400xf32>
    %add3A_210 = arith.addf %dot_general3A_203, %mul3A_209 : vector<32x6400xf32>
    %get3A_211 = arith.constant 0 : index
    %get3A_212 = arith.constant 0 : index
    %get3A_213 = vector.load %arg14[%get3A_211, %get3A_212] : memref<32x1xf32, #tpu.memory_space<vmem>>, vector<32x1xf32>
    %add3A_214 = vector.broadcast %get3A_213 : vector<32x1xf32> to vector<32x6400xf32>
    %add3A_215 = arith.addf %add3A_210, %add3A_214 : vector<32x6400xf32>
    %get3A_216 = arith.constant 0 : index
    %get3A_217 = arith.constant 3 : index
    %get3A_218 = vector.load %arg15[%get3A_216, %get3A_217] : memref<1x16xf32, #tpu.memory_space<vmem>>, vector<1x1xf32>
    %get3A_219 = vector.extract %get3A_218[0, 0] : f32 from vector<1x1xf32>
    %mul3A_220 = vector.broadcast %get3A_219 : f32 to vector<1x6400xf32>
    %mul3A_221 = arith.mulf %mul3A_176, %mul3A_220 : vector<1x6400xf32>
    %get3A_222 = arith.constant 0 : index
    %get3A_223 = arith.constant 3 : index
    %get3A_224 = vector.load %arg15[%get3A_222, %get3A_223] : memref<1x16xf32, #tpu.memory_space<vmem>>, vector<1x1xf32>
    %get3A_225 = vector.extract %get3A_224[0, 0] : f32 from vector<1x1xf32>
    %mul3A_226 = vector.broadcast %get3A_225 : f32 to vector<1x6400xf32>
    %mul3A_227 = arith.mulf %mul3A_182, %mul3A_226 : vector<1x6400xf32>
    %get3A_228 = arith.constant 0 : index
    %get3A_229 = arith.constant 3 : index
    %get3A_230 = vector.load %arg15[%get3A_228, %get3A_229] : memref<1x16xf32, #tpu.memory_space<vmem>>, vector<1x1xf32>
    %get3A_231 = vector.extract %get3A_230[0, 0] : f32 from vector<1x1xf32>
    %mul3A_232 = vector.broadcast %get3A_231 : f32 to vector<1x6400xf32>
    %mul3A_233 = arith.mulf %mul3A_188, %mul3A_232 : vector<1x6400xf32>
    %add3A_234 = arith.addf %get3A_1, %add3A_215 : vector<32x6400xf32>
    %add3A_235 = arith.addf %slice3A, %mul3A_221 : vector<1x6400xf32>
    %add3A_236 = arith.addf %slice3A_5, %mul3A_227 : vector<1x6400xf32>
    %add3A_237 = arith.addf %slice3A_6, %mul3A_233 : vector<1x6400xf32>
    %mul3A_238 = arith.mulf %add3A_235, %add3A_235 : vector<1x6400xf32>
    %mul3A_239 = arith.mulf %add3A_236, %add3A_236 : vector<1x6400xf32>
    %add3A_240 = arith.addf %mul3A_238, %mul3A_239 : vector<1x6400xf32>
    %mul3A_241 = arith.mulf %add3A_237, %add3A_237 : vector<1x6400xf32>
    %add3A_242 = arith.addf %add3A_240, %mul3A_241 : vector<1x6400xf32>
    %add3A_243 = arith.constant 9.99999993E-9 : f32
    %add3A_244 = vector.broadcast %add3A_243 : f32 to vector<1x6400xf32>
    %add3A_245 = arith.addf %add3A_242, %add3A_244 : vector<1x6400xf32>
    %rsqrt3A = math.rsqrt %add3A_245 : vector<1x6400xf32>
    %mul3A_246 = arith.mulf %add3A_235, %rsqrt3A : vector<1x6400xf32>
    %mul3A_247 = arith.mulf %add3A_236, %rsqrt3A : vector<1x6400xf32>
    %mul3A_248 = arith.mulf %add3A_237, %rsqrt3A : vector<1x6400xf32>
    %convert_element_type3A_249 = arith.truncf %add3A_234 : vector<32x6400xf32> to vector<32x6400xbf16>
    %get3A_250 = arith.constant 0 : index
    %get3A_251 = arith.constant 0 : index
    %get3A_252 = vector.load %arg18[%get3A_250, %get3A_251] : memref<1x32xbf16, #tpu.memory_space<vmem>>, vector<1x32xbf16>
    %dot_general3A_253 = arith.constant dense<0.000000e+00> : vector<1x6400xf32>
    %dot_general3A_254 = tpu.matmul %get3A_252, %convert_element_type3A_249, %dot_general3A_253 {dimension_numbers = #tpu.dot_dimension_numbers<[1], [0], [0], [1], [0, 0, 1, 1], [], []>, transpose_lhs_hint = false} : vector<1x32xbf16>, vector<32x6400xbf16>, vector<1x6400xf32> -> vector<1x6400xf32>
    %mul3A_255 = arith.mulf %add3A_234, %add3A_234 : vector<32x6400xf32>
    %convert_element_type3A_256 = arith.truncf %mul3A_255 : vector<32x6400xf32> to vector<32x6400xbf16>
    %get3A_257 = arith.constant 0 : index
    %get3A_258 = arith.constant 0 : index
    %get3A_259 = vector.load %arg18[%get3A_257, %get3A_258] : memref<1x32xbf16, #tpu.memory_space<vmem>>, vector<1x32xbf16>
    %dot_general3A_260 = arith.constant dense<0.000000e+00> : vector<1x6400xf32>
    %dot_general3A_261 = tpu.matmul %get3A_259, %convert_element_type3A_256, %dot_general3A_260 {dimension_numbers = #tpu.dot_dimension_numbers<[1], [0], [0], [1], [0, 0, 1, 1], [], []>, transpose_lhs_hint = false} : vector<1x32xbf16>, vector<32x6400xbf16>, vector<1x6400xf32> -> vector<1x6400xf32>
    %mul3A_262 = arith.mulf %dot_general3A_254, %dot_general3A_254 : vector<1x6400xf32>
    %sub3A = arith.subf %dot_general3A_261, %mul3A_262 : vector<1x6400xf32>
    %sub3A_263 = vector.broadcast %dot_general3A_254 : vector<1x6400xf32> to vector<32x6400xf32>
    %sub3A_264 = arith.subf %add3A_234, %sub3A_263 : vector<32x6400xf32>
    %add3A_265 = arith.constant 9.99999974E-6 : f32
    %add3A_266 = vector.broadcast %add3A_265 : f32 to vector<1x6400xf32>
    %add3A_267 = arith.addf %sub3A, %add3A_266 : vector<1x6400xf32>
    %rsqrt3A_268 = math.rsqrt %add3A_267 : vector<1x6400xf32>
    %mul3A_269 = vector.broadcast %rsqrt3A_268 : vector<1x6400xf32> to vector<32x6400xf32>
    %mul3A_270 = arith.mulf %sub3A_264, %mul3A_269 : vector<32x6400xf32>
    %get3A_271 = arith.constant 0 : index
    %get3A_272 = arith.constant 0 : index
    %get3A_273 = vector.load %arg16[%get3A_271, %get3A_272] : memref<32x1xf32, #tpu.memory_space<vmem>>, vector<32x1xf32>
    %mul3A_274 = vector.broadcast %get3A_273 : vector<32x1xf32> to vector<32x6400xf32>
    %mul3A_275 = arith.mulf %mul3A_270, %mul3A_274 : vector<32x6400xf32>
    %get3A_276 = arith.constant 0 : index
    %get3A_277 = arith.constant 0 : index
    %get3A_278 = vector.load %arg17[%get3A_276, %get3A_277] : memref<32x1xf32, #tpu.memory_space<vmem>>, vector<32x1xf32>
    %add3A_279 = vector.broadcast %get3A_278 : vector<32x1xf32> to vector<32x6400xf32>
    %add3A_280 = arith.addf %mul3A_275, %add3A_279 : vector<32x6400xf32>
    %get3A_281 = arith.constant 0 : index
    %get3A_282 = arith.constant 4 : index
    %get3A_283 = vector.load %arg15[%get3A_281, %get3A_282] : memref<1x16xf32, #tpu.memory_space<vmem>>, vector<1x1xf32>
    %get3A_284 = vector.extract %get3A_283[0, 0] : f32 from vector<1x1xf32>
    %mul3A_285 = vector.broadcast %get3A_284 : f32 to vector<1x6400xf32>
    %mul3A_286 = arith.mulf %mul3A_246, %mul3A_285 : vector<1x6400xf32>
    %get3A_287 = arith.constant 0 : index
    %get3A_288 = arith.constant 4 : index
    %get3A_289 = vector.load %arg15[%get3A_287, %get3A_288] : memref<1x16xf32, #tpu.memory_space<vmem>>, vector<1x1xf32>
    %get3A_290 = vector.extract %get3A_289[0, 0] : f32 from vector<1x1xf32>
    %mul3A_291 = vector.broadcast %get3A_290 : f32 to vector<1x6400xf32>
    %mul3A_292 = arith.mulf %mul3A_247, %mul3A_291 : vector<1x6400xf32>
    %get3A_293 = arith.constant 0 : index
    %get3A_294 = arith.constant 4 : index
    %get3A_295 = vector.load %arg15[%get3A_293, %get3A_294] : memref<1x16xf32, #tpu.memory_space<vmem>>, vector<1x1xf32>
    %get3A_296 = vector.extract %get3A_295[0, 0] : f32 from vector<1x1xf32>
    %mul3A_297 = vector.broadcast %get3A_296 : f32 to vector<1x6400xf32>
    %mul3A_298 = arith.mulf %mul3A_248, %mul3A_297 : vector<1x6400xf32>
    %get3A_299 = arith.constant 0 : index
    %get3A_300 = arith.constant 5 : index
    %get3A_301 = vector.load %arg15[%get3A_299, %get3A_300] : memref<1x16xf32, #tpu.memory_space<vmem>>, vector<1x1xf32>
    %get3A_302 = vector.extract %get3A_301[0, 0] : f32 from vector<1x1xf32>
    %mul3A_303 = vector.broadcast %get3A_302 : f32 to vector<1x6400xf32>
    %mul3A_304 = arith.mulf %mul3A_246, %mul3A_303 : vector<1x6400xf32>
    %get3A_305 = arith.constant 0 : index
    %get3A_306 = arith.constant 5 : index
    %get3A_307 = vector.load %arg15[%get3A_305, %get3A_306] : memref<1x16xf32, #tpu.memory_space<vmem>>, vector<1x1xf32>
    %get3A_308 = vector.extract %get3A_307[0, 0] : f32 from vector<1x1xf32>
    %mul3A_309 = vector.broadcast %get3A_308 : f32 to vector<1x6400xf32>
    %mul3A_310 = arith.mulf %mul3A_247, %mul3A_309 : vector<1x6400xf32>
    %get3A_311 = arith.constant 0 : index
    %get3A_312 = arith.constant 5 : index
    %get3A_313 = vector.load %arg15[%get3A_311, %get3A_312] : memref<1x16xf32, #tpu.memory_space<vmem>>, vector<1x1xf32>
    %get3A_314 = vector.extract %get3A_313[0, 0] : f32 from vector<1x1xf32>
    %mul3A_315 = vector.broadcast %get3A_314 : f32 to vector<1x6400xf32>
    %mul3A_316 = arith.mulf %mul3A_248, %mul3A_315 : vector<1x6400xf32>
    %mul3A_317 = arith.mulf %mul3A_286, %mul3A_286 : vector<1x6400xf32>
    %mul3A_318 = arith.mulf %mul3A_292, %mul3A_292 : vector<1x6400xf32>
    %add3A_319 = arith.addf %mul3A_317, %mul3A_318 : vector<1x6400xf32>
    %mul3A_320 = arith.mulf %mul3A_298, %mul3A_298 : vector<1x6400xf32>
    %add3A_321 = arith.addf %add3A_319, %mul3A_320 : vector<1x6400xf32>
    %add3A_322 = arith.constant 9.99999993E-9 : f32
    %add3A_323 = vector.broadcast %add3A_322 : f32 to vector<1x6400xf32>
    %add3A_324 = arith.addf %add3A_321, %add3A_323 : vector<1x6400xf32>
    %sqrt3A_325 = math.sqrt %add3A_324 : vector<1x6400xf32>
    %mul3A_326 = arith.mulf %mul3A_304, %mul3A_304 : vector<1x6400xf32>
    %mul3A_327 = arith.mulf %mul3A_310, %mul3A_310 : vector<1x6400xf32>
    %add3A_328 = arith.addf %mul3A_326, %mul3A_327 : vector<1x6400xf32>
    %mul3A_329 = arith.mulf %mul3A_316, %mul3A_316 : vector<1x6400xf32>
    %add3A_330 = arith.addf %add3A_328, %mul3A_329 : vector<1x6400xf32>
    %add3A_331 = arith.constant 9.99999993E-9 : f32
    %add3A_332 = vector.broadcast %add3A_331 : f32 to vector<1x6400xf32>
    %add3A_333 = arith.addf %add3A_330, %add3A_332 : vector<1x6400xf32>
    %sqrt3A_334 = math.sqrt %add3A_333 : vector<1x6400xf32>
    %convert_element_type3A_335 = arith.truncf %add3A_280 : vector<32x6400xf32> to vector<32x6400xbf16>
    %convert_element_type3A_336 = arith.truncf %sqrt3A_325 : vector<1x6400xf32> to vector<1x6400xbf16>
    %convert_element_type3A_337 = arith.truncf %sqrt3A_334 : vector<1x6400xf32> to vector<1x6400xbf16>
    %concatenate3A_338 = tpu.concatenate %convert_element_type3A_335, %convert_element_type3A_336, %convert_element_type3A_337 in 0 : vector<32x6400xbf16>, vector<1x6400xbf16>, vector<1x6400xbf16> -> vector<34x6400xbf16>
    %get3A_339 = arith.constant 0 : index
    %get3A_340 = arith.constant 0 : index
    %get3A_341 = vector.load %arg19[%get3A_339, %get3A_340] : memref<128x34xbf16, #tpu.memory_space<vmem>>, vector<128x34xbf16>
    %dot_general3A_342 = arith.constant dense<0.000000e+00> : vector<128x6400xf32>
    %dot_general3A_343 = tpu.matmul %get3A_341, %concatenate3A_338, %dot_general3A_342 {dimension_numbers = #tpu.dot_dimension_numbers<[1], [0], [0], [1], [0, 0, 1, 1], [], []>, transpose_lhs_hint = false} : vector<128x34xbf16>, vector<34x6400xbf16>, vector<128x6400xf32> -> vector<128x6400xf32>
    %convert_element_type3A_344 = arith.truncf %dot_general3A_343 : vector<128x6400xf32> to vector<128x6400xbf16>
    %get3A_345 = arith.constant 0 : index
    %get3A_346 = arith.constant 0 : index
    %get3A_347 = vector.load %arg20[%get3A_345, %get3A_346] : memref<128x1xbf16, #tpu.memory_space<vmem>>, vector<128x1xbf16>
    %add3A_348 = vector.broadcast %get3A_347 : vector<128x1xbf16> to vector<128x6400xbf16>
    %add3A_349 = arith.addf %convert_element_type3A_344, %add3A_348 : vector<128x6400xbf16>
    %get3A_350 = arith.constant 0 : index
    %get3A_351 = arith.constant 6 : index
    %get3A_352 = vector.load %arg15[%get3A_350, %get3A_351] : memref<1x16xf32, #tpu.memory_space<vmem>>, vector<1x1xf32>
    %get3A_353 = vector.extract %get3A_352[0, 0] : f32 from vector<1x1xf32>
    %mul3A_354 = vector.broadcast %get3A_353 : f32 to vector<1x6400xf32>
    %mul3A_355 = arith.mulf %mul3A_354, %mul3A_286 : vector<1x6400xf32>
    %get3A_356 = arith.constant 0 : index
    %get3A_357 = arith.constant 7 : index
    %get3A_358 = vector.load %arg15[%get3A_356, %get3A_357] : memref<1x16xf32, #tpu.memory_space<vmem>>, vector<1x1xf32>
    %get3A_359 = vector.extract %get3A_358[0, 0] : f32 from vector<1x1xf32>
    %mul3A_360 = vector.broadcast %get3A_359 : f32 to vector<1x6400xf32>
    %mul3A_361 = arith.mulf %mul3A_360, %mul3A_304 : vector<1x6400xf32>
    %add3A_362 = arith.addf %mul3A_355, %mul3A_361 : vector<1x6400xf32>
    %get3A_363 = arith.constant 0 : index
    %get3A_364 = arith.constant 6 : index
    %get3A_365 = vector.load %arg15[%get3A_363, %get3A_364] : memref<1x16xf32, #tpu.memory_space<vmem>>, vector<1x1xf32>
    %get3A_366 = vector.extract %get3A_365[0, 0] : f32 from vector<1x1xf32>
    %mul3A_367 = vector.broadcast %get3A_366 : f32 to vector<1x6400xf32>
    %mul3A_368 = arith.mulf %mul3A_367, %mul3A_292 : vector<1x6400xf32>
    %get3A_369 = arith.constant 0 : index
    %get3A_370 = arith.constant 7 : index
    %get3A_371 = vector.load %arg15[%get3A_369, %get3A_370] : memref<1x16xf32, #tpu.memory_space<vmem>>, vector<1x1xf32>
    %get3A_372 = vector.extract %get3A_371[0, 0] : f32 from vector<1x1xf32>
    %mul3A_373 = vector.broadcast %get3A_372 : f32 to vector<1x6400xf32>
    %mul3A_374 = arith.mulf %mul3A_373, %mul3A_310 : vector<1x6400xf32>
    %add3A_375 = arith.addf %mul3A_368, %mul3A_374 : vector<1x6400xf32>
    %get3A_376 = arith.constant 0 : index
    %get3A_377 = arith.constant 6 : index
    %get3A_378 = vector.load %arg15[%get3A_376, %get3A_377] : memref<1x16xf32, #tpu.memory_space<vmem>>, vector<1x1xf32>
    %get3A_379 = vector.extract %get3A_378[0, 0] : f32 from vector<1x1xf32>
    %mul3A_380 = vector.broadcast %get3A_379 : f32 to vector<1x6400xf32>
    %mul3A_381 = arith.mulf %mul3A_380, %mul3A_298 : vector<1x6400xf32>
    %get3A_382 = arith.constant 0 : index
    %get3A_383 = arith.constant 7 : index
    %get3A_384 = vector.load %arg15[%get3A_382, %get3A_383] : memref<1x16xf32, #tpu.memory_space<vmem>>, vector<1x1xf32>
    %get3A_385 = vector.extract %get3A_384[0, 0] : f32 from vector<1x1xf32>
    %mul3A_386 = vector.broadcast %get3A_385 : f32 to vector<1x6400xf32>
    %mul3A_387 = arith.mulf %mul3A_386, %mul3A_316 : vector<1x6400xf32>
    %add3A_388 = arith.addf %mul3A_381, %mul3A_387 : vector<1x6400xf32>
    %get3A_389 = arith.constant 0 : index
    %get3A_390 = arith.constant 8 : index
    %get3A_391 = vector.load %arg15[%get3A_389, %get3A_390] : memref<1x16xf32, #tpu.memory_space<vmem>>, vector<1x1xf32>
    %get3A_392 = vector.extract %get3A_391[0, 0] : f32 from vector<1x1xf32>
    %mul3A_393 = vector.broadcast %get3A_392 : f32 to vector<1x6400xf32>
    %mul3A_394 = arith.mulf %mul3A_393, %mul3A_286 : vector<1x6400xf32>
    %get3A_395 = arith.constant 0 : index
    %get3A_396 = arith.constant 9 : index
    %get3A_397 = vector.load %arg15[%get3A_395, %get3A_396] : memref<1x16xf32, #tpu.memory_space<vmem>>, vector<1x1xf32>
    %get3A_398 = vector.extract %get3A_397[0, 0] : f32 from vector<1x1xf32>
    %mul3A_399 = vector.broadcast %get3A_398 : f32 to vector<1x6400xf32>
    %mul3A_400 = arith.mulf %mul3A_399, %mul3A_304 : vector<1x6400xf32>
    %add3A_401 = arith.addf %mul3A_394, %mul3A_400 : vector<1x6400xf32>
    %get3A_402 = arith.constant 0 : index
    %get3A_403 = arith.constant 8 : index
    %get3A_404 = vector.load %arg15[%get3A_402, %get3A_403] : memref<1x16xf32, #tpu.memory_space<vmem>>, vector<1x1xf32>
    %get3A_405 = vector.extract %get3A_404[0, 0] : f32 from vector<1x1xf32>
    %mul3A_406 = vector.broadcast %get3A_405 : f32 to vector<1x6400xf32>
    %mul3A_407 = arith.mulf %mul3A_406, %mul3A_292 : vector<1x6400xf32>
    %get3A_408 = arith.constant 0 : index
    %get3A_409 = arith.constant 9 : index
    %get3A_410 = vector.load %arg15[%get3A_408, %get3A_409] : memref<1x16xf32, #tpu.memory_space<vmem>>, vector<1x1xf32>
    %get3A_411 = vector.extract %get3A_410[0, 0] : f32 from vector<1x1xf32>
    %mul3A_412 = vector.broadcast %get3A_411 : f32 to vector<1x6400xf32>
    %mul3A_413 = arith.mulf %mul3A_412, %mul3A_310 : vector<1x6400xf32>
    %add3A_414 = arith.addf %mul3A_407, %mul3A_413 : vector<1x6400xf32>
    %get3A_415 = arith.constant 0 : index
    %get3A_416 = arith.constant 8 : index
    %get3A_417 = vector.load %arg15[%get3A_415, %get3A_416] : memref<1x16xf32, #tpu.memory_space<vmem>>, vector<1x1xf32>
    %get3A_418 = vector.extract %get3A_417[0, 0] : f32 from vector<1x1xf32>
    %mul3A_419 = vector.broadcast %get3A_418 : f32 to vector<1x6400xf32>
    %mul3A_420 = arith.mulf %mul3A_419, %mul3A_298 : vector<1x6400xf32>
    %get3A_421 = arith.constant 0 : index
    %get3A_422 = arith.constant 9 : index
    %get3A_423 = vector.load %arg15[%get3A_421, %get3A_422] : memref<1x16xf32, #tpu.memory_space<vmem>>, vector<1x1xf32>
    %get3A_424 = vector.extract %get3A_423[0, 0] : f32 from vector<1x1xf32>
    %mul3A_425 = vector.broadcast %get3A_424 : f32 to vector<1x6400xf32>
    %mul3A_426 = arith.mulf %mul3A_425, %mul3A_316 : vector<1x6400xf32>
    %add3A_427 = arith.addf %mul3A_420, %mul3A_426 : vector<1x6400xf32>
    %mul3A_428 = arith.mulf %add3A_362, %add3A_362 : vector<1x6400xf32>
    %mul3A_429 = arith.mulf %add3A_375, %add3A_375 : vector<1x6400xf32>
    %add3A_430 = arith.addf %mul3A_428, %mul3A_429 : vector<1x6400xf32>
    %mul3A_431 = arith.mulf %add3A_388, %add3A_388 : vector<1x6400xf32>
    %add3A_432 = arith.addf %add3A_430, %mul3A_431 : vector<1x6400xf32>
    %add3A_433 = arith.constant 9.99999993E-9 : f32
    %add3A_434 = vector.broadcast %add3A_433 : f32 to vector<1x6400xf32>
    %add3A_435 = arith.addf %add3A_432, %add3A_434 : vector<1x6400xf32>
    %sqrt3A_436 = math.sqrt %add3A_435 : vector<1x6400xf32>
    %logistic3A_437 = arith.negf %sqrt3A_436 : vector<1x6400xf32>
    %logistic3A_438 = math.exp %logistic3A_437 : vector<1x6400xf32>
    %logistic3A_439 = arith.constant 1.000000e+00 : f32
    %logistic3A_440 = vector.broadcast %logistic3A_439 : f32 to vector<1x6400xf32>
    %logistic3A_441 = arith.addf %logistic3A_440, %logistic3A_438 : vector<1x6400xf32>
    %logistic3A_442 = arith.divf %logistic3A_440, %logistic3A_441 : vector<1x6400xf32>
    %mul3A_443 = arith.mulf %add3A_401, %add3A_401 : vector<1x6400xf32>
    %mul3A_444 = arith.mulf %add3A_414, %add3A_414 : vector<1x6400xf32>
    %add3A_445 = arith.addf %mul3A_443, %mul3A_444 : vector<1x6400xf32>
    %mul3A_446 = arith.mulf %add3A_427, %add3A_427 : vector<1x6400xf32>
    %add3A_447 = arith.addf %add3A_445, %mul3A_446 : vector<1x6400xf32>
    %add3A_448 = arith.constant 9.99999993E-9 : f32
    %add3A_449 = vector.broadcast %add3A_448 : f32 to vector<1x6400xf32>
    %add3A_450 = arith.addf %add3A_447, %add3A_449 : vector<1x6400xf32>
    %sqrt3A_451 = math.sqrt %add3A_450 : vector<1x6400xf32>
    %logistic3A_452 = arith.negf %sqrt3A_451 : vector<1x6400xf32>
    %logistic3A_453 = math.exp %logistic3A_452 : vector<1x6400xf32>
    %logistic3A_454 = arith.constant 1.000000e+00 : f32
    %logistic3A_455 = vector.broadcast %logistic3A_454 : f32 to vector<1x6400xf32>
    %logistic3A_456 = arith.addf %logistic3A_455, %logistic3A_453 : vector<1x6400xf32>
    %logistic3A_457 = arith.divf %logistic3A_455, %logistic3A_456 : vector<1x6400xf32>
    %mul3A_458 = arith.mulf %add3A_362, %logistic3A_442 : vector<1x6400xf32>
    %mul3A_459 = arith.mulf %add3A_375, %logistic3A_442 : vector<1x6400xf32>
    %mul3A_460 = arith.mulf %add3A_388, %logistic3A_442 : vector<1x6400xf32>
    %mul3A_461 = arith.mulf %add3A_401, %logistic3A_457 : vector<1x6400xf32>
    %mul3A_462 = arith.mulf %add3A_414, %logistic3A_457 : vector<1x6400xf32>
    %mul3A_463 = arith.mulf %add3A_427, %logistic3A_457 : vector<1x6400xf32>
    %max3A_464 = arith.constant 0.000000e+00 : bf16
    %max3A_465 = vector.broadcast %max3A_464 : bf16 to vector<128x6400xbf16>
    %max3A_466 = arith.maximumf %add3A_349, %max3A_465 : vector<128x6400xbf16>
    %get3A_467 = arith.constant 0 : index
    %get3A_468 = arith.constant 10 : index
    %get3A_469 = vector.load %arg15[%get3A_467, %get3A_468] : memref<1x16xf32, #tpu.memory_space<vmem>>, vector<1x1xf32>
    %get3A_470 = vector.extract %get3A_469[0, 0] : f32 from vector<1x1xf32>
    %mul3A_471 = vector.broadcast %get3A_470 : f32 to vector<1x6400xf32>
    %mul3A_472 = arith.mulf %mul3A_471, %mul3A_458 : vector<1x6400xf32>
    %get3A_473 = arith.constant 0 : index
    %get3A_474 = arith.constant 11 : index
    %get3A_475 = vector.load %arg15[%get3A_473, %get3A_474] : memref<1x16xf32, #tpu.memory_space<vmem>>, vector<1x1xf32>
    %get3A_476 = vector.extract %get3A_475[0, 0] : f32 from vector<1x1xf32>
    %mul3A_477 = vector.broadcast %get3A_476 : f32 to vector<1x6400xf32>
    %mul3A_478 = arith.mulf %mul3A_477, %mul3A_461 : vector<1x6400xf32>
    %add3A_479 = arith.addf %mul3A_472, %mul3A_478 : vector<1x6400xf32>
    %get3A_480 = arith.constant 0 : index
    %get3A_481 = arith.constant 10 : index
    %get3A_482 = vector.load %arg15[%get3A_480, %get3A_481] : memref<1x16xf32, #tpu.memory_space<vmem>>, vector<1x1xf32>
    %get3A_483 = vector.extract %get3A_482[0, 0] : f32 from vector<1x1xf32>
    %mul3A_484 = vector.broadcast %get3A_483 : f32 to vector<1x6400xf32>
    %mul3A_485 = arith.mulf %mul3A_484, %mul3A_459 : vector<1x6400xf32>
    %get3A_486 = arith.constant 0 : index
    %get3A_487 = arith.constant 11 : index
    %get3A_488 = vector.load %arg15[%get3A_486, %get3A_487] : memref<1x16xf32, #tpu.memory_space<vmem>>, vector<1x1xf32>
    %get3A_489 = vector.extract %get3A_488[0, 0] : f32 from vector<1x1xf32>
    %mul3A_490 = vector.broadcast %get3A_489 : f32 to vector<1x6400xf32>
    %mul3A_491 = arith.mulf %mul3A_490, %mul3A_462 : vector<1x6400xf32>
    %add3A_492 = arith.addf %mul3A_485, %mul3A_491 : vector<1x6400xf32>
    %get3A_493 = arith.constant 0 : index
    %get3A_494 = arith.constant 10 : index
    %get3A_495 = vector.load %arg15[%get3A_493, %get3A_494] : memref<1x16xf32, #tpu.memory_space<vmem>>, vector<1x1xf32>
    %get3A_496 = vector.extract %get3A_495[0, 0] : f32 from vector<1x1xf32>
    %mul3A_497 = vector.broadcast %get3A_496 : f32 to vector<1x6400xf32>
    %mul3A_498 = arith.mulf %mul3A_497, %mul3A_460 : vector<1x6400xf32>
    %get3A_499 = arith.constant 0 : index
    %get3A_500 = arith.constant 11 : index
    %get3A_501 = vector.load %arg15[%get3A_499, %get3A_500] : memref<1x16xf32, #tpu.memory_space<vmem>>, vector<1x1xf32>
    %get3A_502 = vector.extract %get3A_501[0, 0] : f32 from vector<1x1xf32>
    %mul3A_503 = vector.broadcast %get3A_502 : f32 to vector<1x6400xf32>
    %mul3A_504 = arith.mulf %mul3A_503, %mul3A_463 : vector<1x6400xf32>
    %add3A_505 = arith.addf %mul3A_498, %mul3A_504 : vector<1x6400xf32>
    %get3A_506 = arith.constant 0 : index
    %get3A_507 = arith.constant 12 : index
    %get3A_508 = vector.load %arg15[%get3A_506, %get3A_507] : memref<1x16xf32, #tpu.memory_space<vmem>>, vector<1x1xf32>
    %get3A_509 = vector.extract %get3A_508[0, 0] : f32 from vector<1x1xf32>
    %mul3A_510 = vector.broadcast %get3A_509 : f32 to vector<1x6400xf32>
    %mul3A_511 = arith.mulf %mul3A_510, %mul3A_458 : vector<1x6400xf32>
    %get3A_512 = arith.constant 0 : index
    %get3A_513 = arith.constant 13 : index
    %get3A_514 = vector.load %arg15[%get3A_512, %get3A_513] : memref<1x16xf32, #tpu.memory_space<vmem>>, vector<1x1xf32>
    %get3A_515 = vector.extract %get3A_514[0, 0] : f32 from vector<1x1xf32>
    %mul3A_516 = vector.broadcast %get3A_515 : f32 to vector<1x6400xf32>
    %mul3A_517 = arith.mulf %mul3A_516, %mul3A_461 : vector<1x6400xf32>
    %add3A_518 = arith.addf %mul3A_511, %mul3A_517 : vector<1x6400xf32>
    %get3A_519 = arith.constant 0 : index
    %get3A_520 = arith.constant 12 : index
    %get3A_521 = vector.load %arg15[%get3A_519, %get3A_520] : memref<1x16xf32, #tpu.memory_space<vmem>>, vector<1x1xf32>
    %get3A_522 = vector.extract %get3A_521[0, 0] : f32 from vector<1x1xf32>
    %mul3A_523 = vector.broadcast %get3A_522 : f32 to vector<1x6400xf32>
    %mul3A_524 = arith.mulf %mul3A_523, %mul3A_459 : vector<1x6400xf32>
    %get3A_525 = arith.constant 0 : index
    %get3A_526 = arith.constant 13 : index
    %get3A_527 = vector.load %arg15[%get3A_525, %get3A_526] : memref<1x16xf32, #tpu.memory_space<vmem>>, vector<1x1xf32>
    %get3A_528 = vector.extract %get3A_527[0, 0] : f32 from vector<1x1xf32>
    %mul3A_529 = vector.broadcast %get3A_528 : f32 to vector<1x6400xf32>
    %mul3A_530 = arith.mulf %mul3A_529, %mul3A_462 : vector<1x6400xf32>
    %add3A_531 = arith.addf %mul3A_524, %mul3A_530 : vector<1x6400xf32>
    %get3A_532 = arith.constant 0 : index
    %get3A_533 = arith.constant 12 : index
    %get3A_534 = vector.load %arg15[%get3A_532, %get3A_533] : memref<1x16xf32, #tpu.memory_space<vmem>>, vector<1x1xf32>
    %get3A_535 = vector.extract %get3A_534[0, 0] : f32 from vector<1x1xf32>
    %mul3A_536 = vector.broadcast %get3A_535 : f32 to vector<1x6400xf32>
    %mul3A_537 = arith.mulf %mul3A_536, %mul3A_460 : vector<1x6400xf32>
    %get3A_538 = arith.constant 0 : index
    %get3A_539 = arith.constant 13 : index
    %get3A_540 = vector.load %arg15[%get3A_538, %get3A_539] : memref<1x16xf32, #tpu.memory_space<vmem>>, vector<1x1xf32>
    %get3A_541 = vector.extract %get3A_540[0, 0] : f32 from vector<1x1xf32>
    %mul3A_542 = vector.broadcast %get3A_541 : f32 to vector<1x6400xf32>
    %mul3A_543 = arith.mulf %mul3A_542, %mul3A_463 : vector<1x6400xf32>
    %add3A_544 = arith.addf %mul3A_537, %mul3A_543 : vector<1x6400xf32>
    %mul3A_545 = arith.mulf %add3A_479, %add3A_479 : vector<1x6400xf32>
    %mul3A_546 = arith.mulf %add3A_492, %add3A_492 : vector<1x6400xf32>
    %add3A_547 = arith.addf %mul3A_545, %mul3A_546 : vector<1x6400xf32>
    %mul3A_548 = arith.mulf %add3A_505, %add3A_505 : vector<1x6400xf32>
    %add3A_549 = arith.addf %add3A_547, %mul3A_548 : vector<1x6400xf32>
    %add3A_550 = arith.constant 9.99999993E-9 : f32
    %add3A_551 = vector.broadcast %add3A_550 : f32 to vector<1x6400xf32>
    %add3A_552 = arith.addf %add3A_549, %add3A_551 : vector<1x6400xf32>
    %sqrt3A_553 = math.sqrt %add3A_552 : vector<1x6400xf32>
    %mul3A_554 = arith.mulf %add3A_518, %add3A_518 : vector<1x6400xf32>
    %mul3A_555 = arith.mulf %add3A_531, %add3A_531 : vector<1x6400xf32>
    %add3A_556 = arith.addf %mul3A_554, %mul3A_555 : vector<1x6400xf32>
    %mul3A_557 = arith.mulf %add3A_544, %add3A_544 : vector<1x6400xf32>
    %add3A_558 = arith.addf %add3A_556, %mul3A_557 : vector<1x6400xf32>
    %add3A_559 = arith.constant 9.99999993E-9 : f32
    %add3A_560 = vector.broadcast %add3A_559 : f32 to vector<1x6400xf32>
    %add3A_561 = arith.addf %add3A_558, %add3A_560 : vector<1x6400xf32>
    %sqrt3A_562 = math.sqrt %add3A_561 : vector<1x6400xf32>
    %convert_element_type3A_563 = arith.truncf %sqrt3A_553 : vector<1x6400xf32> to vector<1x6400xbf16>
    %convert_element_type3A_564 = arith.truncf %sqrt3A_562 : vector<1x6400xf32> to vector<1x6400xbf16>
    %concatenate3A_565 = tpu.concatenate %max3A_466, %convert_element_type3A_563, %convert_element_type3A_564 in 0 : vector<128x6400xbf16>, vector<1x6400xbf16>, vector<1x6400xbf16> -> vector<130x6400xbf16>
    %get3A_566 = arith.constant 0 : index
    %get3A_567 = arith.constant 0 : index
    %get3A_568 = vector.load %arg21[%get3A_566, %get3A_567] : memref<32x130xbf16, #tpu.memory_space<vmem>>, vector<32x130xbf16>
    %dot_general3A_569 = arith.constant dense<0.000000e+00> : vector<32x6400xf32>
    %dot_general3A_570 = tpu.matmul %get3A_568, %concatenate3A_565, %dot_general3A_569 {dimension_numbers = #tpu.dot_dimension_numbers<[1], [0], [0], [1], [0, 0, 1, 1], [], []>, transpose_lhs_hint = false} : vector<32x130xbf16>, vector<130x6400xbf16>, vector<32x6400xf32> -> vector<32x6400xf32>
    %get3A_571 = arith.constant 0 : index
    %get3A_572 = arith.constant 0 : index
    %get3A_573 = vector.load %arg22[%get3A_571, %get3A_572] : memref<32x1xf32, #tpu.memory_space<vmem>>, vector<32x1xf32>
    %add3A_574 = vector.broadcast %get3A_573 : vector<32x1xf32> to vector<32x6400xf32>
    %add3A_575 = arith.addf %dot_general3A_570, %add3A_574 : vector<32x6400xf32>
    %get3A_576 = arith.constant 0 : index
    %get3A_577 = arith.constant 14 : index
    %get3A_578 = vector.load %arg15[%get3A_576, %get3A_577] : memref<1x16xf32, #tpu.memory_space<vmem>>, vector<1x1xf32>
    %get3A_579 = vector.extract %get3A_578[0, 0] : f32 from vector<1x1xf32>
    %mul3A_580 = vector.broadcast %get3A_579 : f32 to vector<1x6400xf32>
    %mul3A_581 = arith.mulf %mul3A_580, %add3A_479 : vector<1x6400xf32>
    %get3A_582 = arith.constant 0 : index
    %get3A_583 = arith.constant 15 : index
    %get3A_584 = vector.load %arg15[%get3A_582, %get3A_583] : memref<1x16xf32, #tpu.memory_space<vmem>>, vector<1x1xf32>
    %get3A_585 = vector.extract %get3A_584[0, 0] : f32 from vector<1x1xf32>
    %mul3A_586 = vector.broadcast %get3A_585 : f32 to vector<1x6400xf32>
    %mul3A_587 = arith.mulf %mul3A_586, %add3A_518 : vector<1x6400xf32>
    %add3A_588 = arith.addf %mul3A_581, %mul3A_587 : vector<1x6400xf32>
    %get3A_589 = arith.constant 0 : index
    %get3A_590 = arith.constant 14 : index
    %get3A_591 = vector.load %arg15[%get3A_589, %get3A_590] : memref<1x16xf32, #tpu.memory_space<vmem>>, vector<1x1xf32>
    %get3A_592 = vector.extract %get3A_591[0, 0] : f32 from vector<1x1xf32>
    %mul3A_593 = vector.broadcast %get3A_592 : f32 to vector<1x6400xf32>
    %mul3A_594 = arith.mulf %mul3A_593, %add3A_492 : vector<1x6400xf32>
    %get3A_595 = arith.constant 0 : index
    %get3A_596 = arith.constant 15 : index
    %get3A_597 = vector.load %arg15[%get3A_595, %get3A_596] : memref<1x16xf32, #tpu.memory_space<vmem>>, vector<1x1xf32>
    %get3A_598 = vector.extract %get3A_597[0, 0] : f32 from vector<1x1xf32>
    %mul3A_599 = vector.broadcast %get3A_598 : f32 to vector<1x6400xf32>
    %mul3A_600 = arith.mulf %mul3A_599, %add3A_531 : vector<1x6400xf32>
    %add3A_601 = arith.addf %mul3A_594, %mul3A_600 : vector<1x6400xf32>
    %get3A_602 = arith.constant 0 : index
    %get3A_603 = arith.constant 14 : index
    %get3A_604 = vector.load %arg15[%get3A_602, %get3A_603] : memref<1x16xf32, #tpu.memory_space<vmem>>, vector<1x1xf32>
    %get3A_605 = vector.extract %get3A_604[0, 0] : f32 from vector<1x1xf32>
    %mul3A_606 = vector.broadcast %get3A_605 : f32 to vector<1x6400xf32>
    %mul3A_607 = arith.mulf %mul3A_606, %add3A_505 : vector<1x6400xf32>
    %get3A_608 = arith.constant 0 : index
    %get3A_609 = arith.constant 15 : index
    %get3A_610 = vector.load %arg15[%get3A_608, %get3A_609] : memref<1x16xf32, #tpu.memory_space<vmem>>, vector<1x1xf32>
    %get3A_611 = vector.extract %get3A_610[0, 0] : f32 from vector<1x1xf32>
    %mul3A_612 = vector.broadcast %get3A_611 : f32 to vector<1x6400xf32>
    %mul3A_613 = arith.mulf %mul3A_612, %add3A_544 : vector<1x6400xf32>
    %add3A_614 = arith.addf %mul3A_607, %mul3A_613 : vector<1x6400xf32>
    %add3A_615 = arith.addf %add3A_280, %add3A_575 : vector<32x6400xf32>
    %add3A_616 = arith.addf %mul3A_246, %add3A_588 : vector<1x6400xf32>
    %add3A_617 = arith.addf %mul3A_247, %add3A_601 : vector<1x6400xf32>
    %add3A_618 = arith.addf %mul3A_248, %add3A_614 : vector<1x6400xf32>
    %mul3A_619 = arith.mulf %add3A_616, %add3A_616 : vector<1x6400xf32>
    %mul3A_620 = arith.mulf %add3A_617, %add3A_617 : vector<1x6400xf32>
    %add3A_621 = arith.addf %mul3A_619, %mul3A_620 : vector<1x6400xf32>
    %mul3A_622 = arith.mulf %add3A_618, %add3A_618 : vector<1x6400xf32>
    %add3A_623 = arith.addf %add3A_621, %mul3A_622 : vector<1x6400xf32>
    %add3A_624 = arith.constant 9.99999993E-9 : f32
    %add3A_625 = vector.broadcast %add3A_624 : f32 to vector<1x6400xf32>
    %add3A_626 = arith.addf %add3A_623, %add3A_625 : vector<1x6400xf32>
    %rsqrt3A_627 = math.rsqrt %add3A_626 : vector<1x6400xf32>
    %mul3A_628 = arith.mulf %add3A_616, %rsqrt3A_627 : vector<1x6400xf32>
    %mul3A_629 = arith.mulf %add3A_617, %rsqrt3A_627 : vector<1x6400xf32>
    %mul3A_630 = arith.mulf %add3A_618, %rsqrt3A_627 : vector<1x6400xf32>
    %convert_element_type3A_631 = arith.truncf %add3A_615 : vector<32x6400xf32> to vector<32x6400xbf16>
    %get3A_632 = arith.constant 0 : index
    %get3A_633 = arith.constant 0 : index
    %get3A_634 = vector.load %arg18[%get3A_632, %get3A_633] : memref<1x32xbf16, #tpu.memory_space<vmem>>, vector<1x32xbf16>
    %dot_general3A_635 = arith.constant dense<0.000000e+00> : vector<1x6400xf32>
    %dot_general3A_636 = tpu.matmul %get3A_634, %convert_element_type3A_631, %dot_general3A_635 {dimension_numbers = #tpu.dot_dimension_numbers<[1], [0], [0], [1], [0, 0, 1, 1], [], []>, transpose_lhs_hint = false} : vector<1x32xbf16>, vector<32x6400xbf16>, vector<1x6400xf32> -> vector<1x6400xf32>
    %mul3A_637 = arith.mulf %add3A_615, %add3A_615 : vector<32x6400xf32>
    %convert_element_type3A_638 = arith.truncf %mul3A_637 : vector<32x6400xf32> to vector<32x6400xbf16>
    %get3A_639 = arith.constant 0 : index
    %get3A_640 = arith.constant 0 : index
    %get3A_641 = vector.load %arg18[%get3A_639, %get3A_640] : memref<1x32xbf16, #tpu.memory_space<vmem>>, vector<1x32xbf16>
    %dot_general3A_642 = arith.constant dense<0.000000e+00> : vector<1x6400xf32>
    %dot_general3A_643 = tpu.matmul %get3A_641, %convert_element_type3A_638, %dot_general3A_642 {dimension_numbers = #tpu.dot_dimension_numbers<[1], [0], [0], [1], [0, 0, 1, 1], [], []>, transpose_lhs_hint = false} : vector<1x32xbf16>, vector<32x6400xbf16>, vector<1x6400xf32> -> vector<1x6400xf32>
    %mul3A_644 = arith.mulf %dot_general3A_636, %dot_general3A_636 : vector<1x6400xf32>
    %sub3A_645 = arith.subf %dot_general3A_643, %mul3A_644 : vector<1x6400xf32>
    %sub3A_646 = vector.broadcast %dot_general3A_636 : vector<1x6400xf32> to vector<32x6400xf32>
    %sub3A_647 = arith.subf %add3A_615, %sub3A_646 : vector<32x6400xf32>
    %add3A_648 = arith.constant 9.99999974E-6 : f32
    %add3A_649 = vector.broadcast %add3A_648 : f32 to vector<1x6400xf32>
    %add3A_650 = arith.addf %sub3A_645, %add3A_649 : vector<1x6400xf32>
    %rsqrt3A_651 = math.rsqrt %add3A_650 : vector<1x6400xf32>
    %mul3A_652 = vector.broadcast %rsqrt3A_651 : vector<1x6400xf32> to vector<32x6400xf32>
    %mul3A_653 = arith.mulf %sub3A_647, %mul3A_652 : vector<32x6400xf32>
    %get3A_654 = arith.constant 0 : index
    %get3A_655 = arith.constant 0 : index
    %get3A_656 = vector.load %arg23[%get3A_654, %get3A_655] : memref<32x1xf32, #tpu.memory_space<vmem>>, vector<32x1xf32>
    %mul3A_657 = vector.broadcast %get3A_656 : vector<32x1xf32> to vector<32x6400xf32>
    %mul3A_658 = arith.mulf %mul3A_653, %mul3A_657 : vector<32x6400xf32>
    %get3A_659 = arith.constant 0 : index
    %get3A_660 = arith.constant 0 : index
    %get3A_661 = vector.load %arg24[%get3A_659, %get3A_660] : memref<32x1xf32, #tpu.memory_space<vmem>>, vector<32x1xf32>
    %add3A_662 = vector.broadcast %get3A_661 : vector<32x1xf32> to vector<32x6400xf32>
    %add3A_663 = arith.addf %mul3A_658, %add3A_662 : vector<32x6400xf32>
    %swap3A = arith.constant 0 : index
    %swap3A_664 = arith.constant 0 : index
    %swap3A_665 = vector.load %arg25[%swap3A, %swap3A_664] : memref<32x6400xf32, #tpu.memory_space<vmem>>, vector<32x6400xf32>
    tpu.vector_store %arg25[%swap3A, %swap3A_664], %add3A_663 {strides = array<i32>} : memref<32x6400xf32, #tpu.memory_space<vmem>>, vector<32x6400xf32>,
    %concatenate3A_666 = tpu.concatenate %mul3A_628, %mul3A_629, %mul3A_630 in 0 : vector<1x6400xf32>, vector<1x6400xf32>, vector<1x6400xf32> -> vector<3x6400xf32>
    %swap3A_667 = arith.constant 0 : index
    %swap3A_668 = arith.constant 0 : index
    %swap3A_669 = vector.load %arg26[%swap3A_667, %swap3A_668] : memref<3x6400xf32, #tpu.memory_space<vmem>>, vector<3x6400xf32>
    tpu.vector_store %arg26[%swap3A_667, %swap3A_668], %concatenate3A_666 {strides = array<i32>} : memref<3x6400xf32, #tpu.memory_space<vmem>>, vector<3x6400xf32>,
    return
  }
  func.func @transform_0(%arg0: i32) -> (i32, i32) {
    %c0_i32 = arith.constant 0 : i32
    %c0_i32_0 = arith.constant 0 : i32
    return %arg0, %c0_i32 : i32, i32
  }
  func.func @transform_1(%arg0: i32) -> (i32, i32) {
    %add3A = arith.constant 75 : i32
    %add3A_0 = arith.addi %arg0, %add3A : i32
    %c0_i32 = arith.constant 0 : i32
    %c0_i32_1 = arith.constant 0 : i32
    return %c0_i32, %add3A_0 : i32, i32
  }
  func.func @transform_2(%arg0: i32) -> (i32, i32) {
    %add3A = arith.constant 75 : i32
    %add3A_0 = arith.addi %arg0, %add3A : i32
    %c0_i32 = arith.constant 0 : i32
    %c0_i32_1 = arith.constant 0 : i32
    return %c0_i32, %add3A_0 : i32, i32
  }
  func.func @transform_3(%arg0: i32) -> (i32, i32) {
    %c0_i32 = arith.constant 0 : i32
    %c0_i32_0 = arith.constant 0 : i32
    %c0_i32_1 = arith.constant 0 : i32
    return %c0_i32, %c0_i32_0 : i32, i32
  }
  func.func @transform_4(%arg0: i32) -> (i32, i32) {
    %c0_i32 = arith.constant 0 : i32
    %c0_i32_0 = arith.constant 0 : i32
    %c0_i32_1 = arith.constant 0 : i32
    return %c0_i32, %c0_i32_0 : i32, i32
  }
  func.func @transform_5(%arg0: i32) -> (i32, i32) {
    %c0_i32 = arith.constant 0 : i32
    %c0_i32_0 = arith.constant 0 : i32
    %c0_i32_1 = arith.constant 0 : i32
    return %c0_i32, %c0_i32_0 : i32, i32
  }
  func.func @transform_6(%arg0: i32) -> (i32, i32) {
    %c0_i32 = arith.constant 0 : i32
    %c0_i32_0 = arith.constant 0 : i32
    %c0_i32_1 = arith.constant 0 : i32
    return %c0_i32, %c0_i32_0 : i32, i32
  }
  func.func @transform_7(%arg0: i32) -> (i32, i32) {
    %c0_i32 = arith.constant 0 : i32
    %c0_i32_0 = arith.constant 0 : i32
    %c0_i32_1 = arith.constant 0 : i32
    return %c0_i32, %c0_i32_0 : i32, i32
  }
  func.func @transform_8(%arg0: i32) -> (i32, i32) {
    %c0_i32 = arith.constant 0 : i32
    %c0_i32_0 = arith.constant 0 : i32
    %c0_i32_1 = arith.constant 0 : i32
    return %c0_i32, %c0_i32_0 : i32, i32
  }
  func.func @transform_9(%arg0: i32) -> (i32, i32) {
    %c0_i32 = arith.constant 0 : i32
    %c0_i32_0 = arith.constant 0 : i32
    %c0_i32_1 = arith.constant 0 : i32
    return %c0_i32, %c0_i32_0 : i32, i32
  }
  func.func @transform_10(%arg0: i32) -> (i32, i32) {
    %c0_i32 = arith.constant 0 : i32
    %c0_i32_0 = arith.constant 0 : i32
    %c0_i32_1 = arith.constant 0 : i32
    return %c0_i32, %c0_i32_0 : i32, i32
  }
  func.func @transform_11(%arg0: i32) -> (i32, i32) {
    %c0_i32 = arith.constant 0 : i32
    %c0_i32_0 = arith.constant 0 : i32
    %c0_i32_1 = arith.constant 0 : i32
    return %c0_i32, %c0_i32_0 : i32, i32
  }
  func.func @transform_12(%arg0: i32) -> (i32, i32) {
    %c0_i32 = arith.constant 0 : i32
    %c0_i32_0 = arith.constant 0 : i32
    %c0_i32_1 = arith.constant 0 : i32
    return %c0_i32, %c0_i32_0 : i32, i32
  }
  func.func @transform_13(%arg0: i32) -> (i32, i32) {
    %c0_i32 = arith.constant 0 : i32
    %c0_i32_0 = arith.constant 0 : i32
    %c0_i32_1 = arith.constant 0 : i32
    return %c0_i32, %c0_i32_0 : i32, i32
  }
  func.func @transform_14(%arg0: i32) -> (i32, i32) {
    %c0_i32 = arith.constant 0 : i32
    %c0_i32_0 = arith.constant 0 : i32
    %c0_i32_1 = arith.constant 0 : i32
    return %c0_i32, %c0_i32_0 : i32, i32
  }
  func.func @transform_15(%arg0: i32) -> (i32, i32) {
    %c0_i32 = arith.constant 0 : i32
    %c0_i32_0 = arith.constant 0 : i32
    %c0_i32_1 = arith.constant 0 : i32
    return %c0_i32, %c0_i32_0 : i32, i32
  }
  func.func @transform_16(%arg0: i32) -> (i32, i32) {
    %c0_i32 = arith.constant 0 : i32
    %c0_i32_0 = arith.constant 0 : i32
    %c0_i32_1 = arith.constant 0 : i32
    return %c0_i32, %c0_i32_0 : i32, i32
  }
  func.func @transform_17(%arg0: i32) -> (i32, i32) {
    %c0_i32 = arith.constant 0 : i32
    %c0_i32_0 = arith.constant 0 : i32
    %c0_i32_1 = arith.constant 0 : i32
    return %c0_i32, %c0_i32_0 : i32, i32
  }
  func.func @transform_18(%arg0: i32) -> (i32, i32) {
    %c0_i32 = arith.constant 0 : i32
    %c0_i32_0 = arith.constant 0 : i32
    %c0_i32_1 = arith.constant 0 : i32
    return %c0_i32, %c0_i32_0 : i32, i32
  }
  func.func @transform_19(%arg0: i32) -> (i32, i32) {
    %c0_i32 = arith.constant 0 : i32
    %c0_i32_0 = arith.constant 0 : i32
    %c0_i32_1 = arith.constant 0 : i32
    return %c0_i32, %c0_i32_0 : i32, i32
  }
  func.func @transform_20(%arg0: i32) -> (i32, i32) {
    %c0_i32 = arith.constant 0 : i32
    %c0_i32_0 = arith.constant 0 : i32
    %c0_i32_1 = arith.constant 0 : i32
    return %c0_i32, %c0_i32_0 : i32, i32
  }
  func.func @transform_21(%arg0: i32) -> (i32, i32) {
    %c0_i32 = arith.constant 0 : i32
    %c0_i32_0 = arith.constant 0 : i32
    %c0_i32_1 = arith.constant 0 : i32
    return %c0_i32, %c0_i32_0 : i32, i32
  }
  func.func @transform_22(%arg0: i32) -> (i32, i32) {
    %c0_i32 = arith.constant 0 : i32
    %c0_i32_0 = arith.constant 0 : i32
    %c0_i32_1 = arith.constant 0 : i32
    return %c0_i32, %c0_i32_0 : i32, i32
  }
  func.func @transform_23(%arg0: i32) -> (i32, i32) {
    %c0_i32 = arith.constant 0 : i32
    %c0_i32_0 = arith.constant 0 : i32
    %c0_i32_1 = arith.constant 0 : i32
    return %c0_i32, %c0_i32_0 : i32, i32
  }
  func.func @transform_24(%arg0: i32) -> (i32, i32) {
    %c0_i32 = arith.constant 0 : i32
    %c0_i32_0 = arith.constant 0 : i32
    return %c0_i32, %arg0 : i32, i32
  }
  func.func @transform_25(%arg0: i32) -> (i32, i32) {
    %c0_i32 = arith.constant 0 : i32
    %c0_i32_0 = arith.constant 0 : i32
    return %c0_i32, %arg0 : i32, i32
  }
}

module attributes {stable_mosaic.version = 14 : i64} {
  func.func @_tc_body(%arg0: i32, %arg1: memref<6400x128xf32, #tpu.memory_space<vmem>>, %arg2: memref<32x6400xf32, #tpu.memory_space<vmem>>, %arg3: memref<3x6400xf32, #tpu.memory_space<vmem>>, %arg4: memref<80x128xbf16, #tpu.memory_space<vmem>>, %arg5: memref<32x41xbf16, #tpu.memory_space<vmem>>, %arg6: memref<32x1xf32, #tpu.memory_space<vmem>>, %arg7: memref<9x1xf32, #tpu.memory_space<vmem>>, %arg8: memref<9x1xf32, #tpu.memory_space<vmem>>, %arg9: memref<32x32xbf16, #tpu.memory_space<vmem>>, %arg10: memref<32x1xf32, #tpu.memory_space<vmem>>, %arg11: memref<32x1xf32, #tpu.memory_space<vmem>>, %arg12: memref<32x32xbf16, #tpu.memory_space<vmem>>, %arg13: memref<32x1xf32, #tpu.memory_space<vmem>>, %arg14: memref<32x1xf32, #tpu.memory_space<vmem>>, %arg15: memref<1x16xf32, #tpu.memory_space<vmem>>, %arg16: memref<32x1xf32, #tpu.memory_space<vmem>>, %arg17: memref<32x1xf32, #tpu.memory_space<vmem>>, %arg18: memref<1x32xbf16, #tpu.memory_space<vmem>>, %arg19: memref<128x34xbf16, #tpu.memory_space<vmem>>, %arg20: memref<128x1xbf16, #tpu.memory_space<vmem>>, %arg21: memref<32x130xbf16, #tpu.memory_space<vmem>>, %arg22: memref<32x1xf32, #tpu.memory_space<vmem>>, %arg23: memref<32x1xf32, #tpu.memory_space<vmem>>, %arg24: memref<32x1xf32, #tpu.memory_space<vmem>>, %arg25: memref<32x6400xf32, #tpu.memory_space<vmem>>, %arg26: memref<3x6400xf32, #tpu.memory_space<vmem>>) attributes {dimension_semantics = [#tpu.dimension_semantics<arbitrary>], iteration_bounds = array<i64: 25>, scalar_prefetch = 0 : i64, scratch_operands = 0 : i64, tpu.core_type = #tpu.core_type<tc>, window_params = [{transform_indices = @transform_0, window_bounds = array<i64: 6400, 128>}, {transform_indices = @transform_1, window_bounds = array<i64: 32, 6400>}, {transform_indices = @transform_2, window_bounds = array<i64: 3, 6400>}, {pipeline_mode = #tpu.pipeline_mode<synchronous>, transform_indices = @transform_3, window_bounds = array<i64: 80, 128>}, {pipeline_mode = #tpu.pipeline_mode<synchronous>, transform_indices = @transform_4, window_bounds = array<i64: 32, 41>}, {pipeline_mode = #tpu.pipeline_mode<synchronous>, transform_indices = @transform_5, window_bounds = array<i64: 32, 1>}, {pipeline_mode = #tpu.pipeline_mode<synchronous>, transform_indices = @transform_6, window_bounds = array<i64: 9, 1>}, {pipeline_mode = #tpu.pipeline_mode<synchronous>, transform_indices = @transform_7, window_bounds = array<i64: 9, 1>}, {pipeline_mode = #tpu.pipeline_mode<synchronous>, transform_indices = @transform_8, window_bounds = array<i64: 32, 32>}, {pipeline_mode = #tpu.pipeline_mode<synchronous>, transform_indices = @transform_9, window_bounds = array<i64: 32, 1>}, {pipeline_mode = #tpu.pipeline_mode<synchronous>, transform_indices = @transform_10, window_bounds = array<i64: 32, 1>}, {pipeline_mode = #tpu.pipeline_mode<synchronous>, transform_indices = @transform_11, window_bounds = array<i64: 32, 32>}, {pipeline_mode = #tpu.pipeline_mode<synchronous>, transform_indices = @transform_12, window_bounds = array<i64: 32, 1>}, {pipeline_mode = #tpu.pipeline_mode<synchronous>, transform_indices = @transform_13, window_bounds = array<i64: 32, 1>}, {pipeline_mode = #tpu.pipeline_mode<synchronous>, transform_indices = @transform_14, window_bounds = array<i64: 1, 16>}, {pipeline_mode = #tpu.pipeline_mode<synchronous>, transform_indices = @transform_15, window_bounds = array<i64: 32, 1>}, {pipeline_mode = #tpu.pipeline_mode<synchronous>, transform_indices = @transform_16, window_bounds = array<i64: 32, 1>}, {pipeline_mode = #tpu.pipeline_mode<synchronous>, transform_indices = @transform_17, window_bounds = array<i64: 1, 32>}, {pipeline_mode = #tpu.pipeline_mode<synchronous>, transform_indices = @transform_18, window_bounds = array<i64: 128, 34>}, {pipeline_mode = #tpu.pipeline_mode<synchronous>, transform_indices = @transform_19, window_bounds = array<i64: 128, 1>}, {pipeline_mode = #tpu.pipeline_mode<synchronous>, transform_indices = @transform_20, window_bounds = array<i64: 32, 130>}, {pipeline_mode = #tpu.pipeline_mode<synchronous>, transform_indices = @transform_21, window_bounds = array<i64: 32, 1>}, {pipeline_mode = #tpu.pipeline_mode<synchronous>, transform_indices = @transform_22, window_bounds = array<i64: 32, 1>}, {pipeline_mode = #tpu.pipeline_mode<synchronous>, transform_indices = @transform_23, window_bounds = array<i64: 32, 1>}, {transform_indices = @transform_24, window_bounds = array<i64: 32, 6400>}, {transform_indices = @transform_25, window_bounds = array<i64: 3, 6400>}]} {
    %get3A = arith.constant 0 : index
    %get3A_0 = arith.constant 0 : index
    %get3A_1 = vector.load %arg2[%get3A, %get3A_0] : memref<32x6400xf32, #tpu.memory_space<vmem>>, vector<32x6400xf32>
    %get3A_2 = arith.constant 0 : index
    %get3A_3 = arith.constant 0 : index
    %get3A_4 = vector.load %arg3[%get3A_2, %get3A_3] : memref<3x6400xf32, #tpu.memory_space<vmem>>, vector<3x6400xf32>
    %slice3A = vector.extract_strided_slice %get3A_4 {offsets = [0, 0], sizes = [1, 6400], strides = [1, 1]} : vector<3x6400xf32> to vector<1x6400xf32>
    %slice3A_5 = vector.extract_strided_slice %get3A_4 {offsets = [1, 0], sizes = [1, 6400], strides = [1, 1]} : vector<3x6400xf32> to vector<1x6400xf32>
    %slice3A_6 = vector.extract_strided_slice %get3A_4 {offsets = [2, 0], sizes = [1, 6400], strides = [1, 1]} : vector<3x6400xf32> to vector<1x6400xf32>
    %get3A_7 = arith.constant 0 : index
    %get3A_8 = arith.constant 0 : index
    %get3A_9 = vector.load %arg4[%get3A_7, %get3A_8] : memref<80x128xbf16, #tpu.memory_space<vmem>>, vector<80x128xbf16>
    %get3A_10 = arith.constant 0 : index
    %get3A_11 = arith.constant 0 : index
    %get3A_12 = vector.load %arg1[%get3A_10, %get3A_11] : memref<6400x128xf32, #tpu.memory_space<vmem>>, vector<6400x128xf32>
    %convert_element_type3A = arith.truncf %get3A_12 : vector<6400x128xf32> to vector<6400x128xbf16>
    %dot_general3A = arith.constant dense<0.000000e+00> : vector<80x6400xf32>
    %dot_general3A_13 = tpu.matmul %get3A_9, %convert_element_type3A, %dot_general3A {dimension_numbers = #tpu.dot_dimension_numbers<[1], [1], [0], [0], [0, 0, 1, 0], [], []>, transpose_lhs_hint = false} : vector<80x128xbf16>, vector<6400x128xbf16>, vector<80x6400xf32> -> vector<80x6400xf32>
    %get3A_14 = arith.constant 0 : index
    %get3A_15 = arith.constant 0 : index
    %get3A_16 = vector.load %arg8[%get3A_14, %get3A_15] : memref<9x1xf32, #tpu.memory_space<vmem>>, vector<9x1xf32>
    %slice3A_17 = vector.extract_strided_slice %dot_general3A_13 {offsets = [32, 0], sizes = [9, 6400], strides = [1, 1]} : vector<80x6400xf32> to vector<9x6400xf32>
    %mul3A = vector.broadcast %get3A_16 : vector<9x1xf32> to vector<9x6400xf32>
    %mul3A_18 = vector.broadcast %slice3A : vector<1x6400xf32> to vector<9x6400xf32>
    %mul3A_19 = arith.mulf %mul3A, %mul3A_18 : vector<9x6400xf32>
    %add3A = arith.addf %slice3A_17, %mul3A_19 : vector<9x6400xf32>
    %slice3A_20 = vector.extract_strided_slice %dot_general3A_13 {offsets = [48, 0], sizes = [9, 6400], strides = [1, 1]} : vector<80x6400xf32> to vector<9x6400xf32>
    %mul3A_21 = vector.broadcast %get3A_16 : vector<9x1xf32> to vector<9x6400xf32>
    %mul3A_22 = vector.broadcast %slice3A_5 : vector<1x6400xf32> to vector<9x6400xf32>
    %mul3A_23 = arith.mulf %mul3A_21, %mul3A_22 : vector<9x6400xf32>
    %add3A_24 = arith.addf %slice3A_20, %mul3A_23 : vector<9x6400xf32>
    %slice3A_25 = vector.extract_strided_slice %dot_general3A_13 {offsets = [64, 0], sizes = [9, 6400], strides = [1, 1]} : vector<80x6400xf32> to vector<9x6400xf32>
    %mul3A_26 = vector.broadcast %get3A_16 : vector<9x1xf32> to vector<9x6400xf32>
    %mul3A_27 = vector.broadcast %slice3A_6 : vector<1x6400xf32> to vector<9x6400xf32>
    %mul3A_28 = arith.mulf %mul3A_26, %mul3A_27 : vector<9x6400xf32>
    %add3A_29 = arith.addf %slice3A_25, %mul3A_28 : vector<9x6400xf32>
    %mul3A_30 = arith.mulf %add3A, %add3A : vector<9x6400xf32>
    %mul3A_31 = arith.mulf %add3A_24, %add3A_24 : vector<9x6400xf32>
    %add3A_32 = arith.addf %mul3A_30, %mul3A_31 : vector<9x6400xf32>
    %mul3A_33 = arith.mulf %add3A_29, %add3A_29 : vector<9x6400xf32>
    %add3A_34 = arith.addf %add3A_32, %mul3A_33 : vector<9x6400xf32>
    %add3A_35 = arith.constant 9.99999993E-9 : f32
    %add3A_36 = vector.broadcast %add3A_35 : f32 to vector<9x6400xf32>
    %add3A_37 = arith.addf %add3A_34, %add3A_36 : vector<9x6400xf32>
    %sqrt3A = math.sqrt %add3A_37 : vector<9x6400xf32>
    %convert_element_type3A_38 = arith.truncf %get3A_1 : vector<32x6400xf32> to vector<32x6400xbf16>
    %convert_element_type3A_39 = arith.truncf %sqrt3A : vector<9x6400xf32> to vector<9x6400xbf16>
    %concatenate3A = tpu.concatenate %convert_element_type3A_38, %convert_element_type3A_39 in 0 : vector<32x6400xbf16>, vector<9x6400xbf16> -> vector<41x6400xbf16>
    %slice3A_40 = vector.extract_strided_slice %dot_general3A_13 {offsets = [0, 0], sizes = [32, 6400], strides = [1, 1]} : vector<80x6400xf32> to vector<32x6400xf32>
    %get3A_41 = arith.constant 0 : index
    %get3A_42 = arith.constant 0 : index
    %get3A_43 = vector.load %arg5[%get3A_41, %get3A_42] : memref<32x41xbf16, #tpu.memory_space<vmem>>, vector<32x41xbf16>
    %dot_general3A_44 = arith.constant dense<0.000000e+00> : vector<32x6400xf32>
    %dot_general3A_45 = tpu.matmul %get3A_43, %concatenate3A, %dot_general3A_44 {dimension_numbers = #tpu.dot_dimension_numbers<[1], [0], [0], [1], [0, 0, 1, 1], [], []>, transpose_lhs_hint = false} : vector<32x41xbf16>, vector<41x6400xbf16>, vector<32x6400xf32> -> vector<32x6400xf32>
    %add3A_46 = arith.addf %slice3A_40, %dot_general3A_45 : vector<32x6400xf32>
    %get3A_47 = arith.constant 0 : index
    %get3A_48 = arith.constant 0 : index
    %get3A_49 = vector.load %arg6[%get3A_47, %get3A_48] : memref<32x1xf32, #tpu.memory_space<vmem>>, vector<32x1xf32>
    %add3A_50 = vector.broadcast %get3A_49 : vector<32x1xf32> to vector<32x6400xf32>
    %add3A_51 = arith.addf %add3A_46, %add3A_50 : vector<32x6400xf32>
    %get3A_52 = arith.constant 0 : index
    %get3A_53 = arith.constant 0 : index
    %get3A_54 = vector.load %arg7[%get3A_52, %get3A_53] : memref<9x1xf32, #tpu.memory_space<vmem>>, vector<9x1xf32>
    %mul3A_55 = vector.broadcast %get3A_54 : vector<9x1xf32> to vector<9x6400xf32>
    %mul3A_56 = arith.mulf %add3A, %mul3A_55 : vector<9x6400xf32>
    %reduce_sum3A = arith.constant dense<0.000000e+00> : vector<6400xf32>
    %reduce_sum3A_57 = vector.multi_reduction <add>, %mul3A_56, %reduce_sum3A [0] : vector<9x6400xf32> to vector<6400xf32>
    %broadcast_in_dim3A = vector.shape_cast %reduce_sum3A_57 : vector<6400xf32> to vector<1x6400xf32>
    %mul3A_58 = vector.broadcast %get3A_54 : vector<9x1xf32> to vector<9x6400xf32>
    %mul3A_59 = arith.mulf %add3A_24, %mul3A_58 : vector<9x6400xf32>
    %reduce_sum3A_60 = arith.constant dense<0.000000e+00> : vector<6400xf32>
    %reduce_sum3A_61 = vector.multi_reduction <add>, %mul3A_59, %reduce_sum3A_60 [0] : vector<9x6400xf32> to vector<6400xf32>
    %broadcast_in_dim3A_62 = vector.shape_cast %reduce_sum3A_61 : vector<6400xf32> to vector<1x6400xf32>
    %mul3A_63 = vector.broadcast %get3A_54 : vector<9x1xf32> to vector<9x6400xf32>
    %mul3A_64 = arith.mulf %add3A_29, %mul3A_63 : vector<9x6400xf32>
    %reduce_sum3A_65 = arith.constant dense<0.000000e+00> : vector<6400xf32>
    %reduce_sum3A_66 = vector.multi_reduction <add>, %mul3A_64, %reduce_sum3A_65 [0] : vector<9x6400xf32> to vector<6400xf32>
    %broadcast_in_dim3A_67 = vector.shape_cast %reduce_sum3A_66 : vector<6400xf32> to vector<1x6400xf32>
    %mul3A_68 = arith.mulf %broadcast_in_dim3A, %broadcast_in_dim3A : vector<1x6400xf32>
    %mul3A_69 = arith.mulf %broadcast_in_dim3A_62, %broadcast_in_dim3A_62 : vector<1x6400xf32>
    %add3A_70 = arith.addf %mul3A_68, %mul3A_69 : vector<1x6400xf32>
    %mul3A_71 = arith.mulf %broadcast_in_dim3A_67, %broadcast_in_dim3A_67 : vector<1x6400xf32>
    %add3A_72 = arith.addf %add3A_70, %mul3A_71 : vector<1x6400xf32>
    %add3A_73 = arith.constant 9.99999993E-9 : f32
    %add3A_74 = vector.broadcast %add3A_73 : f32 to vector<1x6400xf32>
    %add3A_75 = arith.addf %add3A_72, %add3A_74 : vector<1x6400xf32>
    %sqrt3A_76 = math.sqrt %add3A_75 : vector<1x6400xf32>
    %logistic3A = arith.negf %sqrt3A_76 : vector<1x6400xf32>
    %logistic3A_77 = math.exp %logistic3A : vector<1x6400xf32>
    %logistic3A_78 = arith.constant 1.000000e+00 : f32
    %logistic3A_79 = vector.broadcast %logistic3A_78 : f32 to vector<1x6400xf32>
    %logistic3A_80 = arith.addf %logistic3A_79, %logistic3A_77 : vector<1x6400xf32>
    %logistic3A_81 = arith.divf %logistic3A_79, %logistic3A_80 : vector<1x6400xf32>
    %mul3A_82 = arith.mulf %broadcast_in_dim3A, %logistic3A_81 : vector<1x6400xf32>
    %mul3A_83 = arith.mulf %broadcast_in_dim3A_62, %logistic3A_81 : vector<1x6400xf32>
    %mul3A_84 = arith.mulf %broadcast_in_dim3A_67, %logistic3A_81 : vector<1x6400xf32>
    %max3A = arith.constant 0.000000e+00 : f32
    %max3A_85 = vector.broadcast %max3A : f32 to vector<32x6400xf32>
    %max3A_86 = arith.maximumf %add3A_51, %max3A_85 : vector<32x6400xf32>
    %get3A_87 = arith.constant 0 : index
    %get3A_88 = arith.constant 0 : index
    %get3A_89 = vector.load %arg15[%get3A_87, %get3A_88] : memref<1x16xf32, #tpu.memory_space<vmem>>, vector<1x1xf32>
    %get3A_90 = vector.extract %get3A_89[0, 0] : f32 from vector<1x1xf32>
    %mul3A_91 = vector.broadcast %get3A_90 : f32 to vector<1x6400xf32>
    %mul3A_92 = arith.mulf %mul3A_82, %mul3A_91 : vector<1x6400xf32>
    %get3A_93 = arith.constant 0 : index
    %get3A_94 = arith.constant 0 : index
    %get3A_95 = vector.load %arg15[%get3A_93, %get3A_94] : memref<1x16xf32, #tpu.memory_space<vmem>>, vector<1x1xf32>
    %get3A_96 = vector.extract %get3A_95[0, 0] : f32 from vector<1x1xf32>
    %mul3A_97 = vector.broadcast %get3A_96 : f32 to vector<1x6400xf32>
    %mul3A_98 = arith.mulf %mul3A_83, %mul3A_97 : vector<1x6400xf32>
    %get3A_99 = arith.constant 0 : index
    %get3A_100 = arith.constant 0 : index
    %get3A_101 = vector.load %arg15[%get3A_99, %get3A_100] : memref<1x16xf32, #tpu.memory_space<vmem>>, vector<1x1xf32>
    %get3A_102 = vector.extract %get3A_101[0, 0] : f32 from vector<1x1xf32>
    %mul3A_103 = vector.broadcast %get3A_102 : f32 to vector<1x6400xf32>
    %mul3A_104 = arith.mulf %mul3A_84, %mul3A_103 : vector<1x6400xf32>
    %mul3A_105 = arith.mulf %mul3A_92, %mul3A_92 : vector<1x6400xf32>
    %mul3A_106 = arith.mulf %mul3A_98, %mul3A_98 : vector<1x6400xf32>
    %add3A_107 = arith.addf %mul3A_105, %mul3A_106 : vector<1x6400xf32>
    %mul3A_108 = arith.mulf %mul3A_104, %mul3A_104 : vector<1x6400xf32>
    %add3A_109 = arith.addf %add3A_107, %mul3A_108 : vector<1x6400xf32>
    %add3A_110 = arith.constant 9.99999993E-9 : f32
    %add3A_111 = vector.broadcast %add3A_110 : f32 to vector<1x6400xf32>
    %add3A_112 = arith.addf %add3A_109, %add3A_111 : vector<1x6400xf32>
    %sqrt3A_113 = math.sqrt %add3A_112 : vector<1x6400xf32>
    %convert_element_type3A_114 = arith.truncf %max3A_86 : vector<32x6400xf32> to vector<32x6400xbf16>
    %get3A_115 = arith.constant 0 : index
    %get3A_116 = arith.constant 0 : index
    %get3A_117 = vector.load %arg9[%get3A_115, %get3A_116] : memref<32x32xbf16, #tpu.memory_space<vmem>>, vector<32x32xbf16>
    %dot_general3A_118 = arith.constant dense<0.000000e+00> : vector<32x6400xf32>
    %dot_general3A_119 = tpu.matmul %get3A_117, %convert_element_type3A_114, %dot_general3A_118 {dimension_numbers = #tpu.dot_dimension_numbers<[1], [0], [0], [1], [0, 0, 1, 1], [], []>, transpose_lhs_hint = false} : vector<32x32xbf16>, vector<32x6400xbf16>, vector<32x6400xf32> -> vector<32x6400xf32>
    %get3A_120 = arith.constant 0 : index
    %get3A_121 = arith.constant 0 : index
    %get3A_122 = vector.load %arg10[%get3A_120, %get3A_121] : memref<32x1xf32, #tpu.memory_space<vmem>>, vector<32x1xf32>
    %mul3A_123 = vector.broadcast %get3A_122 : vector<32x1xf32> to vector<32x6400xf32>
    %mul3A_124 = vector.broadcast %sqrt3A_113 : vector<1x6400xf32> to vector<32x6400xf32>
    %mul3A_125 = arith.mulf %mul3A_123, %mul3A_124 : vector<32x6400xf32>
    %add3A_126 = arith.addf %dot_general3A_119, %mul3A_125 : vector<32x6400xf32>
    %get3A_127 = arith.constant 0 : index
    %get3A_128 = arith.constant 0 : index
    %get3A_129 = vector.load %arg11[%get3A_127, %get3A_128] : memref<32x1xf32, #tpu.memory_space<vmem>>, vector<32x1xf32>
    %add3A_130 = vector.broadcast %get3A_129 : vector<32x1xf32> to vector<32x6400xf32>
    %add3A_131 = arith.addf %add3A_126, %add3A_130 : vector<32x6400xf32>
    %get3A_132 = arith.constant 0 : index
    %get3A_133 = arith.constant 1 : index
    %get3A_134 = vector.load %arg15[%get3A_132, %get3A_133] : memref<1x16xf32, #tpu.memory_space<vmem>>, vector<1x1xf32>
    %get3A_135 = vector.extract %get3A_134[0, 0] : f32 from vector<1x1xf32>
    %mul3A_136 = vector.broadcast %get3A_135 : f32 to vector<1x6400xf32>
    %mul3A_137 = arith.mulf %mul3A_92, %mul3A_136 : vector<1x6400xf32>
    %get3A_138 = arith.constant 0 : index
    %get3A_139 = arith.constant 1 : index
    %get3A_140 = vector.load %arg15[%get3A_138, %get3A_139] : memref<1x16xf32, #tpu.memory_space<vmem>>, vector<1x1xf32>
    %get3A_141 = vector.extract %get3A_140[0, 0] : f32 from vector<1x1xf32>
    %mul3A_142 = vector.broadcast %get3A_141 : f32 to vector<1x6400xf32>
    %mul3A_143 = arith.mulf %mul3A_98, %mul3A_142 : vector<1x6400xf32>
    %get3A_144 = arith.constant 0 : index
    %get3A_145 = arith.constant 1 : index
    %get3A_146 = vector.load %arg15[%get3A_144, %get3A_145] : memref<1x16xf32, #tpu.memory_space<vmem>>, vector<1x1xf32>
    %get3A_147 = vector.extract %get3A_146[0, 0] : f32 from vector<1x1xf32>
    %mul3A_148 = vector.broadcast %get3A_147 : f32 to vector<1x6400xf32>
    %mul3A_149 = arith.mulf %mul3A_104, %mul3A_148 : vector<1x6400xf32>
    %mul3A_150 = arith.mulf %mul3A_137, %mul3A_137 : vector<1x6400xf32>
    %mul3A_151 = arith.mulf %mul3A_143, %mul3A_143 : vector<1x6400xf32>
    %add3A_152 = arith.addf %mul3A_150, %mul3A_151 : vector<1x6400xf32>
    %mul3A_153 = arith.mulf %mul3A_149, %mul3A_149 : vector<1x6400xf32>
    %add3A_154 = arith.addf %add3A_152, %mul3A_153 : vector<1x6400xf32>
    %add3A_155 = arith.constant 9.99999993E-9 : f32
    %add3A_156 = vector.broadcast %add3A_155 : f32 to vector<1x6400xf32>
    %add3A_157 = arith.addf %add3A_154, %add3A_156 : vector<1x6400xf32>
    %sqrt3A_158 = math.sqrt %add3A_157 : vector<1x6400xf32>
    %logistic3A_159 = arith.negf %sqrt3A_158 : vector<1x6400xf32>
    %logistic3A_160 = math.exp %logistic3A_159 : vector<1x6400xf32>
    %logistic3A_161 = arith.constant 1.000000e+00 : f32
    %logistic3A_162 = vector.broadcast %logistic3A_161 : f32 to vector<1x6400xf32>
    %logistic3A_163 = arith.addf %logistic3A_162, %logistic3A_160 : vector<1x6400xf32>
    %logistic3A_164 = arith.divf %logistic3A_162, %logistic3A_163 : vector<1x6400xf32>
    %mul3A_165 = arith.mulf %mul3A_137, %logistic3A_164 : vector<1x6400xf32>
    %mul3A_166 = arith.mulf %mul3A_143, %logistic3A_164 : vector<1x6400xf32>
    %mul3A_167 = arith.mulf %mul3A_149, %logistic3A_164 : vector<1x6400xf32>
    %max3A_168 = arith.constant 0.000000e+00 : f32
    %max3A_169 = vector.broadcast %max3A_168 : f32 to vector<32x6400xf32>
    %max3A_170 = arith.maximumf %add3A_131, %max3A_169 : vector<32x6400xf32>
    %get3A_171 = arith.constant 0 : index
    %get3A_172 = arith.constant 2 : index
    %get3A_173 = vector.load %arg15[%get3A_171, %get3A_172] : memref<1x16xf32, #tpu.memory_space<vmem>>, vector<1x1xf32>
    %get3A_174 = vector.extract %get3A_173[0, 0] : f32 from vector<1x1xf32>
    %mul3A_175 = vector.broadcast %get3A_174 : f32 to vector<1x6400xf32>
    %mul3A_176 = arith.mulf %mul3A_165, %mul3A_175 : vector<1x6400xf32>
    %get3A_177 = arith.constant 0 : index
    %get3A_178 = arith.constant 2 : index
    %get3A_179 = vector.load %arg15[%get3A_177, %get3A_178] : memref<1x16xf32, #tpu.memory_space<vmem>>, vector<1x1xf32>
    %get3A_180 = vector.extract %get3A_179[0, 0] : f32 from vector<1x1xf32>
    %mul3A_181 = vector.broadcast %get3A_180 : f32 to vector<1x6400xf32>
    %mul3A_182 = arith.mulf %mul3A_166, %mul3A_181 : vector<1x6400xf32>
    %get3A_183 = arith.constant 0 : index
    %get3A_184 = arith.constant 2 : index
    %get3A_185 = vector.load %arg15[%get3A_183, %get3A_184] : memref<1x16xf32, #tpu.memory_space<vmem>>, vector<1x1xf32>
    %get3A_186 = vector.extract %get3A_185[0, 0] : f32 from vector<1x1xf32>
    %mul3A_187 = vector.broadcast %get3A_186 : f32 to vector<1x6400xf32>
    %mul3A_188 = arith.mulf %mul3A_167, %mul3A_187 : vector<1x6400xf32>
    %mul3A_189 = arith.mulf %mul3A_176, %mul3A_176 : vector<1x6400xf32>
    %mul3A_190 = arith.mulf %mul3A_182, %mul3A_182 : vector<1x6400xf32>
    %add3A_191 = arith.addf %mul3A_189, %mul3A_190 : vector<1x6400xf32>
    %mul3A_192 = arith.mulf %mul3A_188, %mul3A_188 : vector<1x6400xf32>
    %add3A_193 = arith.addf %add3A_191, %mul3A_192 : vector<1x6400xf32>
    %add3A_194 = arith.constant 9.99999993E-9 : f32
    %add3A_195 = vector.broadcast %add3A_194 : f32 to vector<1x6400xf32>
    %add3A_196 = arith.addf %add3A_193, %add3A_195 : vector<1x6400xf32>
    %sqrt3A_197 = math.sqrt %add3A_196 : vector<1x6400xf32>
    %convert_element_type3A_198 = arith.truncf %max3A_170 : vector<32x6400xf32> to vector<32x6400xbf16>
    %get3A_199 = arith.constant 0 : index
    %get3A_200 = arith.constant 0 : index
    %get3A_201 = vector.load %arg12[%get3A_199, %get3A_200] : memref<32x32xbf16, #tpu.memory_space<vmem>>, vector<32x32xbf16>
    %dot_general3A_202 = arith.constant dense<0.000000e+00> : vector<32x6400xf32>
    %dot_general3A_203 = tpu.matmul %get3A_201, %convert_element_type3A_198, %dot_general3A_202 {dimension_numbers = #tpu.dot_dimension_numbers<[1], [0], [0], [1], [0, 0, 1, 1], [], []>, transpose_lhs_hint = false} : vector<32x32xbf16>, vector<32x6400xbf16>, vector<32x6400xf32> -> vector<32x6400xf32>
    %get3A_204 = arith.constant 0 : index
    %get3A_205 = arith.constant 0 : index
    %get3A_206 = vector.load %arg13[%get3A_204, %get3A_205] : memref<32x1xf32, #tpu.memory_space<vmem>>, vector<32x1xf32>
    %mul3A_207 = vector.broadcast %get3A_206 : vector<32x1xf32> to vector<32x6400xf32>
    %mul3A_208 = vector.broadcast %sqrt3A_197 : vector<1x6400xf32> to vector<32x6400xf32>
    %mul3A_209 = arith.mulf %mul3A_207, %mul3A_208 : vector<32x6400xf32>
    %add3A_210 = arith.addf %dot_general3A_203, %mul3A_209 : vector<32x6400xf32>
    %get3A_211 = arith.constant 0 : index
    %get3A_212 = arith.constant 0 : index
    %get3A_213 = vector.load %arg14[%get3A_211, %get3A_212] : memref<32x1xf32, #tpu.memory_space<vmem>>, vector<32x1xf32>
    %add3A_214 = vector.broadcast %get3A_213 : vector<32x1xf32> to vector<32x6400xf32>
    %add3A_215 = arith.addf %add3A_210, %add3A_214 : vector<32x6400xf32>
    %get3A_216 = arith.constant 0 : index
    %get3A_217 = arith.constant 3 : index
    %get3A_218 = vector.load %arg15[%get3A_216, %get3A_217] : memref<1x16xf32, #tpu.memory_space<vmem>>, vector<1x1xf32>
    %get3A_219 = vector.extract %get3A_218[0, 0] : f32 from vector<1x1xf32>
    %mul3A_220 = vector.broadcast %get3A_219 : f32 to vector<1x6400xf32>
    %mul3A_221 = arith.mulf %mul3A_176, %mul3A_220 : vector<1x6400xf32>
    %get3A_222 = arith.constant 0 : index
    %get3A_223 = arith.constant 3 : index
    %get3A_224 = vector.load %arg15[%get3A_222, %get3A_223] : memref<1x16xf32, #tpu.memory_space<vmem>>, vector<1x1xf32>
    %get3A_225 = vector.extract %get3A_224[0, 0] : f32 from vector<1x1xf32>
    %mul3A_226 = vector.broadcast %get3A_225 : f32 to vector<1x6400xf32>
    %mul3A_227 = arith.mulf %mul3A_182, %mul3A_226 : vector<1x6400xf32>
    %get3A_228 = arith.constant 0 : index
    %get3A_229 = arith.constant 3 : index
    %get3A_230 = vector.load %arg15[%get3A_228, %get3A_229] : memref<1x16xf32, #tpu.memory_space<vmem>>, vector<1x1xf32>
    %get3A_231 = vector.extract %get3A_230[0, 0] : f32 from vector<1x1xf32>
    %mul3A_232 = vector.broadcast %get3A_231 : f32 to vector<1x6400xf32>
    %mul3A_233 = arith.mulf %mul3A_188, %mul3A_232 : vector<1x6400xf32>
    %add3A_234 = arith.addf %get3A_1, %add3A_215 : vector<32x6400xf32>
    %add3A_235 = arith.addf %slice3A, %mul3A_221 : vector<1x6400xf32>
    %add3A_236 = arith.addf %slice3A_5, %mul3A_227 : vector<1x6400xf32>
    %add3A_237 = arith.addf %slice3A_6, %mul3A_233 : vector<1x6400xf32>
    %mul3A_238 = arith.mulf %add3A_235, %add3A_235 : vector<1x6400xf32>
    %mul3A_239 = arith.mulf %add3A_236, %add3A_236 : vector<1x6400xf32>
    %add3A_240 = arith.addf %mul3A_238, %mul3A_239 : vector<1x6400xf32>
    %mul3A_241 = arith.mulf %add3A_237, %add3A_237 : vector<1x6400xf32>
    %add3A_242 = arith.addf %add3A_240, %mul3A_241 : vector<1x6400xf32>
    %add3A_243 = arith.constant 9.99999993E-9 : f32
    %add3A_244 = vector.broadcast %add3A_243 : f32 to vector<1x6400xf32>
    %add3A_245 = arith.addf %add3A_242, %add3A_244 : vector<1x6400xf32>
    %rsqrt3A = math.rsqrt %add3A_245 : vector<1x6400xf32>
    %mul3A_246 = arith.mulf %add3A_235, %rsqrt3A : vector<1x6400xf32>
    %mul3A_247 = arith.mulf %add3A_236, %rsqrt3A : vector<1x6400xf32>
    %mul3A_248 = arith.mulf %add3A_237, %rsqrt3A : vector<1x6400xf32>
    %convert_element_type3A_249 = arith.truncf %add3A_234 : vector<32x6400xf32> to vector<32x6400xbf16>
    %get3A_250 = arith.constant 0 : index
    %get3A_251 = arith.constant 0 : index
    %get3A_252 = vector.load %arg18[%get3A_250, %get3A_251] : memref<1x32xbf16, #tpu.memory_space<vmem>>, vector<1x32xbf16>
    %dot_general3A_253 = arith.constant dense<0.000000e+00> : vector<1x6400xf32>
    %dot_general3A_254 = tpu.matmul %get3A_252, %convert_element_type3A_249, %dot_general3A_253 {dimension_numbers = #tpu.dot_dimension_numbers<[1], [0], [0], [1], [0, 0, 1, 1], [], []>, transpose_lhs_hint = false} : vector<1x32xbf16>, vector<32x6400xbf16>, vector<1x6400xf32> -> vector<1x6400xf32>
    %mul3A_255 = arith.mulf %add3A_234, %add3A_234 : vector<32x6400xf32>
    %convert_element_type3A_256 = arith.truncf %mul3A_255 : vector<32x6400xf32> to vector<32x6400xbf16>
    %get3A_257 = arith.constant 0 : index
    %get3A_258 = arith.constant 0 : index
    %get3A_259 = vector.load %arg18[%get3A_257, %get3A_258] : memref<1x32xbf16, #tpu.memory_space<vmem>>, vector<1x32xbf16>
    %dot_general3A_260 = arith.constant dense<0.000000e+00> : vector<1x6400xf32>
    %dot_general3A_261 = tpu.matmul %get3A_259, %convert_element_type3A_256, %dot_general3A_260 {dimension_numbers = #tpu.dot_dimension_numbers<[1], [0], [0], [1], [0, 0, 1, 1], [], []>, transpose_lhs_hint = false} : vector<1x32xbf16>, vector<32x6400xbf16>, vector<1x6400xf32> -> vector<1x6400xf32>
    %mul3A_262 = arith.mulf %dot_general3A_254, %dot_general3A_254 : vector<1x6400xf32>
    %sub3A = arith.subf %dot_general3A_261, %mul3A_262 : vector<1x6400xf32>
    %sub3A_263 = vector.broadcast %dot_general3A_254 : vector<1x6400xf32> to vector<32x6400xf32>
    %sub3A_264 = arith.subf %add3A_234, %sub3A_263 : vector<32x6400xf32>
    %add3A_265 = arith.constant 9.99999974E-6 : f32
    %add3A_266 = vector.broadcast %add3A_265 : f32 to vector<1x6400xf32>
    %add3A_267 = arith.addf %sub3A, %add3A_266 : vector<1x6400xf32>
    %rsqrt3A_268 = math.rsqrt %add3A_267 : vector<1x6400xf32>
    %mul3A_269 = vector.broadcast %rsqrt3A_268 : vector<1x6400xf32> to vector<32x6400xf32>
    %mul3A_270 = arith.mulf %sub3A_264, %mul3A_269 : vector<32x6400xf32>
    %get3A_271 = arith.constant 0 : index
    %get3A_272 = arith.constant 0 : index
    %get3A_273 = vector.load %arg16[%get3A_271, %get3A_272] : memref<32x1xf32, #tpu.memory_space<vmem>>, vector<32x1xf32>
    %mul3A_274 = vector.broadcast %get3A_273 : vector<32x1xf32> to vector<32x6400xf32>
    %mul3A_275 = arith.mulf %mul3A_270, %mul3A_274 : vector<32x6400xf32>
    %get3A_276 = arith.constant 0 : index
    %get3A_277 = arith.constant 0 : index
    %get3A_278 = vector.load %arg17[%get3A_276, %get3A_277] : memref<32x1xf32, #tpu.memory_space<vmem>>, vector<32x1xf32>
    %add3A_279 = vector.broadcast %get3A_278 : vector<32x1xf32> to vector<32x6400xf32>
    %add3A_280 = arith.addf %mul3A_275, %add3A_279 : vector<32x6400xf32>
    %get3A_281 = arith.constant 0 : index
    %get3A_282 = arith.constant 4 : index
    %get3A_283 = vector.load %arg15[%get3A_281, %get3A_282] : memref<1x16xf32, #tpu.memory_space<vmem>>, vector<1x1xf32>
    %get3A_284 = vector.extract %get3A_283[0, 0] : f32 from vector<1x1xf32>
    %mul3A_285 = vector.broadcast %get3A_284 : f32 to vector<1x6400xf32>
    %mul3A_286 = arith.mulf %mul3A_246, %mul3A_285 : vector<1x6400xf32>
    %get3A_287 = arith.constant 0 : index
    %get3A_288 = arith.constant 4 : index
    %get3A_289 = vector.load %arg15[%get3A_287, %get3A_288] : memref<1x16xf32, #tpu.memory_space<vmem>>, vector<1x1xf32>
    %get3A_290 = vector.extract %get3A_289[0, 0] : f32 from vector<1x1xf32>
    %mul3A_291 = vector.broadcast %get3A_290 : f32 to vector<1x6400xf32>
    %mul3A_292 = arith.mulf %mul3A_247, %mul3A_291 : vector<1x6400xf32>
    %get3A_293 = arith.constant 0 : index
    %get3A_294 = arith.constant 4 : index
    %get3A_295 = vector.load %arg15[%get3A_293, %get3A_294] : memref<1x16xf32, #tpu.memory_space<vmem>>, vector<1x1xf32>
    %get3A_296 = vector.extract %get3A_295[0, 0] : f32 from vector<1x1xf32>
    %mul3A_297 = vector.broadcast %get3A_296 : f32 to vector<1x6400xf32>
    %mul3A_298 = arith.mulf %mul3A_248, %mul3A_297 : vector<1x6400xf32>
    %get3A_299 = arith.constant 0 : index
    %get3A_300 = arith.constant 5 : index
    %get3A_301 = vector.load %arg15[%get3A_299, %get3A_300] : memref<1x16xf32, #tpu.memory_space<vmem>>, vector<1x1xf32>
    %get3A_302 = vector.extract %get3A_301[0, 0] : f32 from vector<1x1xf32>
    %mul3A_303 = vector.broadcast %get3A_302 : f32 to vector<1x6400xf32>
    %mul3A_304 = arith.mulf %mul3A_246, %mul3A_303 : vector<1x6400xf32>
    %get3A_305 = arith.constant 0 : index
    %get3A_306 = arith.constant 5 : index
    %get3A_307 = vector.load %arg15[%get3A_305, %get3A_306] : memref<1x16xf32, #tpu.memory_space<vmem>>, vector<1x1xf32>
    %get3A_308 = vector.extract %get3A_307[0, 0] : f32 from vector<1x1xf32>
    %mul3A_309 = vector.broadcast %get3A_308 : f32 to vector<1x6400xf32>
    %mul3A_310 = arith.mulf %mul3A_247, %mul3A_309 : vector<1x6400xf32>
    %get3A_311 = arith.constant 0 : index
    %get3A_312 = arith.constant 5 : index
    %get3A_313 = vector.load %arg15[%get3A_311, %get3A_312] : memref<1x16xf32, #tpu.memory_space<vmem>>, vector<1x1xf32>
    %get3A_314 = vector.extract %get3A_313[0, 0] : f32 from vector<1x1xf32>
    %mul3A_315 = vector.broadcast %get3A_314 : f32 to vector<1x6400xf32>
    %mul3A_316 = arith.mulf %mul3A_248, %mul3A_315 : vector<1x6400xf32>
    %mul3A_317 = arith.mulf %mul3A_286, %mul3A_286 : vector<1x6400xf32>
    %mul3A_318 = arith.mulf %mul3A_292, %mul3A_292 : vector<1x6400xf32>
    %add3A_319 = arith.addf %mul3A_317, %mul3A_318 : vector<1x6400xf32>
    %mul3A_320 = arith.mulf %mul3A_298, %mul3A_298 : vector<1x6400xf32>
    %add3A_321 = arith.addf %add3A_319, %mul3A_320 : vector<1x6400xf32>
    %add3A_322 = arith.constant 9.99999993E-9 : f32
    %add3A_323 = vector.broadcast %add3A_322 : f32 to vector<1x6400xf32>
    %add3A_324 = arith.addf %add3A_321, %add3A_323 : vector<1x6400xf32>
    %sqrt3A_325 = math.sqrt %add3A_324 : vector<1x6400xf32>
    %mul3A_326 = arith.mulf %mul3A_304, %mul3A_304 : vector<1x6400xf32>
    %mul3A_327 = arith.mulf %mul3A_310, %mul3A_310 : vector<1x6400xf32>
    %add3A_328 = arith.addf %mul3A_326, %mul3A_327 : vector<1x6400xf32>
    %mul3A_329 = arith.mulf %mul3A_316, %mul3A_316 : vector<1x6400xf32>
    %add3A_330 = arith.addf %add3A_328, %mul3A_329 : vector<1x6400xf32>
    %add3A_331 = arith.constant 9.99999993E-9 : f32
    %add3A_332 = vector.broadcast %add3A_331 : f32 to vector<1x6400xf32>
    %add3A_333 = arith.addf %add3A_330, %add3A_332 : vector<1x6400xf32>
    %sqrt3A_334 = math.sqrt %add3A_333 : vector<1x6400xf32>
    %convert_element_type3A_335 = arith.truncf %add3A_280 : vector<32x6400xf32> to vector<32x6400xbf16>
    %convert_element_type3A_336 = arith.truncf %sqrt3A_325 : vector<1x6400xf32> to vector<1x6400xbf16>
    %convert_element_type3A_337 = arith.truncf %sqrt3A_334 : vector<1x6400xf32> to vector<1x6400xbf16>
    %concatenate3A_338 = tpu.concatenate %convert_element_type3A_335, %convert_element_type3A_336, %convert_element_type3A_337 in 0 : vector<32x6400xbf16>, vector<1x6400xbf16>, vector<1x6400xbf16> -> vector<34x6400xbf16>
    %get3A_339 = arith.constant 0 : index
    %get3A_340 = arith.constant 0 : index
    %get3A_341 = vector.load %arg19[%get3A_339, %get3A_340] : memref<128x34xbf16, #tpu.memory_space<vmem>>, vector<128x34xbf16>
    %dot_general3A_342 = arith.constant dense<0.000000e+00> : vector<128x6400xf32>
    %dot_general3A_343 = tpu.matmul %get3A_341, %concatenate3A_338, %dot_general3A_342 {dimension_numbers = #tpu.dot_dimension_numbers<[1], [0], [0], [1], [0, 0, 1, 1], [], []>, transpose_lhs_hint = false} : vector<128x34xbf16>, vector<34x6400xbf16>, vector<128x6400xf32> -> vector<128x6400xf32>
    %convert_element_type3A_344 = arith.truncf %dot_general3A_343 : vector<128x6400xf32> to vector<128x6400xbf16>
    %get3A_345 = arith.constant 0 : index
    %get3A_346 = arith.constant 0 : index
    %get3A_347 = vector.load %arg20[%get3A_345, %get3A_346] : memref<128x1xbf16, #tpu.memory_space<vmem>>, vector<128x1xbf16>
    %add3A_348 = vector.broadcast %get3A_347 : vector<128x1xbf16> to vector<128x6400xbf16>
    %add3A_349 = arith.addf %convert_element_type3A_344, %add3A_348 : vector<128x6400xbf16>
    %get3A_350 = arith.constant 0 : index
    %get3A_351 = arith.constant 6 : index
    %get3A_352 = vector.load %arg15[%get3A_350, %get3A_351] : memref<1x16xf32, #tpu.memory_space<vmem>>, vector<1x1xf32>
    %get3A_353 = vector.extract %get3A_352[0, 0] : f32 from vector<1x1xf32>
    %mul3A_354 = vector.broadcast %get3A_353 : f32 to vector<1x6400xf32>
    %mul3A_355 = arith.mulf %mul3A_354, %mul3A_286 : vector<1x6400xf32>
    %get3A_356 = arith.constant 0 : index
    %get3A_357 = arith.constant 7 : index
    %get3A_358 = vector.load %arg15[%get3A_356, %get3A_357] : memref<1x16xf32, #tpu.memory_space<vmem>>, vector<1x1xf32>
    %get3A_359 = vector.extract %get3A_358[0, 0] : f32 from vector<1x1xf32>
    %mul3A_360 = vector.broadcast %get3A_359 : f32 to vector<1x6400xf32>
    %mul3A_361 = arith.mulf %mul3A_360, %mul3A_304 : vector<1x6400xf32>
    %add3A_362 = arith.addf %mul3A_355, %mul3A_361 : vector<1x6400xf32>
    %get3A_363 = arith.constant 0 : index
    %get3A_364 = arith.constant 6 : index
    %get3A_365 = vector.load %arg15[%get3A_363, %get3A_364] : memref<1x16xf32, #tpu.memory_space<vmem>>, vector<1x1xf32>
    %get3A_366 = vector.extract %get3A_365[0, 0] : f32 from vector<1x1xf32>
    %mul3A_367 = vector.broadcast %get3A_366 : f32 to vector<1x6400xf32>
    %mul3A_368 = arith.mulf %mul3A_367, %mul3A_292 : vector<1x6400xf32>
    %get3A_369 = arith.constant 0 : index
    %get3A_370 = arith.constant 7 : index
    %get3A_371 = vector.load %arg15[%get3A_369, %get3A_370] : memref<1x16xf32, #tpu.memory_space<vmem>>, vector<1x1xf32>
    %get3A_372 = vector.extract %get3A_371[0, 0] : f32 from vector<1x1xf32>
    %mul3A_373 = vector.broadcast %get3A_372 : f32 to vector<1x6400xf32>
    %mul3A_374 = arith.mulf %mul3A_373, %mul3A_310 : vector<1x6400xf32>
    %add3A_375 = arith.addf %mul3A_368, %mul3A_374 : vector<1x6400xf32>
    %get3A_376 = arith.constant 0 : index
    %get3A_377 = arith.constant 6 : index
    %get3A_378 = vector.load %arg15[%get3A_376, %get3A_377] : memref<1x16xf32, #tpu.memory_space<vmem>>, vector<1x1xf32>
    %get3A_379 = vector.extract %get3A_378[0, 0] : f32 from vector<1x1xf32>
    %mul3A_380 = vector.broadcast %get3A_379 : f32 to vector<1x6400xf32>
    %mul3A_381 = arith.mulf %mul3A_380, %mul3A_298 : vector<1x6400xf32>
    %get3A_382 = arith.constant 0 : index
    %get3A_383 = arith.constant 7 : index
    %get3A_384 = vector.load %arg15[%get3A_382, %get3A_383] : memref<1x16xf32, #tpu.memory_space<vmem>>, vector<1x1xf32>
    %get3A_385 = vector.extract %get3A_384[0, 0] : f32 from vector<1x1xf32>
    %mul3A_386 = vector.broadcast %get3A_385 : f32 to vector<1x6400xf32>
    %mul3A_387 = arith.mulf %mul3A_386, %mul3A_316 : vector<1x6400xf32>
    %add3A_388 = arith.addf %mul3A_381, %mul3A_387 : vector<1x6400xf32>
    %get3A_389 = arith.constant 0 : index
    %get3A_390 = arith.constant 8 : index
    %get3A_391 = vector.load %arg15[%get3A_389, %get3A_390] : memref<1x16xf32, #tpu.memory_space<vmem>>, vector<1x1xf32>
    %get3A_392 = vector.extract %get3A_391[0, 0] : f32 from vector<1x1xf32>
    %mul3A_393 = vector.broadcast %get3A_392 : f32 to vector<1x6400xf32>
    %mul3A_394 = arith.mulf %mul3A_393, %mul3A_286 : vector<1x6400xf32>
    %get3A_395 = arith.constant 0 : index
    %get3A_396 = arith.constant 9 : index
    %get3A_397 = vector.load %arg15[%get3A_395, %get3A_396] : memref<1x16xf32, #tpu.memory_space<vmem>>, vector<1x1xf32>
    %get3A_398 = vector.extract %get3A_397[0, 0] : f32 from vector<1x1xf32>
    %mul3A_399 = vector.broadcast %get3A_398 : f32 to vector<1x6400xf32>
    %mul3A_400 = arith.mulf %mul3A_399, %mul3A_304 : vector<1x6400xf32>
    %add3A_401 = arith.addf %mul3A_394, %mul3A_400 : vector<1x6400xf32>
    %get3A_402 = arith.constant 0 : index
    %get3A_403 = arith.constant 8 : index
    %get3A_404 = vector.load %arg15[%get3A_402, %get3A_403] : memref<1x16xf32, #tpu.memory_space<vmem>>, vector<1x1xf32>
    %get3A_405 = vector.extract %get3A_404[0, 0] : f32 from vector<1x1xf32>
    %mul3A_406 = vector.broadcast %get3A_405 : f32 to vector<1x6400xf32>
    %mul3A_407 = arith.mulf %mul3A_406, %mul3A_292 : vector<1x6400xf32>
    %get3A_408 = arith.constant 0 : index
    %get3A_409 = arith.constant 9 : index
    %get3A_410 = vector.load %arg15[%get3A_408, %get3A_409] : memref<1x16xf32, #tpu.memory_space<vmem>>, vector<1x1xf32>
    %get3A_411 = vector.extract %get3A_410[0, 0] : f32 from vector<1x1xf32>
    %mul3A_412 = vector.broadcast %get3A_411 : f32 to vector<1x6400xf32>
    %mul3A_413 = arith.mulf %mul3A_412, %mul3A_310 : vector<1x6400xf32>
    %add3A_414 = arith.addf %mul3A_407, %mul3A_413 : vector<1x6400xf32>
    %get3A_415 = arith.constant 0 : index
    %get3A_416 = arith.constant 8 : index
    %get3A_417 = vector.load %arg15[%get3A_415, %get3A_416] : memref<1x16xf32, #tpu.memory_space<vmem>>, vector<1x1xf32>
    %get3A_418 = vector.extract %get3A_417[0, 0] : f32 from vector<1x1xf32>
    %mul3A_419 = vector.broadcast %get3A_418 : f32 to vector<1x6400xf32>
    %mul3A_420 = arith.mulf %mul3A_419, %mul3A_298 : vector<1x6400xf32>
    %get3A_421 = arith.constant 0 : index
    %get3A_422 = arith.constant 9 : index
    %get3A_423 = vector.load %arg15[%get3A_421, %get3A_422] : memref<1x16xf32, #tpu.memory_space<vmem>>, vector<1x1xf32>
    %get3A_424 = vector.extract %get3A_423[0, 0] : f32 from vector<1x1xf32>
    %mul3A_425 = vector.broadcast %get3A_424 : f32 to vector<1x6400xf32>
    %mul3A_426 = arith.mulf %mul3A_425, %mul3A_316 : vector<1x6400xf32>
    %add3A_427 = arith.addf %mul3A_420, %mul3A_426 : vector<1x6400xf32>
    %mul3A_428 = arith.mulf %add3A_362, %add3A_362 : vector<1x6400xf32>
    %mul3A_429 = arith.mulf %add3A_375, %add3A_375 : vector<1x6400xf32>
    %add3A_430 = arith.addf %mul3A_428, %mul3A_429 : vector<1x6400xf32>
    %mul3A_431 = arith.mulf %add3A_388, %add3A_388 : vector<1x6400xf32>
    %add3A_432 = arith.addf %add3A_430, %mul3A_431 : vector<1x6400xf32>
    %add3A_433 = arith.constant 9.99999993E-9 : f32
    %add3A_434 = vector.broadcast %add3A_433 : f32 to vector<1x6400xf32>
    %add3A_435 = arith.addf %add3A_432, %add3A_434 : vector<1x6400xf32>
    %sqrt3A_436 = math.sqrt %add3A_435 : vector<1x6400xf32>
    %logistic3A_437 = arith.negf %sqrt3A_436 : vector<1x6400xf32>
    %logistic3A_438 = math.exp %logistic3A_437 : vector<1x6400xf32>
    %logistic3A_439 = arith.constant 1.000000e+00 : f32
    %logistic3A_440 = vector.broadcast %logistic3A_439 : f32 to vector<1x6400xf32>
    %logistic3A_441 = arith.addf %logistic3A_440, %logistic3A_438 : vector<1x6400xf32>
    %logistic3A_442 = arith.divf %logistic3A_440, %logistic3A_441 : vector<1x6400xf32>
    %mul3A_443 = arith.mulf %add3A_401, %add3A_401 : vector<1x6400xf32>
    %mul3A_444 = arith.mulf %add3A_414, %add3A_414 : vector<1x6400xf32>
    %add3A_445 = arith.addf %mul3A_443, %mul3A_444 : vector<1x6400xf32>
    %mul3A_446 = arith.mulf %add3A_427, %add3A_427 : vector<1x6400xf32>
    %add3A_447 = arith.addf %add3A_445, %mul3A_446 : vector<1x6400xf32>
    %add3A_448 = arith.constant 9.99999993E-9 : f32
    %add3A_449 = vector.broadcast %add3A_448 : f32 to vector<1x6400xf32>
    %add3A_450 = arith.addf %add3A_447, %add3A_449 : vector<1x6400xf32>
    %sqrt3A_451 = math.sqrt %add3A_450 : vector<1x6400xf32>
    %logistic3A_452 = arith.negf %sqrt3A_451 : vector<1x6400xf32>
    %logistic3A_453 = math.exp %logistic3A_452 : vector<1x6400xf32>
    %logistic3A_454 = arith.constant 1.000000e+00 : f32
    %logistic3A_455 = vector.broadcast %logistic3A_454 : f32 to vector<1x6400xf32>
    %logistic3A_456 = arith.addf %logistic3A_455, %logistic3A_453 : vector<1x6400xf32>
    %logistic3A_457 = arith.divf %logistic3A_455, %logistic3A_456 : vector<1x6400xf32>
    %mul3A_458 = arith.mulf %add3A_362, %logistic3A_442 : vector<1x6400xf32>
    %mul3A_459 = arith.mulf %add3A_375, %logistic3A_442 : vector<1x6400xf32>
    %mul3A_460 = arith.mulf %add3A_388, %logistic3A_442 : vector<1x6400xf32>
    %mul3A_461 = arith.mulf %add3A_401, %logistic3A_457 : vector<1x6400xf32>
    %mul3A_462 = arith.mulf %add3A_414, %logistic3A_457 : vector<1x6400xf32>
    %mul3A_463 = arith.mulf %add3A_427, %logistic3A_457 : vector<1x6400xf32>
    %max3A_464 = arith.constant 0.000000e+00 : bf16
    %max3A_465 = vector.broadcast %max3A_464 : bf16 to vector<128x6400xbf16>
    %max3A_466 = arith.maximumf %add3A_349, %max3A_465 : vector<128x6400xbf16>
    %get3A_467 = arith.constant 0 : index
    %get3A_468 = arith.constant 10 : index
    %get3A_469 = vector.load %arg15[%get3A_467, %get3A_468] : memref<1x16xf32, #tpu.memory_space<vmem>>, vector<1x1xf32>
    %get3A_470 = vector.extract %get3A_469[0, 0] : f32 from vector<1x1xf32>
    %mul3A_471 = vector.broadcast %get3A_470 : f32 to vector<1x6400xf32>
    %mul3A_472 = arith.mulf %mul3A_471, %mul3A_458 : vector<1x6400xf32>
    %get3A_473 = arith.constant 0 : index
    %get3A_474 = arith.constant 11 : index
    %get3A_475 = vector.load %arg15[%get3A_473, %get3A_474] : memref<1x16xf32, #tpu.memory_space<vmem>>, vector<1x1xf32>
    %get3A_476 = vector.extract %get3A_475[0, 0] : f32 from vector<1x1xf32>
    %mul3A_477 = vector.broadcast %get3A_476 : f32 to vector<1x6400xf32>
    %mul3A_478 = arith.mulf %mul3A_477, %mul3A_461 : vector<1x6400xf32>
    %add3A_479 = arith.addf %mul3A_472, %mul3A_478 : vector<1x6400xf32>
    %get3A_480 = arith.constant 0 : index
    %get3A_481 = arith.constant 10 : index
    %get3A_482 = vector.load %arg15[%get3A_480, %get3A_481] : memref<1x16xf32, #tpu.memory_space<vmem>>, vector<1x1xf32>
    %get3A_483 = vector.extract %get3A_482[0, 0] : f32 from vector<1x1xf32>
    %mul3A_484 = vector.broadcast %get3A_483 : f32 to vector<1x6400xf32>
    %mul3A_485 = arith.mulf %mul3A_484, %mul3A_459 : vector<1x6400xf32>
    %get3A_486 = arith.constant 0 : index
    %get3A_487 = arith.constant 11 : index
    %get3A_488 = vector.load %arg15[%get3A_486, %get3A_487] : memref<1x16xf32, #tpu.memory_space<vmem>>, vector<1x1xf32>
    %get3A_489 = vector.extract %get3A_488[0, 0] : f32 from vector<1x1xf32>
    %mul3A_490 = vector.broadcast %get3A_489 : f32 to vector<1x6400xf32>
    %mul3A_491 = arith.mulf %mul3A_490, %mul3A_462 : vector<1x6400xf32>
    %add3A_492 = arith.addf %mul3A_485, %mul3A_491 : vector<1x6400xf32>
    %get3A_493 = arith.constant 0 : index
    %get3A_494 = arith.constant 10 : index
    %get3A_495 = vector.load %arg15[%get3A_493, %get3A_494] : memref<1x16xf32, #tpu.memory_space<vmem>>, vector<1x1xf32>
    %get3A_496 = vector.extract %get3A_495[0, 0] : f32 from vector<1x1xf32>
    %mul3A_497 = vector.broadcast %get3A_496 : f32 to vector<1x6400xf32>
    %mul3A_498 = arith.mulf %mul3A_497, %mul3A_460 : vector<1x6400xf32>
    %get3A_499 = arith.constant 0 : index
    %get3A_500 = arith.constant 11 : index
    %get3A_501 = vector.load %arg15[%get3A_499, %get3A_500] : memref<1x16xf32, #tpu.memory_space<vmem>>, vector<1x1xf32>
    %get3A_502 = vector.extract %get3A_501[0, 0] : f32 from vector<1x1xf32>
    %mul3A_503 = vector.broadcast %get3A_502 : f32 to vector<1x6400xf32>
    %mul3A_504 = arith.mulf %mul3A_503, %mul3A_463 : vector<1x6400xf32>
    %add3A_505 = arith.addf %mul3A_498, %mul3A_504 : vector<1x6400xf32>
    %get3A_506 = arith.constant 0 : index
    %get3A_507 = arith.constant 12 : index
    %get3A_508 = vector.load %arg15[%get3A_506, %get3A_507] : memref<1x16xf32, #tpu.memory_space<vmem>>, vector<1x1xf32>
    %get3A_509 = vector.extract %get3A_508[0, 0] : f32 from vector<1x1xf32>
    %mul3A_510 = vector.broadcast %get3A_509 : f32 to vector<1x6400xf32>
    %mul3A_511 = arith.mulf %mul3A_510, %mul3A_458 : vector<1x6400xf32>
    %get3A_512 = arith.constant 0 : index
    %get3A_513 = arith.constant 13 : index
    %get3A_514 = vector.load %arg15[%get3A_512, %get3A_513] : memref<1x16xf32, #tpu.memory_space<vmem>>, vector<1x1xf32>
    %get3A_515 = vector.extract %get3A_514[0, 0] : f32 from vector<1x1xf32>
    %mul3A_516 = vector.broadcast %get3A_515 : f32 to vector<1x6400xf32>
    %mul3A_517 = arith.mulf %mul3A_516, %mul3A_461 : vector<1x6400xf32>
    %add3A_518 = arith.addf %mul3A_511, %mul3A_517 : vector<1x6400xf32>
    %get3A_519 = arith.constant 0 : index
    %get3A_520 = arith.constant 12 : index
    %get3A_521 = vector.load %arg15[%get3A_519, %get3A_520] : memref<1x16xf32, #tpu.memory_space<vmem>>, vector<1x1xf32>
    %get3A_522 = vector.extract %get3A_521[0, 0] : f32 from vector<1x1xf32>
    %mul3A_523 = vector.broadcast %get3A_522 : f32 to vector<1x6400xf32>
    %mul3A_524 = arith.mulf %mul3A_523, %mul3A_459 : vector<1x6400xf32>
    %get3A_525 = arith.constant 0 : index
    %get3A_526 = arith.constant 13 : index
    %get3A_527 = vector.load %arg15[%get3A_525, %get3A_526] : memref<1x16xf32, #tpu.memory_space<vmem>>, vector<1x1xf32>
    %get3A_528 = vector.extract %get3A_527[0, 0] : f32 from vector<1x1xf32>
    %mul3A_529 = vector.broadcast %get3A_528 : f32 to vector<1x6400xf32>
    %mul3A_530 = arith.mulf %mul3A_529, %mul3A_462 : vector<1x6400xf32>
    %add3A_531 = arith.addf %mul3A_524, %mul3A_530 : vector<1x6400xf32>
    %get3A_532 = arith.constant 0 : index
    %get3A_533 = arith.constant 12 : index
    %get3A_534 = vector.load %arg15[%get3A_532, %get3A_533] : memref<1x16xf32, #tpu.memory_space<vmem>>, vector<1x1xf32>
    %get3A_535 = vector.extract %get3A_534[0, 0] : f32 from vector<1x1xf32>
    %mul3A_536 = vector.broadcast %get3A_535 : f32 to vector<1x6400xf32>
    %mul3A_537 = arith.mulf %mul3A_536, %mul3A_460 : vector<1x6400xf32>
    %get3A_538 = arith.constant 0 : index
    %get3A_539 = arith.constant 13 : index
    %get3A_540 = vector.load %arg15[%get3A_538, %get3A_539] : memref<1x16xf32, #tpu.memory_space<vmem>>, vector<1x1xf32>
    %get3A_541 = vector.extract %get3A_540[0, 0] : f32 from vector<1x1xf32>
    %mul3A_542 = vector.broadcast %get3A_541 : f32 to vector<1x6400xf32>
    %mul3A_543 = arith.mulf %mul3A_542, %mul3A_463 : vector<1x6400xf32>
    %add3A_544 = arith.addf %mul3A_537, %mul3A_543 : vector<1x6400xf32>
    %mul3A_545 = arith.mulf %add3A_479, %add3A_479 : vector<1x6400xf32>
    %mul3A_546 = arith.mulf %add3A_492, %add3A_492 : vector<1x6400xf32>
    %add3A_547 = arith.addf %mul3A_545, %mul3A_546 : vector<1x6400xf32>
    %mul3A_548 = arith.mulf %add3A_505, %add3A_505 : vector<1x6400xf32>
    %add3A_549 = arith.addf %add3A_547, %mul3A_548 : vector<1x6400xf32>
    %add3A_550 = arith.constant 9.99999993E-9 : f32
    %add3A_551 = vector.broadcast %add3A_550 : f32 to vector<1x6400xf32>
    %add3A_552 = arith.addf %add3A_549, %add3A_551 : vector<1x6400xf32>
    %sqrt3A_553 = math.sqrt %add3A_552 : vector<1x6400xf32>
    %mul3A_554 = arith.mulf %add3A_518, %add3A_518 : vector<1x6400xf32>
    %mul3A_555 = arith.mulf %add3A_531, %add3A_531 : vector<1x6400xf32>
    %add3A_556 = arith.addf %mul3A_554, %mul3A_555 : vector<1x6400xf32>
    %mul3A_557 = arith.mulf %add3A_544, %add3A_544 : vector<1x6400xf32>
    %add3A_558 = arith.addf %add3A_556, %mul3A_557 : vector<1x6400xf32>
    %add3A_559 = arith.constant 9.99999993E-9 : f32
    %add3A_560 = vector.broadcast %add3A_559 : f32 to vector<1x6400xf32>
    %add3A_561 = arith.addf %add3A_558, %add3A_560 : vector<1x6400xf32>
    %sqrt3A_562 = math.sqrt %add3A_561 : vector<1x6400xf32>
    %convert_element_type3A_563 = arith.truncf %sqrt3A_553 : vector<1x6400xf32> to vector<1x6400xbf16>
    %convert_element_type3A_564 = arith.truncf %sqrt3A_562 : vector<1x6400xf32> to vector<1x6400xbf16>
    %concatenate3A_565 = tpu.concatenate %max3A_466, %convert_element_type3A_563, %convert_element_type3A_564 in 0 : vector<128x6400xbf16>, vector<1x6400xbf16>, vector<1x6400xbf16> -> vector<130x6400xbf16>
    %get3A_566 = arith.constant 0 : index
    %get3A_567 = arith.constant 0 : index
    %get3A_568 = vector.load %arg21[%get3A_566, %get3A_567] : memref<32x130xbf16, #tpu.memory_space<vmem>>, vector<32x130xbf16>
    %dot_general3A_569 = arith.constant dense<0.000000e+00> : vector<32x6400xf32>
    %dot_general3A_570 = tpu.matmul %get3A_568, %concatenate3A_565, %dot_general3A_569 {dimension_numbers = #tpu.dot_dimension_numbers<[1], [0], [0], [1], [0, 0, 1, 1], [], []>, transpose_lhs_hint = false} : vector<32x130xbf16>, vector<130x6400xbf16>, vector<32x6400xf32> -> vector<32x6400xf32>
    %get3A_571 = arith.constant 0 : index
    %get3A_572 = arith.constant 0 : index
    %get3A_573 = vector.load %arg22[%get3A_571, %get3A_572] : memref<32x1xf32, #tpu.memory_space<vmem>>, vector<32x1xf32>
    %add3A_574 = vector.broadcast %get3A_573 : vector<32x1xf32> to vector<32x6400xf32>
    %add3A_575 = arith.addf %dot_general3A_570, %add3A_574 : vector<32x6400xf32>
    %get3A_576 = arith.constant 0 : index
    %get3A_577 = arith.constant 14 : index
    %get3A_578 = vector.load %arg15[%get3A_576, %get3A_577] : memref<1x16xf32, #tpu.memory_space<vmem>>, vector<1x1xf32>
    %get3A_579 = vector.extract %get3A_578[0, 0] : f32 from vector<1x1xf32>
    %mul3A_580 = vector.broadcast %get3A_579 : f32 to vector<1x6400xf32>
    %mul3A_581 = arith.mulf %mul3A_580, %add3A_479 : vector<1x6400xf32>
    %get3A_582 = arith.constant 0 : index
    %get3A_583 = arith.constant 15 : index
    %get3A_584 = vector.load %arg15[%get3A_582, %get3A_583] : memref<1x16xf32, #tpu.memory_space<vmem>>, vector<1x1xf32>
    %get3A_585 = vector.extract %get3A_584[0, 0] : f32 from vector<1x1xf32>
    %mul3A_586 = vector.broadcast %get3A_585 : f32 to vector<1x6400xf32>
    %mul3A_587 = arith.mulf %mul3A_586, %add3A_518 : vector<1x6400xf32>
    %add3A_588 = arith.addf %mul3A_581, %mul3A_587 : vector<1x6400xf32>
    %get3A_589 = arith.constant 0 : index
    %get3A_590 = arith.constant 14 : index
    %get3A_591 = vector.load %arg15[%get3A_589, %get3A_590] : memref<1x16xf32, #tpu.memory_space<vmem>>, vector<1x1xf32>
    %get3A_592 = vector.extract %get3A_591[0, 0] : f32 from vector<1x1xf32>
    %mul3A_593 = vector.broadcast %get3A_592 : f32 to vector<1x6400xf32>
    %mul3A_594 = arith.mulf %mul3A_593, %add3A_492 : vector<1x6400xf32>
    %get3A_595 = arith.constant 0 : index
    %get3A_596 = arith.constant 15 : index
    %get3A_597 = vector.load %arg15[%get3A_595, %get3A_596] : memref<1x16xf32, #tpu.memory_space<vmem>>, vector<1x1xf32>
    %get3A_598 = vector.extract %get3A_597[0, 0] : f32 from vector<1x1xf32>
    %mul3A_599 = vector.broadcast %get3A_598 : f32 to vector<1x6400xf32>
    %mul3A_600 = arith.mulf %mul3A_599, %add3A_531 : vector<1x6400xf32>
    %add3A_601 = arith.addf %mul3A_594, %mul3A_600 : vector<1x6400xf32>
    %get3A_602 = arith.constant 0 : index
    %get3A_603 = arith.constant 14 : index
    %get3A_604 = vector.load %arg15[%get3A_602, %get3A_603] : memref<1x16xf32, #tpu.memory_space<vmem>>, vector<1x1xf32>
    %get3A_605 = vector.extract %get3A_604[0, 0] : f32 from vector<1x1xf32>
    %mul3A_606 = vector.broadcast %get3A_605 : f32 to vector<1x6400xf32>
    %mul3A_607 = arith.mulf %mul3A_606, %add3A_505 : vector<1x6400xf32>
    %get3A_608 = arith.constant 0 : index
    %get3A_609 = arith.constant 15 : index
    %get3A_610 = vector.load %arg15[%get3A_608, %get3A_609] : memref<1x16xf32, #tpu.memory_space<vmem>>, vector<1x1xf32>
    %get3A_611 = vector.extract %get3A_610[0, 0] : f32 from vector<1x1xf32>
    %mul3A_612 = vector.broadcast %get3A_611 : f32 to vector<1x6400xf32>
    %mul3A_613 = arith.mulf %mul3A_612, %add3A_544 : vector<1x6400xf32>
    %add3A_614 = arith.addf %mul3A_607, %mul3A_613 : vector<1x6400xf32>
    %add3A_615 = arith.addf %add3A_280, %add3A_575 : vector<32x6400xf32>
    %add3A_616 = arith.addf %mul3A_246, %add3A_588 : vector<1x6400xf32>
    %add3A_617 = arith.addf %mul3A_247, %add3A_601 : vector<1x6400xf32>
    %add3A_618 = arith.addf %mul3A_248, %add3A_614 : vector<1x6400xf32>
    %mul3A_619 = arith.mulf %add3A_616, %add3A_616 : vector<1x6400xf32>
    %mul3A_620 = arith.mulf %add3A_617, %add3A_617 : vector<1x6400xf32>
    %add3A_621 = arith.addf %mul3A_619, %mul3A_620 : vector<1x6400xf32>
    %mul3A_622 = arith.mulf %add3A_618, %add3A_618 : vector<1x6400xf32>
    %add3A_623 = arith.addf %add3A_621, %mul3A_622 : vector<1x6400xf32>
    %add3A_624 = arith.constant 9.99999993E-9 : f32
    %add3A_625 = vector.broadcast %add3A_624 : f32 to vector<1x6400xf32>
    %add3A_626 = arith.addf %add3A_623, %add3A_625 : vector<1x6400xf32>
    %rsqrt3A_627 = math.rsqrt %add3A_626 : vector<1x6400xf32>
    %mul3A_628 = arith.mulf %add3A_616, %rsqrt3A_627 : vector<1x6400xf32>
    %mul3A_629 = arith.mulf %add3A_617, %rsqrt3A_627 : vector<1x6400xf32>
    %mul3A_630 = arith.mulf %add3A_618, %rsqrt3A_627 : vector<1x6400xf32>
    %convert_element_type3A_631 = arith.truncf %add3A_615 : vector<32x6400xf32> to vector<32x6400xbf16>
    %get3A_632 = arith.constant 0 : index
    %get3A_633 = arith.constant 0 : index
    %get3A_634 = vector.load %arg18[%get3A_632, %get3A_633] : memref<1x32xbf16, #tpu.memory_space<vmem>>, vector<1x32xbf16>
    %dot_general3A_635 = arith.constant dense<0.000000e+00> : vector<1x6400xf32>
    %dot_general3A_636 = tpu.matmul %get3A_634, %convert_element_type3A_631, %dot_general3A_635 {dimension_numbers = #tpu.dot_dimension_numbers<[1], [0], [0], [1], [0, 0, 1, 1], [], []>, transpose_lhs_hint = false} : vector<1x32xbf16>, vector<32x6400xbf16>, vector<1x6400xf32> -> vector<1x6400xf32>
    %mul3A_637 = arith.mulf %add3A_615, %add3A_615 : vector<32x6400xf32>
    %convert_element_type3A_638 = arith.truncf %mul3A_637 : vector<32x6400xf32> to vector<32x6400xbf16>
    %get3A_639 = arith.constant 0 : index
    %get3A_640 = arith.constant 0 : index
    %get3A_641 = vector.load %arg18[%get3A_639, %get3A_640] : memref<1x32xbf16, #tpu.memory_space<vmem>>, vector<1x32xbf16>
    %dot_general3A_642 = arith.constant dense<0.000000e+00> : vector<1x6400xf32>
    %dot_general3A_643 = tpu.matmul %get3A_641, %convert_element_type3A_638, %dot_general3A_642 {dimension_numbers = #tpu.dot_dimension_numbers<[1], [0], [0], [1], [0, 0, 1, 1], [], []>, transpose_lhs_hint = false} : vector<1x32xbf16>, vector<32x6400xbf16>, vector<1x6400xf32> -> vector<1x6400xf32>
    %mul3A_644 = arith.mulf %dot_general3A_636, %dot_general3A_636 : vector<1x6400xf32>
    %sub3A_645 = arith.subf %dot_general3A_643, %mul3A_644 : vector<1x6400xf32>
    %sub3A_646 = vector.broadcast %dot_general3A_636 : vector<1x6400xf32> to vector<32x6400xf32>
    %sub3A_647 = arith.subf %add3A_615, %sub3A_646 : vector<32x6400xf32>
    %add3A_648 = arith.constant 9.99999974E-6 : f32
    %add3A_649 = vector.broadcast %add3A_648 : f32 to vector<1x6400xf32>
    %add3A_650 = arith.addf %sub3A_645, %add3A_649 : vector<1x6400xf32>
    %rsqrt3A_651 = math.rsqrt %add3A_650 : vector<1x6400xf32>
    %mul3A_652 = vector.broadcast %rsqrt3A_651 : vector<1x6400xf32> to vector<32x6400xf32>
    %mul3A_653 = arith.mulf %sub3A_647, %mul3A_652 : vector<32x6400xf32>
    %get3A_654 = arith.constant 0 : index
    %get3A_655 = arith.constant 0 : index
    %get3A_656 = vector.load %arg23[%get3A_654, %get3A_655] : memref<32x1xf32, #tpu.memory_space<vmem>>, vector<32x1xf32>
    %mul3A_657 = vector.broadcast %get3A_656 : vector<32x1xf32> to vector<32x6400xf32>
    %mul3A_658 = arith.mulf %mul3A_653, %mul3A_657 : vector<32x6400xf32>
    %get3A_659 = arith.constant 0 : index
    %get3A_660 = arith.constant 0 : index
    %get3A_661 = vector.load %arg24[%get3A_659, %get3A_660] : memref<32x1xf32, #tpu.memory_space<vmem>>, vector<32x1xf32>
    %add3A_662 = vector.broadcast %get3A_661 : vector<32x1xf32> to vector<32x6400xf32>
    %add3A_663 = arith.addf %mul3A_658, %add3A_662 : vector<32x6400xf32>
    %swap3A = arith.constant 0 : index
    %swap3A_664 = arith.constant 0 : index
    %swap3A_665 = vector.load %arg25[%swap3A, %swap3A_664] : memref<32x6400xf32, #tpu.memory_space<vmem>>, vector<32x6400xf32>
    tpu.vector_store %arg25[%swap3A, %swap3A_664], %add3A_663 {strides = array<i32>} : memref<32x6400xf32, #tpu.memory_space<vmem>>, vector<32x6400xf32>,
    %concatenate3A_666 = tpu.concatenate %mul3A_628, %mul3A_629, %mul3A_630 in 0 : vector<1x6400xf32>, vector<1x6400xf32>, vector<1x6400xf32> -> vector<3x6400xf32>
    %swap3A_667 = arith.constant 0 : index
    %swap3A_668 = arith.constant 0 : index
    %swap3A_669 = vector.load %arg26[%swap3A_667, %swap3A_668] : memref<3x6400xf32, #tpu.memory_space<vmem>>, vector<3x6400xf32>
    tpu.vector_store %arg26[%swap3A_667, %swap3A_668], %concatenate3A_666 {strides = array<i32>} : memref<3x6400xf32, #tpu.memory_space<vmem>>, vector<3x6400xf32>,
    return
  }
  func.func @transform_0(%arg0: i32) -> (i32, i32) {
    %c0_i32 = arith.constant 0 : i32
    %c0_i32_0 = arith.constant 0 : i32
    return %arg0, %c0_i32 : i32, i32
  }
  func.func @transform_1(%arg0: i32) -> (i32, i32) {
    %add3A = arith.constant 100 : i32
    %add3A_0 = arith.addi %arg0, %add3A : i32
    %c0_i32 = arith.constant 0 : i32
    %c0_i32_1 = arith.constant 0 : i32
    return %c0_i32, %add3A_0 : i32, i32
  }
  func.func @transform_2(%arg0: i32) -> (i32, i32) {
    %add3A = arith.constant 100 : i32
    %add3A_0 = arith.addi %arg0, %add3A : i32
    %c0_i32 = arith.constant 0 : i32
    %c0_i32_1 = arith.constant 0 : i32
    return %c0_i32, %add3A_0 : i32, i32
  }
  func.func @transform_3(%arg0: i32) -> (i32, i32) {
    %c0_i32 = arith.constant 0 : i32
    %c0_i32_0 = arith.constant 0 : i32
    %c0_i32_1 = arith.constant 0 : i32
    return %c0_i32, %c0_i32_0 : i32, i32
  }
  func.func @transform_4(%arg0: i32) -> (i32, i32) {
    %c0_i32 = arith.constant 0 : i32
    %c0_i32_0 = arith.constant 0 : i32
    %c0_i32_1 = arith.constant 0 : i32
    return %c0_i32, %c0_i32_0 : i32, i32
  }
  func.func @transform_5(%arg0: i32) -> (i32, i32) {
    %c0_i32 = arith.constant 0 : i32
    %c0_i32_0 = arith.constant 0 : i32
    %c0_i32_1 = arith.constant 0 : i32
    return %c0_i32, %c0_i32_0 : i32, i32
  }
  func.func @transform_6(%arg0: i32) -> (i32, i32) {
    %c0_i32 = arith.constant 0 : i32
    %c0_i32_0 = arith.constant 0 : i32
    %c0_i32_1 = arith.constant 0 : i32
    return %c0_i32, %c0_i32_0 : i32, i32
  }
  func.func @transform_7(%arg0: i32) -> (i32, i32) {
    %c0_i32 = arith.constant 0 : i32
    %c0_i32_0 = arith.constant 0 : i32
    %c0_i32_1 = arith.constant 0 : i32
    return %c0_i32, %c0_i32_0 : i32, i32
  }
  func.func @transform_8(%arg0: i32) -> (i32, i32) {
    %c0_i32 = arith.constant 0 : i32
    %c0_i32_0 = arith.constant 0 : i32
    %c0_i32_1 = arith.constant 0 : i32
    return %c0_i32, %c0_i32_0 : i32, i32
  }
  func.func @transform_9(%arg0: i32) -> (i32, i32) {
    %c0_i32 = arith.constant 0 : i32
    %c0_i32_0 = arith.constant 0 : i32
    %c0_i32_1 = arith.constant 0 : i32
    return %c0_i32, %c0_i32_0 : i32, i32
  }
  func.func @transform_10(%arg0: i32) -> (i32, i32) {
    %c0_i32 = arith.constant 0 : i32
    %c0_i32_0 = arith.constant 0 : i32
    %c0_i32_1 = arith.constant 0 : i32
    return %c0_i32, %c0_i32_0 : i32, i32
  }
  func.func @transform_11(%arg0: i32) -> (i32, i32) {
    %c0_i32 = arith.constant 0 : i32
    %c0_i32_0 = arith.constant 0 : i32
    %c0_i32_1 = arith.constant 0 : i32
    return %c0_i32, %c0_i32_0 : i32, i32
  }
  func.func @transform_12(%arg0: i32) -> (i32, i32) {
    %c0_i32 = arith.constant 0 : i32
    %c0_i32_0 = arith.constant 0 : i32
    %c0_i32_1 = arith.constant 0 : i32
    return %c0_i32, %c0_i32_0 : i32, i32
  }
  func.func @transform_13(%arg0: i32) -> (i32, i32) {
    %c0_i32 = arith.constant 0 : i32
    %c0_i32_0 = arith.constant 0 : i32
    %c0_i32_1 = arith.constant 0 : i32
    return %c0_i32, %c0_i32_0 : i32, i32
  }
  func.func @transform_14(%arg0: i32) -> (i32, i32) {
    %c0_i32 = arith.constant 0 : i32
    %c0_i32_0 = arith.constant 0 : i32
    %c0_i32_1 = arith.constant 0 : i32
    return %c0_i32, %c0_i32_0 : i32, i32
  }
  func.func @transform_15(%arg0: i32) -> (i32, i32) {
    %c0_i32 = arith.constant 0 : i32
    %c0_i32_0 = arith.constant 0 : i32
    %c0_i32_1 = arith.constant 0 : i32
    return %c0_i32, %c0_i32_0 : i32, i32
  }
  func.func @transform_16(%arg0: i32) -> (i32, i32) {
    %c0_i32 = arith.constant 0 : i32
    %c0_i32_0 = arith.constant 0 : i32
    %c0_i32_1 = arith.constant 0 : i32
    return %c0_i32, %c0_i32_0 : i32, i32
  }
  func.func @transform_17(%arg0: i32) -> (i32, i32) {
    %c0_i32 = arith.constant 0 : i32
    %c0_i32_0 = arith.constant 0 : i32
    %c0_i32_1 = arith.constant 0 : i32
    return %c0_i32, %c0_i32_0 : i32, i32
  }
  func.func @transform_18(%arg0: i32) -> (i32, i32) {
    %c0_i32 = arith.constant 0 : i32
    %c0_i32_0 = arith.constant 0 : i32
    %c0_i32_1 = arith.constant 0 : i32
    return %c0_i32, %c0_i32_0 : i32, i32
  }
  func.func @transform_19(%arg0: i32) -> (i32, i32) {
    %c0_i32 = arith.constant 0 : i32
    %c0_i32_0 = arith.constant 0 : i32
    %c0_i32_1 = arith.constant 0 : i32
    return %c0_i32, %c0_i32_0 : i32, i32
  }
  func.func @transform_20(%arg0: i32) -> (i32, i32) {
    %c0_i32 = arith.constant 0 : i32
    %c0_i32_0 = arith.constant 0 : i32
    %c0_i32_1 = arith.constant 0 : i32
    return %c0_i32, %c0_i32_0 : i32, i32
  }
  func.func @transform_21(%arg0: i32) -> (i32, i32) {
    %c0_i32 = arith.constant 0 : i32
    %c0_i32_0 = arith.constant 0 : i32
    %c0_i32_1 = arith.constant 0 : i32
    return %c0_i32, %c0_i32_0 : i32, i32
  }
  func.func @transform_22(%arg0: i32) -> (i32, i32) {
    %c0_i32 = arith.constant 0 : i32
    %c0_i32_0 = arith.constant 0 : i32
    %c0_i32_1 = arith.constant 0 : i32
    return %c0_i32, %c0_i32_0 : i32, i32
  }
  func.func @transform_23(%arg0: i32) -> (i32, i32) {
    %c0_i32 = arith.constant 0 : i32
    %c0_i32_0 = arith.constant 0 : i32
    %c0_i32_1 = arith.constant 0 : i32
    return %c0_i32, %c0_i32_0 : i32, i32
  }
  func.func @transform_24(%arg0: i32) -> (i32, i32) {
    %c0_i32 = arith.constant 0 : i32
    %c0_i32_0 = arith.constant 0 : i32
    return %c0_i32, %arg0 : i32, i32
  }
  func.func @transform_25(%arg0: i32) -> (i32, i32) {
    %c0_i32 = arith.constant 0 : i32
    %c0_i32_0 = arith.constant 0 : i32
    return %c0_i32, %arg0 : i32, i32
  }
}

</mosaic_0001>

<sc_bundles>
// kernel: kernel.12.cloned.1.call-start
scs
__scs_entry_jumppad:
0x0: {  	(pc) =	sbr.rel $0x88, $3  }
0x1: {  	(tag) =	ssettag $0x0;
	lr =	simm.s32 $0x1  }
0x2: {  	[smem:$0x3F84] =	sst lr;
	_ =	strace $0xD0000000  }
0x3: {  	_ = 	snop  }
0x4: {  	_ = 	snop  }
0x5: {  	_ = 	snop  }
0x6: {  	_ = 	snop  }
0x7: {  	_ = 	snop  }
__scs_overlays_trampoline_lowered:
0x8: {  	[smem:$0x3F93] =	sst s0  }
0x9: {  	[smem:$0x3F94] =	sst s1  }
0xa: {  	[smem:$0x3F95] =	sst s2  }
0xb: {  	[smem:$0x3F96] =	sst s3  }
0xc: {  	[smem:$0x3F97] =	sst s4  }
0xd: {  	[smem:$0x3F98] =	sst s5  }
0xe: {  	[smem:$0x3F99] =	sst s6  }
0xf: {  	[smem:$0x3F9A] =	sst s7  }
0x10: {  	[smem:$0x3F9B] =	sst s8  }
0x11: {  	[smem:$0x3F9C] =	sst s9;
	s0 =	simm.s32 @!p0 $0x0  }
0x12: {  	s1 =	sld [smem:$0x3F82];
	s0 =	simm.s32 @p0 $0x1  }
0x13: {  	[smem:$0x3F9D] =	sst s0;
	s0 =	simm.s32 @!p1 $0x0  }
0x14: {  	s2 =	sld [smem:$0x3F81];
	s0 =	simm.s32 @p1 $0x1  }
0x15: {  	[smem:$0x3F9E] =	sst s0;
	s0 =	simm.s32 @!p2 $0x0  }
0x16: {  	s3 =	sld [smem:$0x3FDB];
	s0 =	simm.s32 @p2 $0x1  }
0x17: {  	s4 =	simm.s32 $0x1BF5;
	[smem:$0x3FA0] =	sst s0  }
0x18: {  	s0 =	sld [smem:$0x3F83];
	_ =	swait.ge [sflag:s4], $0x0  }
0x19: {  	s7 =	sld [smem:$0x3F84]  }
0x1a: {  	s8 =	sadd.s32 $0xFFFFE003, lr  }
0x1b: {  	s9 =	sadd.s32 $0xFFFFFEF7, lr;
	s5 =	simm.s32 $0xFFFFFFFF;
	p2 =	slt.u32 s8, $0xFFFFF086  }
0x1c: {  	p1 =	slt.u32 s9, $0xF7A;
	s5 =	simm.s32 @!p2 $0x0  }
0x1d: {  	s5 =	simm.s32 @p1 $0x1;
	p0 =	seq.s32 s7, s2  }
0x1e: {  	s7 =	smul.u32 @!p0 $0xF7A, s2;
	p2 =	seq.s32 @!p0 s5, $0x0  }
0x1f: {  	s9 =	smul.u32 $0xF7A, s1;
	s8 =	simm.s32 @!p0 $0x1BF5;
	p2 =	por !p2, p0  }
0x20: {  	[sflag:s8] =	ssyncset.s32 @!p0 $0xFFFFF086;
	s6 =	sadd.s32 @!p0 s3, s7;
	s7 =	simm.s32 @!p0 $0x108  }
0x21: {  	s3 =	sadd.s32 s3, s9;
	s6 =	sadd.s32 @!p0 $0x88, s6;
	s7 =	simm.s32 @p2 $0x1082  }
0x22: {  	[simem:s7], [sflag:s8] =	dma.local @!p0 [hbm:s6], $0xF7A  }
0x23: {  	s9 =	sor.u32 $0xD0000000, s2;
	s6 =	simm.s32 $0x108;
	_ =	swait.ge @!p0 [sflag:s8], $0x0  }
0x24: {  	s3 =	sadd.s32 $0x88, s3;
	s6 =	simm.s32 @!p1 $0x1082;
	[sflag:s4] =	ssyncset.s32 $0xFFFFF086  }
0x25: {  	[simem:s6], [sflag:s4] =	dma.local [hbm:s3], $0xF7A  }
0x26: {  	[smem:$0x3F84] =	sst s1;
	(tag) =	ssettag s2;
	_ =	strace s9  }
0x27: {  	s1 =	sld [smem:$0x3F94]  }
0x28: {  	s2 =	sld [smem:$0x3F95]  }
0x29: {  	s4 =	sld [smem:$0x3F97]  }
0x2a: {  	p0 =	seq.s32 s5, $0x0;
	s5 =	sld [smem:$0x3F98]  }
0x2b: {  	s6 =	sld [smem:$0x3F99]  }
0x2c: {  	s7 =	sld [smem:$0x3F9A]  }
0x2d: {  	s3 =	simm.s32 $0x108;
	s8 =	sld [smem:$0x3F9B]  }
0x2e: {  	s3 =	simm.s32 @!p0 $0x1082;
	s9 =	sld [smem:$0x3F9C]  }
0x2f: {  	lr =	sadd.s32 s0, s3;
	s0 =	sld [smem:$0x3F93]  }
0x30: {  	s3 =	sld [smem:$0x3F96]  }
0x31: {  	[smem:$0x3F9F] =	sst s10  }
0x32: {  	s10 =	sld [smem:$0x3F9D];
	_ =	sdelay $0x3  }
0x33: {  	p0 =	seq.s32 s10, $0x1;
	s10 =	sld [smem:$0x3F9F];
	_ =	sdelay $0x3  }
0x34: {  	[smem:$0x3F9F] =	sst s10  }
0x35: {  	s10 =	sld [smem:$0x3F9E];
	_ =	sdelay $0x3  }
0x36: {  	p1 =	seq.s32 s10, $0x1;
	s10 =	sld [smem:$0x3F9F];
	_ =	sdelay $0x3  }
0x37: {  	[smem:$0x3F9F] =	sst s10  }
0x38: {  	s10 =	sld [smem:$0x3FA0]  }
0x39: {  	_ = 	snop;
	(pc) =	sbr.ind lr, $3  }
0x3a: {  	_ = 	snop  }
0x3b: {  	_ = 	snop  }
0x3c: {  	p2 =	seq.s32 s10, $0x1;
	s10 =	sld [smem:$0x3F9F]  }
0x3d: {  	_ =	shalt  }
0x3e: {  	_ =	shalt  }
0x3f: {  	_ =	shalt  }
0x40: {  	_ =	shalt  }
0x41: {  	_ =	shalt  }
0x42: {  	_ =	shalt  }
0x43: {  	_ =	shalt  }
0x44: {  	_ =	shalt  }
0x45: {  	_ =	shalt  }
0x46: {  	_ =	shalt  }
0x47: {  	_ =	shalt  }
0x48: {  	_ =	shalt  }
0x49: {  	_ =	shalt  }
0x4a: {  	_ =	shalt  }
0x4b: {  	_ =	shalt  }
0x4c: {  	_ =	shalt  }
0x4d: {  	_ =	shalt  }
0x4e: {  	_ =	shalt  }
0x4f: {  	_ =	shalt  }
0x50: {  	_ =	shalt  }
0x51: {  	_ =	shalt  }
0x52: {  	_ =	shalt  }
0x53: {  	_ =	shalt  }
0x54: {  	_ =	shalt  }
0x55: {  	_ =	shalt  }
0x56: {  	_ =	shalt  }
0x57: {  	_ =	shalt  }
0x58: {  	_ =	shalt  }
0x59: {  	_ =	shalt  }
0x5a: {  	_ =	shalt  }
0x5b: {  	_ =	shalt  }
0x5c: {  	_ =	shalt  }
0x5d: {  	_ =	shalt  }
0x5e: {  	_ =	shalt  }
0x5f: {  	_ =	shalt  }
0x60: {  	_ =	shalt  }
0x61: {  	_ =	shalt  }
0x62: {  	_ =	shalt  }
0x63: {  	_ =	shalt  }
0x64: {  	_ =	shalt  }
0x65: {  	_ =	shalt  }
0x66: {  	_ =	shalt  }
0x67: {  	_ =	shalt  }
0x68: {  	_ =	shalt  }
0x69: {  	_ =	shalt  }
0x6a: {  	_ =	shalt  }
0x6b: {  	_ =	shalt  }
0x6c: {  	_ =	shalt  }
0x6d: {  	_ =	shalt  }
0x6e: {  	_ =	shalt  }
0x6f: {  	_ =	shalt  }
0x70: {  	_ =	shalt  }
0x71: {  	_ =	shalt  }
0x72: {  	_ =	shalt  }
0x73: {  	_ =	shalt  }
0x74: {  	_ =	shalt  }
0x75: {  	_ =	shalt  }
0x76: {  	_ =	shalt  }
0x77: {  	_ =	shalt  }
0x78: {  	_ =	shalt  }
0x79: {  	_ =	shalt  }
0x7a: {  	_ =	shalt  }
0x7b: {  	_ =	shalt  }
0x7c: {  	_ =	shalt  }
0x7d: {  	_ =	shalt  }
0x7e: {  	_ =	shalt  }
0x7f: {  	_ =	shalt  }
0x80: {  	_ =	shalt  }
0x81: {  	_ =	shalt  }
0x82: {  	_ =	shalt  }
0x83: {  	_ =	shalt  }
0x84: {  	_ =	shalt  }
0x85: {  	_ =	shalt  }
0x86: {  	_ =	shalt  }
0x87: {  	_ =	shalt  }
.Lfunc_end0:
.L_simem_size_0:
called_computation_lowered:
.L_overlay_start_0:
0x88: {  	s2 =	sld [smem:$0x3FD9]  }
0x89: {  	s3 =	sld [smem:$0x3FFE];
	_ =	sdelay $0x1  }
0x8a: {  	s1 =	srdreg.scid  }
0x8b: {  	s0 =	sand.u32 $0x1, s1  }
0x8c: {  	s15 =	sshll.u32 s0, $0xA;
	s2 =	sadd.s32 s3, s2  }
0x8d: {  	s2 =	sadd.s32 s2, s15  }
0x8e: {  	[smem:$0x3FAB] =	sst s2  }
0x8f: {  	_ = 	snop  }
0x90: {  	s2 =	sld [smem:$0x3FD0];
	_ =	sdelay $0x2  }
0x91: {  	s16 =	simm.s32 $0xE;
	s4 =	simm.s32 $0x10  }
0x92: {  	[smem:s4], [sflag:s16] =	dma.local [hbm:s2], $0x1  }
0x93: {  	_ =	swait.eq [sflag:s16], $0x1  }
0x94: {  	[sflag:s16] =	ssyncset.done $0x0  }
0x95: {  	[sflag:s16] =	ssyncadd.s32 $0xFFFFFFFF  }
0x96: {  	s17 =	sld [smem:$0x11];
	(tm) =	ssettm $0x1  }
0x97: {  	s18 =	sld [smem:$0x3FFB];
	_ =	sdelay $0x3  }
0x98: {  	_ =	strace s18  }
0x99: {  	s2 =	sld [smem:$0x3FFC];
	_ =	sdelay $0x3  }
0x9a: {  	_ =	strace s2  }
0x9b: {  	s2 =	sld [smem:$0x3FFD];
	_ =	sdelay $0x3  }
0x9c: {  	_ =	strace s2  }
0x9d: {  	_ =	strace $0x8FFFFFFF  }
0x9e: {  	s19 =	sld [smem:$0x3FDB];
	_ =	sdelay $0x1  }
0x9f: {  	s20 =	simm.s32 $_scs_section_size  }
0xa0: {  	s5 =	simm.s32 $_size__tile_overlayer_lowered;
	s6 =	simm.s32 $_tile_overlayer_lowered  }
0xa1: {  	s7 =	simm.s32 $0x1BFF;
	s21 =	sshll.u32 s6, $0x1;
	s4 =	sadd.s32 s20, s19  }
0xa2: {  	s22 =	simm.s32 $0x0;
	s5 =	sshll.u32 s5, $0x1;
	s6 =	sadd.s32 s21, s4  }
0xa3: {  	[timem:s22], [sflag:s7] =	dma.local [hbm:s6], s5  }
0xa4: {  	_ =	swait.ge [sflag:s7], s5  }
0xa5: {  	s5 =	ssub.s32 $0x0, s5;
	[sflag:s7] =	ssyncset.done $0x0  }
0xa6: {  	[sflag:s7] =	ssyncadd.s32 s5;
	_ =	sdelay $0x1  }
0xa7: {  	s23 =	simm.s32 $0x1B8B  }
0xa8: {  	_ =	swait.ge [sflag:s23], $0x1  }
0xa9: {  	[sflag:s23] =	ssyncset.done $0x0  }
0xaa: {  	[sflag:s23] =	ssyncadd.s32 $0xFFFFFFFF  }
0xab: {  	s5 =	sld [smem:$0x0]  }
0xac: {  	s6 =	sand.u32 $0xFFFFFFFE, s1  }
0xad: {  	p0 =	sne.s32 s1, s6  }
0xae: {  	s6 =	sshll.u32 @p0 s6, $0xE  }
0xaf: {  	s6 =	sadd.s32 @p0 $0x11B8D, s6;
	s7 =	sshll.u32 @p0 s5, $0x11  }
0xb0: {  	s6 =	sor.u32 @p0 s7, s6  }
0xb1: {  	[sflag:s6] =	ssyncadd.remote.s32 @p0 $0x1;
	_ =	sdelay $0x1  }
0xb2: {  	s6 =	simm.s32 @p0 $0x1B8D  }
0xb3: {  	_ =	swait.eq @p0 [sflag:s6], $0x1  }
0xb4: {  	[sflag:s6] =	ssyncadd.s32 @p0 $0xFFFFFFFF  }
0xb5: {  	s7 =	sshll.u32 @!p0 s1, $0xE  }
0xb6: {  	s7 =	sor.u32 @!p0 $0x4000, s7;
	s6 =	simm.s32 @!p0 $0x1B8D  }
0xb7: {  	s5 =	sshll.u32 @!p0 s5, $0x11;
	s7 =	sadd.s32 @!p0 $0x11B8D, s7;
	_ =	swait.eq @!p0 [sflag:s6], $0x1  }
0xb8: {  	s5 =	sor.u32 @!p0 s5, s7;
	[sflag:s6] =	ssyncadd.s32 @!p0 $0xFFFFFFFF  }
0xb9: {  	s25 =	simm.s32 $0x1B8E;
	s24 =	sld [smem:$0x3FFE];
	[sflag:s5] =	ssyncadd.remote.s32 @!p0 $0x1  }
0xba: {  	s26 =	simm.s32 $execute0_lowered;
	[smem:$0x3FD2] =	sst s25  }
0xbb: {  	s6 =	sshll.u32 s26, $0x1;
	_ =	strace $0x80000049;
	[dreg:$0x1] =	wrdreg $0xFFFFFFFF  }
0xbc: {  	s28 =	simm.s32 $_size_execute0_lowered;
	s4 =	sadd.s32 s4, s6;
	[dreg:$0x0] =	wrdreg $0x0  }
0xbd: {  	s6 =	sshll.u32 s28, $0x1;
	[dreg:$0x2] =	wrdreg s4  }
0xbe: {  	[dreg:$0x3] =	wrdreg s6  }
0xbf: {  	[dreg:$0x4] =	wrdreg $0xC0  }
0xc0: {  	_ =	task [dreg:s22], $0x5FFFF  }
0xc1: {  	[dreg:$0x1] =	wrdreg $0xFFFFFFFF  }
0xc2: {  	[dreg:$0x0] =	wrdreg $0x60  }
0xc3: {  	[dreg:$0x2] =	wrdreg s24  }
0xc4: {  	[dreg:$0x3] =	wrdreg s17  }
0xc5: {  	[dreg:$0x4] =	wrdreg $0x9  }
0xc6: {  	_ =	task.clear_ibuf [dreg:s22], $0x5FFFF;
	_ =	strace $0x90000049  }
0xc7: {  	s29 =	simm.s32 $0x9;
	_ =	strace $0x8000004B  }
0xc8: {  	_ =	swait.ge [sflag:s29], $0x1  }
0xc9: {  	[sflag:s29] =	ssyncadd.s32 $0xFFFFFFFF  }
0xca: {  	_ =	strace $0x9000004B  }
0xcb: {  	_ =	sfence  }
0xcc: {  	s30 =	sld [smem:$0x0];
	_ =	sdelay $0x2  }
0xcd: {  	s31 =	sshll.u32 s1, $0xD;
	s1 =	sshrl.u32 s1, $0x2  }
0xce: {  	s4 =	sand.u32 $0x4000, s31;
	s1 =	sadd.s32 s1, s30  }
0xcf: {  	s0 =	sor.u32 s4, s0;
	s1 =	sshll.u32 s1, $0x11  }
0xd0: {  	s0 =	sor.u32 s1, s0  }
0xd1: {  	s0 =	sadd.s32 $0x8F2B, s0  }
0xd2: {  	[sflag:s0] =	ssyncadd.remote.s32 $0x1  }
0xd3: {  	_ =	sfence.sel $0xFFFF  }
0xd4: {  	[dreg:$0x0] =	wrdreg $0xFFFFFFFF;
	(pc) =	sbr.abs _section_cstart, $3  }
0xd5: {  	[dreg:$0x1] =	wrdreg $0xFFFFFFFF  }
0xd6: {  	_ =	task.clear_ibuf [dreg:s22], $0x2FFFF;
	_ =	strace $0x9FFFFFFF  }
0xd7: {  	(tm) =	ssettm $0x7FFFFFFF  }
tec
execute0_lowered:
.L_overlay_start_1:
0x0: {  	(tag) =	ssettag $0x1  }
0x1: {  	s0 =	srdreg.scid;
	s7 =	rddreg [dreg:$0x0]  }
0x2: {  	s12 =	stileid.u32;
	s6 =	rddreg [dreg:$0x1];
	s2 =	simm.s32 $0x0  }
0x3: {  	s18 =	simm.s32 $0x5710;
	s19 =	simm.s32 $0x2710;
	s20 =	simm.s32 $0x80  }
0x4: {  	s21 =	simm.s32 $0x3F10;
	s22 =	simm.s32 $0x1;
	s23 =	simm.s32 $0x30  }
0x5: {  	s24 =	simm.s32 $0x10;
	s25 =	simm.s32 $0x2;
	s30 =	simm.s32 $0x0  }
0x6: {  	s0 =	sand.u32 $0x1, s0;
	[smem:$0x7FF] =	sst s2;
	s4 =	sadd.s32 $0x7A400, s7  }
0x7: {  	s1 =	sshll.u32 s12, $0x1;
	s15 =	sadd.s32 $0x2F0600, s7;
	s13 =	sadd.s32 $0x2F0606, s7  }
0x8: {  	s14 =	sadd.s32 $0x2F0608, s7;
	s17 =	smul.u32 $0x27100, s12;
	s1 =	sor.u32 s0, s1  }
0x9: {  	s16 =	sadd.s32 $0x2F060E, s7;
	s9 =	ssub.s32 $0x2, s0;
	s3 =	smul.u32 $0x1388, s1  }
0xa: {  	_ =	strace $0x8000004A;
	s10 =	sshrl.u32 s9, $0x1;
	s1 =	smul.u32 $0x13880, s1  }
0xb: {  	s0 =	smul.u32 $0x13880, s0;
	s17 =	sadd.s32 s17, s15;
	s9 =	ssub.s32 s9, s10  }
0xc: {  	s8 =	sshrl.u32 s3, $0x3;
	s3 =	sadd.s32 $0x9000, s7;
	s11 =	sadd.s32 $0x13080, s1  }
0xd: {  	s1 =	sadd.s32 $0x13000, s1;
	s5 =	sadd.s32 s8, s7;
	s6 =	sadd.s32 s6, s8  }
0xe: {  	s7 =	smax.u32 s9, $0x1;
	s8 =	sadd.s32 s15, s11;
	s9 =	sadd.s32 s11, s13  }
0xf: {  	s10 =	sadd.s32 s11, s14;
	s11 =	sadd.s32 s11, s16;
	s12 =	sadd.s32 s15, s1  }
0x10: {  	s13 =	sadd.s32 s1, s13;
	s14 =	sadd.s32 s1, s14;
	s15 =	sadd.s32 s1, s16  }
0x11: {  	s16 =	sadd.s32 s0, s17;
	s17 =	simm.s32 $0x3;
	s5 =	sadd.s32 $0x2EB600, s5  }
.LBB2_1:
0x12: {  	[tilespmem:s2], [sflag:$0x3] =	stream.linear.gather [hbm4b:s5+s2], $0x1388, $0x38;
	[tilespmem:$0x5F10] =	vst v63  }
0x13: {  	_ =	swait.ge [sflag:s17], $0x1388  }
0x14: {  	[sflag:s17] =	ssyncset.done $0x0  }
0x15: {  	s0 =	simm.s32 $0x1388;
	[sflag:s17] =	ssyncadd.s32 $0xFFFFEC78  }
0x16: {  	[tilespmem:s0], [sflag:$0x3] =	stream.linear.gather [hbm4b:s6+s2], $0x1388, $0x38;
	[tilespmem:$0x5F10] =	vst v63  }
0x17: {  	_ =	swait.ge [sflag:s17], $0x1388  }
0x18: {  	[sflag:s17] =	ssyncset.done $0x0  }
0x19: {  	[sflag:s17] =	ssyncadd.s32 $0xFFFFEC78  }
0x1a: {  	[tilespmem:s18], [sflag:$0x3] =	stream.linear.gather [hbm4b:s4+s2], $0x800, $0x38;
	[tilespmem:$0x5F10] =	vst v63  }
0x1b: {  	_ =	swait.ge [sflag:s17], $0x800  }
0x1c: {  	[sflag:s17] =	ssyncset.done $0x0  }
0x1d: {  	[sflag:s17] =	ssyncadd.s32 $0xFFFFF800  }
0x1e: {  	[tilespmem:s19], [sflag:$0x1] =	stream.indirect.gather [hbm4b:s3+s20], $0x30, s2, s20, $0xb8;
	[tilespmem:$0x5F10] =	vst v63  }
0x1f: {  	_ = 	snop  }
0x20: {  	[tilespmem:s21], [sflag:$0x2] =	stream.indirect.gather [hbm4b:s3+s20], $0x30, s0, s20, $0xb8;
	[tilespmem:$0x5F10] =	vst v63  }
0x21: {  	_ =	swait.ge [sflag:s22], $0x1800  }
0x22: {  	[sflag:s22] =	ssyncset.done $0x0  }
0x23: {  	s28 =	sadd.s32 $0x0, s16;
	[sflag:s22] =	ssyncadd.s32 $0xFFFFE800  }
0x24: {  	[hbm4b:s28+s23] =	stream.strided.scatter [tilespmem:s19], [sflag:$0x3], $0x1800, s20, s23, $0x38;
	[tilespmem:$0x5F10] =	vst v63  }
0x25: {  	_ =	swait.ge [sflag:s17], $0x1800  }
0x26: {  	[sflag:s17] =	ssyncset.done $0x0  }
0x27: {  	s1 =	sadd.s32 $0x6, s28;
	[sflag:s17] =	ssyncadd.s32 $0xFFFFE800  }
0x28: {  	[hbm4b:s1+s24] =	stream.strided.scatter [tilespmem:s18], [sflag:$0x3], $0x800, s20, s24, $0x38;
	[tilespmem:$0x5F10] =	vst v63  }
0x29: {  	_ =	swait.ge [sflag:s17], $0x800  }
0x2a: {  	[sflag:s17] =	ssyncset.done $0x0  }
0x2b: {  	[sflag:s17] =	ssyncadd.s32 $0xFFFFF800  }
0x2c: {  	[tilespmem:s19], [sflag:$0x1] =	stream.indirect.gather [hbm4b:s3+s20], $0x30, s20, s20, $0xb8;
	[tilespmem:$0x5F10] =	vst v63  }
0x2d: {  	_ =	swait.ge [sflag:s25], $0x1800  }
0x2e: {  	[sflag:s25] =	ssyncset.done $0x0  }
0x2f: {  	s29 =	sadd.s32 $0x8, s28;
	[sflag:s25] =	ssyncadd.s32 $0xFFFFE800  }
0x30: {  	[hbm4b:s29+s23] =	stream.strided.scatter [tilespmem:s21], [sflag:$0x3], $0x1800, s20, s23, $0x38;
	[tilespmem:$0x5F10] =	vst v63  }
0x31: {  	_ =	swait.ge [sflag:s17], $0x1800  }
0x32: {  	[sflag:s17] =	ssyncset.done $0x0  }
0x33: {  	s0 =	sadd.s32 $0xE, s28;
	[sflag:s17] =	ssyncadd.s32 $0xFFFFE800  }
0x34: {  	[hbm4b:s0+s24] =	stream.strided.scatter [tilespmem:s18], [sflag:$0x3], $0x800, s20, s24, $0x38;
	[tilespmem:$0x5F10] =	vst v63  }
0x35: {  	s26 =	simm.s32 $0x80;
	s31 =	simm.s32 $0x80;
	_ =	swait.ge [sflag:s17], $0x800  }
0x36: {  	s1 =	simm.s32 $0x800;
	s0 =	simm.s32 $0x1408;
	[sflag:s17] =	ssyncset.done $0x0  }
.LBB2_2:
0x37: {  	[sflag:s17] =	ssyncadd.s32 $0xFFFFF800  }
0x38: {  	s26 =	sadd.s32 $0x80, s26;
	s31 =	sadd.s32 $0x80, s31;
	s28 =	smov.u32 s1  }
0x39: {  	[tilespmem:s21], [sflag:$0x2] =	stream.indirect.gather [hbm4b:s3+s20], $0x30, s0, s20, $0xb8;
	[tilespmem:$0x5F10] =	vst v63  }
0x3a: {  	p0 =	sne.s32 s1, $0x12800;
	s1 =	sadd.s32 $0x800, s1;
	_ =	swait.ge [sflag:s22], $0x1800  }
0x3b: {  	[sflag:s22] =	ssyncset.done $0x0  }
0x3c: {  	s28 =	sadd.s32 s28, s16;
	[sflag:s22] =	ssyncadd.s32 $0xFFFFE800  }
0x3d: {  	[hbm4b:s28+s23] =	stream.strided.scatter [tilespmem:s19], [sflag:$0x3], $0x1800, s20, s23, $0x38;
	[tilespmem:$0x5F10] =	vst v63  }
0x3e: {  	_ =	swait.ge [sflag:s17], $0x1800  }
0x3f: {  	[sflag:s17] =	ssyncset.done $0x0  }
0x40: {  	s29 =	sadd.s32 $0x6, s28;
	[sflag:s17] =	ssyncadd.s32 $0xFFFFE800  }
0x41: {  	[hbm4b:s29+s24] =	stream.strided.scatter [tilespmem:s18], [sflag:$0x3], $0x800, s20, s24, $0x38;
	[tilespmem:$0x5F10] =	vst v63  }
0x42: {  	_ =	swait.ge [sflag:s17], $0x800  }
0x43: {  	[sflag:s17] =	ssyncset.done $0x0  }
0x44: {  	[sflag:s17] =	ssyncadd.s32 $0xFFFFF800  }
0x45: {  	[tilespmem:s19], [sflag:$0x1] =	stream.indirect.gather [hbm4b:s3+s20], $0x30, s26, s20, $0xb8;
	[tilespmem:$0x5F10] =	vst v63  }
0x46: {  	_ =	swait.ge [sflag:s25], $0x1800  }
0x47: {  	[sflag:s25] =	ssyncset.done $0x0  }
0x48: {  	s29 =	sadd.s32 $0x8, s28;
	[sflag:s25] =	ssyncadd.s32 $0xFFFFE800  }
0x49: {  	[hbm4b:s29+s23] =	stream.strided.scatter [tilespmem:s21], [sflag:$0x3], $0x1800, s20, s23, $0x38;
	[tilespmem:$0x5F10] =	vst v63  }
0x4a: {  	_ =	swait.ge [sflag:s17], $0x1800  }
.Ltmp0:
0x4b: {  	[sflag:s17] =	ssyncset.done $0x0;
	(pc) =	sbr.rel @p0 .LBB2_2-.Ltmp0, $4  }
0x4c: {  	s28 =	sadd.s32 $0xE, s28;
	[sflag:s17] =	ssyncadd.s32 $0xFFFFE800  }
0x4d: {  	[hbm4b:s28+s24] =	stream.strided.scatter [tilespmem:s18], [sflag:$0x3], $0x800, s20, s24, $0x38;
	[tilespmem:$0x5F10] =	vst v63  }
0x4e: {  	_ =	swait.ge [sflag:s17], $0x800  }
0x4f: {  	s0 =	sadd.s32 $0x80, s0;
	[sflag:s17] =	ssyncset.done $0x0  }
0x50: {  	[sflag:s17] =	ssyncadd.s32 $0xFFFFF800;
	s0 =	simm.s32 $0x2688  }
0x51: {  	[tilespmem:s21], [sflag:$0x2] =	stream.indirect.gather [hbm4b:s3+s20], $0x30, s0, s20, $0xb8;
	[tilespmem:$0x5F10] =	vst v63  }
0x52: {  	_ =	swait.ge [sflag:s22], $0x1800  }
0x53: {  	[sflag:s22] =	ssyncset.done $0x0  }
0x54: {  	[sflag:s22] =	ssyncadd.s32 $0xFFFFE800  }
0x55: {  	[hbm4b:s12+s23] =	stream.strided.scatter [tilespmem:s19], [sflag:$0x3], $0x1800, s20, s23, $0x38;
	[tilespmem:$0x5F10] =	vst v63  }
0x56: {  	_ =	swait.ge [sflag:s17], $0x1800  }
0x57: {  	[sflag:s17] =	ssyncset.done $0x0  }
0x58: {  	[sflag:s17] =	ssyncadd.s32 $0xFFFFE800  }
0x59: {  	[hbm4b:s13+s24] =	stream.strided.scatter [tilespmem:s18], [sflag:$0x3], $0x800, s20, s24, $0x38;
	[tilespmem:$0x5F10] =	vst v63  }
0x5a: {  	_ =	swait.ge [sflag:s17], $0x800  }
0x5b: {  	s28 =	sadd.s32 $0x80, s31;
	[sflag:s17] =	ssyncset.done $0x0  }
0x5c: {  	s0 =	smin.u32 s28, $0x1308;
	[sflag:s17] =	ssyncadd.s32 $0xFFFFF800  }
0x5d: {  	[tilespmem:s19], [sflag:$0x1] =	stream.indirect.gather [hbm4b:s3+s20], $0x30, s0, s20, $0xb8;
	[tilespmem:$0x5F10] =	vst v63  }
0x5e: {  	_ =	swait.ge [sflag:s25], $0x1800  }
0x5f: {  	[sflag:s25] =	ssyncset.done $0x0  }
0x60: {  	[sflag:s25] =	ssyncadd.s32 $0xFFFFE800  }
0x61: {  	[hbm4b:s14+s23] =	stream.strided.scatter [tilespmem:s21], [sflag:$0x3], $0x1800, s20, s23, $0x38;
	[tilespmem:$0x5F10] =	vst v63  }
0x62: {  	_ =	swait.ge [sflag:s17], $0x1800  }
0x63: {  	[sflag:s17] =	ssyncset.done $0x0  }
0x64: {  	[sflag:s17] =	ssyncadd.s32 $0xFFFFE800  }
0x65: {  	[hbm4b:s15+s24] =	stream.strided.scatter [tilespmem:s18], [sflag:$0x3], $0x800, s20, s24, $0x38;
	[tilespmem:$0x5F10] =	vst v63  }
0x66: {  	_ =	swait.ge [sflag:s17], $0x800  }
0x67: {  	[sflag:s17] =	ssyncset.done $0x0  }
0x68: {  	s29 =	simm.s32 $0x2690;
	[sflag:s17] =	ssyncadd.s32 $0xFFFFF800  }
0x69: {  	[tilespmem:s21], [sflag:$0x2] =	stream.indirect.gather [hbm4b:s3+s20], $0x30, s29, s20, $0xb8;
	[tilespmem:$0x5F10] =	vst v63  }
0x6a: {  	_ =	swait.ge [sflag:s22], $0x1800  }
0x6b: {  	[sflag:s22] =	ssyncset.done $0x0  }
0x6c: {  	[sflag:s22] =	ssyncadd.s32 $0xFFFFE800  }
0x6d: {  	[hbm4b:s8+s23] =	stream.strided.scatter [tilespmem:s19], [sflag:$0x3], $0x1800, s20, s23, $0x38;
	[tilespmem:$0x5F10] =	vst v63  }
0x6e: {  	_ =	swait.ge [sflag:s17], $0x1800  }
0x6f: {  	[sflag:s17] =	ssyncset.done $0x0  }
0x70: {  	[sflag:s17] =	ssyncadd.s32 $0xFFFFE800  }
0x71: {  	[hbm4b:s9+s24] =	stream.strided.scatter [tilespmem:s18], [sflag:$0x3], $0x800, s20, s24, $0x38;
	[tilespmem:$0x5F10] =	vst v63  }
0x72: {  	_ =	swait.ge [sflag:s17], $0x800  }
0x73: {  	[sflag:s17] =	ssyncset.done $0x0  }
0x74: {  	s31 =	simm.s32 $0x1308;
	[sflag:s17] =	ssyncadd.s32 $0xFFFFF800  }
0x75: {  	[tilespmem:s19], [sflag:$0x1] =	stream.indirect.gather [hbm4b:s3+s20], $0x30, s31, s20, $0xb8;
	[tilespmem:$0x5F10] =	vst v63  }
0x76: {  	_ =	swait.ge [sflag:s25], $0x1800  }
0x77: {  	[sflag:s25] =	ssyncset.done $0x0  }
0x78: {  	[sflag:s25] =	ssyncadd.s32 $0xFFFFE800  }
0x79: {  	[hbm4b:s10+s23] =	stream.strided.scatter [tilespmem:s21], [sflag:$0x3], $0x1800, s20, s23, $0x38;
	[tilespmem:$0x5F10] =	vst v63  }
0x7a: {  	_ =	swait.ge [sflag:s17], $0x1800  }
0x7b: {  	[sflag:s17] =	ssyncset.done $0x0  }
0x7c: {  	s30 =	sadd.s32 $0x1, s30;
	[sflag:s17] =	ssyncadd.s32 $0xFFFFE800  }
0x7d: {  	[hbm4b:s11+s24] =	stream.strided.scatter [tilespmem:s18], [sflag:$0x3], $0x800, s20, s24, $0x38;
	[tilespmem:$0x5F10] =	vst v63  }
0x7e: {  	p0 =	sne.s32 s30, s7;
	_ =	swait.ge [sflag:s17], $0x800  }
.Ltmp1:
0x7f: {  	[sflag:s17] =	ssyncset.done $0x0;
	(pc) =	sbr.rel @p0 .LBB2_1-.Ltmp1, $4  }
0x80: {  	[sflag:s17] =	ssyncadd.s32 $0xFFFFF800  }
0x81: {  	_ =	swait.ge [sflag:s22], $0x1800  }
0x82: {  	[sflag:s22] =	ssyncset.done $0x0  }
0x83: {  	[sflag:s22] =	ssyncadd.s32 $0xFFFFE800  }
0x84: {  	_ =	sfence.sel $0x180000  }
0x85: {  	[bflag:$0x0] =	sbarrier.arrive $0xFFFF  }
0x86: {  	_ =	strace $0x9000004A  }
0x87: {  	s0 =	stileid.u32;
	[bflag:$0x2] =	sbarrier.arrive $0xFFFF  }
0x88: {  	p0 =	sne.s32 s0, $0x0;
	s0 =	rddreg [dreg:$0x2]  }
0x89: {  	s0 =	sadd.s32 @!p0 $0x100000, s0  }
0x8a: {  	[sflag:s0] =	ssyncadd.tile.s32 @!p0 $0x1;
	_ =	shalt  }
.Lfunc_end2:
_tile_overlayer_lowered:
.L_overlay_start_2:
0x8b: {  	(tag) =	ssettag $0x2  }
0x8c: {  	s0 =	rddreg [dreg:$0x0];
	s2 =	stileid.u32  }
0x8d: {  	s1 =	rddreg [dreg:$0x1];
	p0 =	sne.s32 s2, $0x0  }
0x8e: {  	s3 =	rddreg [dreg:$0x2];
	[bflag:$0x3] =	sbarrier.arrive $0xFFFF;
	s2 =	simm.s32 @!p0 $0x1C03  }
0x8f: {  	[timem:s3], [sflag:s2] =	dma.local @!p0 [hbm:s0], s1  }
0x90: {  	s0 =	simm.s32 @!p0 $0x3  }
0x91: {  	_ =	swait.ge @!p0 [sflag:s0], s1  }
0x92: {  	s1 =	ssub.s32 @!p0 $0x0, s1;
	[sflag:s0] =	ssyncset.done @!p0 $0x0  }
0x93: {  	[sflag:s0] =	ssyncadd.s32 @!p0 s1  }
0x94: {  	[bflag:$0x3] =	sbarrier.arrive $0xFFFF  }
0x95: {  	_ =	shalt  }

// kernel: kernel.15.cloned.1.call-start
scs
__scs_entry_jumppad:
0x0: {  	(pc) =	sbr.rel $0x88, $3  }
0x1: {  	(tag) =	ssettag $0x0;
	lr =	simm.s32 $0x1  }
0x2: {  	[smem:$0x3F84] =	sst lr;
	_ =	strace $0xD0000000  }
0x3: {  	_ = 	snop  }
0x4: {  	_ = 	snop  }
0x5: {  	_ = 	snop  }
0x6: {  	_ = 	snop  }
0x7: {  	_ = 	snop  }
__scs_overlays_trampoline_lowered:
0x8: {  	[smem:$0x3F93] =	sst s0  }
0x9: {  	[smem:$0x3F94] =	sst s1  }
0xa: {  	[smem:$0x3F95] =	sst s2  }
0xb: {  	[smem:$0x3F96] =	sst s3  }
0xc: {  	[smem:$0x3F97] =	sst s4  }
0xd: {  	[smem:$0x3F98] =	sst s5  }
0xe: {  	[smem:$0x3F99] =	sst s6  }
0xf: {  	[smem:$0x3F9A] =	sst s7  }
0x10: {  	[smem:$0x3F9B] =	sst s8  }
0x11: {  	[smem:$0x3F9C] =	sst s9;
	s0 =	simm.s32 @!p0 $0x0  }
0x12: {  	s1 =	sld [smem:$0x3F82];
	s0 =	simm.s32 @p0 $0x1  }
0x13: {  	[smem:$0x3F9D] =	sst s0;
	s0 =	simm.s32 @!p1 $0x0  }
0x14: {  	s2 =	sld [smem:$0x3F81];
	s0 =	simm.s32 @p1 $0x1  }
0x15: {  	[smem:$0x3F9E] =	sst s0;
	s0 =	simm.s32 @!p2 $0x0  }
0x16: {  	s3 =	sld [smem:$0x3FDB];
	s0 =	simm.s32 @p2 $0x1  }
0x17: {  	s4 =	simm.s32 $0x1BF5;
	[smem:$0x3FA0] =	sst s0  }
0x18: {  	s0 =	sld [smem:$0x3F83];
	_ =	swait.ge [sflag:s4], $0x0  }
0x19: {  	s7 =	sld [smem:$0x3F84]  }
0x1a: {  	s8 =	sadd.s32 $0xFFFFE003, lr  }
0x1b: {  	s9 =	sadd.s32 $0xFFFFFEF7, lr;
	s5 =	simm.s32 $0xFFFFFFFF;
	p2 =	slt.u32 s8, $0xFFFFF086  }
0x1c: {  	p1 =	slt.u32 s9, $0xF7A;
	s5 =	simm.s32 @!p2 $0x0  }
0x1d: {  	s5 =	simm.s32 @p1 $0x1;
	p0 =	seq.s32 s7, s2  }
0x1e: {  	s7 =	smul.u32 @!p0 $0xF7A, s2;
	p2 =	seq.s32 @!p0 s5, $0x0  }
0x1f: {  	s9 =	smul.u32 $0xF7A, s1;
	s8 =	simm.s32 @!p0 $0x1BF5;
	p2 =	por !p2, p0  }
0x20: {  	[sflag:s8] =	ssyncset.s32 @!p0 $0xFFFFF086;
	s6 =	sadd.s32 @!p0 s3, s7;
	s7 =	simm.s32 @!p0 $0x108  }
0x21: {  	s3 =	sadd.s32 s3, s9;
	s6 =	sadd.s32 @!p0 $0x88, s6;
	s7 =	simm.s32 @p2 $0x1082  }
0x22: {  	[simem:s7], [sflag:s8] =	dma.local @!p0 [hbm:s6], $0xF7A  }
0x23: {  	s9 =	sor.u32 $0xD0000000, s2;
	s6 =	simm.s32 $0x108;
	_ =	swait.ge @!p0 [sflag:s8], $0x0  }
0x24: {  	s3 =	sadd.s32 $0x88, s3;
	s6 =	simm.s32 @!p1 $0x1082;
	[sflag:s4] =	ssyncset.s32 $0xFFFFF086  }
0x25: {  	[simem:s6], [sflag:s4] =	dma.local [hbm:s3], $0xF7A  }
0x26: {  	[smem:$0x3F84] =	sst s1;
	(tag) =	ssettag s2;
	_ =	strace s9  }
0x27: {  	s1 =	sld [smem:$0x3F94]  }
0x28: {  	s2 =	sld [smem:$0x3F95]  }
0x29: {  	s4 =	sld [smem:$0x3F97]  }
0x2a: {  	p0 =	seq.s32 s5, $0x0;
	s5 =	sld [smem:$0x3F98]  }
0x2b: {  	s6 =	sld [smem:$0x3F99]  }
0x2c: {  	s7 =	sld [smem:$0x3F9A]  }
0x2d: {  	s3 =	simm.s32 $0x108;
	s8 =	sld [smem:$0x3F9B]  }
0x2e: {  	s3 =	simm.s32 @!p0 $0x1082;
	s9 =	sld [smem:$0x3F9C]  }
0x2f: {  	lr =	sadd.s32 s0, s3;
	s0 =	sld [smem:$0x3F93]  }
0x30: {  	s3 =	sld [smem:$0x3F96]  }
0x31: {  	[smem:$0x3F9F] =	sst s10  }
0x32: {  	s10 =	sld [smem:$0x3F9D];
	_ =	sdelay $0x3  }
0x33: {  	p0 =	seq.s32 s10, $0x1;
	s10 =	sld [smem:$0x3F9F];
	_ =	sdelay $0x3  }
0x34: {  	[smem:$0x3F9F] =	sst s10  }
0x35: {  	s10 =	sld [smem:$0x3F9E];
	_ =	sdelay $0x3  }
0x36: {  	p1 =	seq.s32 s10, $0x1;
	s10 =	sld [smem:$0x3F9F];
	_ =	sdelay $0x3  }
0x37: {  	[smem:$0x3F9F] =	sst s10  }
0x38: {  	s10 =	sld [smem:$0x3FA0]  }
0x39: {  	_ = 	snop;
	(pc) =	sbr.ind lr, $3  }
0x3a: {  	_ = 	snop  }
0x3b: {  	_ = 	snop  }
0x3c: {  	p2 =	seq.s32 s10, $0x1;
	s10 =	sld [smem:$0x3F9F]  }
0x3d: {  	_ =	shalt  }
0x3e: {  	_ =	shalt  }
0x3f: {  	_ =	shalt  }
0x40: {  	_ =	shalt  }
0x41: {  	_ =	shalt  }
0x42: {  	_ =	shalt  }
0x43: {  	_ =	shalt  }
0x44: {  	_ =	shalt  }
0x45: {  	_ =	shalt  }
0x46: {  	_ =	shalt  }
0x47: {  	_ =	shalt  }
0x48: {  	_ =	shalt  }
0x49: {  	_ =	shalt  }
0x4a: {  	_ =	shalt  }
0x4b: {  	_ =	shalt  }
0x4c: {  	_ =	shalt  }
0x4d: {  	_ =	shalt  }
0x4e: {  	_ =	shalt  }
0x4f: {  	_ =	shalt  }
0x50: {  	_ =	shalt  }
0x51: {  	_ =	shalt  }
0x52: {  	_ =	shalt  }
0x53: {  	_ =	shalt  }
0x54: {  	_ =	shalt  }
0x55: {  	_ =	shalt  }
0x56: {  	_ =	shalt  }
0x57: {  	_ =	shalt  }
0x58: {  	_ =	shalt  }
0x59: {  	_ =	shalt  }
0x5a: {  	_ =	shalt  }
0x5b: {  	_ =	shalt  }
0x5c: {  	_ =	shalt  }
0x5d: {  	_ =	shalt  }
0x5e: {  	_ =	shalt  }
0x5f: {  	_ =	shalt  }
0x60: {  	_ =	shalt  }
0x61: {  	_ =	shalt  }
0x62: {  	_ =	shalt  }
0x63: {  	_ =	shalt  }
0x64: {  	_ =	shalt  }
0x65: {  	_ =	shalt  }
0x66: {  	_ =	shalt  }
0x67: {  	_ =	shalt  }
0x68: {  	_ =	shalt  }
0x69: {  	_ =	shalt  }
0x6a: {  	_ =	shalt  }
0x6b: {  	_ =	shalt  }
0x6c: {  	_ =	shalt  }
0x6d: {  	_ =	shalt  }
0x6e: {  	_ =	shalt  }
0x6f: {  	_ =	shalt  }
0x70: {  	_ =	shalt  }
0x71: {  	_ =	shalt  }
0x72: {  	_ =	shalt  }
0x73: {  	_ =	shalt  }
0x74: {  	_ =	shalt  }
0x75: {  	_ =	shalt  }
0x76: {  	_ =	shalt  }
0x77: {  	_ =	shalt  }
0x78: {  	_ =	shalt  }
0x79: {  	_ =	shalt  }
0x7a: {  	_ =	shalt  }
0x7b: {  	_ =	shalt  }
0x7c: {  	_ =	shalt  }
0x7d: {  	_ =	shalt  }
0x7e: {  	_ =	shalt  }
0x7f: {  	_ =	shalt  }
0x80: {  	_ =	shalt  }
0x81: {  	_ =	shalt  }
0x82: {  	_ =	shalt  }
0x83: {  	_ =	shalt  }
0x84: {  	_ =	shalt  }
0x85: {  	_ =	shalt  }
0x86: {  	_ =	shalt  }
0x87: {  	_ =	shalt  }
.Lfunc_end0:
.L_simem_size_0:
called_computation.1_lowered:
.L_overlay_start_0:
0x88: {  	s2 =	sld [smem:$0x3FD9]  }
0x89: {  	s3 =	sld [smem:$0x3FFE];
	_ =	sdelay $0x1  }
0x8a: {  	s1 =	srdreg.scid  }
0x8b: {  	s0 =	sand.u32 $0x1, s1  }
0x8c: {  	s16 =	sshll.u32 s0, $0xA;
	s2 =	sadd.s32 s3, s2  }
0x8d: {  	s2 =	sadd.s32 s2, s16  }
0x8e: {  	[smem:$0x3FAB] =	sst s2  }
0x8f: {  	_ = 	snop  }
0x90: {  	(tm) =	ssettm $0x1  }
0x91: {  	s17 =	sld [smem:$0x3FFB];
	_ =	sdelay $0x3  }
0x92: {  	_ =	strace s17  }
0x93: {  	s2 =	sld [smem:$0x3FFC];
	_ =	sdelay $0x3  }
0x94: {  	_ =	strace s2  }
0x95: {  	s2 =	sld [smem:$0x3FFD];
	_ =	sdelay $0x3  }
0x96: {  	_ =	strace s2  }
0x97: {  	_ =	strace $0x8FFFFFFF  }
0x98: {  	s18 =	sld [smem:$0x3FDB];
	_ =	sdelay $0x1  }
0x99: {  	s19 =	simm.s32 $_scs_section_size  }
0x9a: {  	s4 =	simm.s32 $_size__tile_overlayer_lowered;
	s5 =	simm.s32 $_tile_overlayer_lowered  }
0x9b: {  	s22 =	simm.s32 $0x1BFF;
	s21 =	sshll.u32 s5, $0x1;
	s2 =	sadd.s32 s19, s18  }
0x9c: {  	s6 =	simm.s32 $0x0;
	s20 =	sshll.u32 s4, $0x1;
	s4 =	sadd.s32 s21, s2  }
0x9d: {  	[timem:s6], [sflag:s22] =	dma.local [hbm:s4], s20  }
0x9e: {  	_ =	swait.ge [sflag:s22], s20  }
0x9f: {  	s3 =	ssub.s32 $0x0, s20;
	[sflag:s22] =	ssyncset.done $0x0  }
0xa0: {  	[sflag:s22] =	ssyncadd.s32 s3;
	_ =	sdelay $0x1  }
0xa1: {  	s23 =	simm.s32 $0x1B8B  }
0xa2: {  	_ =	swait.ge [sflag:s23], $0x1  }
0xa3: {  	[sflag:s23] =	ssyncset.done $0x0  }
0xa4: {  	s25 =	simm.s32 $0x1B8E;
	s24 =	sld [smem:$0x3FFE];
	[sflag:s23] =	ssyncadd.s32 $0xFFFFFFFF  }
0xa5: {  	s26 =	simm.s32 $execute0_lowered;
	[smem:$0x3FD2] =	sst s25  }
0xa6: {  	s4 =	sshll.u32 s26, $0x1;
	_ =	strace $0x80000046;
	[dreg:$0x1] =	wrdreg $0xFFFFFFFF  }
0xa7: {  	s28 =	simm.s32 $_size_execute0_lowered;
	s2 =	sadd.s32 s2, s4;
	[dreg:$0x0] =	wrdreg $0x0  }
0xa8: {  	s4 =	sshll.u32 s28, $0x1;
	[dreg:$0x2] =	wrdreg s2  }
0xa9: {  	[dreg:$0x3] =	wrdreg s4  }
0xaa: {  	[dreg:$0x4] =	wrdreg $0xC0  }
0xab: {  	_ =	task [dreg:s6], $0x5FFFF  }
0xac: {  	[dreg:$0x1] =	wrdreg $0xFFFFFFFF  }
0xad: {  	[dreg:$0x0] =	wrdreg $0x60  }
0xae: {  	[dreg:$0x2] =	wrdreg s24  }
0xaf: {  	[dreg:$0x3] =	wrdreg $0xA  }
0xb0: {  	_ =	task.clear_ibuf [dreg:s6], $0x4FFFF;
	_ =	strace $0x90000046  }
0xb1: {  	s29 =	simm.s32 $0xA;
	_ =	strace $0x80000048  }
0xb2: {  	_ =	swait.ge [sflag:s29], $0x1  }
0xb3: {  	[sflag:s29] =	ssyncadd.s32 $0xFFFFFFFF  }
0xb4: {  	_ =	strace $0x90000048  }
0xb5: {  	_ =	sfence  }
0xb6: {  	s30 =	sld [smem:$0x0];
	_ =	sdelay $0x2  }
0xb7: {  	s31 =	sshll.u32 s1, $0xD;
	s1 =	sshrl.u32 s1, $0x2  }
0xb8: {  	s3 =	sand.u32 $0x4000, s31;
	s1 =	sadd.s32 s1, s30  }
0xb9: {  	s0 =	sor.u32 s3, s0;
	s1 =	sshll.u32 s1, $0x11  }
0xba: {  	s0 =	sor.u32 s1, s0  }
0xbb: {  	s0 =	sadd.s32 $0x8F2B, s0  }
0xbc: {  	[sflag:s0] =	ssyncadd.remote.s32 $0x1  }
0xbd: {  	_ =	sfence.sel $0xFFFF  }
0xbe: {  	[dreg:$0x0] =	wrdreg $0xFFFFFFFF;
	(pc) =	sbr.abs _section_cstart, $3  }
0xbf: {  	[dreg:$0x1] =	wrdreg $0xFFFFFFFF  }
0xc0: {  	_ =	task.clear_ibuf [dreg:s6], $0x2FFFF;
	_ =	strace $0x9FFFFFFF  }
0xc1: {  	(tm) =	ssettm $0x7FFFFFFF  }
tec
execute0_lowered:
.L_overlay_start_1:
0x0: {  	(tag) =	ssettag $0x1  }
0x1: {  	s0 =	srdreg.scid  }
0x2: {  	s12 =	stileid.u32;
	s7 =	rddreg [dreg:$0x0];
	s2 =	simm.s32 $0x0  }
0x3: {  	s18 =	simm.s32 $0x5710;
	s19 =	simm.s32 $0x2710;
	s20 =	simm.s32 $0x80  }
0x4: {  	s21 =	simm.s32 $0x3F10;
	s22 =	simm.s32 $0x1;
	s23 =	simm.s32 $0x30  }
0x5: {  	s24 =	simm.s32 $0x10;
	s25 =	simm.s32 $0x2;
	s30 =	simm.s32 $0x0  }
0x6: {  	s0 =	sand.u32 $0x1, s0;
	s1 =	sshll.u32 s12, $0x1;
	[smem:$0x7FF] =	sst s2  }
0x7: {  	s4 =	sadd.s32 $0x7A400, s7;
	s15 =	sadd.s32 $0x7A600, s7;
	s13 =	sadd.s32 $0x7A606, s7  }
0x8: {  	s14 =	sadd.s32 $0x7A608, s7;
	s17 =	smul.u32 $0x27100, s12;
	s1 =	sor.u32 s0, s1  }
0x9: {  	s16 =	sadd.s32 $0x7A60E, s7;
	s5 =	ssub.s32 $0x2, s0;
	s3 =	smul.u32 $0x1388, s1  }
0xa: {  	_ =	strace $0x80000047;
	s8 =	sshrl.u32 s5, $0x1;
	s1 =	smul.u32 $0x13880, s1  }
0xb: {  	s0 =	smul.u32 $0x13880, s0;
	s17 =	sadd.s32 s17, s15;
	s8 =	ssub.s32 s5, s8  }
0xc: {  	s3 =	sshrl.u32 s3, $0x3;
	s11 =	sadd.s32 $0x13080, s1;
	s1 =	sadd.s32 $0x13000, s1  }
0xd: {  	s6 =	sadd.s32 s3, s7;
	s3 =	sadd.s32 $0x9000, s7;
	s7 =	smax.u32 s8, $0x1  }
0xe: {  	s8 =	sadd.s32 s15, s11;
	s9 =	sadd.s32 s11, s13;
	s10 =	sadd.s32 s11, s14  }
0xf: {  	s11 =	sadd.s32 s11, s16;
	s12 =	sadd.s32 s15, s1;
	s13 =	sadd.s32 s1, s13  }
0x10: {  	s14 =	sadd.s32 s1, s14;
	s15 =	sadd.s32 s1, s16;
	s16 =	sadd.s32 s0, s17  }
0x11: {  	s17 =	simm.s32 $0x3;
	s5 =	sadd.s32 $0x57400, s6;
	s6 =	sadd.s32 $0x52400, s6  }
.LBB2_1:
0x12: {  	[tilespmem:s2], [sflag:$0x3] =	stream.linear.gather [hbm4b:s5+s2], $0x1388, $0x38;
	[tilespmem:$0x5F10] =	vst v63  }
0x13: {  	_ =	swait.ge [sflag:s17], $0x1388  }
0x14: {  	[sflag:s17] =	ssyncset.done $0x0  }
0x15: {  	s0 =	simm.s32 $0x1388;
	[sflag:s17] =	ssyncadd.s32 $0xFFFFEC78  }
0x16: {  	[tilespmem:s0], [sflag:$0x3] =	stream.linear.gather [hbm4b:s6+s2], $0x1388, $0x38;
	[tilespmem:$0x5F10] =	vst v63  }
0x17: {  	_ =	swait.ge [sflag:s17], $0x1388  }
0x18: {  	[sflag:s17] =	ssyncset.done $0x0  }
0x19: {  	[sflag:s17] =	ssyncadd.s32 $0xFFFFEC78  }
0x1a: {  	[tilespmem:s18], [sflag:$0x3] =	stream.linear.gather [hbm4b:s4+s2], $0x800, $0x38;
	[tilespmem:$0x5F10] =	vst v63  }
0x1b: {  	_ =	swait.ge [sflag:s17], $0x800  }
0x1c: {  	[sflag:s17] =	ssyncset.done $0x0  }
0x1d: {  	[sflag:s17] =	ssyncadd.s32 $0xFFFFF800  }
0x1e: {  	[tilespmem:s19], [sflag:$0x1] =	stream.indirect.gather [hbm4b:s3+s20], $0x30, s2, s20, $0xb8;
	[tilespmem:$0x5F10] =	vst v63  }
0x1f: {  	_ = 	snop  }
0x20: {  	[tilespmem:s21], [sflag:$0x2] =	stream.indirect.gather [hbm4b:s3+s20], $0x30, s0, s20, $0xb8;
	[tilespmem:$0x5F10] =	vst v63  }
0x21: {  	_ =	swait.ge [sflag:s22], $0x1800  }
0x22: {  	[sflag:s22] =	ssyncset.done $0x0  }
0x23: {  	s28 =	sadd.s32 $0x0, s16;
	[sflag:s22] =	ssyncadd.s32 $0xFFFFE800  }
0x24: {  	[hbm4b:s28+s23] =	stream.strided.scatter [tilespmem:s19], [sflag:$0x3], $0x1800, s20, s23, $0x38;
	[tilespmem:$0x5F10] =	vst v63  }
0x25: {  	_ =	swait.ge [sflag:s17], $0x1800  }
0x26: {  	[sflag:s17] =	ssyncset.done $0x0  }
0x27: {  	s1 =	sadd.s32 $0x6, s28;
	[sflag:s17] =	ssyncadd.s32 $0xFFFFE800  }
0x28: {  	[hbm4b:s1+s24] =	stream.strided.scatter [tilespmem:s18], [sflag:$0x3], $0x800, s20, s24, $0x38;
	[tilespmem:$0x5F10] =	vst v63  }
0x29: {  	_ =	swait.ge [sflag:s17], $0x800  }
0x2a: {  	[sflag:s17] =	ssyncset.done $0x0  }
0x2b: {  	[sflag:s17] =	ssyncadd.s32 $0xFFFFF800  }
0x2c: {  	[tilespmem:s19], [sflag:$0x1] =	stream.indirect.gather [hbm4b:s3+s20], $0x30, s20, s20, $0xb8;
	[tilespmem:$0x5F10] =	vst v63  }
0x2d: {  	_ =	swait.ge [sflag:s25], $0x1800  }
0x2e: {  	[sflag:s25] =	ssyncset.done $0x0  }
0x2f: {  	s29 =	sadd.s32 $0x8, s28;
	[sflag:s25] =	ssyncadd.s32 $0xFFFFE800  }
0x30: {  	[hbm4b:s29+s23] =	stream.strided.scatter [tilespmem:s21], [sflag:$0x3], $0x1800, s20, s23, $0x38;
	[tilespmem:$0x5F10] =	vst v63  }
0x31: {  	_ =	swait.ge [sflag:s17], $0x1800  }
0x32: {  	[sflag:s17] =	ssyncset.done $0x0  }
0x33: {  	s0 =	sadd.s32 $0xE, s28;
	[sflag:s17] =	ssyncadd.s32 $0xFFFFE800  }
0x34: {  	[hbm4b:s0+s24] =	stream.strided.scatter [tilespmem:s18], [sflag:$0x3], $0x800, s20, s24, $0x38;
	[tilespmem:$0x5F10] =	vst v63  }
0x35: {  	s26 =	simm.s32 $0x80;
	s31 =	simm.s32 $0x80;
	_ =	swait.ge [sflag:s17], $0x800  }
0x36: {  	s1 =	simm.s32 $0x800;
	s0 =	simm.s32 $0x1408;
	[sflag:s17] =	ssyncset.done $0x0  }
.LBB2_2:
0x37: {  	[sflag:s17] =	ssyncadd.s32 $0xFFFFF800  }
0x38: {  	s26 =	sadd.s32 $0x80, s26;
	s31 =	sadd.s32 $0x80, s31;
	s28 =	smov.u32 s1  }
0x39: {  	[tilespmem:s21], [sflag:$0x2] =	stream.indirect.gather [hbm4b:s3+s20], $0x30, s0, s20, $0xb8;
	[tilespmem:$0x5F10] =	vst v63  }
0x3a: {  	p0 =	sne.s32 s1, $0x12800;
	s1 =	sadd.s32 $0x800, s1;
	_ =	swait.ge [sflag:s22], $0x1800  }
0x3b: {  	[sflag:s22] =	ssyncset.done $0x0  }
0x3c: {  	s28 =	sadd.s32 s28, s16;
	[sflag:s22] =	ssyncadd.s32 $0xFFFFE800  }
0x3d: {  	[hbm4b:s28+s23] =	stream.strided.scatter [tilespmem:s19], [sflag:$0x3], $0x1800, s20, s23, $0x38;
	[tilespmem:$0x5F10] =	vst v63  }
0x3e: {  	_ =	swait.ge [sflag:s17], $0x1800  }
0x3f: {  	[sflag:s17] =	ssyncset.done $0x0  }
0x40: {  	s29 =	sadd.s32 $0x6, s28;
	[sflag:s17] =	ssyncadd.s32 $0xFFFFE800  }
0x41: {  	[hbm4b:s29+s24] =	stream.strided.scatter [tilespmem:s18], [sflag:$0x3], $0x800, s20, s24, $0x38;
	[tilespmem:$0x5F10] =	vst v63  }
0x42: {  	_ =	swait.ge [sflag:s17], $0x800  }
0x43: {  	[sflag:s17] =	ssyncset.done $0x0  }
0x44: {  	[sflag:s17] =	ssyncadd.s32 $0xFFFFF800  }
0x45: {  	[tilespmem:s19], [sflag:$0x1] =	stream.indirect.gather [hbm4b:s3+s20], $0x30, s26, s20, $0xb8;
	[tilespmem:$0x5F10] =	vst v63  }
0x46: {  	_ =	swait.ge [sflag:s25], $0x1800  }
0x47: {  	[sflag:s25] =	ssyncset.done $0x0  }
0x48: {  	s29 =	sadd.s32 $0x8, s28;
	[sflag:s25] =	ssyncadd.s32 $0xFFFFE800  }
0x49: {  	[hbm4b:s29+s23] =	stream.strided.scatter [tilespmem:s21], [sflag:$0x3], $0x1800, s20, s23, $0x38;
	[tilespmem:$0x5F10] =	vst v63  }
0x4a: {  	_ =	swait.ge [sflag:s17], $0x1800  }
.Ltmp0:
0x4b: {  	[sflag:s17] =	ssyncset.done $0x0;
	(pc) =	sbr.rel @p0 .LBB2_2-.Ltmp0, $4  }
0x4c: {  	s28 =	sadd.s32 $0xE, s28;
	[sflag:s17] =	ssyncadd.s32 $0xFFFFE800  }
0x4d: {  	[hbm4b:s28+s24] =	stream.strided.scatter [tilespmem:s18], [sflag:$0x3], $0x800, s20, s24, $0x38;
	[tilespmem:$0x5F10] =	vst v63  }
0x4e: {  	_ =	swait.ge [sflag:s17], $0x800  }
0x4f: {  	s0 =	sadd.s32 $0x80, s0;
	[sflag:s17] =	ssyncset.done $0x0  }
0x50: {  	[sflag:s17] =	ssyncadd.s32 $0xFFFFF800;
	s0 =	simm.s32 $0x2688  }
0x51: {  	[tilespmem:s21], [sflag:$0x2] =	stream.indirect.gather [hbm4b:s3+s20], $0x30, s0, s20, $0xb8;
	[tilespmem:$0x5F10] =	vst v63  }
0x52: {  	_ =	swait.ge [sflag:s22], $0x1800  }
0x53: {  	[sflag:s22] =	ssyncset.done $0x0  }
0x54: {  	[sflag:s22] =	ssyncadd.s32 $0xFFFFE800  }
0x55: {  	[hbm4b:s12+s23] =	stream.strided.scatter [tilespmem:s19], [sflag:$0x3], $0x1800, s20, s23, $0x38;
	[tilespmem:$0x5F10] =	vst v63  }
0x56: {  	_ =	swait.ge [sflag:s17], $0x1800  }
0x57: {  	[sflag:s17] =	ssyncset.done $0x0  }
0x58: {  	[sflag:s17] =	ssyncadd.s32 $0xFFFFE800  }
0x59: {  	[hbm4b:s13+s24] =	stream.strided.scatter [tilespmem:s18], [sflag:$0x3], $0x800, s20, s24, $0x38;
	[tilespmem:$0x5F10] =	vst v63  }
0x5a: {  	_ =	swait.ge [sflag:s17], $0x800  }
0x5b: {  	s28 =	sadd.s32 $0x80, s31;
	[sflag:s17] =	ssyncset.done $0x0  }
0x5c: {  	s0 =	smin.u32 s28, $0x1308;
	[sflag:s17] =	ssyncadd.s32 $0xFFFFF800  }
0x5d: {  	[tilespmem:s19], [sflag:$0x1] =	stream.indirect.gather [hbm4b:s3+s20], $0x30, s0, s20, $0xb8;
	[tilespmem:$0x5F10] =	vst v63  }
0x5e: {  	_ =	swait.ge [sflag:s25], $0x1800  }
0x5f: {  	[sflag:s25] =	ssyncset.done $0x0  }
0x60: {  	[sflag:s25] =	ssyncadd.s32 $0xFFFFE800  }
0x61: {  	[hbm4b:s14+s23] =	stream.strided.scatter [tilespmem:s21], [sflag:$0x3], $0x1800, s20, s23, $0x38;
	[tilespmem:$0x5F10] =	vst v63  }
0x62: {  	_ =	swait.ge [sflag:s17], $0x1800  }
0x63: {  	[sflag:s17] =	ssyncset.done $0x0  }
0x64: {  	[sflag:s17] =	ssyncadd.s32 $0xFFFFE800  }
0x65: {  	[hbm4b:s15+s24] =	stream.strided.scatter [tilespmem:s18], [sflag:$0x3], $0x800, s20, s24, $0x38;
	[tilespmem:$0x5F10] =	vst v63  }
0x66: {  	_ =	swait.ge [sflag:s17], $0x800  }
0x67: {  	[sflag:s17] =	ssyncset.done $0x0  }
0x68: {  	s29 =	simm.s32 $0x2690;
	[sflag:s17] =	ssyncadd.s32 $0xFFFFF800  }
0x69: {  	[tilespmem:s21], [sflag:$0x2] =	stream.indirect.gather [hbm4b:s3+s20], $0x30, s29, s20, $0xb8;
	[tilespmem:$0x5F10] =	vst v63  }
0x6a: {  	_ =	swait.ge [sflag:s22], $0x1800  }
0x6b: {  	[sflag:s22] =	ssyncset.done $0x0  }
0x6c: {  	[sflag:s22] =	ssyncadd.s32 $0xFFFFE800  }
0x6d: {  	[hbm4b:s8+s23] =	stream.strided.scatter [tilespmem:s19], [sflag:$0x3], $0x1800, s20, s23, $0x38;
	[tilespmem:$0x5F10] =	vst v63  }
0x6e: {  	_ =	swait.ge [sflag:s17], $0x1800  }
0x6f: {  	[sflag:s17] =	ssyncset.done $0x0  }
0x70: {  	[sflag:s17] =	ssyncadd.s32 $0xFFFFE800  }
0x71: {  	[hbm4b:s9+s24] =	stream.strided.scatter [tilespmem:s18], [sflag:$0x3], $0x800, s20, s24, $0x38;
	[tilespmem:$0x5F10] =	vst v63  }
0x72: {  	_ =	swait.ge [sflag:s17], $0x800  }
0x73: {  	[sflag:s17] =	ssyncset.done $0x0  }
0x74: {  	s31 =	simm.s32 $0x1308;
	[sflag:s17] =	ssyncadd.s32 $0xFFFFF800  }
0x75: {  	[tilespmem:s19], [sflag:$0x1] =	stream.indirect.gather [hbm4b:s3+s20], $0x30, s31, s20, $0xb8;
	[tilespmem:$0x5F10] =	vst v63  }
0x76: {  	_ =	swait.ge [sflag:s25], $0x1800  }
0x77: {  	[sflag:s25] =	ssyncset.done $0x0  }
0x78: {  	[sflag:s25] =	ssyncadd.s32 $0xFFFFE800  }
0x79: {  	[hbm4b:s10+s23] =	stream.strided.scatter [tilespmem:s21], [sflag:$0x3], $0x1800, s20, s23, $0x38;
	[tilespmem:$0x5F10] =	vst v63  }
0x7a: {  	_ =	swait.ge [sflag:s17], $0x1800  }
0x7b: {  	[sflag:s17] =	ssyncset.done $0x0  }
0x7c: {  	s30 =	sadd.s32 $0x1, s30;
	[sflag:s17] =	ssyncadd.s32 $0xFFFFE800  }
0x7d: {  	[hbm4b:s11+s24] =	stream.strided.scatter [tilespmem:s18], [sflag:$0x3], $0x800, s20, s24, $0x38;
	[tilespmem:$0x5F10] =	vst v63  }
0x7e: {  	p0 =	sne.s32 s30, s7;
	_ =	swait.ge [sflag:s17], $0x800  }
.Ltmp1:
0x7f: {  	[sflag:s17] =	ssyncset.done $0x0;
	(pc) =	sbr.rel @p0 .LBB2_1-.Ltmp1, $4  }
0x80: {  	[sflag:s17] =	ssyncadd.s32 $0xFFFFF800  }
0x81: {  	_ =	swait.ge [sflag:s22], $0x1800  }
0x82: {  	[sflag:s22] =	ssyncset.done $0x0  }
0x83: {  	[sflag:s22] =	ssyncadd.s32 $0xFFFFE800  }
0x84: {  	_ =	sfence.sel $0x180000  }
0x85: {  	[bflag:$0x0] =	sbarrier.arrive $0xFFFF  }
0x86: {  	_ =	strace $0x90000047  }
0x87: {  	s0 =	stileid.u32;
	[bflag:$0x2] =	sbarrier.arrive $0xFFFF  }
0x88: {  	p0 =	sne.s32 s0, $0x0;
	s0 =	rddreg [dreg:$0x1]  }
0x89: {  	s0 =	sadd.s32 @!p0 $0x100000, s0  }
0x8a: {  	[sflag:s0] =	ssyncadd.tile.s32 @!p0 $0x1;
	_ =	shalt  }
.Lfunc_end2:
_tile_overlayer_lowered:
.L_overlay_start_2:
0x8b: {  	(tag) =	ssettag $0x2  }
0x8c: {  	s0 =	rddreg [dreg:$0x0];
	s2 =	stileid.u32  }
0x8d: {  	s1 =	rddreg [dreg:$0x1];
	p0 =	sne.s32 s2, $0x0  }
0x8e: {  	s3 =	rddreg [dreg:$0x2];
	[bflag:$0x3] =	sbarrier.arrive $0xFFFF;
	s2 =	simm.s32 @!p0 $0x1C03  }
0x8f: {  	[timem:s3], [sflag:s2] =	dma.local @!p0 [hbm:s0], s1  }
0x90: {  	s0 =	simm.s32 @!p0 $0x3  }
0x91: {  	_ =	swait.ge @!p0 [sflag:s0], s1  }
0x92: {  	s1 =	ssub.s32 @!p0 $0x0, s1;
	[sflag:s0] =	ssyncset.done @!p0 $0x0  }
0x93: {  	[sflag:s0] =	ssyncadd.s32 @!p0 s1  }
0x94: {  	[bflag:$0x3] =	sbarrier.arrive $0xFFFF  }
0x95: {  	_ =	shalt  }

// kernel: kernel.18.cloned.1.call-start
scs
__scs_entry_jumppad:
0x0: {  	(pc) =	sbr.rel $0x88, $3  }
0x1: {  	(tag) =	ssettag $0x0;
	lr =	simm.s32 $0x1  }
0x2: {  	[smem:$0x3F84] =	sst lr;
	_ =	strace $0xD0000000  }
0x3: {  	_ = 	snop  }
0x4: {  	_ = 	snop  }
0x5: {  	_ = 	snop  }
0x6: {  	_ = 	snop  }
0x7: {  	_ = 	snop  }
__scs_overlays_trampoline_lowered:
0x8: {  	[smem:$0x3F93] =	sst s0  }
0x9: {  	[smem:$0x3F94] =	sst s1  }
0xa: {  	[smem:$0x3F95] =	sst s2  }
0xb: {  	[smem:$0x3F96] =	sst s3  }
0xc: {  	[smem:$0x3F97] =	sst s4  }
0xd: {  	[smem:$0x3F98] =	sst s5  }
0xe: {  	[smem:$0x3F99] =	sst s6  }
0xf: {  	[smem:$0x3F9A] =	sst s7  }
0x10: {  	[smem:$0x3F9B] =	sst s8  }
0x11: {  	[smem:$0x3F9C] =	sst s9;
	s0 =	simm.s32 @!p0 $0x0  }
0x12: {  	s1 =	sld [smem:$0x3F82];
	s0 =	simm.s32 @p0 $0x1  }
0x13: {  	[smem:$0x3F9D] =	sst s0;
	s0 =	simm.s32 @!p1 $0x0  }
0x14: {  	s2 =	sld [smem:$0x3F81];
	s0 =	simm.s32 @p1 $0x1  }
0x15: {  	[smem:$0x3F9E] =	sst s0;
	s0 =	simm.s32 @!p2 $0x0  }
0x16: {  	s3 =	sld [smem:$0x3FDB];
	s0 =	simm.s32 @p2 $0x1  }
0x17: {  	s4 =	simm.s32 $0x1BF5;
	[smem:$0x3FA0] =	sst s0  }
0x18: {  	s0 =	sld [smem:$0x3F83];
	_ =	swait.ge [sflag:s4], $0x0  }
0x19: {  	s7 =	sld [smem:$0x3F84]  }
0x1a: {  	s8 =	sadd.s32 $0xFFFFE003, lr  }
0x1b: {  	s9 =	sadd.s32 $0xFFFFFEF7, lr;
	s5 =	simm.s32 $0xFFFFFFFF;
	p2 =	slt.u32 s8, $0xFFFFF086  }
0x1c: {  	p1 =	slt.u32 s9, $0xF7A;
	s5 =	simm.s32 @!p2 $0x0  }
0x1d: {  	s5 =	simm.s32 @p1 $0x1;
	p0 =	seq.s32 s7, s2  }
0x1e: {  	s7 =	smul.u32 @!p0 $0xF7A, s2;
	p2 =	seq.s32 @!p0 s5, $0x0  }
0x1f: {  	s9 =	smul.u32 $0xF7A, s1;
	s8 =	simm.s32 @!p0 $0x1BF5;
	p2 =	por !p2, p0  }
0x20: {  	[sflag:s8] =	ssyncset.s32 @!p0 $0xFFFFF086;
	s6 =	sadd.s32 @!p0 s3, s7;
	s7 =	simm.s32 @!p0 $0x108  }
0x21: {  	s3 =	sadd.s32 s3, s9;
	s6 =	sadd.s32 @!p0 $0x88, s6;
	s7 =	simm.s32 @p2 $0x1082  }
0x22: {  	[simem:s7], [sflag:s8] =	dma.local @!p0 [hbm:s6], $0xF7A  }
0x23: {  	s9 =	sor.u32 $0xD0000000, s2;
	s6 =	simm.s32 $0x108;
	_ =	swait.ge @!p0 [sflag:s8], $0x0  }
0x24: {  	s3 =	sadd.s32 $0x88, s3;
	s6 =	simm.s32 @!p1 $0x1082;
	[sflag:s4] =	ssyncset.s32 $0xFFFFF086  }
0x25: {  	[simem:s6], [sflag:s4] =	dma.local [hbm:s3], $0xF7A  }
0x26: {  	[smem:$0x3F84] =	sst s1;
	(tag) =	ssettag s2;
	_ =	strace s9  }
0x27: {  	s1 =	sld [smem:$0x3F94]  }
0x28: {  	s2 =	sld [smem:$0x3F95]  }
0x29: {  	s4 =	sld [smem:$0x3F97]  }
0x2a: {  	p0 =	seq.s32 s5, $0x0;
	s5 =	sld [smem:$0x3F98]  }
0x2b: {  	s6 =	sld [smem:$0x3F99]  }
0x2c: {  	s7 =	sld [smem:$0x3F9A]  }
0x2d: {  	s3 =	simm.s32 $0x108;
	s8 =	sld [smem:$0x3F9B]  }
0x2e: {  	s3 =	simm.s32 @!p0 $0x1082;
	s9 =	sld [smem:$0x3F9C]  }
0x2f: {  	lr =	sadd.s32 s0, s3;
	s0 =	sld [smem:$0x3F93]  }
0x30: {  	s3 =	sld [smem:$0x3F96]  }
0x31: {  	[smem:$0x3F9F] =	sst s10  }
0x32: {  	s10 =	sld [smem:$0x3F9D];
	_ =	sdelay $0x3  }
0x33: {  	p0 =	seq.s32 s10, $0x1;
	s10 =	sld [smem:$0x3F9F];
	_ =	sdelay $0x3  }
0x34: {  	[smem:$0x3F9F] =	sst s10  }
0x35: {  	s10 =	sld [smem:$0x3F9E];
	_ =	sdelay $0x3  }
0x36: {  	p1 =	seq.s32 s10, $0x1;
	s10 =	sld [smem:$0x3F9F];
	_ =	sdelay $0x3  }
0x37: {  	[smem:$0x3F9F] =	sst s10  }
0x38: {  	s10 =	sld [smem:$0x3FA0]  }
0x39: {  	_ = 	snop;
	(pc) =	sbr.ind lr, $3  }
0x3a: {  	_ = 	snop  }
0x3b: {  	_ = 	snop  }
0x3c: {  	p2 =	seq.s32 s10, $0x1;
	s10 =	sld [smem:$0x3F9F]  }
0x3d: {  	_ =	shalt  }
0x3e: {  	_ =	shalt  }
0x3f: {  	_ =	shalt  }
0x40: {  	_ =	shalt  }
0x41: {  	_ =	shalt  }
0x42: {  	_ =	shalt  }
0x43: {  	_ =	shalt  }
0x44: {  	_ =	shalt  }
0x45: {  	_ =	shalt  }
0x46: {  	_ =	shalt  }
0x47: {  	_ =	shalt  }
0x48: {  	_ =	shalt  }
0x49: {  	_ =	shalt  }
0x4a: {  	_ =	shalt  }
0x4b: {  	_ =	shalt  }
0x4c: {  	_ =	shalt  }
0x4d: {  	_ =	shalt  }
0x4e: {  	_ =	shalt  }
0x4f: {  	_ =	shalt  }
0x50: {  	_ =	shalt  }
0x51: {  	_ =	shalt  }
0x52: {  	_ =	shalt  }
0x53: {  	_ =	shalt  }
0x54: {  	_ =	shalt  }
0x55: {  	_ =	shalt  }
0x56: {  	_ =	shalt  }
0x57: {  	_ =	shalt  }
0x58: {  	_ =	shalt  }
0x59: {  	_ =	shalt  }
0x5a: {  	_ =	shalt  }
0x5b: {  	_ =	shalt  }
0x5c: {  	_ =	shalt  }
0x5d: {  	_ =	shalt  }
0x5e: {  	_ =	shalt  }
0x5f: {  	_ =	shalt  }
0x60: {  	_ =	shalt  }
0x61: {  	_ =	shalt  }
0x62: {  	_ =	shalt  }
0x63: {  	_ =	shalt  }
0x64: {  	_ =	shalt  }
0x65: {  	_ =	shalt  }
0x66: {  	_ =	shalt  }
0x67: {  	_ =	shalt  }
0x68: {  	_ =	shalt  }
0x69: {  	_ =	shalt  }
0x6a: {  	_ =	shalt  }
0x6b: {  	_ =	shalt  }
0x6c: {  	_ =	shalt  }
0x6d: {  	_ =	shalt  }
0x6e: {  	_ =	shalt  }
0x6f: {  	_ =	shalt  }
0x70: {  	_ =	shalt  }
0x71: {  	_ =	shalt  }
0x72: {  	_ =	shalt  }
0x73: {  	_ =	shalt  }
0x74: {  	_ =	shalt  }
0x75: {  	_ =	shalt  }
0x76: {  	_ =	shalt  }
0x77: {  	_ =	shalt  }
0x78: {  	_ =	shalt  }
0x79: {  	_ =	shalt  }
0x7a: {  	_ =	shalt  }
0x7b: {  	_ =	shalt  }
0x7c: {  	_ =	shalt  }
0x7d: {  	_ =	shalt  }
0x7e: {  	_ =	shalt  }
0x7f: {  	_ =	shalt  }
0x80: {  	_ =	shalt  }
0x81: {  	_ =	shalt  }
0x82: {  	_ =	shalt  }
0x83: {  	_ =	shalt  }
0x84: {  	_ =	shalt  }
0x85: {  	_ =	shalt  }
0x86: {  	_ =	shalt  }
0x87: {  	_ =	shalt  }
.Lfunc_end0:
.L_simem_size_0:
called_computation.2_lowered:
.L_overlay_start_0:
0x88: {  	s2 =	sld [smem:$0x3FD9]  }
0x89: {  	s3 =	sld [smem:$0x3FFE];
	_ =	sdelay $0x1  }
0x8a: {  	s1 =	srdreg.scid  }
0x8b: {  	s0 =	sand.u32 $0x1, s1  }
0x8c: {  	s17 =	sshll.u32 s0, $0xA;
	s2 =	sadd.s32 s3, s2  }
0x8d: {  	s2 =	sadd.s32 s2, s17  }
0x8e: {  	[smem:$0x3FAB] =	sst s2  }
0x8f: {  	_ = 	snop  }
0x90: {  	(tm) =	ssettm $0x1  }
0x91: {  	s18 =	sld [smem:$0x3FFB];
	_ =	sdelay $0x3  }
0x92: {  	_ =	strace s18  }
0x93: {  	s2 =	sld [smem:$0x3FFC];
	_ =	sdelay $0x3  }
0x94: {  	_ =	strace s2  }
0x95: {  	s2 =	sld [smem:$0x3FFD];
	_ =	sdelay $0x3  }
0x96: {  	_ =	strace s2  }
0x97: {  	_ =	strace $0x8FFFFFFF  }
0x98: {  	s19 =	sld [smem:$0x3FDB];
	_ =	sdelay $0x1  }
0x99: {  	s20 =	simm.s32 $_scs_section_size  }
0x9a: {  	s4 =	simm.s32 $_size__tile_overlayer_lowered;
	s5 =	simm.s32 $_tile_overlayer_lowered  }
0x9b: {  	s6 =	simm.s32 $0x1BFF;
	s21 =	sshll.u32 s5, $0x1;
	s3 =	sadd.s32 s20, s19  }
0x9c: {  	s22 =	simm.s32 $0x0;
	s4 =	sshll.u32 s4, $0x1;
	s5 =	sadd.s32 s21, s3  }
0x9d: {  	[timem:s22], [sflag:s6] =	dma.local [hbm:s5], s4  }
0x9e: {  	_ =	swait.ge [sflag:s6], s4  }
0x9f: {  	s4 =	ssub.s32 $0x0, s4;
	[sflag:s6] =	ssyncset.done $0x0  }
0xa0: {  	[sflag:s6] =	ssyncadd.s32 s4;
	_ =	sdelay $0x1  }
0xa1: {  	s23 =	simm.s32 $0x1B8B  }
0xa2: {  	_ =	swait.ge [sflag:s23], $0x1  }
0xa3: {  	[sflag:s23] =	ssyncset.done $0x0  }
0xa4: {  	[sflag:s23] =	ssyncadd.s32 $0xFFFFFFFF  }
0xa5: {  	s4 =	sld [smem:$0x0]  }
0xa6: {  	s5 =	sand.u32 $0xFFFFFFFE, s1  }
0xa7: {  	p0 =	sne.s32 s1, s5  }
0xa8: {  	s5 =	sshll.u32 @p0 s5, $0xE  }
0xa9: {  	s5 =	sadd.s32 @p0 $0x11B8D, s5;
	s6 =	sshll.u32 @p0 s4, $0x11  }
0xaa: {  	s5 =	sor.u32 @p0 s6, s5  }
0xab: {  	[sflag:s5] =	ssyncadd.remote.s32 @p0 $0x1;
	_ =	sdelay $0x1  }
0xac: {  	s5 =	simm.s32 @p0 $0x1B8D  }
0xad: {  	_ =	swait.eq @p0 [sflag:s5], $0x1  }
0xae: {  	[sflag:s5] =	ssyncadd.s32 @p0 $0xFFFFFFFF  }
0xaf: {  	s6 =	sshll.u32 @!p0 s1, $0xE  }
0xb0: {  	s6 =	sor.u32 @!p0 $0x4000, s6;
	s5 =	simm.s32 @!p0 $0x1B8D  }
0xb1: {  	s4 =	sshll.u32 @!p0 s4, $0x11;
	s6 =	sadd.s32 @!p0 $0x11B8D, s6;
	_ =	swait.eq @!p0 [sflag:s5], $0x1  }
0xb2: {  	s4 =	sor.u32 @!p0 s4, s6;
	[sflag:s5] =	ssyncadd.s32 @!p0 $0xFFFFFFFF  }
0xb3: {  	s25 =	simm.s32 $0x1B8E;
	s24 =	sld [smem:$0x3FFE];
	[sflag:s4] =	ssyncadd.remote.s32 @!p0 $0x1  }
0xb4: {  	s26 =	simm.s32 $execute0_lowered;
	[smem:$0x3FD2] =	sst s25  }
0xb5: {  	s5 =	sshll.u32 s26, $0x1;
	_ =	strace $0x8000004C;
	[dreg:$0x1] =	wrdreg $0xFFFFFFFF  }
0xb6: {  	s28 =	simm.s32 $_size_execute0_lowered;
	s3 =	sadd.s32 s3, s5;
	[dreg:$0x0] =	wrdreg $0x0  }
0xb7: {  	s5 =	sshll.u32 s28, $0x1;
	[dreg:$0x2] =	wrdreg s3  }
0xb8: {  	[dreg:$0x3] =	wrdreg s5  }
0xb9: {  	[dreg:$0x4] =	wrdreg $0xC0  }
0xba: {  	_ =	task [dreg:s22], $0x5FFFF  }
0xbb: {  	[dreg:$0x1] =	wrdreg $0xFFFFFFFF  }
0xbc: {  	[dreg:$0x0] =	wrdreg $0x60  }
0xbd: {  	[dreg:$0x2] =	wrdreg s24  }
0xbe: {  	[dreg:$0x3] =	wrdreg $0xB  }
0xbf: {  	_ =	task.clear_ibuf [dreg:s22], $0x4FFFF;
	_ =	strace $0x9000004C  }
0xc0: {  	s29 =	simm.s32 $0xB;
	_ =	strace $0x8000004E  }
0xc1: {  	_ =	swait.ge [sflag:s29], $0x1  }
0xc2: {  	[sflag:s29] =	ssyncadd.s32 $0xFFFFFFFF  }
0xc3: {  	_ =	strace $0x9000004E  }
0xc4: {  	_ =	sfence  }
0xc5: {  	s30 =	sld [smem:$0x0];
	_ =	sdelay $0x2  }
0xc6: {  	s31 =	sshll.u32 s1, $0xD;
	s1 =	sshrl.u32 s1, $0x2  }
0xc7: {  	s4 =	sand.u32 $0x4000, s31;
	s1 =	sadd.s32 s1, s30  }
0xc8: {  	s0 =	sor.u32 s4, s0;
	s1 =	sshll.u32 s1, $0x11  }
0xc9: {  	s0 =	sor.u32 s1, s0  }
0xca: {  	s0 =	sadd.s32 $0x8F2B, s0  }
0xcb: {  	[sflag:s0] =	ssyncadd.remote.s32 $0x1  }
0xcc: {  	_ =	sfence.sel $0xFFFF  }
0xcd: {  	[dreg:$0x0] =	wrdreg $0xFFFFFFFF;
	(pc) =	sbr.abs _section_cstart, $3  }
0xce: {  	[dreg:$0x1] =	wrdreg $0xFFFFFFFF  }
0xcf: {  	_ =	task.clear_ibuf [dreg:s22], $0x2FFFF;
	_ =	strace $0x9FFFFFFF  }
0xd0: {  	(tm) =	ssettm $0x7FFFFFFF  }
0xd1: {  	_ =	shalt  }
tec
execute0_lowered:
.L_overlay_start_1:
0x0: {  	(tag) =	ssettag $0x1  }
0x1: {  	s0 =	srdreg.scid  }
0x2: {  	s12 =	stileid.u32;
	s7 =	rddreg [dreg:$0x0];
	s2 =	simm.s32 $0x0  }
0x3: {  	s18 =	simm.s32 $0x5710;
	s19 =	simm.s32 $0x2710;
	s20 =	simm.s32 $0x80  }
0x4: {  	s21 =	simm.s32 $0x3F10;
	s22 =	simm.s32 $0x1;
	s23 =	simm.s32 $0x30  }
0x5: {  	s24 =	simm.s32 $0x10;
	s25 =	simm.s32 $0x2;
	s30 =	simm.s32 $0x0  }
0x6: {  	s0 =	sand.u32 $0x1, s0;
	[smem:$0x7FF] =	sst s2;
	s4 =	sadd.s32 $0x7A400, s7  }
0x7: {  	s1 =	sshll.u32 s12, $0x1;
	s15 =	sadd.s32 $0x561600, s7;
	s13 =	sadd.s32 $0x561606, s7  }
0x8: {  	s14 =	sadd.s32 $0x561608, s7;
	s17 =	smul.u32 $0x27100, s12;
	s1 =	sor.u32 s0, s1  }
0x9: {  	s16 =	sadd.s32 $0x56160E, s7;
	s8 =	ssub.s32 $0x2, s0;
	s3 =	smul.u32 $0x1388, s1  }
0xa: {  	_ =	strace $0x8000004D;
	s9 =	sshrl.u32 s8, $0x1;
	s1 =	smul.u32 $0x13880, s1  }
0xb: {  	s0 =	smul.u32 $0x13880, s0;
	s17 =	sadd.s32 s17, s15;
	s8 =	ssub.s32 s8, s9  }
0xc: {  	s3 =	sshrl.u32 s3, $0x3;
	s11 =	sadd.s32 $0x13080, s1;
	s1 =	sadd.s32 $0x13000, s1  }
0xd: {  	s6 =	sadd.s32 s3, s7;
	s3 =	sadd.s32 $0x9000, s7;
	s7 =	smax.u32 s8, $0x1  }
0xe: {  	s8 =	sadd.s32 s15, s11;
	s9 =	sadd.s32 s11, s13;
	s10 =	sadd.s32 s11, s14  }
0xf: {  	s11 =	sadd.s32 s11, s16;
	s12 =	sadd.s32 s15, s1;
	s13 =	sadd.s32 s1, s13  }
0x10: {  	s14 =	sadd.s32 s1, s14;
	s15 =	sadd.s32 s1, s16;
	s16 =	sadd.s32 s0, s17  }
0x11: {  	s17 =	simm.s32 $0x3;
	s5 =	sadd.s32 $0x61400, s6;
	s6 =	sadd.s32 $0x5C400, s6  }
.LBB2_1:
0x12: {  	[tilespmem:s2], [sflag:$0x3] =	stream.linear.gather [hbm4b:s5+s2], $0x1388, $0x38;
	[tilespmem:$0x5F10] =	vst v63  }
0x13: {  	_ =	swait.ge [sflag:s17], $0x1388  }
0x14: {  	[sflag:s17] =	ssyncset.done $0x0  }
0x15: {  	s0 =	simm.s32 $0x1388;
	[sflag:s17] =	ssyncadd.s32 $0xFFFFEC78  }
0x16: {  	[tilespmem:s0], [sflag:$0x3] =	stream.linear.gather [hbm4b:s6+s2], $0x1388, $0x38;
	[tilespmem:$0x5F10] =	vst v63  }
0x17: {  	_ =	swait.ge [sflag:s17], $0x1388  }
0x18: {  	[sflag:s17] =	ssyncset.done $0x0  }
0x19: {  	[sflag:s17] =	ssyncadd.s32 $0xFFFFEC78  }
0x1a: {  	[tilespmem:s18], [sflag:$0x3] =	stream.linear.gather [hbm4b:s4+s2], $0x800, $0x38;
	[tilespmem:$0x5F10] =	vst v63  }
0x1b: {  	_ =	swait.ge [sflag:s17], $0x800  }
0x1c: {  	[sflag:s17] =	ssyncset.done $0x0  }
0x1d: {  	[sflag:s17] =	ssyncadd.s32 $0xFFFFF800  }
0x1e: {  	[tilespmem:s19], [sflag:$0x1] =	stream.indirect.gather [hbm4b:s3+s20], $0x30, s2, s20, $0xb8;
	[tilespmem:$0x5F10] =	vst v63  }
0x1f: {  	_ = 	snop  }
0x20: {  	[tilespmem:s21], [sflag:$0x2] =	stream.indirect.gather [hbm4b:s3+s20], $0x30, s0, s20, $0xb8;
	[tilespmem:$0x5F10] =	vst v63  }
0x21: {  	_ =	swait.ge [sflag:s22], $0x1800  }
0x22: {  	[sflag:s22] =	ssyncset.done $0x0  }
0x23: {  	s28 =	sadd.s32 $0x0, s16;
	[sflag:s22] =	ssyncadd.s32 $0xFFFFE800  }
0x24: {  	[hbm4b:s28+s23] =	stream.strided.scatter [tilespmem:s19], [sflag:$0x3], $0x1800, s20, s23, $0x38;
	[tilespmem:$0x5F10] =	vst v63  }
0x25: {  	_ =	swait.ge [sflag:s17], $0x1800  }
0x26: {  	[sflag:s17] =	ssyncset.done $0x0  }
0x27: {  	s1 =	sadd.s32 $0x6, s28;
	[sflag:s17] =	ssyncadd.s32 $0xFFFFE800  }
0x28: {  	[hbm4b:s1+s24] =	stream.strided.scatter [tilespmem:s18], [sflag:$0x3], $0x800, s20, s24, $0x38;
	[tilespmem:$0x5F10] =	vst v63  }
0x29: {  	_ =	swait.ge [sflag:s17], $0x800  }
0x2a: {  	[sflag:s17] =	ssyncset.done $0x0  }
0x2b: {  	[sflag:s17] =	ssyncadd.s32 $0xFFFFF800  }
0x2c: {  	[tilespmem:s19], [sflag:$0x1] =	stream.indirect.gather [hbm4b:s3+s20], $0x30, s20, s20, $0xb8;
	[tilespmem:$0x5F10] =	vst v63  }
0x2d: {  	_ =	swait.ge [sflag:s25], $0x1800  }
0x2e: {  	[sflag:s25] =	ssyncset.done $0x0  }
0x2f: {  	s29 =	sadd.s32 $0x8, s28;
	[sflag:s25] =	ssyncadd.s32 $0xFFFFE800  }
0x30: {  	[hbm4b:s29+s23] =	stream.strided.scatter [tilespmem:s21], [sflag:$0x3], $0x1800, s20, s23, $0x38;
	[tilespmem:$0x5F10] =	vst v63  }
0x31: {  	_ =	swait.ge [sflag:s17], $0x1800  }
0x32: {  	[sflag:s17] =	ssyncset.done $0x0  }
0x33: {  	s0 =	sadd.s32 $0xE, s28;
	[sflag:s17] =	ssyncadd.s32 $0xFFFFE800  }
0x34: {  	[hbm4b:s0+s24] =	stream.strided.scatter [tilespmem:s18], [sflag:$0x3], $0x800, s20, s24, $0x38;
	[tilespmem:$0x5F10] =	vst v63  }
0x35: {  	s26 =	simm.s32 $0x80;
	s31 =	simm.s32 $0x80;
	_ =	swait.ge [sflag:s17], $0x800  }
0x36: {  	s1 =	simm.s32 $0x800;
	s0 =	simm.s32 $0x1408;
	[sflag:s17] =	ssyncset.done $0x0  }
.LBB2_2:
0x37: {  	[sflag:s17] =	ssyncadd.s32 $0xFFFFF800  }
0x38: {  	s26 =	sadd.s32 $0x80, s26;
	s31 =	sadd.s32 $0x80, s31;
	s28 =	smov.u32 s1  }
0x39: {  	[tilespmem:s21], [sflag:$0x2] =	stream.indirect.gather [hbm4b:s3+s20], $0x30, s0, s20, $0xb8;
	[tilespmem:$0x5F10] =	vst v63  }
0x3a: {  	p0 =	sne.s32 s1, $0x12800;
	s1 =	sadd.s32 $0x800, s1;
	_ =	swait.ge [sflag:s22], $0x1800  }
0x3b: {  	[sflag:s22] =	ssyncset.done $0x0  }
0x3c: {  	s28 =	sadd.s32 s28, s16;
	[sflag:s22] =	ssyncadd.s32 $0xFFFFE800  }
0x3d: {  	[hbm4b:s28+s23] =	stream.strided.scatter [tilespmem:s19], [sflag:$0x3], $0x1800, s20, s23, $0x38;
	[tilespmem:$0x5F10] =	vst v63  }
0x3e: {  	_ =	swait.ge [sflag:s17], $0x1800  }
0x3f: {  	[sflag:s17] =	ssyncset.done $0x0  }
0x40: {  	s29 =	sadd.s32 $0x6, s28;
	[sflag:s17] =	ssyncadd.s32 $0xFFFFE800  }
0x41: {  	[hbm4b:s29+s24] =	stream.strided.scatter [tilespmem:s18], [sflag:$0x3], $0x800, s20, s24, $0x38;
	[tilespmem:$0x5F10] =	vst v63  }
0x42: {  	_ =	swait.ge [sflag:s17], $0x800  }
0x43: {  	[sflag:s17] =	ssyncset.done $0x0  }
0x44: {  	[sflag:s17] =	ssyncadd.s32 $0xFFFFF800  }
0x45: {  	[tilespmem:s19], [sflag:$0x1] =	stream.indirect.gather [hbm4b:s3+s20], $0x30, s26, s20, $0xb8;
	[tilespmem:$0x5F10] =	vst v63  }
0x46: {  	_ =	swait.ge [sflag:s25], $0x1800  }
0x47: {  	[sflag:s25] =	ssyncset.done $0x0  }
0x48: {  	s29 =	sadd.s32 $0x8, s28;
	[sflag:s25] =	ssyncadd.s32 $0xFFFFE800  }
0x49: {  	[hbm4b:s29+s23] =	stream.strided.scatter [tilespmem:s21], [sflag:$0x3], $0x1800, s20, s23, $0x38;
	[tilespmem:$0x5F10] =	vst v63  }
0x4a: {  	_ =	swait.ge [sflag:s17], $0x1800  }
.Ltmp0:
0x4b: {  	[sflag:s17] =	ssyncset.done $0x0;
	(pc) =	sbr.rel @p0 .LBB2_2-.Ltmp0, $4  }
0x4c: {  	s28 =	sadd.s32 $0xE, s28;
	[sflag:s17] =	ssyncadd.s32 $0xFFFFE800  }
0x4d: {  	[hbm4b:s28+s24] =	stream.strided.scatter [tilespmem:s18], [sflag:$0x3], $0x800, s20, s24, $0x38;
	[tilespmem:$0x5F10] =	vst v63  }
0x4e: {  	_ =	swait.ge [sflag:s17], $0x800  }
0x4f: {  	s0 =	sadd.s32 $0x80, s0;
	[sflag:s17] =	ssyncset.done $0x0  }
0x50: {  	[sflag:s17] =	ssyncadd.s32 $0xFFFFF800;
	s0 =	simm.s32 $0x2688  }
0x51: {  	[tilespmem:s21], [sflag:$0x2] =	stream.indirect.gather [hbm4b:s3+s20], $0x30, s0, s20, $0xb8;
	[tilespmem:$0x5F10] =	vst v63  }
0x52: {  	_ =	swait.ge [sflag:s22], $0x1800  }
0x53: {  	[sflag:s22] =	ssyncset.done $0x0  }
0x54: {  	[sflag:s22] =	ssyncadd.s32 $0xFFFFE800  }
0x55: {  	[hbm4b:s12+s23] =	stream.strided.scatter [tilespmem:s19], [sflag:$0x3], $0x1800, s20, s23, $0x38;
	[tilespmem:$0x5F10] =	vst v63  }
0x56: {  	_ =	swait.ge [sflag:s17], $0x1800  }
0x57: {  	[sflag:s17] =	ssyncset.done $0x0  }
0x58: {  	[sflag:s17] =	ssyncadd.s32 $0xFFFFE800  }
0x59: {  	[hbm4b:s13+s24] =	stream.strided.scatter [tilespmem:s18], [sflag:$0x3], $0x800, s20, s24, $0x38;
	[tilespmem:$0x5F10] =	vst v63  }
0x5a: {  	_ =	swait.ge [sflag:s17], $0x800  }
0x5b: {  	s28 =	sadd.s32 $0x80, s31;
	[sflag:s17] =	ssyncset.done $0x0  }
0x5c: {  	s0 =	smin.u32 s28, $0x1308;
	[sflag:s17] =	ssyncadd.s32 $0xFFFFF800  }
0x5d: {  	[tilespmem:s19], [sflag:$0x1] =	stream.indirect.gather [hbm4b:s3+s20], $0x30, s0, s20, $0xb8;
	[tilespmem:$0x5F10] =	vst v63  }
0x5e: {  	_ =	swait.ge [sflag:s25], $0x1800  }
0x5f: {  	[sflag:s25] =	ssyncset.done $0x0  }
0x60: {  	[sflag:s25] =	ssyncadd.s32 $0xFFFFE800  }
0x61: {  	[hbm4b:s14+s23] =	stream.strided.scatter [tilespmem:s21], [sflag:$0x3], $0x1800, s20, s23, $0x38;
	[tilespmem:$0x5F10] =	vst v63  }
0x62: {  	_ =	swait.ge [sflag:s17], $0x1800  }
0x63: {  	[sflag:s17] =	ssyncset.done $0x0  }
0x64: {  	[sflag:s17] =	ssyncadd.s32 $0xFFFFE800  }
0x65: {  	[hbm4b:s15+s24] =	stream.strided.scatter [tilespmem:s18], [sflag:$0x3], $0x800, s20, s24, $0x38;
	[tilespmem:$0x5F10] =	vst v63  }
0x66: {  	_ =	swait.ge [sflag:s17], $0x800  }
0x67: {  	[sflag:s17] =	ssyncset.done $0x0  }
0x68: {  	s29 =	simm.s32 $0x2690;
	[sflag:s17] =	ssyncadd.s32 $0xFFFFF800  }
0x69: {  	[tilespmem:s21], [sflag:$0x2] =	stream.indirect.gather [hbm4b:s3+s20], $0x30, s29, s20, $0xb8;
	[tilespmem:$0x5F10] =	vst v63  }
0x6a: {  	_ =	swait.ge [sflag:s22], $0x1800  }
0x6b: {  	[sflag:s22] =	ssyncset.done $0x0  }
0x6c: {  	[sflag:s22] =	ssyncadd.s32 $0xFFFFE800  }
0x6d: {  	[hbm4b:s8+s23] =	stream.strided.scatter [tilespmem:s19], [sflag:$0x3], $0x1800, s20, s23, $0x38;
	[tilespmem:$0x5F10] =	vst v63  }
0x6e: {  	_ =	swait.ge [sflag:s17], $0x1800  }
0x6f: {  	[sflag:s17] =	ssyncset.done $0x0  }
0x70: {  	[sflag:s17] =	ssyncadd.s32 $0xFFFFE800  }
0x71: {  	[hbm4b:s9+s24] =	stream.strided.scatter [tilespmem:s18], [sflag:$0x3], $0x800, s20, s24, $0x38;
	[tilespmem:$0x5F10] =	vst v63  }
0x72: {  	_ =	swait.ge [sflag:s17], $0x800  }
0x73: {  	[sflag:s17] =	ssyncset.done $0x0  }
0x74: {  	s31 =	simm.s32 $0x1308;
	[sflag:s17] =	ssyncadd.s32 $0xFFFFF800  }
0x75: {  	[tilespmem:s19], [sflag:$0x1] =	stream.indirect.gather [hbm4b:s3+s20], $0x30, s31, s20, $0xb8;
	[tilespmem:$0x5F10] =	vst v63  }
0x76: {  	_ =	swait.ge [sflag:s25], $0x1800  }
0x77: {  	[sflag:s25] =	ssyncset.done $0x0  }
0x78: {  	[sflag:s25] =	ssyncadd.s32 $0xFFFFE800  }
0x79: {  	[hbm4b:s10+s23] =	stream.strided.scatter [tilespmem:s21], [sflag:$0x3], $0x1800, s20, s23, $0x38;
	[tilespmem:$0x5F10] =	vst v63  }
0x7a: {  	_ =	swait.ge [sflag:s17], $0x1800  }
0x7b: {  	[sflag:s17] =	ssyncset.done $0x0  }
0x7c: {  	s30 =	sadd.s32 $0x1, s30;
	[sflag:s17] =	ssyncadd.s32 $0xFFFFE800  }
0x7d: {  	[hbm4b:s11+s24] =	stream.strided.scatter [tilespmem:s18], [sflag:$0x3], $0x800, s20, s24, $0x38;
	[tilespmem:$0x5F10] =	vst v63  }
0x7e: {  	p0 =	sne.s32 s30, s7;
	_ =	swait.ge [sflag:s17], $0x800  }
.Ltmp1:
0x7f: {  	[sflag:s17] =	ssyncset.done $0x0;
	(pc) =	sbr.rel @p0 .LBB2_1-.Ltmp1, $4  }
0x80: {  	[sflag:s17] =	ssyncadd.s32 $0xFFFFF800  }
0x81: {  	_ =	swait.ge [sflag:s22], $0x1800  }
0x82: {  	[sflag:s22] =	ssyncset.done $0x0  }
0x83: {  	[sflag:s22] =	ssyncadd.s32 $0xFFFFE800  }
0x84: {  	_ =	sfence.sel $0x180000  }
0x85: {  	[bflag:$0x0] =	sbarrier.arrive $0xFFFF  }
0x86: {  	_ =	strace $0x9000004D  }
0x87: {  	s0 =	stileid.u32;
	[bflag:$0x2] =	sbarrier.arrive $0xFFFF  }
0x88: {  	p0 =	sne.s32 s0, $0x0;
	s0 =	rddreg [dreg:$0x1]  }
0x89: {  	s0 =	sadd.s32 @!p0 $0x100000, s0  }
0x8a: {  	[sflag:s0] =	ssyncadd.tile.s32 @!p0 $0x1;
	_ =	shalt  }
.Lfunc_end2:
_tile_overlayer_lowered:
.L_overlay_start_2:
0x8b: {  	(tag) =	ssettag $0x2  }
0x8c: {  	s0 =	rddreg [dreg:$0x0];
	s2 =	stileid.u32  }
0x8d: {  	s1 =	rddreg [dreg:$0x1];
	p0 =	sne.s32 s2, $0x0  }
0x8e: {  	s3 =	rddreg [dreg:$0x2];
	[bflag:$0x3] =	sbarrier.arrive $0xFFFF;
	s2 =	simm.s32 @!p0 $0x1C03  }
0x8f: {  	[timem:s3], [sflag:s2] =	dma.local @!p0 [hbm:s0], s1  }
0x90: {  	s0 =	simm.s32 @!p0 $0x3  }
0x91: {  	_ =	swait.ge @!p0 [sflag:s0], s1  }
0x92: {  	s1 =	ssub.s32 @!p0 $0x0, s1;
	[sflag:s0] =	ssyncset.done @!p0 $0x0  }
0x93: {  	[sflag:s0] =	ssyncadd.s32 @!p0 s1  }
0x94: {  	[bflag:$0x3] =	sbarrier.arrive $0xFFFF  }
0x95: {  	_ =	shalt  }

// kernel: kernel.21.cloned.1.call-start
scs
__scs_entry_jumppad:
0x0: {  	(pc) =	sbr.rel $0x88, $3  }
0x1: {  	(tag) =	ssettag $0x0;
	lr =	simm.s32 $0x1  }
0x2: {  	[smem:$0x3F84] =	sst lr;
	_ =	strace $0xD0000000  }
0x3: {  	_ = 	snop  }
0x4: {  	_ = 	snop  }
0x5: {  	_ = 	snop  }
0x6: {  	_ = 	snop  }
0x7: {  	_ = 	snop  }
__scs_overlays_trampoline_lowered:
0x8: {  	[smem:$0x3F93] =	sst s0  }
0x9: {  	[smem:$0x3F94] =	sst s1  }
0xa: {  	[smem:$0x3F95] =	sst s2  }
0xb: {  	[smem:$0x3F96] =	sst s3  }
0xc: {  	[smem:$0x3F97] =	sst s4  }
0xd: {  	[smem:$0x3F98] =	sst s5  }
0xe: {  	[smem:$0x3F99] =	sst s6  }
0xf: {  	[smem:$0x3F9A] =	sst s7  }
0x10: {  	[smem:$0x3F9B] =	sst s8  }
0x11: {  	[smem:$0x3F9C] =	sst s9;
	s0 =	simm.s32 @!p0 $0x0  }
0x12: {  	s1 =	sld [smem:$0x3F82];
	s0 =	simm.s32 @p0 $0x1  }
0x13: {  	[smem:$0x3F9D] =	sst s0;
	s0 =	simm.s32 @!p1 $0x0  }
0x14: {  	s2 =	sld [smem:$0x3F81];
	s0 =	simm.s32 @p1 $0x1  }
0x15: {  	[smem:$0x3F9E] =	sst s0;
	s0 =	simm.s32 @!p2 $0x0  }
0x16: {  	s3 =	sld [smem:$0x3FDB];
	s0 =	simm.s32 @p2 $0x1  }
0x17: {  	s4 =	simm.s32 $0x1BF5;
	[smem:$0x3FA0] =	sst s0  }
0x18: {  	s0 =	sld [smem:$0x3F83];
	_ =	swait.ge [sflag:s4], $0x0  }
0x19: {  	s7 =	sld [smem:$0x3F84]  }
0x1a: {  	s8 =	sadd.s32 $0xFFFFE003, lr  }
0x1b: {  	s9 =	sadd.s32 $0xFFFFFEF7, lr;
	s5 =	simm.s32 $0xFFFFFFFF;
	p2 =	slt.u32 s8, $0xFFFFF086  }
0x1c: {  	p1 =	slt.u32 s9, $0xF7A;
	s5 =	simm.s32 @!p2 $0x0  }
0x1d: {  	s5 =	simm.s32 @p1 $0x1;
	p0 =	seq.s32 s7, s2  }
0x1e: {  	s7 =	smul.u32 @!p0 $0xF7A, s2;
	p2 =	seq.s32 @!p0 s5, $0x0  }
0x1f: {  	s9 =	smul.u32 $0xF7A, s1;
	s8 =	simm.s32 @!p0 $0x1BF5;
	p2 =	por !p2, p0  }
0x20: {  	[sflag:s8] =	ssyncset.s32 @!p0 $0xFFFFF086;
	s6 =	sadd.s32 @!p0 s3, s7;
	s7 =	simm.s32 @!p0 $0x108  }
0x21: {  	s3 =	sadd.s32 s3, s9;
	s6 =	sadd.s32 @!p0 $0x88, s6;
	s7 =	simm.s32 @p2 $0x1082  }
0x22: {  	[simem:s7], [sflag:s8] =	dma.local @!p0 [hbm:s6], $0xF7A  }
0x23: {  	s9 =	sor.u32 $0xD0000000, s2;
	s6 =	simm.s32 $0x108;
	_ =	swait.ge @!p0 [sflag:s8], $0x0  }
0x24: {  	s3 =	sadd.s32 $0x88, s3;
	s6 =	simm.s32 @!p1 $0x1082;
	[sflag:s4] =	ssyncset.s32 $0xFFFFF086  }
0x25: {  	[simem:s6], [sflag:s4] =	dma.local [hbm:s3], $0xF7A  }
0x26: {  	[smem:$0x3F84] =	sst s1;
	(tag) =	ssettag s2;
	_ =	strace s9  }
0x27: {  	s1 =	sld [smem:$0x3F94]  }
0x28: {  	s2 =	sld [smem:$0x3F95]  }
0x29: {  	s4 =	sld [smem:$0x3F97]  }
0x2a: {  	p0 =	seq.s32 s5, $0x0;
	s5 =	sld [smem:$0x3F98]  }
0x2b: {  	s6 =	sld [smem:$0x3F99]  }
0x2c: {  	s7 =	sld [smem:$0x3F9A]  }
0x2d: {  	s3 =	simm.s32 $0x108;
	s8 =	sld [smem:$0x3F9B]  }
0x2e: {  	s3 =	simm.s32 @!p0 $0x1082;
	s9 =	sld [smem:$0x3F9C]  }
0x2f: {  	lr =	sadd.s32 s0, s3;
	s0 =	sld [smem:$0x3F93]  }
0x30: {  	s3 =	sld [smem:$0x3F96]  }
0x31: {  	[smem:$0x3F9F] =	sst s10  }
0x32: {  	s10 =	sld [smem:$0x3F9D];
	_ =	sdelay $0x3  }
0x33: {  	p0 =	seq.s32 s10, $0x1;
	s10 =	sld [smem:$0x3F9F];
	_ =	sdelay $0x3  }
0x34: {  	[smem:$0x3F9F] =	sst s10  }
0x35: {  	s10 =	sld [smem:$0x3F9E];
	_ =	sdelay $0x3  }
0x36: {  	p1 =	seq.s32 s10, $0x1;
	s10 =	sld [smem:$0x3F9F];
	_ =	sdelay $0x3  }
0x37: {  	[smem:$0x3F9F] =	sst s10  }
0x38: {  	s10 =	sld [smem:$0x3FA0]  }
0x39: {  	_ = 	snop;
	(pc) =	sbr.ind lr, $3  }
0x3a: {  	_ = 	snop  }
0x3b: {  	_ = 	snop  }
0x3c: {  	p2 =	seq.s32 s10, $0x1;
	s10 =	sld [smem:$0x3F9F]  }
0x3d: {  	_ =	shalt  }
0x3e: {  	_ =	shalt  }
0x3f: {  	_ =	shalt  }
0x40: {  	_ =	shalt  }
0x41: {  	_ =	shalt  }
0x42: {  	_ =	shalt  }
0x43: {  	_ =	shalt  }
0x44: {  	_ =	shalt  }
0x45: {  	_ =	shalt  }
0x46: {  	_ =	shalt  }
0x47: {  	_ =	shalt  }
0x48: {  	_ =	shalt  }
0x49: {  	_ =	shalt  }
0x4a: {  	_ =	shalt  }
0x4b: {  	_ =	shalt  }
0x4c: {  	_ =	shalt  }
0x4d: {  	_ =	shalt  }
0x4e: {  	_ =	shalt  }
0x4f: {  	_ =	shalt  }
0x50: {  	_ =	shalt  }
0x51: {  	_ =	shalt  }
0x52: {  	_ =	shalt  }
0x53: {  	_ =	shalt  }
0x54: {  	_ =	shalt  }
0x55: {  	_ =	shalt  }
0x56: {  	_ =	shalt  }
0x57: {  	_ =	shalt  }
0x58: {  	_ =	shalt  }
0x59: {  	_ =	shalt  }
0x5a: {  	_ =	shalt  }
0x5b: {  	_ =	shalt  }
0x5c: {  	_ =	shalt  }
0x5d: {  	_ =	shalt  }
0x5e: {  	_ =	shalt  }
0x5f: {  	_ =	shalt  }
0x60: {  	_ =	shalt  }
0x61: {  	_ =	shalt  }
0x62: {  	_ =	shalt  }
0x63: {  	_ =	shalt  }
0x64: {  	_ =	shalt  }
0x65: {  	_ =	shalt  }
0x66: {  	_ =	shalt  }
0x67: {  	_ =	shalt  }
0x68: {  	_ =	shalt  }
0x69: {  	_ =	shalt  }
0x6a: {  	_ =	shalt  }
0x6b: {  	_ =	shalt  }
0x6c: {  	_ =	shalt  }
0x6d: {  	_ =	shalt  }
0x6e: {  	_ =	shalt  }
0x6f: {  	_ =	shalt  }
0x70: {  	_ =	shalt  }
0x71: {  	_ =	shalt  }
0x72: {  	_ =	shalt  }
0x73: {  	_ =	shalt  }
0x74: {  	_ =	shalt  }
0x75: {  	_ =	shalt  }
0x76: {  	_ =	shalt  }
0x77: {  	_ =	shalt  }
0x78: {  	_ =	shalt  }
0x79: {  	_ =	shalt  }
0x7a: {  	_ =	shalt  }
0x7b: {  	_ =	shalt  }
0x7c: {  	_ =	shalt  }
0x7d: {  	_ =	shalt  }
0x7e: {  	_ =	shalt  }
0x7f: {  	_ =	shalt  }
0x80: {  	_ =	shalt  }
0x81: {  	_ =	shalt  }
0x82: {  	_ =	shalt  }
0x83: {  	_ =	shalt  }
0x84: {  	_ =	shalt  }
0x85: {  	_ =	shalt  }
0x86: {  	_ =	shalt  }
0x87: {  	_ =	shalt  }
.Lfunc_end0:
.L_simem_size_0:
called_computation.3_lowered:
.L_overlay_start_0:
0x88: {  	s2 =	sld [smem:$0x3FD9]  }
0x89: {  	s3 =	sld [smem:$0x3FFE];
	_ =	sdelay $0x1  }
0x8a: {  	s1 =	srdreg.scid  }
0x8b: {  	s0 =	sand.u32 $0x1, s1  }
0x8c: {  	s15 =	sshll.u32 s0, $0xA;
	s2 =	sadd.s32 s3, s2  }
0x8d: {  	s2 =	sadd.s32 s2, s15  }
0x8e: {  	[smem:$0x3FAB] =	sst s2  }
0x8f: {  	_ = 	snop  }
0x90: {  	s2 =	sld [smem:$0x3FD0];
	_ =	sdelay $0x2  }
0x91: {  	s16 =	simm.s32 $0xE;
	s4 =	simm.s32 $0x10  }
0x92: {  	[smem:s4], [sflag:s16] =	dma.local [hbm:s2], $0x1  }
0x93: {  	_ =	swait.eq [sflag:s16], $0x1  }
0x94: {  	[sflag:s16] =	ssyncset.done $0x0  }
0x95: {  	[sflag:s16] =	ssyncadd.s32 $0xFFFFFFFF  }
0x96: {  	s17 =	sld [smem:$0x10];
	(tm) =	ssettm $0x1  }
0x97: {  	s18 =	sld [smem:$0x3FFB];
	_ =	sdelay $0x3  }
0x98: {  	_ =	strace s18  }
0x99: {  	s2 =	sld [smem:$0x3FFC];
	_ =	sdelay $0x3  }
0x9a: {  	_ =	strace s2  }
0x9b: {  	s2 =	sld [smem:$0x3FFD];
	_ =	sdelay $0x3  }
0x9c: {  	_ =	strace s2  }
0x9d: {  	_ =	strace $0x8FFFFFFF  }
0x9e: {  	s19 =	sld [smem:$0x3FDB];
	_ =	sdelay $0x1  }
0x9f: {  	s20 =	simm.s32 $_scs_section_size  }
0xa0: {  	s5 =	simm.s32 $_size__tile_overlayer_lowered;
	s6 =	simm.s32 $_tile_overlayer_lowered  }
0xa1: {  	s7 =	simm.s32 $0x1BFF;
	s21 =	sshll.u32 s6, $0x1;
	s4 =	sadd.s32 s20, s19  }
0xa2: {  	s22 =	simm.s32 $0x0;
	s5 =	sshll.u32 s5, $0x1;
	s6 =	sadd.s32 s21, s4  }
0xa3: {  	[timem:s22], [sflag:s7] =	dma.local [hbm:s6], s5  }
0xa4: {  	_ =	swait.ge [sflag:s7], s5  }
0xa5: {  	s5 =	ssub.s32 $0x0, s5;
	[sflag:s7] =	ssyncset.done $0x0  }
0xa6: {  	[sflag:s7] =	ssyncadd.s32 s5;
	_ =	sdelay $0x1  }
0xa7: {  	s23 =	simm.s32 $0x1B8B  }
0xa8: {  	_ =	swait.ge [sflag:s23], $0x1  }
0xa9: {  	[sflag:s23] =	ssyncset.done $0x0  }
0xaa: {  	[sflag:s23] =	ssyncadd.s32 $0xFFFFFFFF  }
0xab: {  	s5 =	sld [smem:$0x0]  }
0xac: {  	s6 =	sand.u32 $0xFFFFFFFE, s1  }
0xad: {  	p0 =	sne.s32 s1, s6  }
0xae: {  	s6 =	sshll.u32 @p0 s6, $0xE  }
0xaf: {  	s6 =	sadd.s32 @p0 $0x11B8D, s6;
	s7 =	sshll.u32 @p0 s5, $0x11  }
0xb0: {  	s6 =	sor.u32 @p0 s7, s6  }
0xb1: {  	[sflag:s6] =	ssyncadd.remote.s32 @p0 $0x1;
	_ =	sdelay $0x1  }
0xb2: {  	s6 =	simm.s32 @p0 $0x1B8D  }
0xb3: {  	_ =	swait.eq @p0 [sflag:s6], $0x1  }
0xb4: {  	[sflag:s6] =	ssyncadd.s32 @p0 $0xFFFFFFFF  }
0xb5: {  	s7 =	sshll.u32 @!p0 s1, $0xE  }
0xb6: {  	s7 =	sor.u32 @!p0 $0x4000, s7;
	s6 =	simm.s32 @!p0 $0x1B8D  }
0xb7: {  	s5 =	sshll.u32 @!p0 s5, $0x11;
	s7 =	sadd.s32 @!p0 $0x11B8D, s7;
	_ =	swait.eq @!p0 [sflag:s6], $0x1  }
0xb8: {  	s5 =	sor.u32 @!p0 s5, s7;
	[sflag:s6] =	ssyncadd.s32 @!p0 $0xFFFFFFFF  }
0xb9: {  	s25 =	simm.s32 $0x1B8E;
	s24 =	sld [smem:$0x3FFE];
	[sflag:s5] =	ssyncadd.remote.s32 @!p0 $0x1  }
0xba: {  	s26 =	simm.s32 $execute0_lowered;
	[smem:$0x3FD2] =	sst s25  }
0xbb: {  	s6 =	sshll.u32 s26, $0x1;
	_ =	strace $0x8000004F;
	[dreg:$0x1] =	wrdreg $0xFFFFFFFF  }
0xbc: {  	s28 =	simm.s32 $_size_execute0_lowered;
	s4 =	sadd.s32 s4, s6;
	[dreg:$0x0] =	wrdreg $0x0  }
0xbd: {  	s6 =	sshll.u32 s28, $0x1;
	[dreg:$0x2] =	wrdreg s4  }
0xbe: {  	[dreg:$0x3] =	wrdreg s6  }
0xbf: {  	[dreg:$0x4] =	wrdreg $0xC0  }
0xc0: {  	_ =	task [dreg:s22], $0x5FFFF  }
0xc1: {  	[dreg:$0x1] =	wrdreg $0xFFFFFFFF  }
0xc2: {  	[dreg:$0x0] =	wrdreg $0x60  }
0xc3: {  	[dreg:$0x2] =	wrdreg s24  }
0xc4: {  	[dreg:$0x3] =	wrdreg s17  }
0xc5: {  	[dreg:$0x4] =	wrdreg $0xC  }
0xc6: {  	_ =	task.clear_ibuf [dreg:s22], $0x5FFFF;
	_ =	strace $0x9000004F  }
0xc7: {  	s29 =	simm.s32 $0xC;
	_ =	strace $0x80000051  }
0xc8: {  	_ =	swait.ge [sflag:s29], $0x1  }
0xc9: {  	[sflag:s29] =	ssyncadd.s32 $0xFFFFFFFF  }
0xca: {  	_ =	strace $0x90000051  }
0xcb: {  	_ =	sfence  }
0xcc: {  	s30 =	sld [smem:$0x0];
	_ =	sdelay $0x2  }
0xcd: {  	s31 =	sshll.u32 s1, $0xD;
	s1 =	sshrl.u32 s1, $0x2  }
0xce: {  	s4 =	sand.u32 $0x4000, s31;
	s1 =	sadd.s32 s1, s30  }
0xcf: {  	s0 =	sor.u32 s4, s0;
	s1 =	sshll.u32 s1, $0x11  }
0xd0: {  	s0 =	sor.u32 s1, s0  }
0xd1: {  	s0 =	sadd.s32 $0x8F2B, s0  }
0xd2: {  	[sflag:s0] =	ssyncadd.remote.s32 $0x1  }
0xd3: {  	_ =	sfence.sel $0xFFFF  }
0xd4: {  	[dreg:$0x0] =	wrdreg $0xFFFFFFFF;
	(pc) =	sbr.abs _section_cstart, $3  }
0xd5: {  	[dreg:$0x1] =	wrdreg $0xFFFFFFFF  }
0xd6: {  	_ =	task.clear_ibuf [dreg:s22], $0x2FFFF;
	_ =	strace $0x9FFFFFFF  }
0xd7: {  	(tm) =	ssettm $0x7FFFFFFF  }
tec
execute0_lowered:
.L_overlay_start_1:
0x0: {  	(tag) =	ssettag $0x1  }
0x1: {  	s0 =	srdreg.scid;
	s1 =	rddreg [dreg:$0x0]  }
0x2: {  	s17 =	stileid.u32;
	s15 =	rddreg [dreg:$0x1]  }
0x3: {  	s18 =	simm.s32 $0x5710;
	s19 =	simm.s32 $0x2710;
	s20 =	simm.s32 $0x80  }
0x4: {  	s21 =	simm.s32 $0x3F10;
	s22 =	simm.s32 $0x1;
	s23 =	simm.s32 $0x30  }
0x5: {  	s24 =	simm.s32 $0x10;
	s25 =	simm.s32 $0x2;
	s30 =	simm.s32 $0x0  }
0x6: {  	s0 =	sand.u32 $0x1, s0;
	s2 =	sshll.u32 s17, $0x1;
	s4 =	sadd.s32 $0x7A400, s1  }
0x7: {  	s13 =	sadd.s32 $0x6, s15;
	s14 =	sadd.s32 $0x8, s15;
	s17 =	smul.u32 $0x27100, s17  }
0x8: {  	s5 =	sor.u32 s0, s2;
	s6 =	ssub.s32 $0x2, s0;
	s0 =	smul.u32 $0x13880, s0  }
0x9: {  	s16 =	sadd.s32 $0xE, s15;
	s2 =	simm.s32 $0x0;
	s3 =	smul.u32 $0x1388, s5  }
0xa: {  	[smem:$0x7FF] =	sst s2;
	s8 =	sshrl.u32 s6, $0x1;
	s11 =	smul.u32 $0x13880, s5  }
0xb: {  	s17 =	sadd.s32 s17, s15;
	_ =	strace $0x80000050;
	s29 =	ssub.s32 s6, s8  }
0xc: {  	s3 =	sshrl.u32 s3, $0x3;
	s12 =	sadd.s32 $0x13080, s11;
	s31 =	sadd.s32 $0x13000, s11  }
0xd: {  	s7 =	sadd.s32 s3, s1;
	s3 =	sadd.s32 $0x9000, s1;
	s8 =	sadd.s32 s15, s12  }
0xe: {  	s9 =	sadd.s32 s12, s13;
	s10 =	sadd.s32 s12, s14;
	s11 =	sadd.s32 s12, s16  }
0xf: {  	s12 =	sadd.s32 s15, s31;
	s13 =	sadd.s32 s31, s13;
	s14 =	sadd.s32 s31, s14  }
0x10: {  	s15 =	sadd.s32 s31, s16;
	s16 =	sadd.s32 s0, s17;
	s17 =	simm.s32 $0x3  }
0x11: {  	s5 =	sadd.s32 $0x6B400, s7;
	s6 =	sadd.s32 $0x66400, s7;
	s7 =	smax.u32 s29, $0x1  }
.LBB2_1:
0x12: {  	[tilespmem:s2], [sflag:$0x3] =	stream.linear.gather [hbm4b:s5+s2], $0x1388, $0x38;
	[tilespmem:$0x5F10] =	vst v63  }
0x13: {  	_ =	swait.ge [sflag:s17], $0x1388  }
0x14: {  	[sflag:s17] =	ssyncset.done $0x0  }
0x15: {  	s0 =	simm.s32 $0x1388;
	[sflag:s17] =	ssyncadd.s32 $0xFFFFEC78  }
0x16: {  	[tilespmem:s0], [sflag:$0x3] =	stream.linear.gather [hbm4b:s6+s2], $0x1388, $0x38;
	[tilespmem:$0x5F10] =	vst v63  }
0x17: {  	_ =	swait.ge [sflag:s17], $0x1388  }
0x18: {  	[sflag:s17] =	ssyncset.done $0x0  }
0x19: {  	[sflag:s17] =	ssyncadd.s32 $0xFFFFEC78  }
0x1a: {  	[tilespmem:s18], [sflag:$0x3] =	stream.linear.gather [hbm4b:s4+s2], $0x800, $0x38;
	[tilespmem:$0x5F10] =	vst v63  }
0x1b: {  	_ =	swait.ge [sflag:s17], $0x800  }
0x1c: {  	[sflag:s17] =	ssyncset.done $0x0  }
0x1d: {  	[sflag:s17] =	ssyncadd.s32 $0xFFFFF800  }
0x1e: {  	[tilespmem:s19], [sflag:$0x1] =	stream.indirect.gather [hbm4b:s3+s20], $0x30, s2, s20, $0xb8;
	[tilespmem:$0x5F10] =	vst v63  }
0x1f: {  	_ = 	snop  }
0x20: {  	[tilespmem:s21], [sflag:$0x2] =	stream.indirect.gather [hbm4b:s3+s20], $0x30, s0, s20, $0xb8;
	[tilespmem:$0x5F10] =	vst v63  }
0x21: {  	_ =	swait.ge [sflag:s22], $0x1800  }
0x22: {  	[sflag:s22] =	ssyncset.done $0x0  }
0x23: {  	s28 =	sadd.s32 $0x0, s16;
	[sflag:s22] =	ssyncadd.s32 $0xFFFFE800  }
0x24: {  	[hbm4b:s28+s23] =	stream.strided.scatter [tilespmem:s19], [sflag:$0x3], $0x1800, s20, s23, $0x38;
	[tilespmem:$0x5F10] =	vst v63  }
0x25: {  	_ =	swait.ge [sflag:s17], $0x1800  }
0x26: {  	[sflag:s17] =	ssyncset.done $0x0  }
0x27: {  	s1 =	sadd.s32 $0x6, s28;
	[sflag:s17] =	ssyncadd.s32 $0xFFFFE800  }
0x28: {  	[hbm4b:s1+s24] =	stream.strided.scatter [tilespmem:s18], [sflag:$0x3], $0x800, s20, s24, $0x38;
	[tilespmem:$0x5F10] =	vst v63  }
0x29: {  	_ =	swait.ge [sflag:s17], $0x800  }
0x2a: {  	[sflag:s17] =	ssyncset.done $0x0  }
0x2b: {  	[sflag:s17] =	ssyncadd.s32 $0xFFFFF800  }
0x2c: {  	[tilespmem:s19], [sflag:$0x1] =	stream.indirect.gather [hbm4b:s3+s20], $0x30, s20, s20, $0xb8;
	[tilespmem:$0x5F10] =	vst v63  }
0x2d: {  	_ =	swait.ge [sflag:s25], $0x1800  }
0x2e: {  	[sflag:s25] =	ssyncset.done $0x0  }
0x2f: {  	s29 =	sadd.s32 $0x8, s28;
	[sflag:s25] =	ssyncadd.s32 $0xFFFFE800  }
0x30: {  	[hbm4b:s29+s23] =	stream.strided.scatter [tilespmem:s21], [sflag:$0x3], $0x1800, s20, s23, $0x38;
	[tilespmem:$0x5F10] =	vst v63  }
0x31: {  	_ =	swait.ge [sflag:s17], $0x1800  }
0x32: {  	[sflag:s17] =	ssyncset.done $0x0  }
0x33: {  	s0 =	sadd.s32 $0xE, s28;
	[sflag:s17] =	ssyncadd.s32 $0xFFFFE800  }
0x34: {  	[hbm4b:s0+s24] =	stream.strided.scatter [tilespmem:s18], [sflag:$0x3], $0x800, s20, s24, $0x38;
	[tilespmem:$0x5F10] =	vst v63  }
0x35: {  	s26 =	simm.s32 $0x80;
	s31 =	simm.s32 $0x80;
	_ =	swait.ge [sflag:s17], $0x800  }
0x36: {  	s1 =	simm.s32 $0x800;
	s0 =	simm.s32 $0x1408;
	[sflag:s17] =	ssyncset.done $0x0  }
.LBB2_2:
0x37: {  	[sflag:s17] =	ssyncadd.s32 $0xFFFFF800  }
0x38: {  	s26 =	sadd.s32 $0x80, s26;
	s31 =	sadd.s32 $0x80, s31;
	s28 =	smov.u32 s1  }
0x39: {  	[tilespmem:s21], [sflag:$0x2] =	stream.indirect.gather [hbm4b:s3+s20], $0x30, s0, s20, $0xb8;
	[tilespmem:$0x5F10] =	vst v63  }
0x3a: {  	p0 =	sne.s32 s1, $0x12800;
	s1 =	sadd.s32 $0x800, s1;
	_ =	swait.ge [sflag:s22], $0x1800  }
0x3b: {  	[sflag:s22] =	ssyncset.done $0x0  }
0x3c: {  	s28 =	sadd.s32 s28, s16;
	[sflag:s22] =	ssyncadd.s32 $0xFFFFE800  }
0x3d: {  	[hbm4b:s28+s23] =	stream.strided.scatter [tilespmem:s19], [sflag:$0x3], $0x1800, s20, s23, $0x38;
	[tilespmem:$0x5F10] =	vst v63  }
0x3e: {  	_ =	swait.ge [sflag:s17], $0x1800  }
0x3f: {  	[sflag:s17] =	ssyncset.done $0x0  }
0x40: {  	s29 =	sadd.s32 $0x6, s28;
	[sflag:s17] =	ssyncadd.s32 $0xFFFFE800  }
0x41: {  	[hbm4b:s29+s24] =	stream.strided.scatter [tilespmem:s18], [sflag:$0x3], $0x800, s20, s24, $0x38;
	[tilespmem:$0x5F10] =	vst v63  }
0x42: {  	_ =	swait.ge [sflag:s17], $0x800  }
0x43: {  	[sflag:s17] =	ssyncset.done $0x0  }
0x44: {  	[sflag:s17] =	ssyncadd.s32 $0xFFFFF800  }
0x45: {  	[tilespmem:s19], [sflag:$0x1] =	stream.indirect.gather [hbm4b:s3+s20], $0x30, s26, s20, $0xb8;
	[tilespmem:$0x5F10] =	vst v63  }
0x46: {  	_ =	swait.ge [sflag:s25], $0x1800  }
0x47: {  	[sflag:s25] =	ssyncset.done $0x0  }
0x48: {  	s29 =	sadd.s32 $0x8, s28;
	[sflag:s25] =	ssyncadd.s32 $0xFFFFE800  }
0x49: {  	[hbm4b:s29+s23] =	stream.strided.scatter [tilespmem:s21], [sflag:$0x3], $0x1800, s20, s23, $0x38;
	[tilespmem:$0x5F10] =	vst v63  }
0x4a: {  	_ =	swait.ge [sflag:s17], $0x1800  }
.Ltmp0:
0x4b: {  	[sflag:s17] =	ssyncset.done $0x0;
	(pc) =	sbr.rel @p0 .LBB2_2-.Ltmp0, $4  }
0x4c: {  	s28 =	sadd.s32 $0xE, s28;
	[sflag:s17] =	ssyncadd.s32 $0xFFFFE800  }
0x4d: {  	[hbm4b:s28+s24] =	stream.strided.scatter [tilespmem:s18], [sflag:$0x3], $0x800, s20, s24, $0x38;
	[tilespmem:$0x5F10] =	vst v63  }
0x4e: {  	_ =	swait.ge [sflag:s17], $0x800  }
0x4f: {  	s0 =	sadd.s32 $0x80, s0;
	[sflag:s17] =	ssyncset.done $0x0  }
0x50: {  	[sflag:s17] =	ssyncadd.s32 $0xFFFFF800;
	s0 =	simm.s32 $0x2688  }
0x51: {  	[tilespmem:s21], [sflag:$0x2] =	stream.indirect.gather [hbm4b:s3+s20], $0x30, s0, s20, $0xb8;
	[tilespmem:$0x5F10] =	vst v63  }
0x52: {  	_ =	swait.ge [sflag:s22], $0x1800  }
0x53: {  	[sflag:s22] =	ssyncset.done $0x0  }
0x54: {  	[sflag:s22] =	ssyncadd.s32 $0xFFFFE800  }
0x55: {  	[hbm4b:s12+s23] =	stream.strided.scatter [tilespmem:s19], [sflag:$0x3], $0x1800, s20, s23, $0x38;
	[tilespmem:$0x5F10] =	vst v63  }
0x56: {  	_ =	swait.ge [sflag:s17], $0x1800  }
0x57: {  	[sflag:s17] =	ssyncset.done $0x0  }
0x58: {  	[sflag:s17] =	ssyncadd.s32 $0xFFFFE800  }
0x59: {  	[hbm4b:s13+s24] =	stream.strided.scatter [tilespmem:s18], [sflag:$0x3], $0x800, s20, s24, $0x38;
	[tilespmem:$0x5F10] =	vst v63  }
0x5a: {  	_ =	swait.ge [sflag:s17], $0x800  }
0x5b: {  	s28 =	sadd.s32 $0x80, s31;
	[sflag:s17] =	ssyncset.done $0x0  }
0x5c: {  	s0 =	smin.u32 s28, $0x1308;
	[sflag:s17] =	ssyncadd.s32 $0xFFFFF800  }
0x5d: {  	[tilespmem:s19], [sflag:$0x1] =	stream.indirect.gather [hbm4b:s3+s20], $0x30, s0, s20, $0xb8;
	[tilespmem:$0x5F10] =	vst v63  }
0x5e: {  	_ =	swait.ge [sflag:s25], $0x1800  }
0x5f: {  	[sflag:s25] =	ssyncset.done $0x0  }
0x60: {  	[sflag:s25] =	ssyncadd.s32 $0xFFFFE800  }
0x61: {  	[hbm4b:s14+s23] =	stream.strided.scatter [tilespmem:s21], [sflag:$0x3], $0x1800, s20, s23, $0x38;
	[tilespmem:$0x5F10] =	vst v63  }
0x62: {  	_ =	swait.ge [sflag:s17], $0x1800  }
0x63: {  	[sflag:s17] =	ssyncset.done $0x0  }
0x64: {  	[sflag:s17] =	ssyncadd.s32 $0xFFFFE800  }
0x65: {  	[hbm4b:s15+s24] =	stream.strided.scatter [tilespmem:s18], [sflag:$0x3], $0x800, s20, s24, $0x38;
	[tilespmem:$0x5F10] =	vst v63  }
0x66: {  	_ =	swait.ge [sflag:s17], $0x800  }
0x67: {  	[sflag:s17] =	ssyncset.done $0x0  }
0x68: {  	s29 =	simm.s32 $0x2690;
	[sflag:s17] =	ssyncadd.s32 $0xFFFFF800  }
0x69: {  	[tilespmem:s21], [sflag:$0x2] =	stream.indirect.gather [hbm4b:s3+s20], $0x30, s29, s20, $0xb8;
	[tilespmem:$0x5F10] =	vst v63  }
0x6a: {  	_ =	swait.ge [sflag:s22], $0x1800  }
0x6b: {  	[sflag:s22] =	ssyncset.done $0x0  }
0x6c: {  	[sflag:s22] =	ssyncadd.s32 $0xFFFFE800  }
0x6d: {  	[hbm4b:s8+s23] =	stream.strided.scatter [tilespmem:s19], [sflag:$0x3], $0x1800, s20, s23, $0x38;
	[tilespmem:$0x5F10] =	vst v63  }
0x6e: {  	_ =	swait.ge [sflag:s17], $0x1800  }
0x6f: {  	[sflag:s17] =	ssyncset.done $0x0  }
0x70: {  	[sflag:s17] =	ssyncadd.s32 $0xFFFFE800  }
0x71: {  	[hbm4b:s9+s24] =	stream.strided.scatter [tilespmem:s18], [sflag:$0x3], $0x800, s20, s24, $0x38;
	[tilespmem:$0x5F10] =	vst v63  }
0x72: {  	_ =	swait.ge [sflag:s17], $0x800  }
0x73: {  	[sflag:s17] =	ssyncset.done $0x0  }
0x74: {  	s31 =	simm.s32 $0x1308;
	[sflag:s17] =	ssyncadd.s32 $0xFFFFF800  }
0x75: {  	[tilespmem:s19], [sflag:$0x1] =	stream.indirect.gather [hbm4b:s3+s20], $0x30, s31, s20, $0xb8;
	[tilespmem:$0x5F10] =	vst v63  }
0x76: {  	_ =	swait.ge [sflag:s25], $0x1800  }
0x77: {  	[sflag:s25] =	ssyncset.done $0x0  }
0x78: {  	[sflag:s25] =	ssyncadd.s32 $0xFFFFE800  }
0x79: {  	[hbm4b:s10+s23] =	stream.strided.scatter [tilespmem:s21], [sflag:$0x3], $0x1800, s20, s23, $0x38;
	[tilespmem:$0x5F10] =	vst v63  }
0x7a: {  	_ =	swait.ge [sflag:s17], $0x1800  }
0x7b: {  	[sflag:s17] =	ssyncset.done $0x0  }
0x7c: {  	s30 =	sadd.s32 $0x1, s30;
	[sflag:s17] =	ssyncadd.s32 $0xFFFFE800  }
0x7d: {  	[hbm4b:s11+s24] =	stream.strided.scatter [tilespmem:s18], [sflag:$0x3], $0x800, s20, s24, $0x38;
	[tilespmem:$0x5F10] =	vst v63  }
0x7e: {  	p0 =	sne.s32 s30, s7;
	_ =	swait.ge [sflag:s17], $0x800  }
.Ltmp1:
0x7f: {  	[sflag:s17] =	ssyncset.done $0x0;
	(pc) =	sbr.rel @p0 .LBB2_1-.Ltmp1, $4  }
0x80: {  	[sflag:s17] =	ssyncadd.s32 $0xFFFFF800  }
0x81: {  	_ =	swait.ge [sflag:s22], $0x1800  }
0x82: {  	[sflag:s22] =	ssyncset.done $0x0  }
0x83: {  	[sflag:s22] =	ssyncadd.s32 $0xFFFFE800  }
0x84: {  	_ =	sfence.sel $0x180000  }
0x85: {  	[bflag:$0x0] =	sbarrier.arrive $0xFFFF  }
0x86: {  	_ =	strace $0x90000050  }
0x87: {  	s0 =	stileid.u32;
	[bflag:$0x2] =	sbarrier.arrive $0xFFFF  }
0x88: {  	p0 =	sne.s32 s0, $0x0;
	s0 =	rddreg [dreg:$0x2]  }
0x89: {  	s0 =	sadd.s32 @!p0 $0x100000, s0  }
0x8a: {  	[sflag:s0] =	ssyncadd.tile.s32 @!p0 $0x1;
	_ =	shalt  }
.Lfunc_end2:
_tile_overlayer_lowered:
.L_overlay_start_2:
0x8b: {  	(tag) =	ssettag $0x2  }
0x8c: {  	s0 =	rddreg [dreg:$0x0];
	s2 =	stileid.u32  }
0x8d: {  	s1 =	rddreg [dreg:$0x1];
	p0 =	sne.s32 s2, $0x0  }
0x8e: {  	s3 =	rddreg [dreg:$0x2];
	[bflag:$0x3] =	sbarrier.arrive $0xFFFF;
	s2 =	simm.s32 @!p0 $0x1C03  }
0x8f: {  	[timem:s3], [sflag:s2] =	dma.local @!p0 [hbm:s0], s1  }
0x90: {  	s0 =	simm.s32 @!p0 $0x3  }
0x91: {  	_ =	swait.ge @!p0 [sflag:s0], s1  }
0x92: {  	s1 =	ssub.s32 @!p0 $0x0, s1;
	[sflag:s0] =	ssyncset.done @!p0 $0x0  }
0x93: {  	[sflag:s0] =	ssyncadd.s32 @!p0 s1  }
0x94: {  	[bflag:$0x3] =	sbarrier.arrive $0xFFFF  }
0x95: {  	_ =	shalt  }

// kernel: kernel.24.cloned.1.call-start
scs
__scs_entry_jumppad:
0x0: {  	(pc) =	sbr.rel $0x88, $3  }
0x1: {  	(tag) =	ssettag $0x0;
	lr =	simm.s32 $0x1  }
0x2: {  	[smem:$0x3F84] =	sst lr;
	_ =	strace $0xD0000000  }
0x3: {  	_ = 	snop  }
0x4: {  	_ = 	snop  }
0x5: {  	_ = 	snop  }
0x6: {  	_ = 	snop  }
0x7: {  	_ = 	snop  }
__scs_overlays_trampoline_lowered:
0x8: {  	[smem:$0x3F93] =	sst s0  }
0x9: {  	[smem:$0x3F94] =	sst s1  }
0xa: {  	[smem:$0x3F95] =	sst s2  }
0xb: {  	[smem:$0x3F96] =	sst s3  }
0xc: {  	[smem:$0x3F97] =	sst s4  }
0xd: {  	[smem:$0x3F98] =	sst s5  }
0xe: {  	[smem:$0x3F99] =	sst s6  }
0xf: {  	[smem:$0x3F9A] =	sst s7  }
0x10: {  	[smem:$0x3F9B] =	sst s8  }
0x11: {  	[smem:$0x3F9C] =	sst s9;
	s0 =	simm.s32 @!p0 $0x0  }
0x12: {  	s1 =	sld [smem:$0x3F82];
	s0 =	simm.s32 @p0 $0x1  }
0x13: {  	[smem:$0x3F9D] =	sst s0;
	s0 =	simm.s32 @!p1 $0x0  }
0x14: {  	s2 =	sld [smem:$0x3F81];
	s0 =	simm.s32 @p1 $0x1  }
0x15: {  	[smem:$0x3F9E] =	sst s0;
	s0 =	simm.s32 @!p2 $0x0  }
0x16: {  	s3 =	sld [smem:$0x3FDB];
	s0 =	simm.s32 @p2 $0x1  }
0x17: {  	s4 =	simm.s32 $0x1BF5;
	[smem:$0x3FA0] =	sst s0  }
0x18: {  	s0 =	sld [smem:$0x3F83];
	_ =	swait.ge [sflag:s4], $0x0  }
0x19: {  	s7 =	sld [smem:$0x3F84]  }
0x1a: {  	s8 =	sadd.s32 $0xFFFFE003, lr  }
0x1b: {  	s9 =	sadd.s32 $0xFFFFFEF7, lr;
	s5 =	simm.s32 $0xFFFFFFFF;
	p2 =	slt.u32 s8, $0xFFFFF086  }
0x1c: {  	p1 =	slt.u32 s9, $0xF7A;
	s5 =	simm.s32 @!p2 $0x0  }
0x1d: {  	s5 =	simm.s32 @p1 $0x1;
	p0 =	seq.s32 s7, s2  }
0x1e: {  	s7 =	smul.u32 @!p0 $0xF7A, s2;
	p2 =	seq.s32 @!p0 s5, $0x0  }
0x1f: {  	s9 =	smul.u32 $0xF7A, s1;
	s8 =	simm.s32 @!p0 $0x1BF5;
	p2 =	por !p2, p0  }
0x20: {  	[sflag:s8] =	ssyncset.s32 @!p0 $0xFFFFF086;
	s6 =	sadd.s32 @!p0 s3, s7;
	s7 =	simm.s32 @!p0 $0x108  }
0x21: {  	s3 =	sadd.s32 s3, s9;
	s6 =	sadd.s32 @!p0 $0x88, s6;
	s7 =	simm.s32 @p2 $0x1082  }
0x22: {  	[simem:s7], [sflag:s8] =	dma.local @!p0 [hbm:s6], $0xF7A  }
0x23: {  	s9 =	sor.u32 $0xD0000000, s2;
	s6 =	simm.s32 $0x108;
	_ =	swait.ge @!p0 [sflag:s8], $0x0  }
0x24: {  	s3 =	sadd.s32 $0x88, s3;
	s6 =	simm.s32 @!p1 $0x1082;
	[sflag:s4] =	ssyncset.s32 $0xFFFFF086  }
0x25: {  	[simem:s6], [sflag:s4] =	dma.local [hbm:s3], $0xF7A  }
0x26: {  	[smem:$0x3F84] =	sst s1;
	(tag) =	ssettag s2;
	_ =	strace s9  }
0x27: {  	s1 =	sld [smem:$0x3F94]  }
0x28: {  	s2 =	sld [smem:$0x3F95]  }
0x29: {  	s4 =	sld [smem:$0x3F97]  }
0x2a: {  	p0 =	seq.s32 s5, $0x0;
	s5 =	sld [smem:$0x3F98]  }
0x2b: {  	s6 =	sld [smem:$0x3F99]  }
0x2c: {  	s7 =	sld [smem:$0x3F9A]  }
0x2d: {  	s3 =	simm.s32 $0x108;
	s8 =	sld [smem:$0x3F9B]  }
0x2e: {  	s3 =	simm.s32 @!p0 $0x1082;
	s9 =	sld [smem:$0x3F9C]  }
0x2f: {  	lr =	sadd.s32 s0, s3;
	s0 =	sld [smem:$0x3F93]  }
0x30: {  	s3 =	sld [smem:$0x3F96]  }
0x31: {  	[smem:$0x3F9F] =	sst s10  }
0x32: {  	s10 =	sld [smem:$0x3F9D];
	_ =	sdelay $0x3  }
0x33: {  	p0 =	seq.s32 s10, $0x1;
	s10 =	sld [smem:$0x3F9F];
	_ =	sdelay $0x3  }
0x34: {  	[smem:$0x3F9F] =	sst s10  }
0x35: {  	s10 =	sld [smem:$0x3F9E];
	_ =	sdelay $0x3  }
0x36: {  	p1 =	seq.s32 s10, $0x1;
	s10 =	sld [smem:$0x3F9F];
	_ =	sdelay $0x3  }
0x37: {  	[smem:$0x3F9F] =	sst s10  }
0x38: {  	s10 =	sld [smem:$0x3FA0]  }
0x39: {  	_ = 	snop;
	(pc) =	sbr.ind lr, $3  }
0x3a: {  	_ = 	snop  }
0x3b: {  	_ = 	snop  }
0x3c: {  	p2 =	seq.s32 s10, $0x1;
	s10 =	sld [smem:$0x3F9F]  }
0x3d: {  	_ =	shalt  }
0x3e: {  	_ =	shalt  }
0x3f: {  	_ =	shalt  }
0x40: {  	_ =	shalt  }
0x41: {  	_ =	shalt  }
0x42: {  	_ =	shalt  }
0x43: {  	_ =	shalt  }
0x44: {  	_ =	shalt  }
0x45: {  	_ =	shalt  }
0x46: {  	_ =	shalt  }
0x47: {  	_ =	shalt  }
0x48: {  	_ =	shalt  }
0x49: {  	_ =	shalt  }
0x4a: {  	_ =	shalt  }
0x4b: {  	_ =	shalt  }
0x4c: {  	_ =	shalt  }
0x4d: {  	_ =	shalt  }
0x4e: {  	_ =	shalt  }
0x4f: {  	_ =	shalt  }
0x50: {  	_ =	shalt  }
0x51: {  	_ =	shalt  }
0x52: {  	_ =	shalt  }
0x53: {  	_ =	shalt  }
0x54: {  	_ =	shalt  }
0x55: {  	_ =	shalt  }
0x56: {  	_ =	shalt  }
0x57: {  	_ =	shalt  }
0x58: {  	_ =	shalt  }
0x59: {  	_ =	shalt  }
0x5a: {  	_ =	shalt  }
0x5b: {  	_ =	shalt  }
0x5c: {  	_ =	shalt  }
0x5d: {  	_ =	shalt  }
0x5e: {  	_ =	shalt  }
0x5f: {  	_ =	shalt  }
0x60: {  	_ =	shalt  }
0x61: {  	_ =	shalt  }
0x62: {  	_ =	shalt  }
0x63: {  	_ =	shalt  }
0x64: {  	_ =	shalt  }
0x65: {  	_ =	shalt  }
0x66: {  	_ =	shalt  }
0x67: {  	_ =	shalt  }
0x68: {  	_ =	shalt  }
0x69: {  	_ =	shalt  }
0x6a: {  	_ =	shalt  }
0x6b: {  	_ =	shalt  }
0x6c: {  	_ =	shalt  }
0x6d: {  	_ =	shalt  }
0x6e: {  	_ =	shalt  }
0x6f: {  	_ =	shalt  }
0x70: {  	_ =	shalt  }
0x71: {  	_ =	shalt  }
0x72: {  	_ =	shalt  }
0x73: {  	_ =	shalt  }
0x74: {  	_ =	shalt  }
0x75: {  	_ =	shalt  }
0x76: {  	_ =	shalt  }
0x77: {  	_ =	shalt  }
0x78: {  	_ =	shalt  }
0x79: {  	_ =	shalt  }
0x7a: {  	_ =	shalt  }
0x7b: {  	_ =	shalt  }
0x7c: {  	_ =	shalt  }
0x7d: {  	_ =	shalt  }
0x7e: {  	_ =	shalt  }
0x7f: {  	_ =	shalt  }
0x80: {  	_ =	shalt  }
0x81: {  	_ =	shalt  }
0x82: {  	_ =	shalt  }
0x83: {  	_ =	shalt  }
0x84: {  	_ =	shalt  }
0x85: {  	_ =	shalt  }
0x86: {  	_ =	shalt  }
0x87: {  	_ =	shalt  }
.Lfunc_end0:
.L_simem_size_0:
called_computation.4_lowered:
.L_overlay_start_0:
0x88: {  	s2 =	sld [smem:$0x3FD9]  }
0x89: {  	s3 =	sld [smem:$0x3FFE];
	_ =	sdelay $0x1  }
0x8a: {  	s1 =	srdreg.scid  }
0x8b: {  	s0 =	sand.u32 $0x1, s1  }
0x8c: {  	s17 =	sshll.u32 s0, $0xA;
	s2 =	sadd.s32 s3, s2  }
0x8d: {  	s2 =	sadd.s32 s2, s17  }
0x8e: {  	[smem:$0x3FAB] =	sst s2  }
0x8f: {  	_ = 	snop  }
0x90: {  	(tm) =	ssettm $0x1  }
0x91: {  	s18 =	sld [smem:$0x3FFB];
	_ =	sdelay $0x3  }
0x92: {  	_ =	strace s18  }
0x93: {  	s2 =	sld [smem:$0x3FFC];
	_ =	sdelay $0x3  }
0x94: {  	_ =	strace s2  }
0x95: {  	s2 =	sld [smem:$0x3FFD];
	_ =	sdelay $0x3  }
0x96: {  	_ =	strace s2  }
0x97: {  	_ =	strace $0x8FFFFFFF  }
0x98: {  	s19 =	sld [smem:$0x3FDB];
	_ =	sdelay $0x1  }
0x99: {  	s20 =	simm.s32 $_scs_section_size  }
0x9a: {  	s4 =	simm.s32 $_size__tile_overlayer_lowered;
	s5 =	simm.s32 $_tile_overlayer_lowered  }
0x9b: {  	s6 =	simm.s32 $0x1BFF;
	s21 =	sshll.u32 s5, $0x1;
	s3 =	sadd.s32 s20, s19  }
0x9c: {  	s22 =	simm.s32 $0x0;
	s4 =	sshll.u32 s4, $0x1;
	s5 =	sadd.s32 s21, s3  }
0x9d: {  	[timem:s22], [sflag:s6] =	dma.local [hbm:s5], s4  }
0x9e: {  	_ =	swait.ge [sflag:s6], s4  }
0x9f: {  	s4 =	ssub.s32 $0x0, s4;
	[sflag:s6] =	ssyncset.done $0x0  }
0xa0: {  	[sflag:s6] =	ssyncadd.s32 s4;
	_ =	sdelay $0x1  }
0xa1: {  	s23 =	simm.s32 $0x1B8B  }
0xa2: {  	_ =	swait.ge [sflag:s23], $0x1  }
0xa3: {  	[sflag:s23] =	ssyncset.done $0x0  }
0xa4: {  	[sflag:s23] =	ssyncadd.s32 $0xFFFFFFFF  }
0xa5: {  	s4 =	sld [smem:$0x0]  }
0xa6: {  	s5 =	sand.u32 $0xFFFFFFFE, s1  }
0xa7: {  	p0 =	sne.s32 s1, s5  }
0xa8: {  	s5 =	sshll.u32 @p0 s5, $0xE  }
0xa9: {  	s5 =	sadd.s32 @p0 $0x11B8D, s5;
	s6 =	sshll.u32 @p0 s4, $0x11  }
0xaa: {  	s5 =	sor.u32 @p0 s6, s5  }
0xab: {  	[sflag:s5] =	ssyncadd.remote.s32 @p0 $0x1;
	_ =	sdelay $0x1  }
0xac: {  	s5 =	simm.s32 @p0 $0x1B8D  }
0xad: {  	_ =	swait.eq @p0 [sflag:s5], $0x1  }
0xae: {  	[sflag:s5] =	ssyncadd.s32 @p0 $0xFFFFFFFF  }
0xaf: {  	s6 =	sshll.u32 @!p0 s1, $0xE  }
0xb0: {  	s6 =	sor.u32 @!p0 $0x4000, s6;
	s5 =	simm.s32 @!p0 $0x1B8D  }
0xb1: {  	s4 =	sshll.u32 @!p0 s4, $0x11;
	s6 =	sadd.s32 @!p0 $0x11B8D, s6;
	_ =	swait.eq @!p0 [sflag:s5], $0x1  }
0xb2: {  	s4 =	sor.u32 @!p0 s4, s6;
	[sflag:s5] =	ssyncadd.s32 @!p0 $0xFFFFFFFF  }
0xb3: {  	s25 =	simm.s32 $0x1B8E;
	s24 =	sld [smem:$0x3FFE];
	[sflag:s4] =	ssyncadd.remote.s32 @!p0 $0x1  }
0xb4: {  	s26 =	simm.s32 $execute0_lowered;
	[smem:$0x3FD2] =	sst s25  }
0xb5: {  	s5 =	sshll.u32 s26, $0x1;
	_ =	strace $0x80000052;
	[dreg:$0x1] =	wrdreg $0xFFFFFFFF  }
0xb6: {  	s28 =	simm.s32 $_size_execute0_lowered;
	s3 =	sadd.s32 s3, s5;
	[dreg:$0x0] =	wrdreg $0x0  }
0xb7: {  	s5 =	sshll.u32 s28, $0x1;
	[dreg:$0x2] =	wrdreg s3  }
0xb8: {  	[dreg:$0x3] =	wrdreg s5  }
0xb9: {  	[dreg:$0x4] =	wrdreg $0xC0  }
0xba: {  	_ =	task [dreg:s22], $0x5FFFF  }
0xbb: {  	[dreg:$0x1] =	wrdreg $0xFFFFFFFF  }
0xbc: {  	[dreg:$0x0] =	wrdreg $0x60  }
0xbd: {  	[dreg:$0x2] =	wrdreg s24  }
0xbe: {  	[dreg:$0x3] =	wrdreg $0xD  }
0xbf: {  	_ =	task.clear_ibuf [dreg:s22], $0x4FFFF;
	_ =	strace $0x90000052  }
0xc0: {  	s29 =	simm.s32 $0xD;
	_ =	strace $0x80000054  }
0xc1: {  	_ =	swait.ge [sflag:s29], $0x1  }
0xc2: {  	[sflag:s29] =	ssyncadd.s32 $0xFFFFFFFF  }
0xc3: {  	_ =	strace $0x90000054  }
0xc4: {  	_ =	sfence  }
0xc5: {  	s30 =	sld [smem:$0x0];
	_ =	sdelay $0x2  }
0xc6: {  	s31 =	sshll.u32 s1, $0xD;
	s1 =	sshrl.u32 s1, $0x2  }
0xc7: {  	s4 =	sand.u32 $0x4000, s31;
	s1 =	sadd.s32 s1, s30  }
0xc8: {  	s0 =	sor.u32 s4, s0;
	s1 =	sshll.u32 s1, $0x11  }
0xc9: {  	s0 =	sor.u32 s1, s0  }
0xca: {  	s0 =	sadd.s32 $0x8F2B, s0  }
0xcb: {  	[sflag:s0] =	ssyncadd.remote.s32 $0x1  }
0xcc: {  	_ =	sfence.sel $0xFFFF  }
0xcd: {  	[dreg:$0x0] =	wrdreg $0xFFFFFFFF;
	(pc) =	sbr.abs _section_cstart, $3  }
0xce: {  	[dreg:$0x1] =	wrdreg $0xFFFFFFFF  }
0xcf: {  	_ =	task.clear_ibuf [dreg:s22], $0x2FFFF;
	_ =	strace $0x9FFFFFFF  }
0xd0: {  	(tm) =	ssettm $0x7FFFFFFF  }
0xd1: {  	_ =	shalt  }
tec
execute0_lowered:
.L_overlay_start_1:
0x0: {  	(tag) =	ssettag $0x1  }
0x1: {  	s0 =	srdreg.scid  }
0x2: {  	s12 =	stileid.u32;
	s7 =	rddreg [dreg:$0x0];
	s2 =	simm.s32 $0x0  }
0x3: {  	s18 =	simm.s32 $0x5710;
	s19 =	simm.s32 $0x2710;
	s20 =	simm.s32 $0x80  }
0x4: {  	s21 =	simm.s32 $0x3F10;
	s22 =	simm.s32 $0x1;
	s23 =	simm.s32 $0x30  }
0x5: {  	s24 =	simm.s32 $0x10;
	s25 =	simm.s32 $0x2;
	s30 =	simm.s32 $0x0  }
0x6: {  	s0 =	sand.u32 $0x1, s0;
	[smem:$0x7FF] =	sst s2;
	s4 =	sadd.s32 $0x7A400, s7  }
0x7: {  	s1 =	sshll.u32 s12, $0x1;
	s15 =	sadd.s32 $0x7D2600, s7;
	s13 =	sadd.s32 $0x7D2606, s7  }
0x8: {  	s14 =	sadd.s32 $0x7D2608, s7;
	s17 =	smul.u32 $0x27100, s12;
	s1 =	sor.u32 s0, s1  }
0x9: {  	s16 =	sadd.s32 $0x7D260E, s7;
	s8 =	ssub.s32 $0x2, s0;
	s3 =	smul.u32 $0x1388, s1  }
0xa: {  	_ =	strace $0x80000053;
	s9 =	sshrl.u32 s8, $0x1;
	s1 =	smul.u32 $0x13880, s1  }
0xb: {  	s0 =	smul.u32 $0x13880, s0;
	s17 =	sadd.s32 s17, s15;
	s8 =	ssub.s32 s8, s9  }
0xc: {  	s3 =	sshrl.u32 s3, $0x3;
	s11 =	sadd.s32 $0x13080, s1;
	s1 =	sadd.s32 $0x13000, s1  }
0xd: {  	s6 =	sadd.s32 s3, s7;
	s3 =	sadd.s32 $0x9000, s7;
	s7 =	smax.u32 s8, $0x1  }
0xe: {  	s8 =	sadd.s32 s15, s11;
	s9 =	sadd.s32 s11, s13;
	s10 =	sadd.s32 s11, s14  }
0xf: {  	s11 =	sadd.s32 s11, s16;
	s12 =	sadd.s32 s15, s1;
	s13 =	sadd.s32 s1, s13  }
0x10: {  	s14 =	sadd.s32 s1, s14;
	s15 =	sadd.s32 s1, s16;
	s16 =	sadd.s32 s0, s17  }
0x11: {  	s17 =	simm.s32 $0x3;
	s5 =	sadd.s32 $0x75400, s6;
	s6 =	sadd.s32 $0x70400, s6  }
.LBB2_1:
0x12: {  	[tilespmem:s2], [sflag:$0x3] =	stream.linear.gather [hbm4b:s5+s2], $0x1388, $0x38;
	[tilespmem:$0x5F10] =	vst v63  }
0x13: {  	_ =	swait.ge [sflag:s17], $0x1388  }
0x14: {  	[sflag:s17] =	ssyncset.done $0x0  }
0x15: {  	s0 =	simm.s32 $0x1388;
	[sflag:s17] =	ssyncadd.s32 $0xFFFFEC78  }
0x16: {  	[tilespmem:s0], [sflag:$0x3] =	stream.linear.gather [hbm4b:s6+s2], $0x1388, $0x38;
	[tilespmem:$0x5F10] =	vst v63  }
0x17: {  	_ =	swait.ge [sflag:s17], $0x1388  }
0x18: {  	[sflag:s17] =	ssyncset.done $0x0  }
0x19: {  	[sflag:s17] =	ssyncadd.s32 $0xFFFFEC78  }
0x1a: {  	[tilespmem:s18], [sflag:$0x3] =	stream.linear.gather [hbm4b:s4+s2], $0x800, $0x38;
	[tilespmem:$0x5F10] =	vst v63  }
0x1b: {  	_ =	swait.ge [sflag:s17], $0x800  }
0x1c: {  	[sflag:s17] =	ssyncset.done $0x0  }
0x1d: {  	[sflag:s17] =	ssyncadd.s32 $0xFFFFF800  }
0x1e: {  	[tilespmem:s19], [sflag:$0x1] =	stream.indirect.gather [hbm4b:s3+s20], $0x30, s2, s20, $0xb8;
	[tilespmem:$0x5F10] =	vst v63  }
0x1f: {  	_ = 	snop  }
0x20: {  	[tilespmem:s21], [sflag:$0x2] =	stream.indirect.gather [hbm4b:s3+s20], $0x30, s0, s20, $0xb8;
	[tilespmem:$0x5F10] =	vst v63  }
0x21: {  	_ =	swait.ge [sflag:s22], $0x1800  }
0x22: {  	[sflag:s22] =	ssyncset.done $0x0  }
0x23: {  	s28 =	sadd.s32 $0x0, s16;
	[sflag:s22] =	ssyncadd.s32 $0xFFFFE800  }
0x24: {  	[hbm4b:s28+s23] =	stream.strided.scatter [tilespmem:s19], [sflag:$0x3], $0x1800, s20, s23, $0x38;
	[tilespmem:$0x5F10] =	vst v63  }
0x25: {  	_ =	swait.ge [sflag:s17], $0x1800  }
0x26: {  	[sflag:s17] =	ssyncset.done $0x0  }
0x27: {  	s1 =	sadd.s32 $0x6, s28;
	[sflag:s17] =	ssyncadd.s32 $0xFFFFE800  }
0x28: {  	[hbm4b:s1+s24] =	stream.strided.scatter [tilespmem:s18], [sflag:$0x3], $0x800, s20, s24, $0x38;
	[tilespmem:$0x5F10] =	vst v63  }
0x29: {  	_ =	swait.ge [sflag:s17], $0x800  }
0x2a: {  	[sflag:s17] =	ssyncset.done $0x0  }
0x2b: {  	[sflag:s17] =	ssyncadd.s32 $0xFFFFF800  }
0x2c: {  	[tilespmem:s19], [sflag:$0x1] =	stream.indirect.gather [hbm4b:s3+s20], $0x30, s20, s20, $0xb8;
	[tilespmem:$0x5F10] =	vst v63  }
0x2d: {  	_ =	swait.ge [sflag:s25], $0x1800  }
0x2e: {  	[sflag:s25] =	ssyncset.done $0x0  }
0x2f: {  	s29 =	sadd.s32 $0x8, s28;
	[sflag:s25] =	ssyncadd.s32 $0xFFFFE800  }
0x30: {  	[hbm4b:s29+s23] =	stream.strided.scatter [tilespmem:s21], [sflag:$0x3], $0x1800, s20, s23, $0x38;
	[tilespmem:$0x5F10] =	vst v63  }
0x31: {  	_ =	swait.ge [sflag:s17], $0x1800  }
0x32: {  	[sflag:s17] =	ssyncset.done $0x0  }
0x33: {  	s0 =	sadd.s32 $0xE, s28;
	[sflag:s17] =	ssyncadd.s32 $0xFFFFE800  }
0x34: {  	[hbm4b:s0+s24] =	stream.strided.scatter [tilespmem:s18], [sflag:$0x3], $0x800, s20, s24, $0x38;
	[tilespmem:$0x5F10] =	vst v63  }
0x35: {  	s26 =	simm.s32 $0x80;
	s31 =	simm.s32 $0x80;
	_ =	swait.ge [sflag:s17], $0x800  }
0x36: {  	s1 =	simm.s32 $0x800;
	s0 =	simm.s32 $0x1408;
	[sflag:s17] =	ssyncset.done $0x0  }
.LBB2_2:
0x37: {  	[sflag:s17] =	ssyncadd.s32 $0xFFFFF800  }
0x38: {  	s26 =	sadd.s32 $0x80, s26;
	s31 =	sadd.s32 $0x80, s31;
	s28 =	smov.u32 s1  }
0x39: {  	[tilespmem:s21], [sflag:$0x2] =	stream.indirect.gather [hbm4b:s3+s20], $0x30, s0, s20, $0xb8;
	[tilespmem:$0x5F10] =	vst v63  }
0x3a: {  	p0 =	sne.s32 s1, $0x12800;
	s1 =	sadd.s32 $0x800, s1;
	_ =	swait.ge [sflag:s22], $0x1800  }
0x3b: {  	[sflag:s22] =	ssyncset.done $0x0  }
0x3c: {  	s28 =	sadd.s32 s28, s16;
	[sflag:s22] =	ssyncadd.s32 $0xFFFFE800  }
0x3d: {  	[hbm4b:s28+s23] =	stream.strided.scatter [tilespmem:s19], [sflag:$0x3], $0x1800, s20, s23, $0x38;
	[tilespmem:$0x5F10] =	vst v63  }
0x3e: {  	_ =	swait.ge [sflag:s17], $0x1800  }
0x3f: {  	[sflag:s17] =	ssyncset.done $0x0  }
0x40: {  	s29 =	sadd.s32 $0x6, s28;
	[sflag:s17] =	ssyncadd.s32 $0xFFFFE800  }
0x41: {  	[hbm4b:s29+s24] =	stream.strided.scatter [tilespmem:s18], [sflag:$0x3], $0x800, s20, s24, $0x38;
	[tilespmem:$0x5F10] =	vst v63  }
0x42: {  	_ =	swait.ge [sflag:s17], $0x800  }
0x43: {  	[sflag:s17] =	ssyncset.done $0x0  }
0x44: {  	[sflag:s17] =	ssyncadd.s32 $0xFFFFF800  }
0x45: {  	[tilespmem:s19], [sflag:$0x1] =	stream.indirect.gather [hbm4b:s3+s20], $0x30, s26, s20, $0xb8;
	[tilespmem:$0x5F10] =	vst v63  }
0x46: {  	_ =	swait.ge [sflag:s25], $0x1800  }
0x47: {  	[sflag:s25] =	ssyncset.done $0x0  }
0x48: {  	s29 =	sadd.s32 $0x8, s28;
	[sflag:s25] =	ssyncadd.s32 $0xFFFFE800  }
0x49: {  	[hbm4b:s29+s23] =	stream.strided.scatter [tilespmem:s21], [sflag:$0x3], $0x1800, s20, s23, $0x38;
	[tilespmem:$0x5F10] =	vst v63  }
0x4a: {  	_ =	swait.ge [sflag:s17], $0x1800  }
.Ltmp0:
0x4b: {  	[sflag:s17] =	ssyncset.done $0x0;
	(pc) =	sbr.rel @p0 .LBB2_2-.Ltmp0, $4  }
0x4c: {  	s28 =	sadd.s32 $0xE, s28;
	[sflag:s17] =	ssyncadd.s32 $0xFFFFE800  }
0x4d: {  	[hbm4b:s28+s24] =	stream.strided.scatter [tilespmem:s18], [sflag:$0x3], $0x800, s20, s24, $0x38;
	[tilespmem:$0x5F10] =	vst v63  }
0x4e: {  	_ =	swait.ge [sflag:s17], $0x800  }
0x4f: {  	s0 =	sadd.s32 $0x80, s0;
	[sflag:s17] =	ssyncset.done $0x0  }
0x50: {  	[sflag:s17] =	ssyncadd.s32 $0xFFFFF800;
	s0 =	simm.s32 $0x2688  }
0x51: {  	[tilespmem:s21], [sflag:$0x2] =	stream.indirect.gather [hbm4b:s3+s20], $0x30, s0, s20, $0xb8;
	[tilespmem:$0x5F10] =	vst v63  }
0x52: {  	_ =	swait.ge [sflag:s22], $0x1800  }
0x53: {  	[sflag:s22] =	ssyncset.done $0x0  }
0x54: {  	[sflag:s22] =	ssyncadd.s32 $0xFFFFE800  }
0x55: {  	[hbm4b:s12+s23] =	stream.strided.scatter [tilespmem:s19], [sflag:$0x3], $0x1800, s20, s23, $0x38;
	[tilespmem:$0x5F10] =	vst v63  }
0x56: {  	_ =	swait.ge [sflag:s17], $0x1800  }
0x57: {  	[sflag:s17] =	ssyncset.done $0x0  }
0x58: {  	[sflag:s17] =	ssyncadd.s32 $0xFFFFE800  }
0x59: {  	[hbm4b:s13+s24] =	stream.strided.scatter [tilespmem:s18], [sflag:$0x3], $0x800, s20, s24, $0x38;
	[tilespmem:$0x5F10] =	vst v63  }
0x5a: {  	_ =	swait.ge [sflag:s17], $0x800  }
0x5b: {  	s28 =	sadd.s32 $0x80, s31;
	[sflag:s17] =	ssyncset.done $0x0  }
0x5c: {  	s0 =	smin.u32 s28, $0x1308;
	[sflag:s17] =	ssyncadd.s32 $0xFFFFF800  }
0x5d: {  	[tilespmem:s19], [sflag:$0x1] =	stream.indirect.gather [hbm4b:s3+s20], $0x30, s0, s20, $0xb8;
	[tilespmem:$0x5F10] =	vst v63  }
0x5e: {  	_ =	swait.ge [sflag:s25], $0x1800  }
0x5f: {  	[sflag:s25] =	ssyncset.done $0x0  }
0x60: {  	[sflag:s25] =	ssyncadd.s32 $0xFFFFE800  }
0x61: {  	[hbm4b:s14+s23] =	stream.strided.scatter [tilespmem:s21], [sflag:$0x3], $0x1800, s20, s23, $0x38;
	[tilespmem:$0x5F10] =	vst v63  }
0x62: {  	_ =	swait.ge [sflag:s17], $0x1800  }
0x63: {  	[sflag:s17] =	ssyncset.done $0x0  }
0x64: {  	[sflag:s17] =	ssyncadd.s32 $0xFFFFE800  }
0x65: {  	[hbm4b:s15+s24] =	stream.strided.scatter [tilespmem:s18], [sflag:$0x3], $0x800, s20, s24, $0x38;
	[tilespmem:$0x5F10] =	vst v63  }
0x66: {  	_ =	swait.ge [sflag:s17], $0x800  }
0x67: {  	[sflag:s17] =	ssyncset.done $0x0  }
0x68: {  	s29 =	simm.s32 $0x2690;
	[sflag:s17] =	ssyncadd.s32 $0xFFFFF800  }
0x69: {  	[tilespmem:s21], [sflag:$0x2] =	stream.indirect.gather [hbm4b:s3+s20], $0x30, s29, s20, $0xb8;
	[tilespmem:$0x5F10] =	vst v63  }
0x6a: {  	_ =	swait.ge [sflag:s22], $0x1800  }
0x6b: {  	[sflag:s22] =	ssyncset.done $0x0  }
0x6c: {  	[sflag:s22] =	ssyncadd.s32 $0xFFFFE800  }
0x6d: {  	[hbm4b:s8+s23] =	stream.strided.scatter [tilespmem:s19], [sflag:$0x3], $0x1800, s20, s23, $0x38;
	[tilespmem:$0x5F10] =	vst v63  }
0x6e: {  	_ =	swait.ge [sflag:s17], $0x1800  }
0x6f: {  	[sflag:s17] =	ssyncset.done $0x0  }
0x70: {  	[sflag:s17] =	ssyncadd.s32 $0xFFFFE800  }
0x71: {  	[hbm4b:s9+s24] =	stream.strided.scatter [tilespmem:s18], [sflag:$0x3], $0x800, s20, s24, $0x38;
	[tilespmem:$0x5F10] =	vst v63  }
0x72: {  	_ =	swait.ge [sflag:s17], $0x800  }
0x73: {  	[sflag:s17] =	ssyncset.done $0x0  }
0x74: {  	s31 =	simm.s32 $0x1308;
	[sflag:s17] =	ssyncadd.s32 $0xFFFFF800  }
0x75: {  	[tilespmem:s19], [sflag:$0x1] =	stream.indirect.gather [hbm4b:s3+s20], $0x30, s31, s20, $0xb8;
	[tilespmem:$0x5F10] =	vst v63  }
0x76: {  	_ =	swait.ge [sflag:s25], $0x1800  }
0x77: {  	[sflag:s25] =	ssyncset.done $0x0  }
0x78: {  	[sflag:s25] =	ssyncadd.s32 $0xFFFFE800  }
0x79: {  	[hbm4b:s10+s23] =	stream.strided.scatter [tilespmem:s21], [sflag:$0x3], $0x1800, s20, s23, $0x38;
	[tilespmem:$0x5F10] =	vst v63  }
0x7a: {  	_ =	swait.ge [sflag:s17], $0x1800  }
0x7b: {  	[sflag:s17] =	ssyncset.done $0x0  }
0x7c: {  	s30 =	sadd.s32 $0x1, s30;
	[sflag:s17] =	ssyncadd.s32 $0xFFFFE800  }
0x7d: {  	[hbm4b:s11+s24] =	stream.strided.scatter [tilespmem:s18], [sflag:$0x3], $0x800, s20, s24, $0x38;
	[tilespmem:$0x5F10] =	vst v63  }
0x7e: {  	p0 =	sne.s32 s30, s7;
	_ =	swait.ge [sflag:s17], $0x800  }
.Ltmp1:
0x7f: {  	[sflag:s17] =	ssyncset.done $0x0;
	(pc) =	sbr.rel @p0 .LBB2_1-.Ltmp1, $4  }
0x80: {  	[sflag:s17] =	ssyncadd.s32 $0xFFFFF800  }
0x81: {  	_ =	swait.ge [sflag:s22], $0x1800  }
0x82: {  	[sflag:s22] =	ssyncset.done $0x0  }
0x83: {  	[sflag:s22] =	ssyncadd.s32 $0xFFFFE800  }
0x84: {  	_ =	sfence.sel $0x180000  }
0x85: {  	[bflag:$0x0] =	sbarrier.arrive $0xFFFF  }
0x86: {  	_ =	strace $0x90000053  }
0x87: {  	s0 =	stileid.u32;
	[bflag:$0x2] =	sbarrier.arrive $0xFFFF  }
0x88: {  	p0 =	sne.s32 s0, $0x0;
	s0 =	rddreg [dreg:$0x1]  }
0x89: {  	s0 =	sadd.s32 @!p0 $0x100000, s0  }
0x8a: {  	[sflag:s0] =	ssyncadd.tile.s32 @!p0 $0x1;
	_ =	shalt  }
.Lfunc_end2:
_tile_overlayer_lowered:
.L_overlay_start_2:
0x8b: {  	(tag) =	ssettag $0x2  }
0x8c: {  	s0 =	rddreg [dreg:$0x0];
	s2 =	stileid.u32  }
0x8d: {  	s1 =	rddreg [dreg:$0x1];
	p0 =	sne.s32 s2, $0x0  }
0x8e: {  	s3 =	rddreg [dreg:$0x2];
	[bflag:$0x3] =	sbarrier.arrive $0xFFFF;
	s2 =	simm.s32 @!p0 $0x1C03  }
0x8f: {  	[timem:s3], [sflag:s2] =	dma.local @!p0 [hbm:s0], s1  }
0x90: {  	s0 =	simm.s32 @!p0 $0x3  }
0x91: {  	_ =	swait.ge @!p0 [sflag:s0], s1  }
0x92: {  	s1 =	ssub.s32 @!p0 $0x0, s1;
	[sflag:s0] =	ssyncset.done @!p0 $0x0  }
0x93: {  	[sflag:s0] =	ssyncadd.s32 @!p0 s1  }
0x94: {  	[bflag:$0x3] =	sbarrier.arrive $0xFFFF  }
0x95: {  	_ =	shalt  }

</sc_bundles>
